<compile_context>
chip_gen: v7x
topology: tpu7x:2x2x1
jax: 0.10.2.dev20260603
libtpu: 0.0.44.dev20260713+nightly
codegen_flags: <defaults>
</compile_context>

<pallas_src>
import functools

import jax
import jax.numpy as jnp
from jax import lax
from jax.experimental import pallas as pl
from jax.experimental.pallas import tpu as pltpu
from jax.experimental.pallas import tpu_sc as plsc

N = 10000
DIM = 256
E = 160000
GROUPS = 32
GSIZE = DIM // GROUPS

TILES = 16
EPT = E // TILES
CHUNK = 128
CHUNKS = 79
PAD = CHUNKS * CHUNK - EPT
HALF = DIM // 2
GROUP = 3
PASS_ROWS = 5120
ACC_ROWS = 5376
DUMP = PASS_ROWS
WPT = PASS_ROWS // TILES
WROWS = 64
OUT_ROWS = 2 * PASS_ROWS

ROW_BLK = 1000


def _tc_body(t_sm, x_ref, w_ref, b_ref, g_ref, be_ref, out_ref):
    x = x_ref[...]
    ii = lax.broadcasted_iota(jnp.int32, (DIM, DIM), 0) // GSIZE
    jj = lax.broadcasted_iota(jnp.int32, (DIM, DIM), 1) // GSIZE
    gmat = jnp.where(ii == jj, jnp.float32(1.0 / GSIZE), jnp.float32(0.0))
    mu = jnp.dot(x, gmat, preferred_element_type=jnp.float32)
    ex2 = jnp.dot(x * x, gmat, preferred_element_type=jnp.float32)
    var = ex2 - mu * mu
    xn = (x - mu) * lax.rsqrt(var + 1e-5)
    y = xn * g_ref[...] + be_ref[...]
    t = t_sm[0, 0]
    tt = jnp.full((y.shape[0], 1), t, jnp.float32)
    ttx = jnp.concatenate([tt, y], axis=1)
    sb = jnp.dot(ttx, w_ref[...], preferred_element_type=jnp.float32) + b_ref[...]
    out_ref[0] = sb[:, :HALF]
    out_ref[1] = sb[:, HALF:]


def _support_halves(t, x, gamma, beta, W, b):
    grid = N // ROW_BLK
    out = pl.pallas_call(
        _tc_body,
        grid=(grid,),
        in_specs=[
            pl.BlockSpec(memory_space=pltpu.SMEM),
            pl.BlockSpec((ROW_BLK, DIM), lambda i: (i, 0)),
            pl.BlockSpec((DIM + 1, DIM), lambda i: (0, 0)),
            pl.BlockSpec((1, DIM), lambda i: (0, 0)),
            pl.BlockSpec((1, DIM), lambda i: (0, 0)),
            pl.BlockSpec((1, DIM), lambda i: (0, 0)),
        ],
        out_specs=pl.BlockSpec((2, ROW_BLK, HALF), lambda i: (0, i, 0)),
        out_shape=jax.ShapeDtypeStruct((2, N, HALF), jnp.float32),
    )(
        t.reshape(1, 1).astype(jnp.float32),
        x,
        W,
        b.reshape(1, DIM),
        gamma.reshape(1, DIM),
        beta.reshape(1, DIM),
    )
    return out.reshape(2 * N, HALF)


def _sc_body(sup_hbm, srcs_hbm, tgts_hbm, out_hbm,
             src_v, tgt_v, gbuf, wbuf, acc, gsem, ssem):
    c = lax.axis_index("c")
    s = lax.axis_index("s")

    pltpu.sync_copy(srcs_hbm.at[s], src_v)
    pltpu.sync_copy(tgts_hbm.at[s], tgt_v)

    zv = jnp.zeros((16,), jnp.float32)

    off = c * N

    def _off_row(i, _):
        for j in range(CHUNK // 16):
            sl = pl.ds(j * 16, 16)
            src_v[i, sl] = src_v[i, sl] + off
        return _
    lax.fori_loop(0, CHUNKS + 1, _off_row, None)

    for p in range(2):
        if p == 1:
            pltpu.sync_copy(tgts_hbm.at[s], tgt_v)
        base = jnp.int32(p * PASS_ROWS)

        def _rebase_row(i, _):
            for j in range(CHUNK // 16):
                sl = pl.ds(j * 16, 16)
                tr = tgt_v[i, sl] - base
                ok = (tr >= 0) & (tr < PASS_ROWS)
                tgt_v[i, sl] = jnp.where(ok, tr, DUMP + (tr & 255))
            return _
        lax.fori_loop(0, CHUNKS, _rebase_row, None)

        def _zero_row(i, _):
            for j in range(HALF // 16):
                wbuf[i, pl.ds(j * 16, 16)] = zv
            return _
        lax.fori_loop(0, WROWS, _zero_row, None)
        for k in range(WPT // WROWS):
            pltpu.sync_copy(wbuf, acc.at[pl.ds(s * WPT + k * WROWS, WROWS)])
        plsc.subcore_barrier()

        def _run_group(i0, group):
            gds = [pltpu.async_copy(sup_hbm.at[src_v.at[i0 + k]],
                                    gbuf.at[k], gsem.at[k])
                   for k in range(group)]
            sds = []
            for k in range(group):
                gds[k].wait()
                sds.append(pltpu.async_copy(gbuf.at[k], acc.at[tgt_v.at[i0 + k]],
                                            ssem.at[k], add=True))
            for sd in sds:
                sd.wait()

        def _edge_group(g, _):
            _run_group(g * GROUP, GROUP)
            return _
        lax.fori_loop(0, CHUNKS // GROUP, _edge_group, None)
        if CHUNKS % GROUP:
            _run_group(jnp.int32(CHUNKS - CHUNKS % GROUP), CHUNKS % GROUP)

        plsc.subcore_barrier()

        for k in range(WPT // WROWS):
            r0 = s * WPT + k * WROWS
            pltpu.sync_copy(acc.at[pl.ds(r0, WROWS)], wbuf)

            def _relu_row(i, _):
                for j in range(HALF // 16):
                    sl = pl.ds(j * 16, 16)
                    wbuf[i, sl] = jnp.maximum(wbuf[i, sl], 0.0)
                return _
            lax.fori_loop(0, WROWS, _relu_row, None)
            pltpu.sync_copy(
                wbuf,
                out_hbm.at[pl.ds(p * PASS_ROWS + r0, WROWS),
                           pl.ds(c * HALF, HALF)])

        if p == 0:
            plsc.subcore_barrier()


@functools.partial(
    pl.kernel,
    out_type=jax.ShapeDtypeStruct((OUT_ROWS, DIM), jnp.float32),
    mesh=plsc.VectorSubcoreMesh(core_axis_name="c", subcore_axis_name="s"),
    scratch_types=[
        pltpu.VMEM((CHUNKS + 1, CHUNK), jnp.int32),
        pltpu.VMEM((CHUNKS, CHUNK), jnp.int32),
        pltpu.VMEM((GROUP, CHUNK, HALF), jnp.float32),
        pltpu.VMEM((WROWS, HALF), jnp.float32),
        pltpu.VMEM_SHARED((ACC_ROWS, HALF), jnp.float32),
        pltpu.SemaphoreType.DMA((GROUP,)),
        pltpu.SemaphoreType.DMA((GROUP,)),
    ],
)
def _sc_aggregate(sup_hbm, srcs_hbm, tgts_hbm, out_hbm,
                  src_v, tgt_v, gbuf, wbuf, acc, gsem, ssem):
    _sc_body(sup_hbm, srcs_hbm, tgts_hbm, out_hbm,
             src_v, tgt_v, gbuf, wbuf, acc, gsem, ssem)


def kernel(t, x, src, tgt, gamma, beta, W, b):
    support = _support_halves(t, x, gamma, beta, W, b)

    src32 = src.astype(jnp.int32).reshape(TILES, EPT)
    tgt32 = tgt.astype(jnp.int32).reshape(TILES, EPT)
    srcs = jnp.concatenate(
        [src32, jnp.zeros((TILES, PAD), jnp.int32)], axis=1
    ).reshape(TILES, CHUNKS, CHUNK)
    srcs = jnp.concatenate(
        [srcs, jnp.zeros((TILES, 1, CHUNK), jnp.int32)], axis=1)
    tgts = jnp.concatenate(
        [tgt32, jnp.full((TILES, PAD), N, jnp.int32)], axis=1
    ).reshape(TILES, CHUNKS, CHUNK)

    return _sc_aggregate(support, srcs, tgts)[:N]

# --- scband reference (transcript-rebuilt; emitter-appended) ---
"""Pipeline reference for scband-odefunc-40956808135028 (READ-ONLY COPY).

The authoritative reference and input builder live on the scoring server;
editing this copy changes nothing except your own understanding.
"""

import jax, jax.numpy as jnp
import numpy as np

N = 10000
DIM = 256
E = 160000
GROUPS = 32


def group_norm(x, gamma, beta, num_groups=GROUPS, eps=1e-5):
    n, c = x.shape
    xg = x.reshape(n, num_groups, c // num_groups)
    mu = jnp.mean(xg, axis=-1, keepdims=True)
    var = jnp.var(xg, axis=-1, keepdims=True)
    xn = (xg - mu) / jnp.sqrt(var + eps)
    xn = xn.reshape(n, c)
    return xn * gamma[None, :] + beta[None, :]


def setup_inputs(seed: int = 0) -> dict:
    key = jax.random.key(seed)
    k1, k2, k3, k4, k5 = jax.random.split(key, 5)
    x = jax.random.normal(k1, (N, DIM), dtype=jnp.float32)
    t = jax.random.uniform(k2, (), dtype=jnp.float32)
    src = jax.random.randint(k3, (E,), 0, N, dtype=jnp.int64)
    tgt = jax.random.randint(k4, (E,), 0, N, dtype=jnp.int64)
    gamma = jnp.ones((DIM,), dtype=jnp.float32)
    beta = jnp.zeros((DIM,), dtype=jnp.float32)
    W = jax.random.normal(k5, (DIM + 1, DIM), dtype=jnp.float32) * 0.05
    b = jnp.zeros((DIM,), dtype=jnp.float32)
    return {"t": t, "x": x, "src": src, "tgt": tgt, "gamma": gamma, "beta": beta, "W": W, "b": b}


def reference(t, x, src, tgt, gamma, beta, W, b):
    # norm1 = GroupNorm(min(32, dim), dim)
    h = group_norm(x, gamma, beta)
    # tt = ones_like(x[:, :1]) * t ; ttx = cat([tt, h], 1)
    tt = jnp.ones((h.shape[0], 1), dtype=h.dtype) * t
    ttx = jnp.concatenate([tt, h], axis=1)
    # FixedGraphConvolution: dense transform then fixed-adjacency message passing
    support = ttx @ W + b
    msg = jnp.take(support, src, axis=0)           # gather messages along edges
    agg = jax.ops.segment_sum(msg, tgt, num_segments=N)  # scatter-add to targets (Mtgt)
    out = jax.nn.relu(agg)
    return out

if __name__ == "__main__":
    import jax
    _d = setup_inputs()
    print(jax.jit(kernel)(*tuple(_d.values())))

</pallas_src>

<mosaic_0001>
#map = affine_map<(d0, d1) -> (0, 0)>
#map1 = affine_map<(d0, d1) -> (0, 0, 0)>
module attributes {stable_mosaic.version = 14 : i64} {
  func.func @_sc_aggregate(%arg0: i32, %arg1: i32, %arg2: memref<20000x128xf32, #tpu.memory_space<hbm>>, %arg3: memref<16x80x128xi32, #tpu.memory_space<hbm>>, %arg4: memref<16x79x128xi32, #tpu.memory_space<hbm>>, %arg5: memref<10240x256xf32, #tpu.memory_space<hbm>>, %arg6: memref<80x128xi32, #tpu.memory_space<vmem>>, %arg7: memref<79x128xi32, #tpu.memory_space<vmem>>, %arg8: memref<3x128x128xf32, #tpu.memory_space<vmem>>, %arg9: memref<64x128xf32, #tpu.memory_space<vmem>>, %arg10: memref<5376x128xf32, #tpu.memory_space<vmem_shared>>, %arg11: memref<3x!tpu.dma_semaphore, #tpu.memory_space<semaphore_mem>>, %arg12: memref<3x!tpu.dma_semaphore, #tpu.memory_space<semaphore_mem>>) attributes {dimension_semantics = [#tpu.dimension_semantics<core_parallel>, #tpu.dimension_semantics<subcore_parallel>], iteration_bounds = array<i64: 2, 16>, scalar_prefetch = 0 : i64, scratch_operands = 7 : i64, tpu.core_type = #tpu.core_type<sc_vector_subcore>, window_params = [{transform_indices = #map}, {transform_indices = #map1}, {transform_indices = #map1}, {transform_indices = #map}]} {
    "tpu.region"() ({
      %run_scoped3A = tpu.sem_alloc : memref<!tpu.dma_semaphore, #tpu.memory_space<semaphore_mem>>
      %dma_start3A_333 = arith.constant 0 : i32
      %dma_start3A_334 = arith.constant 0 : i32
      %dma_start3A_335 = tpu.memref_slice %arg3[%arg1, %dma_start3A_333, %dma_start3A_334] : memref<16x80x128xi32, #tpu.memory_space<hbm>> -> memref<1x80x128xi32, #tpu.memory_space<hbm>>
      %dma_start3A_336 = tpu.memref_squeeze %dma_start3A_335 : memref<1x80x128xi32, #tpu.memory_space<hbm>> -> memref<80x128xi32, #tpu.memory_space<hbm>>
      %dma_start3A_337 = arith.constant 0 : i32
      %dma_start3A_338 = arith.constant 0 : i32
      %dma_start3A_339 = tpu.memref_slice %arg3[%arg1, %dma_start3A_337, %dma_start3A_338] : memref<16x80x128xi32, #tpu.memory_space<hbm>> -> memref<1x80x128xi32, #tpu.memory_space<hbm>>
      %dma_start3A_340 = tpu.memref_squeeze %dma_start3A_339 : memref<1x80x128xi32, #tpu.memory_space<hbm>> -> memref<80x128xi32, #tpu.memory_space<hbm>>
      tpu.enqueue_dma source(%dma_start3A_340 : memref<80x128xi32, #tpu.memory_space<hbm>>) target(%arg6 : memref<80x128xi32, #tpu.memory_space<vmem>>) target_semaphore(%run_scoped3A : memref<!tpu.dma_semaphore, #tpu.memory_space<semaphore_mem>>)
      %dma_wait3A_341 = arith.constant 0 : i32
      %dma_wait3A_342 = arith.constant 0 : i32
      %dma_wait3A_343 = tpu.memref_slice %arg3[%arg1, %dma_wait3A_341, %dma_wait3A_342] : memref<16x80x128xi32, #tpu.memory_space<hbm>> -> memref<1x80x128xi32, #tpu.memory_space<hbm>>
      %dma_wait3A_344 = tpu.memref_squeeze %dma_wait3A_343 : memref<1x80x128xi32, #tpu.memory_space<hbm>> -> memref<80x128xi32, #tpu.memory_space<hbm>>
      %dma_wait3A_345 = arith.constant 0 : i32
      %dma_wait3A_346 = arith.constant 0 : i32
      %dma_wait3A_347 = tpu.memref_slice %arg3[%arg1, %dma_wait3A_345, %dma_wait3A_346] : memref<16x80x128xi32, #tpu.memory_space<hbm>> -> memref<1x80x128xi32, #tpu.memory_space<hbm>>
      %dma_wait3A_348 = tpu.memref_squeeze %dma_wait3A_347 : memref<1x80x128xi32, #tpu.memory_space<hbm>> -> memref<80x128xi32, #tpu.memory_space<hbm>>
      tpu.wait_dma2 semaphore(%run_scoped3A : memref<!tpu.dma_semaphore, #tpu.memory_space<semaphore_mem>>) src(%dma_wait3A_348 : memref<80x128xi32, #tpu.memory_space<hbm>>) dst(%arg6 : memref<80x128xi32, #tpu.memory_space<vmem>>)
      tpu.yield
    }) : () -> ()
    "tpu.region"() ({
      %run_scoped3A = tpu.sem_alloc : memref<!tpu.dma_semaphore, #tpu.memory_space<semaphore_mem>>
      %dma_start3A_333 = arith.constant 0 : i32
      %dma_start3A_334 = arith.constant 0 : i32
      %dma_start3A_335 = tpu.memref_slice %arg4[%arg1, %dma_start3A_333, %dma_start3A_334] : memref<16x79x128xi32, #tpu.memory_space<hbm>> -> memref<1x79x128xi32, #tpu.memory_space<hbm>>
      %dma_start3A_336 = tpu.memref_squeeze %dma_start3A_335 : memref<1x79x128xi32, #tpu.memory_space<hbm>> -> memref<79x128xi32, #tpu.memory_space<hbm>>
      %dma_start3A_337 = arith.constant 0 : i32
      %dma_start3A_338 = arith.constant 0 : i32
      %dma_start3A_339 = tpu.memref_slice %arg4[%arg1, %dma_start3A_337, %dma_start3A_338] : memref<16x79x128xi32, #tpu.memory_space<hbm>> -> memref<1x79x128xi32, #tpu.memory_space<hbm>>
      %dma_start3A_340 = tpu.memref_squeeze %dma_start3A_339 : memref<1x79x128xi32, #tpu.memory_space<hbm>> -> memref<79x128xi32, #tpu.memory_space<hbm>>
      tpu.enqueue_dma source(%dma_start3A_340 : memref<79x128xi32, #tpu.memory_space<hbm>>) target(%arg7 : memref<79x128xi32, #tpu.memory_space<vmem>>) target_semaphore(%run_scoped3A : memref<!tpu.dma_semaphore, #tpu.memory_space<semaphore_mem>>)
      %dma_wait3A_341 = arith.constant 0 : i32
      %dma_wait3A_342 = arith.constant 0 : i32
      %dma_wait3A_343 = tpu.memref_slice %arg4[%arg1, %dma_wait3A_341, %dma_wait3A_342] : memref<16x79x128xi32, #tpu.memory_space<hbm>> -> memref<1x79x128xi32, #tpu.memory_space<hbm>>
      %dma_wait3A_344 = tpu.memref_squeeze %dma_wait3A_343 : memref<1x79x128xi32, #tpu.memory_space<hbm>> -> memref<79x128xi32, #tpu.memory_space<hbm>>
      %dma_wait3A_345 = arith.constant 0 : i32
      %dma_wait3A_346 = arith.constant 0 : i32
      %dma_wait3A_347 = tpu.memref_slice %arg4[%arg1, %dma_wait3A_345, %dma_wait3A_346] : memref<16x79x128xi32, #tpu.memory_space<hbm>> -> memref<1x79x128xi32, #tpu.memory_space<hbm>>
      %dma_wait3A_348 = tpu.memref_squeeze %dma_wait3A_347 : memref<1x79x128xi32, #tpu.memory_space<hbm>> -> memref<79x128xi32, #tpu.memory_space<hbm>>
      tpu.wait_dma2 semaphore(%run_scoped3A : memref<!tpu.dma_semaphore, #tpu.memory_space<semaphore_mem>>) src(%dma_wait3A_348 : memref<79x128xi32, #tpu.memory_space<hbm>>) dst(%arg7 : memref<79x128xi32, #tpu.memory_space<vmem>>)
      tpu.yield
    }) : () -> ()
    %broadcast_in_dim3A = arith.constant 0.000000e+00 : f32
    %broadcast_in_dim3A_0 = vector.broadcast %broadcast_in_dim3A : f32 to vector<16xf32>
    %mul3A = arith.constant 10000 : i32
    %mul3A_1 = arith.muli %arg0, %mul3A : i32
    %scan3A = arith.constant 0 : i32
    %scan3A_2 = arith.constant 80 : i32
    %scan3A_3 = arith.addi %scan3A, %scan3A_2 : i32
    %scan3A_4 = arith.constant 1 : i32
    scf.for %scan3A_333 = %scan3A to %scan3A_3 step %scan3A_4  : i32 {
      %get3A = arith.index_cast %scan3A_333 : i32 to index
      %get3A_334 = arith.constant 0 : index
      %get3A_335 = tpu.vector_load %arg6[%get3A, %get3A_334] {strides = array<i32>} : memref<80x128xi32, #tpu.memory_space<vmem>>, vector<1x16xi32>,
      %get3A_336 = vector.shape_cast %get3A_335 : vector<1x16xi32> to vector<16xi32>
      %add3A_337 = vector.broadcast %mul3A_1 : i32 to vector<16xi32>
      %add3A_338 = arith.addi %get3A_336, %add3A_337 : vector<16xi32>
      %swap3A = arith.index_cast %scan3A_333 : i32 to index
      %swap3A_339 = arith.constant 0 : index
      %swap3A_340 = tpu.vector_load %arg6[%swap3A, %swap3A_339] {strides = array<i32>} : memref<80x128xi32, #tpu.memory_space<vmem>>, vector<1x16xi32>,
      %swap3A_341 = vector.shape_cast %swap3A_340 : vector<1x16xi32> to vector<16xi32>
      %swap3A_342 = vector.shape_cast %add3A_338 : vector<16xi32> to vector<1x16xi32>
      tpu.vector_store %arg6[%swap3A, %swap3A_339], %swap3A_342 {strides = array<i32>} : memref<80x128xi32, #tpu.memory_space<vmem>>, vector<1x16xi32>,
      %get3A_343 = arith.index_cast %scan3A_333 : i32 to index
      %get3A_344 = arith.constant 16 : index
      %get3A_345 = tpu.vector_load %arg6[%get3A_343, %get3A_344] {strides = array<i32>} : memref<80x128xi32, #tpu.memory_space<vmem>>, vector<1x16xi32>,
      %get3A_346 = vector.shape_cast %get3A_345 : vector<1x16xi32> to vector<16xi32>
      %add3A_347 = vector.broadcast %mul3A_1 : i32 to vector<16xi32>
      %add3A_348 = arith.addi %get3A_346, %add3A_347 : vector<16xi32>
      %swap3A_349 = arith.index_cast %scan3A_333 : i32 to index
      %swap3A_350 = arith.constant 16 : index
      %swap3A_351 = tpu.vector_load %arg6[%swap3A_349, %swap3A_350] {strides = array<i32>} : memref<80x128xi32, #tpu.memory_space<vmem>>, vector<1x16xi32>,
      %swap3A_352 = vector.shape_cast %swap3A_351 : vector<1x16xi32> to vector<16xi32>
      %swap3A_353 = vector.shape_cast %add3A_348 : vector<16xi32> to vector<1x16xi32>
      tpu.vector_store %arg6[%swap3A_349, %swap3A_350], %swap3A_353 {strides = array<i32>} : memref<80x128xi32, #tpu.memory_space<vmem>>, vector<1x16xi32>,
      %get3A_354 = arith.index_cast %scan3A_333 : i32 to index
      %get3A_355 = arith.constant 32 : index
      %get3A_356 = tpu.vector_load %arg6[%get3A_354, %get3A_355] {strides = array<i32>} : memref<80x128xi32, #tpu.memory_space<vmem>>, vector<1x16xi32>,
      %get3A_357 = vector.shape_cast %get3A_356 : vector<1x16xi32> to vector<16xi32>
      %add3A_358 = vector.broadcast %mul3A_1 : i32 to vector<16xi32>
      %add3A_359 = arith.addi %get3A_357, %add3A_358 : vector<16xi32>
      %swap3A_360 = arith.index_cast %scan3A_333 : i32 to index
      %swap3A_361 = arith.constant 32 : index
      %swap3A_362 = tpu.vector_load %arg6[%swap3A_360, %swap3A_361] {strides = array<i32>} : memref<80x128xi32, #tpu.memory_space<vmem>>, vector<1x16xi32>,
      %swap3A_363 = vector.shape_cast %swap3A_362 : vector<1x16xi32> to vector<16xi32>
      %swap3A_364 = vector.shape_cast %add3A_359 : vector<16xi32> to vector<1x16xi32>
      tpu.vector_store %arg6[%swap3A_360, %swap3A_361], %swap3A_364 {strides = array<i32>} : memref<80x128xi32, #tpu.memory_space<vmem>>, vector<1x16xi32>,
      %get3A_365 = arith.index_cast %scan3A_333 : i32 to index
      %get3A_366 = arith.constant 48 : index
      %get3A_367 = tpu.vector_load %arg6[%get3A_365, %get3A_366] {strides = array<i32>} : memref<80x128xi32, #tpu.memory_space<vmem>>, vector<1x16xi32>,
      %get3A_368 = vector.shape_cast %get3A_367 : vector<1x16xi32> to vector<16xi32>
      %add3A_369 = vector.broadcast %mul3A_1 : i32 to vector<16xi32>
      %add3A_370 = arith.addi %get3A_368, %add3A_369 : vector<16xi32>
      %swap3A_371 = arith.index_cast %scan3A_333 : i32 to index
      %swap3A_372 = arith.constant 48 : index
      %swap3A_373 = tpu.vector_load %arg6[%swap3A_371, %swap3A_372] {strides = array<i32>} : memref<80x128xi32, #tpu.memory_space<vmem>>, vector<1x16xi32>,
      %swap3A_374 = vector.shape_cast %swap3A_373 : vector<1x16xi32> to vector<16xi32>
      %swap3A_375 = vector.shape_cast %add3A_370 : vector<16xi32> to vector<1x16xi32>
      tpu.vector_store %arg6[%swap3A_371, %swap3A_372], %swap3A_375 {strides = array<i32>} : memref<80x128xi32, #tpu.memory_space<vmem>>, vector<1x16xi32>,
      %get3A_376 = arith.index_cast %scan3A_333 : i32 to index
      %get3A_377 = arith.constant 64 : index
      %get3A_378 = tpu.vector_load %arg6[%get3A_376, %get3A_377] {strides = array<i32>} : memref<80x128xi32, #tpu.memory_space<vmem>>, vector<1x16xi32>,
      %get3A_379 = vector.shape_cast %get3A_378 : vector<1x16xi32> to vector<16xi32>
      %add3A_380 = vector.broadcast %mul3A_1 : i32 to vector<16xi32>
      %add3A_381 = arith.addi %get3A_379, %add3A_380 : vector<16xi32>
      %swap3A_382 = arith.index_cast %scan3A_333 : i32 to index
      %swap3A_383 = arith.constant 64 : index
      %swap3A_384 = tpu.vector_load %arg6[%swap3A_382, %swap3A_383] {strides = array<i32>} : memref<80x128xi32, #tpu.memory_space<vmem>>, vector<1x16xi32>,
      %swap3A_385 = vector.shape_cast %swap3A_384 : vector<1x16xi32> to vector<16xi32>
      %swap3A_386 = vector.shape_cast %add3A_381 : vector<16xi32> to vector<1x16xi32>
      tpu.vector_store %arg6[%swap3A_382, %swap3A_383], %swap3A_386 {strides = array<i32>} : memref<80x128xi32, #tpu.memory_space<vmem>>, vector<1x16xi32>,
      %get3A_387 = arith.index_cast %scan3A_333 : i32 to index
      %get3A_388 = arith.constant 80 : index
      %get3A_389 = tpu.vector_load %arg6[%get3A_387, %get3A_388] {strides = array<i32>} : memref<80x128xi32, #tpu.memory_space<vmem>>, vector<1x16xi32>,
      %get3A_390 = vector.shape_cast %get3A_389 : vector<1x16xi32> to vector<16xi32>
      %add3A_391 = vector.broadcast %mul3A_1 : i32 to vector<16xi32>
      %add3A_392 = arith.addi %get3A_390, %add3A_391 : vector<16xi32>
      %swap3A_393 = arith.index_cast %scan3A_333 : i32 to index
      %swap3A_394 = arith.constant 80 : index
      %swap3A_395 = tpu.vector_load %arg6[%swap3A_393, %swap3A_394] {strides = array<i32>} : memref<80x128xi32, #tpu.memory_space<vmem>>, vector<1x16xi32>,
      %swap3A_396 = vector.shape_cast %swap3A_395 : vector<1x16xi32> to vector<16xi32>
      %swap3A_397 = vector.shape_cast %add3A_392 : vector<16xi32> to vector<1x16xi32>
      tpu.vector_store %arg6[%swap3A_393, %swap3A_394], %swap3A_397 {strides = array<i32>} : memref<80x128xi32, #tpu.memory_space<vmem>>, vector<1x16xi32>,
      %get3A_398 = arith.index_cast %scan3A_333 : i32 to index
      %get3A_399 = arith.constant 96 : index
      %get3A_400 = tpu.vector_load %arg6[%get3A_398, %get3A_399] {strides = array<i32>} : memref<80x128xi32, #tpu.memory_space<vmem>>, vector<1x16xi32>,
      %get3A_401 = vector.shape_cast %get3A_400 : vector<1x16xi32> to vector<16xi32>
      %add3A_402 = vector.broadcast %mul3A_1 : i32 to vector<16xi32>
      %add3A_403 = arith.addi %get3A_401, %add3A_402 : vector<16xi32>
      %swap3A_404 = arith.index_cast %scan3A_333 : i32 to index
      %swap3A_405 = arith.constant 96 : index
      %swap3A_406 = tpu.vector_load %arg6[%swap3A_404, %swap3A_405] {strides = array<i32>} : memref<80x128xi32, #tpu.memory_space<vmem>>, vector<1x16xi32>,
      %swap3A_407 = vector.shape_cast %swap3A_406 : vector<1x16xi32> to vector<16xi32>
      %swap3A_408 = vector.shape_cast %add3A_403 : vector<16xi32> to vector<1x16xi32>
      tpu.vector_store %arg6[%swap3A_404, %swap3A_405], %swap3A_408 {strides = array<i32>} : memref<80x128xi32, #tpu.memory_space<vmem>>, vector<1x16xi32>,
      %get3A_409 = arith.index_cast %scan3A_333 : i32 to index
      %get3A_410 = arith.constant 112 : index
      %get3A_411 = tpu.vector_load %arg6[%get3A_409, %get3A_410] {strides = array<i32>} : memref<80x128xi32, #tpu.memory_space<vmem>>, vector<1x16xi32>,
      %get3A_412 = vector.shape_cast %get3A_411 : vector<1x16xi32> to vector<16xi32>
      %add3A_413 = vector.broadcast %mul3A_1 : i32 to vector<16xi32>
      %add3A_414 = arith.addi %get3A_412, %add3A_413 : vector<16xi32>
      %swap3A_415 = arith.index_cast %scan3A_333 : i32 to index
      %swap3A_416 = arith.constant 112 : index
      %swap3A_417 = tpu.vector_load %arg6[%swap3A_415, %swap3A_416] {strides = array<i32>} : memref<80x128xi32, #tpu.memory_space<vmem>>, vector<1x16xi32>,
      %swap3A_418 = vector.shape_cast %swap3A_417 : vector<1x16xi32> to vector<16xi32>
      %swap3A_419 = vector.shape_cast %add3A_414 : vector<16xi32> to vector<1x16xi32>
      tpu.vector_store %arg6[%swap3A_415, %swap3A_416], %swap3A_419 {strides = array<i32>} : memref<80x128xi32, #tpu.memory_space<vmem>>, vector<1x16xi32>,
    }
    %scan3A_5 = arith.constant 80 : i32
    %scan3A_6 = arith.constant 0 : i32
    %scan3A_7 = arith.constant 0 : i32
    %scan3A_8 = arith.constant 79 : i32
    %scan3A_9 = arith.addi %scan3A_7, %scan3A_8 : i32
    %scan3A_10 = arith.constant 1 : i32
    scf.for %scan3A_333 = %scan3A_7 to %scan3A_9 step %scan3A_10  : i32 {
      %get3A = arith.index_cast %scan3A_333 : i32 to index
      %get3A_334 = arith.constant 0 : index
      %get3A_335 = tpu.vector_load %arg7[%get3A, %get3A_334] {strides = array<i32>} : memref<79x128xi32, #tpu.memory_space<vmem>>, vector<1x16xi32>,
      %get3A_336 = vector.shape_cast %get3A_335 : vector<1x16xi32> to vector<16xi32>
      %sub3A = vector.broadcast %scan3A_6 : i32 to vector<16xi32>
      %sub3A_337 = arith.subi %get3A_336, %sub3A : vector<16xi32>
      %ge3A = arith.constant 0 : i32
      %ge3A_338 = vector.broadcast %ge3A : i32 to vector<16xi32>
      %ge3A_339 = arith.cmpi sge, %sub3A_337, %ge3A_338 : vector<16xi32>
      %lt3A = arith.constant 5120 : i32
      %lt3A_340 = vector.broadcast %lt3A : i32 to vector<16xi32>
      %lt3A_341 = arith.cmpi slt, %sub3A_337, %lt3A_340 : vector<16xi32>
      %and3A = arith.andi %ge3A_339, %lt3A_341 : vector<16xi1>
      %and3A_342 = arith.constant 255 : i32
      %and3A_343 = vector.broadcast %and3A_342 : i32 to vector<16xi32>
      %and3A_344 = arith.andi %sub3A_337, %and3A_343 : vector<16xi32>
      %add3A_345 = arith.constant 5120 : i32
      %add3A_346 = vector.broadcast %add3A_345 : i32 to vector<16xi32>
      %add3A_347 = arith.addi %add3A_346, %and3A_344 : vector<16xi32>
      %select_n3A = arith.select %and3A, %sub3A_337, %add3A_347 : vector<16xi1>, vector<16xi32>
      %swap3A = arith.index_cast %scan3A_333 : i32 to index
      %swap3A_348 = arith.constant 0 : index
      %swap3A_349 = tpu.vector_load %arg7[%swap3A, %swap3A_348] {strides = array<i32>} : memref<79x128xi32, #tpu.memory_space<vmem>>, vector<1x16xi32>,
      %swap3A_350 = vector.shape_cast %swap3A_349 : vector<1x16xi32> to vector<16xi32>
      %swap3A_351 = vector.shape_cast %select_n3A : vector<16xi32> to vector<1x16xi32>
      tpu.vector_store %arg7[%swap3A, %swap3A_348], %swap3A_351 {strides = array<i32>} : memref<79x128xi32, #tpu.memory_space<vmem>>, vector<1x16xi32>,
      %get3A_352 = arith.index_cast %scan3A_333 : i32 to index
      %get3A_353 = arith.constant 16 : index
      %get3A_354 = tpu.vector_load %arg7[%get3A_352, %get3A_353] {strides = array<i32>} : memref<79x128xi32, #tpu.memory_space<vmem>>, vector<1x16xi32>,
      %get3A_355 = vector.shape_cast %get3A_354 : vector<1x16xi32> to vector<16xi32>
      %sub3A_356 = vector.broadcast %scan3A_6 : i32 to vector<16xi32>
      %sub3A_357 = arith.subi %get3A_355, %sub3A_356 : vector<16xi32>
      %ge3A_358 = arith.constant 0 : i32
      %ge3A_359 = vector.broadcast %ge3A_358 : i32 to vector<16xi32>
      %ge3A_360 = arith.cmpi sge, %sub3A_357, %ge3A_359 : vector<16xi32>
      %lt3A_361 = arith.constant 5120 : i32
      %lt3A_362 = vector.broadcast %lt3A_361 : i32 to vector<16xi32>
      %lt3A_363 = arith.cmpi slt, %sub3A_357, %lt3A_362 : vector<16xi32>
      %and3A_364 = arith.andi %ge3A_360, %lt3A_363 : vector<16xi1>
      %and3A_365 = arith.constant 255 : i32
      %and3A_366 = vector.broadcast %and3A_365 : i32 to vector<16xi32>
      %and3A_367 = arith.andi %sub3A_357, %and3A_366 : vector<16xi32>
      %add3A_368 = arith.constant 5120 : i32
      %add3A_369 = vector.broadcast %add3A_368 : i32 to vector<16xi32>
      %add3A_370 = arith.addi %add3A_369, %and3A_367 : vector<16xi32>
      %select_n3A_371 = arith.select %and3A_364, %sub3A_357, %add3A_370 : vector<16xi1>, vector<16xi32>
      %swap3A_372 = arith.index_cast %scan3A_333 : i32 to index
      %swap3A_373 = arith.constant 16 : index
      %swap3A_374 = tpu.vector_load %arg7[%swap3A_372, %swap3A_373] {strides = array<i32>} : memref<79x128xi32, #tpu.memory_space<vmem>>, vector<1x16xi32>,
      %swap3A_375 = vector.shape_cast %swap3A_374 : vector<1x16xi32> to vector<16xi32>
      %swap3A_376 = vector.shape_cast %select_n3A_371 : vector<16xi32> to vector<1x16xi32>
      tpu.vector_store %arg7[%swap3A_372, %swap3A_373], %swap3A_376 {strides = array<i32>} : memref<79x128xi32, #tpu.memory_space<vmem>>, vector<1x16xi32>,
      %get3A_377 = arith.index_cast %scan3A_333 : i32 to index
      %get3A_378 = arith.constant 32 : index
      %get3A_379 = tpu.vector_load %arg7[%get3A_377, %get3A_378] {strides = array<i32>} : memref<79x128xi32, #tpu.memory_space<vmem>>, vector<1x16xi32>,
      %get3A_380 = vector.shape_cast %get3A_379 : vector<1x16xi32> to vector<16xi32>
      %sub3A_381 = vector.broadcast %scan3A_6 : i32 to vector<16xi32>
      %sub3A_382 = arith.subi %get3A_380, %sub3A_381 : vector<16xi32>
      %ge3A_383 = arith.constant 0 : i32
      %ge3A_384 = vector.broadcast %ge3A_383 : i32 to vector<16xi32>
      %ge3A_385 = arith.cmpi sge, %sub3A_382, %ge3A_384 : vector<16xi32>
      %lt3A_386 = arith.constant 5120 : i32
      %lt3A_387 = vector.broadcast %lt3A_386 : i32 to vector<16xi32>
      %lt3A_388 = arith.cmpi slt, %sub3A_382, %lt3A_387 : vector<16xi32>
      %and3A_389 = arith.andi %ge3A_385, %lt3A_388 : vector<16xi1>
      %and3A_390 = arith.constant 255 : i32
      %and3A_391 = vector.broadcast %and3A_390 : i32 to vector<16xi32>
      %and3A_392 = arith.andi %sub3A_382, %and3A_391 : vector<16xi32>
      %add3A_393 = arith.constant 5120 : i32
      %add3A_394 = vector.broadcast %add3A_393 : i32 to vector<16xi32>
      %add3A_395 = arith.addi %add3A_394, %and3A_392 : vector<16xi32>
      %select_n3A_396 = arith.select %and3A_389, %sub3A_382, %add3A_395 : vector<16xi1>, vector<16xi32>
      %swap3A_397 = arith.index_cast %scan3A_333 : i32 to index
      %swap3A_398 = arith.constant 32 : index
      %swap3A_399 = tpu.vector_load %arg7[%swap3A_397, %swap3A_398] {strides = array<i32>} : memref<79x128xi32, #tpu.memory_space<vmem>>, vector<1x16xi32>,
      %swap3A_400 = vector.shape_cast %swap3A_399 : vector<1x16xi32> to vector<16xi32>
      %swap3A_401 = vector.shape_cast %select_n3A_396 : vector<16xi32> to vector<1x16xi32>
      tpu.vector_store %arg7[%swap3A_397, %swap3A_398], %swap3A_401 {strides = array<i32>} : memref<79x128xi32, #tpu.memory_space<vmem>>, vector<1x16xi32>,
      %get3A_402 = arith.index_cast %scan3A_333 : i32 to index
      %get3A_403 = arith.constant 48 : index
      %get3A_404 = tpu.vector_load %arg7[%get3A_402, %get3A_403] {strides = array<i32>} : memref<79x128xi32, #tpu.memory_space<vmem>>, vector<1x16xi32>,
      %get3A_405 = vector.shape_cast %get3A_404 : vector<1x16xi32> to vector<16xi32>
      %sub3A_406 = vector.broadcast %scan3A_6 : i32 to vector<16xi32>
      %sub3A_407 = arith.subi %get3A_405, %sub3A_406 : vector<16xi32>
      %ge3A_408 = arith.constant 0 : i32
      %ge3A_409 = vector.broadcast %ge3A_408 : i32 to vector<16xi32>
      %ge3A_410 = arith.cmpi sge, %sub3A_407, %ge3A_409 : vector<16xi32>
      %lt3A_411 = arith.constant 5120 : i32
      %lt3A_412 = vector.broadcast %lt3A_411 : i32 to vector<16xi32>
      %lt3A_413 = arith.cmpi slt, %sub3A_407, %lt3A_412 : vector<16xi32>
      %and3A_414 = arith.andi %ge3A_410, %lt3A_413 : vector<16xi1>
      %and3A_415 = arith.constant 255 : i32
      %and3A_416 = vector.broadcast %and3A_415 : i32 to vector<16xi32>
      %and3A_417 = arith.andi %sub3A_407, %and3A_416 : vector<16xi32>
      %add3A_418 = arith.constant 5120 : i32
      %add3A_419 = vector.broadcast %add3A_418 : i32 to vector<16xi32>
      %add3A_420 = arith.addi %add3A_419, %and3A_417 : vector<16xi32>
      %select_n3A_421 = arith.select %and3A_414, %sub3A_407, %add3A_420 : vector<16xi1>, vector<16xi32>
      %swap3A_422 = arith.index_cast %scan3A_333 : i32 to index
      %swap3A_423 = arith.constant 48 : index
      %swap3A_424 = tpu.vector_load %arg7[%swap3A_422, %swap3A_423] {strides = array<i32>} : memref<79x128xi32, #tpu.memory_space<vmem>>, vector<1x16xi32>,
      %swap3A_425 = vector.shape_cast %swap3A_424 : vector<1x16xi32> to vector<16xi32>
      %swap3A_426 = vector.shape_cast %select_n3A_421 : vector<16xi32> to vector<1x16xi32>
      tpu.vector_store %arg7[%swap3A_422, %swap3A_423], %swap3A_426 {strides = array<i32>} : memref<79x128xi32, #tpu.memory_space<vmem>>, vector<1x16xi32>,
      %get3A_427 = arith.index_cast %scan3A_333 : i32 to index
      %get3A_428 = arith.constant 64 : index
      %get3A_429 = tpu.vector_load %arg7[%get3A_427, %get3A_428] {strides = array<i32>} : memref<79x128xi32, #tpu.memory_space<vmem>>, vector<1x16xi32>,
      %get3A_430 = vector.shape_cast %get3A_429 : vector<1x16xi32> to vector<16xi32>
      %sub3A_431 = vector.broadcast %scan3A_6 : i32 to vector<16xi32>
      %sub3A_432 = arith.subi %get3A_430, %sub3A_431 : vector<16xi32>
      %ge3A_433 = arith.constant 0 : i32
      %ge3A_434 = vector.broadcast %ge3A_433 : i32 to vector<16xi32>
      %ge3A_435 = arith.cmpi sge, %sub3A_432, %ge3A_434 : vector<16xi32>
      %lt3A_436 = arith.constant 5120 : i32
      %lt3A_437 = vector.broadcast %lt3A_436 : i32 to vector<16xi32>
      %lt3A_438 = arith.cmpi slt, %sub3A_432, %lt3A_437 : vector<16xi32>
      %and3A_439 = arith.andi %ge3A_435, %lt3A_438 : vector<16xi1>
      %and3A_440 = arith.constant 255 : i32
      %and3A_441 = vector.broadcast %and3A_440 : i32 to vector<16xi32>
      %and3A_442 = arith.andi %sub3A_432, %and3A_441 : vector<16xi32>
      %add3A_443 = arith.constant 5120 : i32
      %add3A_444 = vector.broadcast %add3A_443 : i32 to vector<16xi32>
      %add3A_445 = arith.addi %add3A_444, %and3A_442 : vector<16xi32>
      %select_n3A_446 = arith.select %and3A_439, %sub3A_432, %add3A_445 : vector<16xi1>, vector<16xi32>
      %swap3A_447 = arith.index_cast %scan3A_333 : i32 to index
      %swap3A_448 = arith.constant 64 : index
      %swap3A_449 = tpu.vector_load %arg7[%swap3A_447, %swap3A_448] {strides = array<i32>} : memref<79x128xi32, #tpu.memory_space<vmem>>, vector<1x16xi32>,
      %swap3A_450 = vector.shape_cast %swap3A_449 : vector<1x16xi32> to vector<16xi32>
      %swap3A_451 = vector.shape_cast %select_n3A_446 : vector<16xi32> to vector<1x16xi32>
      tpu.vector_store %arg7[%swap3A_447, %swap3A_448], %swap3A_451 {strides = array<i32>} : memref<79x128xi32, #tpu.memory_space<vmem>>, vector<1x16xi32>,
      %get3A_452 = arith.index_cast %scan3A_333 : i32 to index
      %get3A_453 = arith.constant 80 : index
      %get3A_454 = tpu.vector_load %arg7[%get3A_452, %get3A_453] {strides = array<i32>} : memref<79x128xi32, #tpu.memory_space<vmem>>, vector<1x16xi32>,
      %get3A_455 = vector.shape_cast %get3A_454 : vector<1x16xi32> to vector<16xi32>
      %sub3A_456 = vector.broadcast %scan3A_6 : i32 to vector<16xi32>
      %sub3A_457 = arith.subi %get3A_455, %sub3A_456 : vector<16xi32>
      %ge3A_458 = arith.constant 0 : i32
      %ge3A_459 = vector.broadcast %ge3A_458 : i32 to vector<16xi32>
      %ge3A_460 = arith.cmpi sge, %sub3A_457, %ge3A_459 : vector<16xi32>
      %lt3A_461 = arith.constant 5120 : i32
      %lt3A_462 = vector.broadcast %lt3A_461 : i32 to vector<16xi32>
      %lt3A_463 = arith.cmpi slt, %sub3A_457, %lt3A_462 : vector<16xi32>
      %and3A_464 = arith.andi %ge3A_460, %lt3A_463 : vector<16xi1>
      %and3A_465 = arith.constant 255 : i32
      %and3A_466 = vector.broadcast %and3A_465 : i32 to vector<16xi32>
      %and3A_467 = arith.andi %sub3A_457, %and3A_466 : vector<16xi32>
      %add3A_468 = arith.constant 5120 : i32
      %add3A_469 = vector.broadcast %add3A_468 : i32 to vector<16xi32>
      %add3A_470 = arith.addi %add3A_469, %and3A_467 : vector<16xi32>
      %select_n3A_471 = arith.select %and3A_464, %sub3A_457, %add3A_470 : vector<16xi1>, vector<16xi32>
      %swap3A_472 = arith.index_cast %scan3A_333 : i32 to index
      %swap3A_473 = arith.constant 80 : index
      %swap3A_474 = tpu.vector_load %arg7[%swap3A_472, %swap3A_473] {strides = array<i32>} : memref<79x128xi32, #tpu.memory_space<vmem>>, vector<1x16xi32>,
      %swap3A_475 = vector.shape_cast %swap3A_474 : vector<1x16xi32> to vector<16xi32>
      %swap3A_476 = vector.shape_cast %select_n3A_471 : vector<16xi32> to vector<1x16xi32>
      tpu.vector_store %arg7[%swap3A_472, %swap3A_473], %swap3A_476 {strides = array<i32>} : memref<79x128xi32, #tpu.memory_space<vmem>>, vector<1x16xi32>,
      %get3A_477 = arith.index_cast %scan3A_333 : i32 to index
      %get3A_478 = arith.constant 96 : index
      %get3A_479 = tpu.vector_load %arg7[%get3A_477, %get3A_478] {strides = array<i32>} : memref<79x128xi32, #tpu.memory_space<vmem>>, vector<1x16xi32>,
      %get3A_480 = vector.shape_cast %get3A_479 : vector<1x16xi32> to vector<16xi32>
      %sub3A_481 = vector.broadcast %scan3A_6 : i32 to vector<16xi32>
      %sub3A_482 = arith.subi %get3A_480, %sub3A_481 : vector<16xi32>
      %ge3A_483 = arith.constant 0 : i32
      %ge3A_484 = vector.broadcast %ge3A_483 : i32 to vector<16xi32>
      %ge3A_485 = arith.cmpi sge, %sub3A_482, %ge3A_484 : vector<16xi32>
      %lt3A_486 = arith.constant 5120 : i32
      %lt3A_487 = vector.broadcast %lt3A_486 : i32 to vector<16xi32>
      %lt3A_488 = arith.cmpi slt, %sub3A_482, %lt3A_487 : vector<16xi32>
      %and3A_489 = arith.andi %ge3A_485, %lt3A_488 : vector<16xi1>
      %and3A_490 = arith.constant 255 : i32
      %and3A_491 = vector.broadcast %and3A_490 : i32 to vector<16xi32>
      %and3A_492 = arith.andi %sub3A_482, %and3A_491 : vector<16xi32>
      %add3A_493 = arith.constant 5120 : i32
      %add3A_494 = vector.broadcast %add3A_493 : i32 to vector<16xi32>
      %add3A_495 = arith.addi %add3A_494, %and3A_492 : vector<16xi32>
      %select_n3A_496 = arith.select %and3A_489, %sub3A_482, %add3A_495 : vector<16xi1>, vector<16xi32>
      %swap3A_497 = arith.index_cast %scan3A_333 : i32 to index
      %swap3A_498 = arith.constant 96 : index
      %swap3A_499 = tpu.vector_load %arg7[%swap3A_497, %swap3A_498] {strides = array<i32>} : memref<79x128xi32, #tpu.memory_space<vmem>>, vector<1x16xi32>,
      %swap3A_500 = vector.shape_cast %swap3A_499 : vector<1x16xi32> to vector<16xi32>
      %swap3A_501 = vector.shape_cast %select_n3A_496 : vector<16xi32> to vector<1x16xi32>
      tpu.vector_store %arg7[%swap3A_497, %swap3A_498], %swap3A_501 {strides = array<i32>} : memref<79x128xi32, #tpu.memory_space<vmem>>, vector<1x16xi32>,
      %get3A_502 = arith.index_cast %scan3A_333 : i32 to index
      %get3A_503 = arith.constant 112 : index
      %get3A_504 = tpu.vector_load %arg7[%get3A_502, %get3A_503] {strides = array<i32>} : memref<79x128xi32, #tpu.memory_space<vmem>>, vector<1x16xi32>,
      %get3A_505 = vector.shape_cast %get3A_504 : vector<1x16xi32> to vector<16xi32>
      %sub3A_506 = vector.broadcast %scan3A_6 : i32 to vector<16xi32>
      %sub3A_507 = arith.subi %get3A_505, %sub3A_506 : vector<16xi32>
      %ge3A_508 = arith.constant 0 : i32
      %ge3A_509 = vector.broadcast %ge3A_508 : i32 to vector<16xi32>
      %ge3A_510 = arith.cmpi sge, %sub3A_507, %ge3A_509 : vector<16xi32>
      %lt3A_511 = arith.constant 5120 : i32
      %lt3A_512 = vector.broadcast %lt3A_511 : i32 to vector<16xi32>
      %lt3A_513 = arith.cmpi slt, %sub3A_507, %lt3A_512 : vector<16xi32>
      %and3A_514 = arith.andi %ge3A_510, %lt3A_513 : vector<16xi1>
      %and3A_515 = arith.constant 255 : i32
      %and3A_516 = vector.broadcast %and3A_515 : i32 to vector<16xi32>
      %and3A_517 = arith.andi %sub3A_507, %and3A_516 : vector<16xi32>
      %add3A_518 = arith.constant 5120 : i32
      %add3A_519 = vector.broadcast %add3A_518 : i32 to vector<16xi32>
      %add3A_520 = arith.addi %add3A_519, %and3A_517 : vector<16xi32>
      %select_n3A_521 = arith.select %and3A_514, %sub3A_507, %add3A_520 : vector<16xi1>, vector<16xi32>
      %swap3A_522 = arith.index_cast %scan3A_333 : i32 to index
      %swap3A_523 = arith.constant 112 : index
      %swap3A_524 = tpu.vector_load %arg7[%swap3A_522, %swap3A_523] {strides = array<i32>} : memref<79x128xi32, #tpu.memory_space<vmem>>, vector<1x16xi32>,
      %swap3A_525 = vector.shape_cast %swap3A_524 : vector<1x16xi32> to vector<16xi32>
      %swap3A_526 = vector.shape_cast %select_n3A_521 : vector<16xi32> to vector<1x16xi32>
      tpu.vector_store %arg7[%swap3A_522, %swap3A_523], %swap3A_526 {strides = array<i32>} : memref<79x128xi32, #tpu.memory_space<vmem>>, vector<1x16xi32>,
    }
    %scan3A_11 = arith.constant 79 : i32
    %scan3A_12 = arith.constant 0 : i32
    %scan3A_13 = arith.constant 64 : i32
    %scan3A_14 = arith.addi %scan3A_12, %scan3A_13 : i32
    %scan3A_15 = arith.constant 1 : i32
    scf.for %scan3A_333 = %scan3A_12 to %scan3A_14 step %scan3A_15  : i32 {
      %swap3A = arith.index_cast %scan3A_333 : i32 to index
      %swap3A_334 = arith.constant 0 : index
      %swap3A_335 = tpu.vector_load %arg9[%swap3A, %swap3A_334] {strides = array<i32>} : memref<64x128xf32, #tpu.memory_space<vmem>>, vector<1x16xf32>,
      %swap3A_336 = vector.shape_cast %swap3A_335 : vector<1x16xf32> to vector<16xf32>
      %swap3A_337 = vector.shape_cast %broadcast_in_dim3A_0 : vector<16xf32> to vector<1x16xf32>
      tpu.vector_store %arg9[%swap3A, %swap3A_334], %swap3A_337 {strides = array<i32>} : memref<64x128xf32, #tpu.memory_space<vmem>>, vector<1x16xf32>,
      %swap3A_338 = arith.index_cast %scan3A_333 : i32 to index
      %swap3A_339 = arith.constant 16 : index
      %swap3A_340 = tpu.vector_load %arg9[%swap3A_338, %swap3A_339] {strides = array<i32>} : memref<64x128xf32, #tpu.memory_space<vmem>>, vector<1x16xf32>,
      %swap3A_341 = vector.shape_cast %swap3A_340 : vector<1x16xf32> to vector<16xf32>
      %swap3A_342 = vector.shape_cast %broadcast_in_dim3A_0 : vector<16xf32> to vector<1x16xf32>
      tpu.vector_store %arg9[%swap3A_338, %swap3A_339], %swap3A_342 {strides = array<i32>} : memref<64x128xf32, #tpu.memory_space<vmem>>, vector<1x16xf32>,
      %swap3A_343 = arith.index_cast %scan3A_333 : i32 to index
      %swap3A_344 = arith.constant 32 : index
      %swap3A_345 = tpu.vector_load %arg9[%swap3A_343, %swap3A_344] {strides = array<i32>} : memref<64x128xf32, #tpu.memory_space<vmem>>, vector<1x16xf32>,
      %swap3A_346 = vector.shape_cast %swap3A_345 : vector<1x16xf32> to vector<16xf32>
      %swap3A_347 = vector.shape_cast %broadcast_in_dim3A_0 : vector<16xf32> to vector<1x16xf32>
      tpu.vector_store %arg9[%swap3A_343, %swap3A_344], %swap3A_347 {strides = array<i32>} : memref<64x128xf32, #tpu.memory_space<vmem>>, vector<1x16xf32>,
      %swap3A_348 = arith.index_cast %scan3A_333 : i32 to index
      %swap3A_349 = arith.constant 48 : index
      %swap3A_350 = tpu.vector_load %arg9[%swap3A_348, %swap3A_349] {strides = array<i32>} : memref<64x128xf32, #tpu.memory_space<vmem>>, vector<1x16xf32>,
      %swap3A_351 = vector.shape_cast %swap3A_350 : vector<1x16xf32> to vector<16xf32>
      %swap3A_352 = vector.shape_cast %broadcast_in_dim3A_0 : vector<16xf32> to vector<1x16xf32>
      tpu.vector_store %arg9[%swap3A_348, %swap3A_349], %swap3A_352 {strides = array<i32>} : memref<64x128xf32, #tpu.memory_space<vmem>>, vector<1x16xf32>,
      %swap3A_353 = arith.index_cast %scan3A_333 : i32 to index
      %swap3A_354 = arith.constant 64 : index
      %swap3A_355 = tpu.vector_load %arg9[%swap3A_353, %swap3A_354] {strides = array<i32>} : memref<64x128xf32, #tpu.memory_space<vmem>>, vector<1x16xf32>,
      %swap3A_356 = vector.shape_cast %swap3A_355 : vector<1x16xf32> to vector<16xf32>
      %swap3A_357 = vector.shape_cast %broadcast_in_dim3A_0 : vector<16xf32> to vector<1x16xf32>
      tpu.vector_store %arg9[%swap3A_353, %swap3A_354], %swap3A_357 {strides = array<i32>} : memref<64x128xf32, #tpu.memory_space<vmem>>, vector<1x16xf32>,
      %swap3A_358 = arith.index_cast %scan3A_333 : i32 to index
      %swap3A_359 = arith.constant 80 : index
      %swap3A_360 = tpu.vector_load %arg9[%swap3A_358, %swap3A_359] {strides = array<i32>} : memref<64x128xf32, #tpu.memory_space<vmem>>, vector<1x16xf32>,
      %swap3A_361 = vector.shape_cast %swap3A_360 : vector<1x16xf32> to vector<16xf32>
      %swap3A_362 = vector.shape_cast %broadcast_in_dim3A_0 : vector<16xf32> to vector<1x16xf32>
      tpu.vector_store %arg9[%swap3A_358, %swap3A_359], %swap3A_362 {strides = array<i32>} : memref<64x128xf32, #tpu.memory_space<vmem>>, vector<1x16xf32>,
      %swap3A_363 = arith.index_cast %scan3A_333 : i32 to index
      %swap3A_364 = arith.constant 96 : index
      %swap3A_365 = tpu.vector_load %arg9[%swap3A_363, %swap3A_364] {strides = array<i32>} : memref<64x128xf32, #tpu.memory_space<vmem>>, vector<1x16xf32>,
      %swap3A_366 = vector.shape_cast %swap3A_365 : vector<1x16xf32> to vector<16xf32>
      %swap3A_367 = vector.shape_cast %broadcast_in_dim3A_0 : vector<16xf32> to vector<1x16xf32>
      tpu.vector_store %arg9[%swap3A_363, %swap3A_364], %swap3A_367 {strides = array<i32>} : memref<64x128xf32, #tpu.memory_space<vmem>>, vector<1x16xf32>,
      %swap3A_368 = arith.index_cast %scan3A_333 : i32 to index
      %swap3A_369 = arith.constant 112 : index
      %swap3A_370 = tpu.vector_load %arg9[%swap3A_368, %swap3A_369] {strides = array<i32>} : memref<64x128xf32, #tpu.memory_space<vmem>>, vector<1x16xf32>,
      %swap3A_371 = vector.shape_cast %swap3A_370 : vector<1x16xf32> to vector<16xf32>
      %swap3A_372 = vector.shape_cast %broadcast_in_dim3A_0 : vector<16xf32> to vector<1x16xf32>
      tpu.vector_store %arg9[%swap3A_368, %swap3A_369], %swap3A_372 {strides = array<i32>} : memref<64x128xf32, #tpu.memory_space<vmem>>, vector<1x16xf32>,
    }
    %scan3A_16 = arith.constant 64 : i32
    %mul3A_17 = arith.constant 320 : i32
    %mul3A_18 = arith.muli %arg1, %mul3A_17 : i32
    %add3A = arith.constant 0 : i32
    %add3A_19 = arith.addi %mul3A_18, %add3A : i32
    "tpu.region"() ({
      %run_scoped3A = tpu.sem_alloc : memref<!tpu.dma_semaphore, #tpu.memory_space<semaphore_mem>>
      %dma_start3A_333 = arith.constant 0 : i32
      %dma_start3A_334 = tpu.memref_slice %arg10[%add3A_19, %dma_start3A_333] : memref<5376x128xf32, #tpu.memory_space<vmem_shared>> -> memref<64x128xf32, #tpu.memory_space<vmem_shared>>
      %dma_start3A_335 = arith.constant 0 : i32
      %dma_start3A_336 = tpu.memref_slice %arg10[%add3A_19, %dma_start3A_335] : memref<5376x128xf32, #tpu.memory_space<vmem_shared>> -> memref<64x128xf32, #tpu.memory_space<vmem_shared>>
      tpu.enqueue_dma source(%arg9 : memref<64x128xf32, #tpu.memory_space<vmem>>) target(%dma_start3A_336 : memref<64x128xf32, #tpu.memory_space<vmem_shared>>) target_semaphore(%run_scoped3A : memref<!tpu.dma_semaphore, #tpu.memory_space<semaphore_mem>>)
      %dma_wait3A_337 = arith.constant 0 : i32
      %dma_wait3A_338 = tpu.memref_slice %arg10[%add3A_19, %dma_wait3A_337] : memref<5376x128xf32, #tpu.memory_space<vmem_shared>> -> memref<64x128xf32, #tpu.memory_space<vmem_shared>>
      %dma_wait3A_339 = arith.constant 0 : i32
      %dma_wait3A_340 = tpu.memref_slice %arg10[%add3A_19, %dma_wait3A_339] : memref<5376x128xf32, #tpu.memory_space<vmem_shared>> -> memref<64x128xf32, #tpu.memory_space<vmem_shared>>
      tpu.wait_dma2 semaphore(%run_scoped3A : memref<!tpu.dma_semaphore, #tpu.memory_space<semaphore_mem>>) src(%arg9 : memref<64x128xf32, #tpu.memory_space<vmem>>) dst(%dma_wait3A_340 : memref<64x128xf32, #tpu.memory_space<vmem_shared>>)
      tpu.yield
    }) : () -> ()
    %mul3A_20 = arith.constant 320 : i32
    %mul3A_21 = arith.muli %arg1, %mul3A_20 : i32
    %add3A_22 = arith.constant 64 : i32
    %add3A_23 = arith.addi %mul3A_21, %add3A_22 : i32
    "tpu.region"() ({
      %run_scoped3A = tpu.sem_alloc : memref<!tpu.dma_semaphore, #tpu.memory_space<semaphore_mem>>
      %dma_start3A_333 = arith.constant 0 : i32
      %dma_start3A_334 = tpu.memref_slice %arg10[%add3A_23, %dma_start3A_333] : memref<5376x128xf32, #tpu.memory_space<vmem_shared>> -> memref<64x128xf32, #tpu.memory_space<vmem_shared>>
      %dma_start3A_335 = arith.constant 0 : i32
      %dma_start3A_336 = tpu.memref_slice %arg10[%add3A_23, %dma_start3A_335] : memref<5376x128xf32, #tpu.memory_space<vmem_shared>> -> memref<64x128xf32, #tpu.memory_space<vmem_shared>>
      tpu.enqueue_dma source(%arg9 : memref<64x128xf32, #tpu.memory_space<vmem>>) target(%dma_start3A_336 : memref<64x128xf32, #tpu.memory_space<vmem_shared>>) target_semaphore(%run_scoped3A : memref<!tpu.dma_semaphore, #tpu.memory_space<semaphore_mem>>)
      %dma_wait3A_337 = arith.constant 0 : i32
      %dma_wait3A_338 = tpu.memref_slice %arg10[%add3A_23, %dma_wait3A_337] : memref<5376x128xf32, #tpu.memory_space<vmem_shared>> -> memref<64x128xf32, #tpu.memory_space<vmem_shared>>
      %dma_wait3A_339 = arith.constant 0 : i32
      %dma_wait3A_340 = tpu.memref_slice %arg10[%add3A_23, %dma_wait3A_339] : memref<5376x128xf32, #tpu.memory_space<vmem_shared>> -> memref<64x128xf32, #tpu.memory_space<vmem_shared>>
      tpu.wait_dma2 semaphore(%run_scoped3A : memref<!tpu.dma_semaphore, #tpu.memory_space<semaphore_mem>>) src(%arg9 : memref<64x128xf32, #tpu.memory_space<vmem>>) dst(%dma_wait3A_340 : memref<64x128xf32, #tpu.memory_space<vmem_shared>>)
      tpu.yield
    }) : () -> ()
    %mul3A_24 = arith.constant 320 : i32
    %mul3A_25 = arith.muli %arg1, %mul3A_24 : i32
    %add3A_26 = arith.constant 128 : i32
    %add3A_27 = arith.addi %mul3A_25, %add3A_26 : i32
    "tpu.region"() ({
      %run_scoped3A = tpu.sem_alloc : memref<!tpu.dma_semaphore, #tpu.memory_space<semaphore_mem>>
      %dma_start3A_333 = arith.constant 0 : i32
      %dma_start3A_334 = tpu.memref_slice %arg10[%add3A_27, %dma_start3A_333] : memref<5376x128xf32, #tpu.memory_space<vmem_shared>> -> memref<64x128xf32, #tpu.memory_space<vmem_shared>>
      %dma_start3A_335 = arith.constant 0 : i32
      %dma_start3A_336 = tpu.memref_slice %arg10[%add3A_27, %dma_start3A_335] : memref<5376x128xf32, #tpu.memory_space<vmem_shared>> -> memref<64x128xf32, #tpu.memory_space<vmem_shared>>
      tpu.enqueue_dma source(%arg9 : memref<64x128xf32, #tpu.memory_space<vmem>>) target(%dma_start3A_336 : memref<64x128xf32, #tpu.memory_space<vmem_shared>>) target_semaphore(%run_scoped3A : memref<!tpu.dma_semaphore, #tpu.memory_space<semaphore_mem>>)
      %dma_wait3A_337 = arith.constant 0 : i32
      %dma_wait3A_338 = tpu.memref_slice %arg10[%add3A_27, %dma_wait3A_337] : memref<5376x128xf32, #tpu.memory_space<vmem_shared>> -> memref<64x128xf32, #tpu.memory_space<vmem_shared>>
      %dma_wait3A_339 = arith.constant 0 : i32
      %dma_wait3A_340 = tpu.memref_slice %arg10[%add3A_27, %dma_wait3A_339] : memref<5376x128xf32, #tpu.memory_space<vmem_shared>> -> memref<64x128xf32, #tpu.memory_space<vmem_shared>>
      tpu.wait_dma2 semaphore(%run_scoped3A : memref<!tpu.dma_semaphore, #tpu.memory_space<semaphore_mem>>) src(%arg9 : memref<64x128xf32, #tpu.memory_space<vmem>>) dst(%dma_wait3A_340 : memref<64x128xf32, #tpu.memory_space<vmem_shared>>)
      tpu.yield
    }) : () -> ()
    %mul3A_28 = arith.constant 320 : i32
    %mul3A_29 = arith.muli %arg1, %mul3A_28 : i32
    %add3A_30 = arith.constant 192 : i32
    %add3A_31 = arith.addi %mul3A_29, %add3A_30 : i32
    "tpu.region"() ({
      %run_scoped3A = tpu.sem_alloc : memref<!tpu.dma_semaphore, #tpu.memory_space<semaphore_mem>>
      %dma_start3A_333 = arith.constant 0 : i32
      %dma_start3A_334 = tpu.memref_slice %arg10[%add3A_31, %dma_start3A_333] : memref<5376x128xf32, #tpu.memory_space<vmem_shared>> -> memref<64x128xf32, #tpu.memory_space<vmem_shared>>
      %dma_start3A_335 = arith.constant 0 : i32
      %dma_start3A_336 = tpu.memref_slice %arg10[%add3A_31, %dma_start3A_335] : memref<5376x128xf32, #tpu.memory_space<vmem_shared>> -> memref<64x128xf32, #tpu.memory_space<vmem_shared>>
      tpu.enqueue_dma source(%arg9 : memref<64x128xf32, #tpu.memory_space<vmem>>) target(%dma_start3A_336 : memref<64x128xf32, #tpu.memory_space<vmem_shared>>) target_semaphore(%run_scoped3A : memref<!tpu.dma_semaphore, #tpu.memory_space<semaphore_mem>>)
      %dma_wait3A_337 = arith.constant 0 : i32
      %dma_wait3A_338 = tpu.memref_slice %arg10[%add3A_31, %dma_wait3A_337] : memref<5376x128xf32, #tpu.memory_space<vmem_shared>> -> memref<64x128xf32, #tpu.memory_space<vmem_shared>>
      %dma_wait3A_339 = arith.constant 0 : i32
      %dma_wait3A_340 = tpu.memref_slice %arg10[%add3A_31, %dma_wait3A_339] : memref<5376x128xf32, #tpu.memory_space<vmem_shared>> -> memref<64x128xf32, #tpu.memory_space<vmem_shared>>
      tpu.wait_dma2 semaphore(%run_scoped3A : memref<!tpu.dma_semaphore, #tpu.memory_space<semaphore_mem>>) src(%arg9 : memref<64x128xf32, #tpu.memory_space<vmem>>) dst(%dma_wait3A_340 : memref<64x128xf32, #tpu.memory_space<vmem_shared>>)
      tpu.yield
    }) : () -> ()
    %mul3A_32 = arith.constant 320 : i32
    %mul3A_33 = arith.muli %arg1, %mul3A_32 : i32
    %add3A_34 = arith.constant 256 : i32
    %add3A_35 = arith.addi %mul3A_33, %add3A_34 : i32
    "tpu.region"() ({
      %run_scoped3A = tpu.sem_alloc : memref<!tpu.dma_semaphore, #tpu.memory_space<semaphore_mem>>
      %dma_start3A_333 = arith.constant 0 : i32
      %dma_start3A_334 = tpu.memref_slice %arg10[%add3A_35, %dma_start3A_333] : memref<5376x128xf32, #tpu.memory_space<vmem_shared>> -> memref<64x128xf32, #tpu.memory_space<vmem_shared>>
      %dma_start3A_335 = arith.constant 0 : i32
      %dma_start3A_336 = tpu.memref_slice %arg10[%add3A_35, %dma_start3A_335] : memref<5376x128xf32, #tpu.memory_space<vmem_shared>> -> memref<64x128xf32, #tpu.memory_space<vmem_shared>>
      tpu.enqueue_dma source(%arg9 : memref<64x128xf32, #tpu.memory_space<vmem>>) target(%dma_start3A_336 : memref<64x128xf32, #tpu.memory_space<vmem_shared>>) target_semaphore(%run_scoped3A : memref<!tpu.dma_semaphore, #tpu.memory_space<semaphore_mem>>)
      %dma_wait3A_337 = arith.constant 0 : i32
      %dma_wait3A_338 = tpu.memref_slice %arg10[%add3A_35, %dma_wait3A_337] : memref<5376x128xf32, #tpu.memory_space<vmem_shared>> -> memref<64x128xf32, #tpu.memory_space<vmem_shared>>
      %dma_wait3A_339 = arith.constant 0 : i32
      %dma_wait3A_340 = tpu.memref_slice %arg10[%add3A_35, %dma_wait3A_339] : memref<5376x128xf32, #tpu.memory_space<vmem_shared>> -> memref<64x128xf32, #tpu.memory_space<vmem_shared>>
      tpu.wait_dma2 semaphore(%run_scoped3A : memref<!tpu.dma_semaphore, #tpu.memory_space<semaphore_mem>>) src(%arg9 : memref<64x128xf32, #tpu.memory_space<vmem>>) dst(%dma_wait3A_340 : memref<64x128xf32, #tpu.memory_space<vmem_shared>>)
      tpu.yield
    }) : () -> ()
    %barrier3A = arith.constant 0 : index
    tpu.barrier barrier_id(%barrier3A)
    %scan3A_36 = arith.constant 0 : i32
    %scan3A_37 = arith.constant 26 : i32
    %scan3A_38 = arith.addi %scan3A_36, %scan3A_37 : i32
    %scan3A_39 = arith.constant 1 : i32
    scf.for %scan3A_333 = %scan3A_36 to %scan3A_38 step %scan3A_39  : i32 {
      %mul3A_334 = arith.constant 3 : i32
      %mul3A_335 = arith.muli %scan3A_333, %mul3A_334 : i32
      %add3A_336 = arith.constant 0 : i32
      %add3A_337 = arith.addi %mul3A_335, %add3A_336 : i32
      %dma_start3A_338 = arith.constant 0 : i32
      %dma_start3A_339 = arith.constant 0 : i32
      %dma_start3A_340 = arith.constant 0 : i32
      %dma_start3A_341 = arith.constant 0 : i32
      %dma_start3A_342 = tpu.memref_slice %arg8[%dma_start3A_338, %dma_start3A_340, %dma_start3A_341] : memref<3x128x128xf32, #tpu.memory_space<vmem>> -> memref<1x128x128xf32, #tpu.memory_space<vmem>>
      %dma_start3A_343 = tpu.memref_squeeze %dma_start3A_342 : memref<1x128x128xf32, #tpu.memory_space<vmem>> -> memref<128x128xf32, #tpu.memory_space<vmem>>
      %dma_start3A_344 = arith.constant 0 : i32
      %dma_start3A_345 = tpu.memref_slice %arg6[%add3A_337, %dma_start3A_344] : memref<80x128xi32, #tpu.memory_space<vmem>> -> memref<1x128xi32, #tpu.memory_space<vmem>>
      %dma_start3A_346 = tpu.memref_squeeze %dma_start3A_345 : memref<1x128xi32, #tpu.memory_space<vmem>> -> memref<128xi32, #tpu.memory_space<vmem>>
      %dma_start3A_347 = arith.constant 0 : i32
      %dma_start3A_348 = arith.constant 0 : i32
      %dma_start3A_349 = tpu.memref_slice %arg2[%dma_start3A_347, %dma_start3A_348] : memref<20000x128xf32, #tpu.memory_space<hbm>> -> memref<20000x128xf32, #tpu.memory_space<hbm>>
      %dma_start3A_350 = tpu.memref_slice %arg11[%dma_start3A_339] : memref<3x!tpu.dma_semaphore, #tpu.memory_space<semaphore_mem>> -> memref<1x!tpu.dma_semaphore, #tpu.memory_space<semaphore_mem>>
      %dma_start3A_351 = tpu.memref_squeeze %dma_start3A_350 : memref<1x!tpu.dma_semaphore, #tpu.memory_space<semaphore_mem>> -> memref<!tpu.dma_semaphore, #tpu.memory_space<semaphore_mem>>
      tpu.enqueue_indirect_dma source(%dma_start3A_349 : memref<20000x128xf32, #tpu.memory_space<hbm>>) target(%dma_start3A_343 : memref<128x128xf32, #tpu.memory_space<vmem>>) offsets(%dma_start3A_346 : memref<128xi32, #tpu.memory_space<vmem>>) semaphore(%dma_start3A_351 : memref<!tpu.dma_semaphore, #tpu.memory_space<semaphore_mem>>)
      %add3A_352 = arith.constant 1 : i32
      %add3A_353 = arith.addi %mul3A_335, %add3A_352 : i32
      %dma_start3A_354 = arith.constant 1 : i32
      %dma_start3A_355 = arith.constant 1 : i32
      %dma_start3A_356 = arith.constant 0 : i32
      %dma_start3A_357 = arith.constant 0 : i32
      %dma_start3A_358 = tpu.memref_slice %arg8[%dma_start3A_354, %dma_start3A_356, %dma_start3A_357] : memref<3x128x128xf32, #tpu.memory_space<vmem>> -> memref<1x128x128xf32, #tpu.memory_space<vmem>>
      %dma_start3A_359 = tpu.memref_squeeze %dma_start3A_358 : memref<1x128x128xf32, #tpu.memory_space<vmem>> -> memref<128x128xf32, #tpu.memory_space<vmem>>
      %dma_start3A_360 = arith.constant 0 : i32
      %dma_start3A_361 = tpu.memref_slice %arg6[%add3A_353, %dma_start3A_360] : memref<80x128xi32, #tpu.memory_space<vmem>> -> memref<1x128xi32, #tpu.memory_space<vmem>>
      %dma_start3A_362 = tpu.memref_squeeze %dma_start3A_361 : memref<1x128xi32, #tpu.memory_space<vmem>> -> memref<128xi32, #tpu.memory_space<vmem>>
      %dma_start3A_363 = arith.constant 0 : i32
      %dma_start3A_364 = arith.constant 0 : i32
      %dma_start3A_365 = tpu.memref_slice %arg2[%dma_start3A_363, %dma_start3A_364] : memref<20000x128xf32, #tpu.memory_space<hbm>> -> memref<20000x128xf32, #tpu.memory_space<hbm>>
      %dma_start3A_366 = tpu.memref_slice %arg11[%dma_start3A_355] : memref<3x!tpu.dma_semaphore, #tpu.memory_space<semaphore_mem>> -> memref<1x!tpu.dma_semaphore, #tpu.memory_space<semaphore_mem>>
      %dma_start3A_367 = tpu.memref_squeeze %dma_start3A_366 : memref<1x!tpu.dma_semaphore, #tpu.memory_space<semaphore_mem>> -> memref<!tpu.dma_semaphore, #tpu.memory_space<semaphore_mem>>
      tpu.enqueue_indirect_dma source(%dma_start3A_365 : memref<20000x128xf32, #tpu.memory_space<hbm>>) target(%dma_start3A_359 : memref<128x128xf32, #tpu.memory_space<vmem>>) offsets(%dma_start3A_362 : memref<128xi32, #tpu.memory_space<vmem>>) semaphore(%dma_start3A_367 : memref<!tpu.dma_semaphore, #tpu.memory_space<semaphore_mem>>)
      %add3A_368 = arith.constant 2 : i32
      %add3A_369 = arith.addi %mul3A_335, %add3A_368 : i32
      %dma_start3A_370 = arith.constant 2 : i32
      %dma_start3A_371 = arith.constant 2 : i32
      %dma_start3A_372 = arith.constant 0 : i32
      %dma_start3A_373 = arith.constant 0 : i32
      %dma_start3A_374 = tpu.memref_slice %arg8[%dma_start3A_370, %dma_start3A_372, %dma_start3A_373] : memref<3x128x128xf32, #tpu.memory_space<vmem>> -> memref<1x128x128xf32, #tpu.memory_space<vmem>>
      %dma_start3A_375 = tpu.memref_squeeze %dma_start3A_374 : memref<1x128x128xf32, #tpu.memory_space<vmem>> -> memref<128x128xf32, #tpu.memory_space<vmem>>
      %dma_start3A_376 = arith.constant 0 : i32
      %dma_start3A_377 = tpu.memref_slice %arg6[%add3A_369, %dma_start3A_376] : memref<80x128xi32, #tpu.memory_space<vmem>> -> memref<1x128xi32, #tpu.memory_space<vmem>>
      %dma_start3A_378 = tpu.memref_squeeze %dma_start3A_377 : memref<1x128xi32, #tpu.memory_space<vmem>> -> memref<128xi32, #tpu.memory_space<vmem>>
      %dma_start3A_379 = arith.constant 0 : i32
      %dma_start3A_380 = arith.constant 0 : i32
      %dma_start3A_381 = tpu.memref_slice %arg2[%dma_start3A_379, %dma_start3A_380] : memref<20000x128xf32, #tpu.memory_space<hbm>> -> memref<20000x128xf32, #tpu.memory_space<hbm>>
      %dma_start3A_382 = tpu.memref_slice %arg11[%dma_start3A_371] : memref<3x!tpu.dma_semaphore, #tpu.memory_space<semaphore_mem>> -> memref<1x!tpu.dma_semaphore, #tpu.memory_space<semaphore_mem>>
      %dma_start3A_383 = tpu.memref_squeeze %dma_start3A_382 : memref<1x!tpu.dma_semaphore, #tpu.memory_space<semaphore_mem>> -> memref<!tpu.dma_semaphore, #tpu.memory_space<semaphore_mem>>
      tpu.enqueue_indirect_dma source(%dma_start3A_381 : memref<20000x128xf32, #tpu.memory_space<hbm>>) target(%dma_start3A_375 : memref<128x128xf32, #tpu.memory_space<vmem>>) offsets(%dma_start3A_378 : memref<128xi32, #tpu.memory_space<vmem>>) semaphore(%dma_start3A_383 : memref<!tpu.dma_semaphore, #tpu.memory_space<semaphore_mem>>)
      %dma_wait3A_384 = arith.constant 0 : i32
      %dma_wait3A_385 = arith.constant 0 : i32
      %dma_wait3A_386 = arith.constant 0 : i32
      %dma_wait3A_387 = arith.constant 0 : i32
      %dma_wait3A_388 = tpu.memref_slice %arg8[%dma_wait3A_384, %dma_wait3A_386, %dma_wait3A_387] : memref<3x128x128xf32, #tpu.memory_space<vmem>> -> memref<1x128x128xf32, #tpu.memory_space<vmem>>
      %dma_wait3A_389 = tpu.memref_squeeze %dma_wait3A_388 : memref<1x128x128xf32, #tpu.memory_space<vmem>> -> memref<128x128xf32, #tpu.memory_space<vmem>>
      %dma_wait3A_390 = arith.constant 0 : i32
      %dma_wait3A_391 = tpu.memref_slice %arg6[%add3A_337, %dma_wait3A_390] : memref<80x128xi32, #tpu.memory_space<vmem>> -> memref<1x128xi32, #tpu.memory_space<vmem>>
      %dma_wait3A_392 = tpu.memref_squeeze %dma_wait3A_391 : memref<1x128xi32, #tpu.memory_space<vmem>> -> memref<128xi32, #tpu.memory_space<vmem>>
      %dma_wait3A_393 = arith.constant 0 : i32
      %dma_wait3A_394 = arith.constant 0 : i32
      %dma_wait3A_395 = tpu.memref_slice %arg2[%dma_wait3A_393, %dma_wait3A_394] : memref<20000x128xf32, #tpu.memory_space<hbm>> -> memref<20000x128xf32, #tpu.memory_space<hbm>>
      %dma_wait3A_396 = tpu.memref_slice %arg11[%dma_wait3A_385] : memref<3x!tpu.dma_semaphore, #tpu.memory_space<semaphore_mem>> -> memref<1x!tpu.dma_semaphore, #tpu.memory_space<semaphore_mem>>
      %dma_wait3A_397 = tpu.memref_squeeze %dma_wait3A_396 : memref<1x!tpu.dma_semaphore, #tpu.memory_space<semaphore_mem>> -> memref<!tpu.dma_semaphore, #tpu.memory_space<semaphore_mem>>
      tpu.wait_indirect_dma semaphore(%dma_wait3A_397 : memref<!tpu.dma_semaphore, #tpu.memory_space<semaphore_mem>>) src(%dma_wait3A_395 : memref<20000x128xf32, #tpu.memory_space<hbm>>) dst(%dma_wait3A_389 : memref<128x128xf32, #tpu.memory_space<vmem>>)
      %add3A_398 = arith.constant 0 : i32
      %add3A_399 = arith.addi %mul3A_335, %add3A_398 : i32
      %dma_start3A_400 = arith.constant 0 : i32
      %dma_start3A_401 = arith.constant 0 : i32
      %dma_start3A_402 = arith.constant 0 : i32
      %dma_start3A_403 = arith.constant 0 : i32
      %dma_start3A_404 = tpu.memref_slice %arg8[%dma_start3A_400, %dma_start3A_402, %dma_start3A_403] : memref<3x128x128xf32, #tpu.memory_space<vmem>> -> memref<1x128x128xf32, #tpu.memory_space<vmem>>
      %dma_start3A_405 = tpu.memref_squeeze %dma_start3A_404 : memref<1x128x128xf32, #tpu.memory_space<vmem>> -> memref<128x128xf32, #tpu.memory_space<vmem>>
      %dma_start3A_406 = arith.constant 0 : i32
      %dma_start3A_407 = tpu.memref_slice %arg7[%add3A_399, %dma_start3A_406] : memref<79x128xi32, #tpu.memory_space<vmem>> -> memref<1x128xi32, #tpu.memory_space<vmem>>
      %dma_start3A_408 = tpu.memref_squeeze %dma_start3A_407 : memref<1x128xi32, #tpu.memory_space<vmem>> -> memref<128xi32, #tpu.memory_space<vmem>>
      %dma_start3A_409 = arith.constant 0 : i32
      %dma_start3A_410 = arith.constant 0 : i32
      %dma_start3A_411 = tpu.memref_slice %arg10[%dma_start3A_409, %dma_start3A_410] : memref<5376x128xf32, #tpu.memory_space<vmem_shared>> -> memref<5376x128xf32, #tpu.memory_space<vmem_shared>>
      %dma_start3A_412 = tpu.memref_slice %arg12[%dma_start3A_401] : memref<3x!tpu.dma_semaphore, #tpu.memory_space<semaphore_mem>> -> memref<1x!tpu.dma_semaphore, #tpu.memory_space<semaphore_mem>>
      %dma_start3A_413 = tpu.memref_squeeze %dma_start3A_412 : memref<1x!tpu.dma_semaphore, #tpu.memory_space<semaphore_mem>> -> memref<!tpu.dma_semaphore, #tpu.memory_space<semaphore_mem>>
      tpu.enqueue_indirect_dma source(%dma_start3A_405 : memref<128x128xf32, #tpu.memory_space<vmem>>) target(%dma_start3A_411 : memref<5376x128xf32, #tpu.memory_space<vmem_shared>>) offsets(%dma_start3A_408 : memref<128xi32, #tpu.memory_space<vmem>>) semaphore(%dma_start3A_413 : memref<!tpu.dma_semaphore, #tpu.memory_space<semaphore_mem>>) {add = true}
      %dma_wait3A_414 = arith.constant 1 : i32
      %dma_wait3A_415 = arith.constant 1 : i32
      %dma_wait3A_416 = arith.constant 0 : i32
      %dma_wait3A_417 = arith.constant 0 : i32
      %dma_wait3A_418 = tpu.memref_slice %arg8[%dma_wait3A_414, %dma_wait3A_416, %dma_wait3A_417] : memref<3x128x128xf32, #tpu.memory_space<vmem>> -> memref<1x128x128xf32, #tpu.memory_space<vmem>>
      %dma_wait3A_419 = tpu.memref_squeeze %dma_wait3A_418 : memref<1x128x128xf32, #tpu.memory_space<vmem>> -> memref<128x128xf32, #tpu.memory_space<vmem>>
      %dma_wait3A_420 = arith.constant 0 : i32
      %dma_wait3A_421 = tpu.memref_slice %arg6[%add3A_353, %dma_wait3A_420] : memref<80x128xi32, #tpu.memory_space<vmem>> -> memref<1x128xi32, #tpu.memory_space<vmem>>
      %dma_wait3A_422 = tpu.memref_squeeze %dma_wait3A_421 : memref<1x128xi32, #tpu.memory_space<vmem>> -> memref<128xi32, #tpu.memory_space<vmem>>
      %dma_wait3A_423 = arith.constant 0 : i32
      %dma_wait3A_424 = arith.constant 0 : i32
      %dma_wait3A_425 = tpu.memref_slice %arg2[%dma_wait3A_423, %dma_wait3A_424] : memref<20000x128xf32, #tpu.memory_space<hbm>> -> memref<20000x128xf32, #tpu.memory_space<hbm>>
      %dma_wait3A_426 = tpu.memref_slice %arg11[%dma_wait3A_415] : memref<3x!tpu.dma_semaphore, #tpu.memory_space<semaphore_mem>> -> memref<1x!tpu.dma_semaphore, #tpu.memory_space<semaphore_mem>>
      %dma_wait3A_427 = tpu.memref_squeeze %dma_wait3A_426 : memref<1x!tpu.dma_semaphore, #tpu.memory_space<semaphore_mem>> -> memref<!tpu.dma_semaphore, #tpu.memory_space<semaphore_mem>>
      tpu.wait_indirect_dma semaphore(%dma_wait3A_427 : memref<!tpu.dma_semaphore, #tpu.memory_space<semaphore_mem>>) src(%dma_wait3A_425 : memref<20000x128xf32, #tpu.memory_space<hbm>>) dst(%dma_wait3A_419 : memref<128x128xf32, #tpu.memory_space<vmem>>)
      %add3A_428 = arith.constant 1 : i32
      %add3A_429 = arith.addi %mul3A_335, %add3A_428 : i32
      %dma_start3A_430 = arith.constant 1 : i32
      %dma_start3A_431 = arith.constant 1 : i32
      %dma_start3A_432 = arith.constant 0 : i32
      %dma_start3A_433 = arith.constant 0 : i32
      %dma_start3A_434 = tpu.memref_slice %arg8[%dma_start3A_430, %dma_start3A_432, %dma_start3A_433] : memref<3x128x128xf32, #tpu.memory_space<vmem>> -> memref<1x128x128xf32, #tpu.memory_space<vmem>>
      %dma_start3A_435 = tpu.memref_squeeze %dma_start3A_434 : memref<1x128x128xf32, #tpu.memory_space<vmem>> -> memref<128x128xf32, #tpu.memory_space<vmem>>
      %dma_start3A_436 = arith.constant 0 : i32
      %dma_start3A_437 = tpu.memref_slice %arg7[%add3A_429, %dma_start3A_436] : memref<79x128xi32, #tpu.memory_space<vmem>> -> memref<1x128xi32, #tpu.memory_space<vmem>>
      %dma_start3A_438 = tpu.memref_squeeze %dma_start3A_437 : memref<1x128xi32, #tpu.memory_space<vmem>> -> memref<128xi32, #tpu.memory_space<vmem>>
      %dma_start3A_439 = arith.constant 0 : i32
      %dma_start3A_440 = arith.constant 0 : i32
      %dma_start3A_441 = tpu.memref_slice %arg10[%dma_start3A_439, %dma_start3A_440] : memref<5376x128xf32, #tpu.memory_space<vmem_shared>> -> memref<5376x128xf32, #tpu.memory_space<vmem_shared>>
      %dma_start3A_442 = tpu.memref_slice %arg12[%dma_start3A_431] : memref<3x!tpu.dma_semaphore, #tpu.memory_space<semaphore_mem>> -> memref<1x!tpu.dma_semaphore, #tpu.memory_space<semaphore_mem>>
      %dma_start3A_443 = tpu.memref_squeeze %dma_start3A_442 : memref<1x!tpu.dma_semaphore, #tpu.memory_space<semaphore_mem>> -> memref<!tpu.dma_semaphore, #tpu.memory_space<semaphore_mem>>
      tpu.enqueue_indirect_dma source(%dma_start3A_435 : memref<128x128xf32, #tpu.memory_space<vmem>>) target(%dma_start3A_441 : memref<5376x128xf32, #tpu.memory_space<vmem_shared>>) offsets(%dma_start3A_438 : memref<128xi32, #tpu.memory_space<vmem>>) semaphore(%dma_start3A_443 : memref<!tpu.dma_semaphore, #tpu.memory_space<semaphore_mem>>) {add = true}
      %dma_wait3A_444 = arith.constant 2 : i32
      %dma_wait3A_445 = arith.constant 2 : i32
      %dma_wait3A_446 = arith.constant 0 : i32
      %dma_wait3A_447 = arith.constant 0 : i32
      %dma_wait3A_448 = tpu.memref_slice %arg8[%dma_wait3A_444, %dma_wait3A_446, %dma_wait3A_447] : memref<3x128x128xf32, #tpu.memory_space<vmem>> -> memref<1x128x128xf32, #tpu.memory_space<vmem>>
      %dma_wait3A_449 = tpu.memref_squeeze %dma_wait3A_448 : memref<1x128x128xf32, #tpu.memory_space<vmem>> -> memref<128x128xf32, #tpu.memory_space<vmem>>
      %dma_wait3A_450 = arith.constant 0 : i32
      %dma_wait3A_451 = tpu.memref_slice %arg6[%add3A_369, %dma_wait3A_450] : memref<80x128xi32, #tpu.memory_space<vmem>> -> memref<1x128xi32, #tpu.memory_space<vmem>>
      %dma_wait3A_452 = tpu.memref_squeeze %dma_wait3A_451 : memref<1x128xi32, #tpu.memory_space<vmem>> -> memref<128xi32, #tpu.memory_space<vmem>>
      %dma_wait3A_453 = arith.constant 0 : i32
      %dma_wait3A_454 = arith.constant 0 : i32
      %dma_wait3A_455 = tpu.memref_slice %arg2[%dma_wait3A_453, %dma_wait3A_454] : memref<20000x128xf32, #tpu.memory_space<hbm>> -> memref<20000x128xf32, #tpu.memory_space<hbm>>
      %dma_wait3A_456 = tpu.memref_slice %arg11[%dma_wait3A_445] : memref<3x!tpu.dma_semaphore, #tpu.memory_space<semaphore_mem>> -> memref<1x!tpu.dma_semaphore, #tpu.memory_space<semaphore_mem>>
      %dma_wait3A_457 = tpu.memref_squeeze %dma_wait3A_456 : memref<1x!tpu.dma_semaphore, #tpu.memory_space<semaphore_mem>> -> memref<!tpu.dma_semaphore, #tpu.memory_space<semaphore_mem>>
      tpu.wait_indirect_dma semaphore(%dma_wait3A_457 : memref<!tpu.dma_semaphore, #tpu.memory_space<semaphore_mem>>) src(%dma_wait3A_455 : memref<20000x128xf32, #tpu.memory_space<hbm>>) dst(%dma_wait3A_449 : memref<128x128xf32, #tpu.memory_space<vmem>>)
      %add3A_458 = arith.constant 2 : i32
      %add3A_459 = arith.addi %mul3A_335, %add3A_458 : i32
      %dma_start3A_460 = arith.constant 2 : i32
      %dma_start3A_461 = arith.constant 2 : i32
      %dma_start3A_462 = arith.constant 0 : i32
      %dma_start3A_463 = arith.constant 0 : i32
      %dma_start3A_464 = tpu.memref_slice %arg8[%dma_start3A_460, %dma_start3A_462, %dma_start3A_463] : memref<3x128x128xf32, #tpu.memory_space<vmem>> -> memref<1x128x128xf32, #tpu.memory_space<vmem>>
      %dma_start3A_465 = tpu.memref_squeeze %dma_start3A_464 : memref<1x128x128xf32, #tpu.memory_space<vmem>> -> memref<128x128xf32, #tpu.memory_space<vmem>>
      %dma_start3A_466 = arith.constant 0 : i32
      %dma_start3A_467 = tpu.memref_slice %arg7[%add3A_459, %dma_start3A_466] : memref<79x128xi32, #tpu.memory_space<vmem>> -> memref<1x128xi32, #tpu.memory_space<vmem>>
      %dma_start3A_468 = tpu.memref_squeeze %dma_start3A_467 : memref<1x128xi32, #tpu.memory_space<vmem>> -> memref<128xi32, #tpu.memory_space<vmem>>
      %dma_start3A_469 = arith.constant 0 : i32
      %dma_start3A_470 = arith.constant 0 : i32
      %dma_start3A_471 = tpu.memref_slice %arg10[%dma_start3A_469, %dma_start3A_470] : memref<5376x128xf32, #tpu.memory_space<vmem_shared>> -> memref<5376x128xf32, #tpu.memory_space<vmem_shared>>
      %dma_start3A_472 = tpu.memref_slice %arg12[%dma_start3A_461] : memref<3x!tpu.dma_semaphore, #tpu.memory_space<semaphore_mem>> -> memref<1x!tpu.dma_semaphore, #tpu.memory_space<semaphore_mem>>
      %dma_start3A_473 = tpu.memref_squeeze %dma_start3A_472 : memref<1x!tpu.dma_semaphore, #tpu.memory_space<semaphore_mem>> -> memref<!tpu.dma_semaphore, #tpu.memory_space<semaphore_mem>>
      tpu.enqueue_indirect_dma source(%dma_start3A_465 : memref<128x128xf32, #tpu.memory_space<vmem>>) target(%dma_start3A_471 : memref<5376x128xf32, #tpu.memory_space<vmem_shared>>) offsets(%dma_start3A_468 : memref<128xi32, #tpu.memory_space<vmem>>) semaphore(%dma_start3A_473 : memref<!tpu.dma_semaphore, #tpu.memory_space<semaphore_mem>>) {add = true}
      %dma_wait3A_474 = arith.constant 0 : i32
      %dma_wait3A_475 = arith.constant 0 : i32
      %dma_wait3A_476 = arith.constant 0 : i32
      %dma_wait3A_477 = arith.constant 0 : i32
      %dma_wait3A_478 = tpu.memref_slice %arg8[%dma_wait3A_474, %dma_wait3A_476, %dma_wait3A_477] : memref<3x128x128xf32, #tpu.memory_space<vmem>> -> memref<1x128x128xf32, #tpu.memory_space<vmem>>
      %dma_wait3A_479 = tpu.memref_squeeze %dma_wait3A_478 : memref<1x128x128xf32, #tpu.memory_space<vmem>> -> memref<128x128xf32, #tpu.memory_space<vmem>>
      %dma_wait3A_480 = arith.constant 0 : i32
      %dma_wait3A_481 = tpu.memref_slice %arg7[%add3A_399, %dma_wait3A_480] : memref<79x128xi32, #tpu.memory_space<vmem>> -> memref<1x128xi32, #tpu.memory_space<vmem>>
      %dma_wait3A_482 = tpu.memref_squeeze %dma_wait3A_481 : memref<1x128xi32, #tpu.memory_space<vmem>> -> memref<128xi32, #tpu.memory_space<vmem>>
      %dma_wait3A_483 = arith.constant 0 : i32
      %dma_wait3A_484 = arith.constant 0 : i32
      %dma_wait3A_485 = tpu.memref_slice %arg10[%dma_wait3A_483, %dma_wait3A_484] : memref<5376x128xf32, #tpu.memory_space<vmem_shared>> -> memref<5376x128xf32, #tpu.memory_space<vmem_shared>>
      %dma_wait3A_486 = tpu.memref_slice %arg12[%dma_wait3A_475] : memref<3x!tpu.dma_semaphore, #tpu.memory_space<semaphore_mem>> -> memref<1x!tpu.dma_semaphore, #tpu.memory_space<semaphore_mem>>
      %dma_wait3A_487 = tpu.memref_squeeze %dma_wait3A_486 : memref<1x!tpu.dma_semaphore, #tpu.memory_space<semaphore_mem>> -> memref<!tpu.dma_semaphore, #tpu.memory_space<semaphore_mem>>
      tpu.wait_indirect_dma semaphore(%dma_wait3A_487 : memref<!tpu.dma_semaphore, #tpu.memory_space<semaphore_mem>>) src(%dma_wait3A_479 : memref<128x128xf32, #tpu.memory_space<vmem>>) dst(%dma_wait3A_485 : memref<5376x128xf32, #tpu.memory_space<vmem_shared>>)
      %dma_wait3A_488 = arith.constant 1 : i32
      %dma_wait3A_489 = arith.constant 1 : i32
      %dma_wait3A_490 = arith.constant 0 : i32
      %dma_wait3A_491 = arith.constant 0 : i32
      %dma_wait3A_492 = tpu.memref_slice %arg8[%dma_wait3A_488, %dma_wait3A_490, %dma_wait3A_491] : memref<3x128x128xf32, #tpu.memory_space<vmem>> -> memref<1x128x128xf32, #tpu.memory_space<vmem>>
      %dma_wait3A_493 = tpu.memref_squeeze %dma_wait3A_492 : memref<1x128x128xf32, #tpu.memory_space<vmem>> -> memref<128x128xf32, #tpu.memory_space<vmem>>
      %dma_wait3A_494 = arith.constant 0 : i32
      %dma_wait3A_495 = tpu.memref_slice %arg7[%add3A_429, %dma_wait3A_494] : memref<79x128xi32, #tpu.memory_space<vmem>> -> memref<1x128xi32, #tpu.memory_space<vmem>>
      %dma_wait3A_496 = tpu.memref_squeeze %dma_wait3A_495 : memref<1x128xi32, #tpu.memory_space<vmem>> -> memref<128xi32, #tpu.memory_space<vmem>>
      %dma_wait3A_497 = arith.constant 0 : i32
      %dma_wait3A_498 = arith.constant 0 : i32
      %dma_wait3A_499 = tpu.memref_slice %arg10[%dma_wait3A_497, %dma_wait3A_498] : memref<5376x128xf32, #tpu.memory_space<vmem_shared>> -> memref<5376x128xf32, #tpu.memory_space<vmem_shared>>
      %dma_wait3A_500 = tpu.memref_slice %arg12[%dma_wait3A_489] : memref<3x!tpu.dma_semaphore, #tpu.memory_space<semaphore_mem>> -> memref<1x!tpu.dma_semaphore, #tpu.memory_space<semaphore_mem>>
      %dma_wait3A_501 = tpu.memref_squeeze %dma_wait3A_500 : memref<1x!tpu.dma_semaphore, #tpu.memory_space<semaphore_mem>> -> memref<!tpu.dma_semaphore, #tpu.memory_space<semaphore_mem>>
      tpu.wait_indirect_dma semaphore(%dma_wait3A_501 : memref<!tpu.dma_semaphore, #tpu.memory_space<semaphore_mem>>) src(%dma_wait3A_493 : memref<128x128xf32, #tpu.memory_space<vmem>>) dst(%dma_wait3A_499 : memref<5376x128xf32, #tpu.memory_space<vmem_shared>>)
      %dma_wait3A_502 = arith.constant 2 : i32
      %dma_wait3A_503 = arith.constant 2 : i32
      %dma_wait3A_504 = arith.constant 0 : i32
      %dma_wait3A_505 = arith.constant 0 : i32
      %dma_wait3A_506 = tpu.memref_slice %arg8[%dma_wait3A_502, %dma_wait3A_504, %dma_wait3A_505] : memref<3x128x128xf32, #tpu.memory_space<vmem>> -> memref<1x128x128xf32, #tpu.memory_space<vmem>>
      %dma_wait3A_507 = tpu.memref_squeeze %dma_wait3A_506 : memref<1x128x128xf32, #tpu.memory_space<vmem>> -> memref<128x128xf32, #tpu.memory_space<vmem>>
      %dma_wait3A_508 = arith.constant 0 : i32
      %dma_wait3A_509 = tpu.memref_slice %arg7[%add3A_459, %dma_wait3A_508] : memref<79x128xi32, #tpu.memory_space<vmem>> -> memref<1x128xi32, #tpu.memory_space<vmem>>
      %dma_wait3A_510 = tpu.memref_squeeze %dma_wait3A_509 : memref<1x128xi32, #tpu.memory_space<vmem>> -> memref<128xi32, #tpu.memory_space<vmem>>
      %dma_wait3A_511 = arith.constant 0 : i32
      %dma_wait3A_512 = arith.constant 0 : i32
      %dma_wait3A_513 = tpu.memref_slice %arg10[%dma_wait3A_511, %dma_wait3A_512] : memref<5376x128xf32, #tpu.memory_space<vmem_shared>> -> memref<5376x128xf32, #tpu.memory_space<vmem_shared>>
      %dma_wait3A_514 = tpu.memref_slice %arg12[%dma_wait3A_503] : memref<3x!tpu.dma_semaphore, #tpu.memory_space<semaphore_mem>> -> memref<1x!tpu.dma_semaphore, #tpu.memory_space<semaphore_mem>>
      %dma_wait3A_515 = tpu.memref_squeeze %dma_wait3A_514 : memref<1x!tpu.dma_semaphore, #tpu.memory_space<semaphore_mem>> -> memref<!tpu.dma_semaphore, #tpu.memory_space<semaphore_mem>>
      tpu.wait_indirect_dma semaphore(%dma_wait3A_515 : memref<!tpu.dma_semaphore, #tpu.memory_space<semaphore_mem>>) src(%dma_wait3A_507 : memref<128x128xf32, #tpu.memory_space<vmem>>) dst(%dma_wait3A_513 : memref<5376x128xf32, #tpu.memory_space<vmem_shared>>)
    }
    %scan3A_40 = arith.constant 26 : i32
    %add3A_41 = arith.constant 78 : i32
    %add3A_42 = arith.constant 0 : i32
    %add3A_43 = arith.addi %add3A_41, %add3A_42 : i32
    %dma_start3A = arith.constant 0 : i32
    %dma_start3A_44 = arith.constant 0 : i32
    %dma_start3A_45 = arith.constant 0 : i32
    %dma_start3A_46 = arith.constant 0 : i32
    %dma_start3A_47 = tpu.memref_slice %arg8[%dma_start3A, %dma_start3A_45, %dma_start3A_46] : memref<3x128x128xf32, #tpu.memory_space<vmem>> -> memref<1x128x128xf32, #tpu.memory_space<vmem>>
    %dma_start3A_48 = tpu.memref_squeeze %dma_start3A_47 : memref<1x128x128xf32, #tpu.memory_space<vmem>> -> memref<128x128xf32, #tpu.memory_space<vmem>>
    %dma_start3A_49 = arith.constant 0 : i32
    %dma_start3A_50 = tpu.memref_slice %arg6[%add3A_43, %dma_start3A_49] : memref<80x128xi32, #tpu.memory_space<vmem>> -> memref<1x128xi32, #tpu.memory_space<vmem>>
    %dma_start3A_51 = tpu.memref_squeeze %dma_start3A_50 : memref<1x128xi32, #tpu.memory_space<vmem>> -> memref<128xi32, #tpu.memory_space<vmem>>
    %dma_start3A_52 = arith.constant 0 : i32
    %dma_start3A_53 = arith.constant 0 : i32
    %dma_start3A_54 = tpu.memref_slice %arg2[%dma_start3A_52, %dma_start3A_53] : memref<20000x128xf32, #tpu.memory_space<hbm>> -> memref<20000x128xf32, #tpu.memory_space<hbm>>
    %dma_start3A_55 = tpu.memref_slice %arg11[%dma_start3A_44] : memref<3x!tpu.dma_semaphore, #tpu.memory_space<semaphore_mem>> -> memref<1x!tpu.dma_semaphore, #tpu.memory_space<semaphore_mem>>
    %dma_start3A_56 = tpu.memref_squeeze %dma_start3A_55 : memref<1x!tpu.dma_semaphore, #tpu.memory_space<semaphore_mem>> -> memref<!tpu.dma_semaphore, #tpu.memory_space<semaphore_mem>>
    tpu.enqueue_indirect_dma source(%dma_start3A_54 : memref<20000x128xf32, #tpu.memory_space<hbm>>) target(%dma_start3A_48 : memref<128x128xf32, #tpu.memory_space<vmem>>) offsets(%dma_start3A_51 : memref<128xi32, #tpu.memory_space<vmem>>) semaphore(%dma_start3A_56 : memref<!tpu.dma_semaphore, #tpu.memory_space<semaphore_mem>>)
    %dma_wait3A = arith.constant 0 : i32
    %dma_wait3A_57 = arith.constant 0 : i32
    %dma_wait3A_58 = arith.constant 0 : i32
    %dma_wait3A_59 = arith.constant 0 : i32
    %dma_wait3A_60 = tpu.memref_slice %arg8[%dma_wait3A, %dma_wait3A_58, %dma_wait3A_59] : memref<3x128x128xf32, #tpu.memory_space<vmem>> -> memref<1x128x128xf32, #tpu.memory_space<vmem>>
    %dma_wait3A_61 = tpu.memref_squeeze %dma_wait3A_60 : memref<1x128x128xf32, #tpu.memory_space<vmem>> -> memref<128x128xf32, #tpu.memory_space<vmem>>
    %dma_wait3A_62 = arith.constant 0 : i32
    %dma_wait3A_63 = tpu.memref_slice %arg6[%add3A_43, %dma_wait3A_62] : memref<80x128xi32, #tpu.memory_space<vmem>> -> memref<1x128xi32, #tpu.memory_space<vmem>>
    %dma_wait3A_64 = tpu.memref_squeeze %dma_wait3A_63 : memref<1x128xi32, #tpu.memory_space<vmem>> -> memref<128xi32, #tpu.memory_space<vmem>>
    %dma_wait3A_65 = arith.constant 0 : i32
    %dma_wait3A_66 = arith.constant 0 : i32
    %dma_wait3A_67 = tpu.memref_slice %arg2[%dma_wait3A_65, %dma_wait3A_66] : memref<20000x128xf32, #tpu.memory_space<hbm>> -> memref<20000x128xf32, #tpu.memory_space<hbm>>
    %dma_wait3A_68 = tpu.memref_slice %arg11[%dma_wait3A_57] : memref<3x!tpu.dma_semaphore, #tpu.memory_space<semaphore_mem>> -> memref<1x!tpu.dma_semaphore, #tpu.memory_space<semaphore_mem>>
    %dma_wait3A_69 = tpu.memref_squeeze %dma_wait3A_68 : memref<1x!tpu.dma_semaphore, #tpu.memory_space<semaphore_mem>> -> memref<!tpu.dma_semaphore, #tpu.memory_space<semaphore_mem>>
    tpu.wait_indirect_dma semaphore(%dma_wait3A_69 : memref<!tpu.dma_semaphore, #tpu.memory_space<semaphore_mem>>) src(%dma_wait3A_67 : memref<20000x128xf32, #tpu.memory_space<hbm>>) dst(%dma_wait3A_61 : memref<128x128xf32, #tpu.memory_space<vmem>>)
    %add3A_70 = arith.constant 78 : i32
    %add3A_71 = arith.constant 0 : i32
    %add3A_72 = arith.addi %add3A_70, %add3A_71 : i32
    %dma_start3A_73 = arith.constant 0 : i32
    %dma_start3A_74 = arith.constant 0 : i32
    %dma_start3A_75 = arith.constant 0 : i32
    %dma_start3A_76 = arith.constant 0 : i32
    %dma_start3A_77 = tpu.memref_slice %arg8[%dma_start3A_73, %dma_start3A_75, %dma_start3A_76] : memref<3x128x128xf32, #tpu.memory_space<vmem>> -> memref<1x128x128xf32, #tpu.memory_space<vmem>>
    %dma_start3A_78 = tpu.memref_squeeze %dma_start3A_77 : memref<1x128x128xf32, #tpu.memory_space<vmem>> -> memref<128x128xf32, #tpu.memory_space<vmem>>
    %dma_start3A_79 = arith.constant 0 : i32
    %dma_start3A_80 = tpu.memref_slice %arg7[%add3A_72, %dma_start3A_79] : memref<79x128xi32, #tpu.memory_space<vmem>> -> memref<1x128xi32, #tpu.memory_space<vmem>>
    %dma_start3A_81 = tpu.memref_squeeze %dma_start3A_80 : memref<1x128xi32, #tpu.memory_space<vmem>> -> memref<128xi32, #tpu.memory_space<vmem>>
    %dma_start3A_82 = arith.constant 0 : i32
    %dma_start3A_83 = arith.constant 0 : i32
    %dma_start3A_84 = tpu.memref_slice %arg10[%dma_start3A_82, %dma_start3A_83] : memref<5376x128xf32, #tpu.memory_space<vmem_shared>> -> memref<5376x128xf32, #tpu.memory_space<vmem_shared>>
    %dma_start3A_85 = tpu.memref_slice %arg12[%dma_start3A_74] : memref<3x!tpu.dma_semaphore, #tpu.memory_space<semaphore_mem>> -> memref<1x!tpu.dma_semaphore, #tpu.memory_space<semaphore_mem>>
    %dma_start3A_86 = tpu.memref_squeeze %dma_start3A_85 : memref<1x!tpu.dma_semaphore, #tpu.memory_space<semaphore_mem>> -> memref<!tpu.dma_semaphore, #tpu.memory_space<semaphore_mem>>
    tpu.enqueue_indirect_dma source(%dma_start3A_78 : memref<128x128xf32, #tpu.memory_space<vmem>>) target(%dma_start3A_84 : memref<5376x128xf32, #tpu.memory_space<vmem_shared>>) offsets(%dma_start3A_81 : memref<128xi32, #tpu.memory_space<vmem>>) semaphore(%dma_start3A_86 : memref<!tpu.dma_semaphore, #tpu.memory_space<semaphore_mem>>) {add = true}
    %dma_wait3A_87 = arith.constant 0 : i32
    %dma_wait3A_88 = arith.constant 0 : i32
    %dma_wait3A_89 = arith.constant 0 : i32
    %dma_wait3A_90 = arith.constant 0 : i32
    %dma_wait3A_91 = tpu.memref_slice %arg8[%dma_wait3A_87, %dma_wait3A_89, %dma_wait3A_90] : memref<3x128x128xf32, #tpu.memory_space<vmem>> -> memref<1x128x128xf32, #tpu.memory_space<vmem>>
    %dma_wait3A_92 = tpu.memref_squeeze %dma_wait3A_91 : memref<1x128x128xf32, #tpu.memory_space<vmem>> -> memref<128x128xf32, #tpu.memory_space<vmem>>
    %dma_wait3A_93 = arith.constant 0 : i32
    %dma_wait3A_94 = tpu.memref_slice %arg7[%add3A_72, %dma_wait3A_93] : memref<79x128xi32, #tpu.memory_space<vmem>> -> memref<1x128xi32, #tpu.memory_space<vmem>>
    %dma_wait3A_95 = tpu.memref_squeeze %dma_wait3A_94 : memref<1x128xi32, #tpu.memory_space<vmem>> -> memref<128xi32, #tpu.memory_space<vmem>>
    %dma_wait3A_96 = arith.constant 0 : i32
    %dma_wait3A_97 = arith.constant 0 : i32
    %dma_wait3A_98 = tpu.memref_slice %arg10[%dma_wait3A_96, %dma_wait3A_97] : memref<5376x128xf32, #tpu.memory_space<vmem_shared>> -> memref<5376x128xf32, #tpu.memory_space<vmem_shared>>
    %dma_wait3A_99 = tpu.memref_slice %arg12[%dma_wait3A_88] : memref<3x!tpu.dma_semaphore, #tpu.memory_space<semaphore_mem>> -> memref<1x!tpu.dma_semaphore, #tpu.memory_space<semaphore_mem>>
    %dma_wait3A_100 = tpu.memref_squeeze %dma_wait3A_99 : memref<1x!tpu.dma_semaphore, #tpu.memory_space<semaphore_mem>> -> memref<!tpu.dma_semaphore, #tpu.memory_space<semaphore_mem>>
    tpu.wait_indirect_dma semaphore(%dma_wait3A_100 : memref<!tpu.dma_semaphore, #tpu.memory_space<semaphore_mem>>) src(%dma_wait3A_92 : memref<128x128xf32, #tpu.memory_space<vmem>>) dst(%dma_wait3A_98 : memref<5376x128xf32, #tpu.memory_space<vmem_shared>>)
    %barrier3A_101 = arith.constant 0 : index
    tpu.barrier barrier_id(%barrier3A_101)
    %mul3A_102 = arith.constant 320 : i32
    %mul3A_103 = arith.muli %arg1, %mul3A_102 : i32
    %add3A_104 = arith.constant 0 : i32
    %add3A_105 = arith.addi %mul3A_103, %add3A_104 : i32
    "tpu.region"() ({
      %run_scoped3A = tpu.sem_alloc : memref<!tpu.dma_semaphore, #tpu.memory_space<semaphore_mem>>
      %dma_start3A_333 = arith.constant 0 : i32
      %dma_start3A_334 = tpu.memref_slice %arg10[%add3A_105, %dma_start3A_333] : memref<5376x128xf32, #tpu.memory_space<vmem_shared>> -> memref<64x128xf32, #tpu.memory_space<vmem_shared>>
      %dma_start3A_335 = arith.constant 0 : i32
      %dma_start3A_336 = tpu.memref_slice %arg10[%add3A_105, %dma_start3A_335] : memref<5376x128xf32, #tpu.memory_space<vmem_shared>> -> memref<64x128xf32, #tpu.memory_space<vmem_shared>>
      tpu.enqueue_dma source(%dma_start3A_336 : memref<64x128xf32, #tpu.memory_space<vmem_shared>>) target(%arg9 : memref<64x128xf32, #tpu.memory_space<vmem>>) target_semaphore(%run_scoped3A : memref<!tpu.dma_semaphore, #tpu.memory_space<semaphore_mem>>)
      %dma_wait3A_337 = arith.constant 0 : i32
      %dma_wait3A_338 = tpu.memref_slice %arg10[%add3A_105, %dma_wait3A_337] : memref<5376x128xf32, #tpu.memory_space<vmem_shared>> -> memref<64x128xf32, #tpu.memory_space<vmem_shared>>
      %dma_wait3A_339 = arith.constant 0 : i32
      %dma_wait3A_340 = tpu.memref_slice %arg10[%add3A_105, %dma_wait3A_339] : memref<5376x128xf32, #tpu.memory_space<vmem_shared>> -> memref<64x128xf32, #tpu.memory_space<vmem_shared>>
      tpu.wait_dma2 semaphore(%run_scoped3A : memref<!tpu.dma_semaphore, #tpu.memory_space<semaphore_mem>>) src(%dma_wait3A_340 : memref<64x128xf32, #tpu.memory_space<vmem_shared>>) dst(%arg9 : memref<64x128xf32, #tpu.memory_space<vmem>>)
      tpu.yield
    }) : () -> ()
    %scan3A_106 = arith.constant 0 : i32
    %scan3A_107 = arith.constant 64 : i32
    %scan3A_108 = arith.addi %scan3A_106, %scan3A_107 : i32
    %scan3A_109 = arith.constant 1 : i32
    scf.for %scan3A_333 = %scan3A_106 to %scan3A_108 step %scan3A_109  : i32 {
      %get3A = arith.index_cast %scan3A_333 : i32 to index
      %get3A_334 = arith.constant 0 : index
      %get3A_335 = tpu.vector_load %arg9[%get3A, %get3A_334] {strides = array<i32>} : memref<64x128xf32, #tpu.memory_space<vmem>>, vector<1x16xf32>,
      %get3A_336 = vector.shape_cast %get3A_335 : vector<1x16xf32> to vector<16xf32>
      %max3A = arith.constant 0.000000e+00 : f32
      %max3A_337 = vector.broadcast %max3A : f32 to vector<16xf32>
      %max3A_338 = arith.maximumf %get3A_336, %max3A_337 : vector<16xf32>
      %swap3A = arith.index_cast %scan3A_333 : i32 to index
      %swap3A_339 = arith.constant 0 : index
      %swap3A_340 = tpu.vector_load %arg9[%swap3A, %swap3A_339] {strides = array<i32>} : memref<64x128xf32, #tpu.memory_space<vmem>>, vector<1x16xf32>,
      %swap3A_341 = vector.shape_cast %swap3A_340 : vector<1x16xf32> to vector<16xf32>
      %swap3A_342 = vector.shape_cast %max3A_338 : vector<16xf32> to vector<1x16xf32>
      tpu.vector_store %arg9[%swap3A, %swap3A_339], %swap3A_342 {strides = array<i32>} : memref<64x128xf32, #tpu.memory_space<vmem>>, vector<1x16xf32>,
      %get3A_343 = arith.index_cast %scan3A_333 : i32 to index
      %get3A_344 = arith.constant 16 : index
      %get3A_345 = tpu.vector_load %arg9[%get3A_343, %get3A_344] {strides = array<i32>} : memref<64x128xf32, #tpu.memory_space<vmem>>, vector<1x16xf32>,
      %get3A_346 = vector.shape_cast %get3A_345 : vector<1x16xf32> to vector<16xf32>
      %max3A_347 = arith.constant 0.000000e+00 : f32
      %max3A_348 = vector.broadcast %max3A_347 : f32 to vector<16xf32>
      %max3A_349 = arith.maximumf %get3A_346, %max3A_348 : vector<16xf32>
      %swap3A_350 = arith.index_cast %scan3A_333 : i32 to index
      %swap3A_351 = arith.constant 16 : index
      %swap3A_352 = tpu.vector_load %arg9[%swap3A_350, %swap3A_351] {strides = array<i32>} : memref<64x128xf32, #tpu.memory_space<vmem>>, vector<1x16xf32>,
      %swap3A_353 = vector.shape_cast %swap3A_352 : vector<1x16xf32> to vector<16xf32>
      %swap3A_354 = vector.shape_cast %max3A_349 : vector<16xf32> to vector<1x16xf32>
      tpu.vector_store %arg9[%swap3A_350, %swap3A_351], %swap3A_354 {strides = array<i32>} : memref<64x128xf32, #tpu.memory_space<vmem>>, vector<1x16xf32>,
      %get3A_355 = arith.index_cast %scan3A_333 : i32 to index
      %get3A_356 = arith.constant 32 : index
      %get3A_357 = tpu.vector_load %arg9[%get3A_355, %get3A_356] {strides = array<i32>} : memref<64x128xf32, #tpu.memory_space<vmem>>, vector<1x16xf32>,
      %get3A_358 = vector.shape_cast %get3A_357 : vector<1x16xf32> to vector<16xf32>
      %max3A_359 = arith.constant 0.000000e+00 : f32
      %max3A_360 = vector.broadcast %max3A_359 : f32 to vector<16xf32>
      %max3A_361 = arith.maximumf %get3A_358, %max3A_360 : vector<16xf32>
      %swap3A_362 = arith.index_cast %scan3A_333 : i32 to index
      %swap3A_363 = arith.constant 32 : index
      %swap3A_364 = tpu.vector_load %arg9[%swap3A_362, %swap3A_363] {strides = array<i32>} : memref<64x128xf32, #tpu.memory_space<vmem>>, vector<1x16xf32>,
      %swap3A_365 = vector.shape_cast %swap3A_364 : vector<1x16xf32> to vector<16xf32>
      %swap3A_366 = vector.shape_cast %max3A_361 : vector<16xf32> to vector<1x16xf32>
      tpu.vector_store %arg9[%swap3A_362, %swap3A_363], %swap3A_366 {strides = array<i32>} : memref<64x128xf32, #tpu.memory_space<vmem>>, vector<1x16xf32>,
      %get3A_367 = arith.index_cast %scan3A_333 : i32 to index
      %get3A_368 = arith.constant 48 : index
      %get3A_369 = tpu.vector_load %arg9[%get3A_367, %get3A_368] {strides = array<i32>} : memref<64x128xf32, #tpu.memory_space<vmem>>, vector<1x16xf32>,
      %get3A_370 = vector.shape_cast %get3A_369 : vector<1x16xf32> to vector<16xf32>
      %max3A_371 = arith.constant 0.000000e+00 : f32
      %max3A_372 = vector.broadcast %max3A_371 : f32 to vector<16xf32>
      %max3A_373 = arith.maximumf %get3A_370, %max3A_372 : vector<16xf32>
      %swap3A_374 = arith.index_cast %scan3A_333 : i32 to index
      %swap3A_375 = arith.constant 48 : index
      %swap3A_376 = tpu.vector_load %arg9[%swap3A_374, %swap3A_375] {strides = array<i32>} : memref<64x128xf32, #tpu.memory_space<vmem>>, vector<1x16xf32>,
      %swap3A_377 = vector.shape_cast %swap3A_376 : vector<1x16xf32> to vector<16xf32>
      %swap3A_378 = vector.shape_cast %max3A_373 : vector<16xf32> to vector<1x16xf32>
      tpu.vector_store %arg9[%swap3A_374, %swap3A_375], %swap3A_378 {strides = array<i32>} : memref<64x128xf32, #tpu.memory_space<vmem>>, vector<1x16xf32>,
      %get3A_379 = arith.index_cast %scan3A_333 : i32 to index
      %get3A_380 = arith.constant 64 : index
      %get3A_381 = tpu.vector_load %arg9[%get3A_379, %get3A_380] {strides = array<i32>} : memref<64x128xf32, #tpu.memory_space<vmem>>, vector<1x16xf32>,
      %get3A_382 = vector.shape_cast %get3A_381 : vector<1x16xf32> to vector<16xf32>
      %max3A_383 = arith.constant 0.000000e+00 : f32
      %max3A_384 = vector.broadcast %max3A_383 : f32 to vector<16xf32>
      %max3A_385 = arith.maximumf %get3A_382, %max3A_384 : vector<16xf32>
      %swap3A_386 = arith.index_cast %scan3A_333 : i32 to index
      %swap3A_387 = arith.constant 64 : index
      %swap3A_388 = tpu.vector_load %arg9[%swap3A_386, %swap3A_387] {strides = array<i32>} : memref<64x128xf32, #tpu.memory_space<vmem>>, vector<1x16xf32>,
      %swap3A_389 = vector.shape_cast %swap3A_388 : vector<1x16xf32> to vector<16xf32>
      %swap3A_390 = vector.shape_cast %max3A_385 : vector<16xf32> to vector<1x16xf32>
      tpu.vector_store %arg9[%swap3A_386, %swap3A_387], %swap3A_390 {strides = array<i32>} : memref<64x128xf32, #tpu.memory_space<vmem>>, vector<1x16xf32>,
      %get3A_391 = arith.index_cast %scan3A_333 : i32 to index
      %get3A_392 = arith.constant 80 : index
      %get3A_393 = tpu.vector_load %arg9[%get3A_391, %get3A_392] {strides = array<i32>} : memref<64x128xf32, #tpu.memory_space<vmem>>, vector<1x16xf32>,
      %get3A_394 = vector.shape_cast %get3A_393 : vector<1x16xf32> to vector<16xf32>
      %max3A_395 = arith.constant 0.000000e+00 : f32
      %max3A_396 = vector.broadcast %max3A_395 : f32 to vector<16xf32>
      %max3A_397 = arith.maximumf %get3A_394, %max3A_396 : vector<16xf32>
      %swap3A_398 = arith.index_cast %scan3A_333 : i32 to index
      %swap3A_399 = arith.constant 80 : index
      %swap3A_400 = tpu.vector_load %arg9[%swap3A_398, %swap3A_399] {strides = array<i32>} : memref<64x128xf32, #tpu.memory_space<vmem>>, vector<1x16xf32>,
      %swap3A_401 = vector.shape_cast %swap3A_400 : vector<1x16xf32> to vector<16xf32>
      %swap3A_402 = vector.shape_cast %max3A_397 : vector<16xf32> to vector<1x16xf32>
      tpu.vector_store %arg9[%swap3A_398, %swap3A_399], %swap3A_402 {strides = array<i32>} : memref<64x128xf32, #tpu.memory_space<vmem>>, vector<1x16xf32>,
      %get3A_403 = arith.index_cast %scan3A_333 : i32 to index
      %get3A_404 = arith.constant 96 : index
      %get3A_405 = tpu.vector_load %arg9[%get3A_403, %get3A_404] {strides = array<i32>} : memref<64x128xf32, #tpu.memory_space<vmem>>, vector<1x16xf32>,
      %get3A_406 = vector.shape_cast %get3A_405 : vector<1x16xf32> to vector<16xf32>
      %max3A_407 = arith.constant 0.000000e+00 : f32
      %max3A_408 = vector.broadcast %max3A_407 : f32 to vector<16xf32>
      %max3A_409 = arith.maximumf %get3A_406, %max3A_408 : vector<16xf32>
      %swap3A_410 = arith.index_cast %scan3A_333 : i32 to index
      %swap3A_411 = arith.constant 96 : index
      %swap3A_412 = tpu.vector_load %arg9[%swap3A_410, %swap3A_411] {strides = array<i32>} : memref<64x128xf32, #tpu.memory_space<vmem>>, vector<1x16xf32>,
      %swap3A_413 = vector.shape_cast %swap3A_412 : vector<1x16xf32> to vector<16xf32>
      %swap3A_414 = vector.shape_cast %max3A_409 : vector<16xf32> to vector<1x16xf32>
      tpu.vector_store %arg9[%swap3A_410, %swap3A_411], %swap3A_414 {strides = array<i32>} : memref<64x128xf32, #tpu.memory_space<vmem>>, vector<1x16xf32>,
      %get3A_415 = arith.index_cast %scan3A_333 : i32 to index
      %get3A_416 = arith.constant 112 : index
      %get3A_417 = tpu.vector_load %arg9[%get3A_415, %get3A_416] {strides = array<i32>} : memref<64x128xf32, #tpu.memory_space<vmem>>, vector<1x16xf32>,
      %get3A_418 = vector.shape_cast %get3A_417 : vector<1x16xf32> to vector<16xf32>
      %max3A_419 = arith.constant 0.000000e+00 : f32
      %max3A_420 = vector.broadcast %max3A_419 : f32 to vector<16xf32>
      %max3A_421 = arith.maximumf %get3A_418, %max3A_420 : vector<16xf32>
      %swap3A_422 = arith.index_cast %scan3A_333 : i32 to index
      %swap3A_423 = arith.constant 112 : index
      %swap3A_424 = tpu.vector_load %arg9[%swap3A_422, %swap3A_423] {strides = array<i32>} : memref<64x128xf32, #tpu.memory_space<vmem>>, vector<1x16xf32>,
      %swap3A_425 = vector.shape_cast %swap3A_424 : vector<1x16xf32> to vector<16xf32>
      %swap3A_426 = vector.shape_cast %max3A_421 : vector<16xf32> to vector<1x16xf32>
      tpu.vector_store %arg9[%swap3A_422, %swap3A_423], %swap3A_426 {strides = array<i32>} : memref<64x128xf32, #tpu.memory_space<vmem>>, vector<1x16xf32>,
    }
    %scan3A_110 = arith.constant 64 : i32
    %add3A_111 = arith.constant 0 : i32
    %add3A_112 = arith.addi %add3A_111, %add3A_105 : i32
    %mul3A_113 = arith.constant 128 : i32
    %mul3A_114 = arith.muli %arg0, %mul3A_113 : i32
    "tpu.region"() ({
      %run_scoped3A = tpu.sem_alloc : memref<!tpu.dma_semaphore, #tpu.memory_space<semaphore_mem>>
      %dma_start3A_333 = tpu.memref_slice %arg5[%add3A_112, %mul3A_114] : memref<10240x256xf32, #tpu.memory_space<hbm>> -> memref<64x128xf32, #tpu.memory_space<hbm>>
      %dma_start3A_334 = tpu.memref_slice %arg5[%add3A_112, %mul3A_114] : memref<10240x256xf32, #tpu.memory_space<hbm>> -> memref<64x128xf32, #tpu.memory_space<hbm>>
      tpu.enqueue_dma source(%arg9 : memref<64x128xf32, #tpu.memory_space<vmem>>) target(%dma_start3A_334 : memref<64x128xf32, #tpu.memory_space<hbm>>) target_semaphore(%run_scoped3A : memref<!tpu.dma_semaphore, #tpu.memory_space<semaphore_mem>>)
      %dma_wait3A_335 = tpu.memref_slice %arg5[%add3A_112, %mul3A_114] : memref<10240x256xf32, #tpu.memory_space<hbm>> -> memref<64x128xf32, #tpu.memory_space<hbm>>
      %dma_wait3A_336 = tpu.memref_slice %arg5[%add3A_112, %mul3A_114] : memref<10240x256xf32, #tpu.memory_space<hbm>> -> memref<64x128xf32, #tpu.memory_space<hbm>>
      tpu.wait_dma2 semaphore(%run_scoped3A : memref<!tpu.dma_semaphore, #tpu.memory_space<semaphore_mem>>) src(%arg9 : memref<64x128xf32, #tpu.memory_space<vmem>>) dst(%dma_wait3A_336 : memref<64x128xf32, #tpu.memory_space<hbm>>)
      tpu.yield
    }) : () -> ()
    %mul3A_115 = arith.constant 320 : i32
    %mul3A_116 = arith.muli %arg1, %mul3A_115 : i32
    %add3A_117 = arith.constant 64 : i32
    %add3A_118 = arith.addi %mul3A_116, %add3A_117 : i32
    "tpu.region"() ({
      %run_scoped3A = tpu.sem_alloc : memref<!tpu.dma_semaphore, #tpu.memory_space<semaphore_mem>>
      %dma_start3A_333 = arith.constant 0 : i32
      %dma_start3A_334 = tpu.memref_slice %arg10[%add3A_118, %dma_start3A_333] : memref<5376x128xf32, #tpu.memory_space<vmem_shared>> -> memref<64x128xf32, #tpu.memory_space<vmem_shared>>
      %dma_start3A_335 = arith.constant 0 : i32
      %dma_start3A_336 = tpu.memref_slice %arg10[%add3A_118, %dma_start3A_335] : memref<5376x128xf32, #tpu.memory_space<vmem_shared>> -> memref<64x128xf32, #tpu.memory_space<vmem_shared>>
      tpu.enqueue_dma source(%dma_start3A_336 : memref<64x128xf32, #tpu.memory_space<vmem_shared>>) target(%arg9 : memref<64x128xf32, #tpu.memory_space<vmem>>) target_semaphore(%run_scoped3A : memref<!tpu.dma_semaphore, #tpu.memory_space<semaphore_mem>>)
      %dma_wait3A_337 = arith.constant 0 : i32
      %dma_wait3A_338 = tpu.memref_slice %arg10[%add3A_118, %dma_wait3A_337] : memref<5376x128xf32, #tpu.memory_space<vmem_shared>> -> memref<64x128xf32, #tpu.memory_space<vmem_shared>>
      %dma_wait3A_339 = arith.constant 0 : i32
      %dma_wait3A_340 = tpu.memref_slice %arg10[%add3A_118, %dma_wait3A_339] : memref<5376x128xf32, #tpu.memory_space<vmem_shared>> -> memref<64x128xf32, #tpu.memory_space<vmem_shared>>
      tpu.wait_dma2 semaphore(%run_scoped3A : memref<!tpu.dma_semaphore, #tpu.memory_space<semaphore_mem>>) src(%dma_wait3A_340 : memref<64x128xf32, #tpu.memory_space<vmem_shared>>) dst(%arg9 : memref<64x128xf32, #tpu.memory_space<vmem>>)
      tpu.yield
    }) : () -> ()
    %scan3A_119 = arith.constant 0 : i32
    %scan3A_120 = arith.constant 64 : i32
    %scan3A_121 = arith.addi %scan3A_119, %scan3A_120 : i32
    %scan3A_122 = arith.constant 1 : i32
    scf.for %scan3A_333 = %scan3A_119 to %scan3A_121 step %scan3A_122  : i32 {
      %get3A = arith.index_cast %scan3A_333 : i32 to index
      %get3A_334 = arith.constant 0 : index
      %get3A_335 = tpu.vector_load %arg9[%get3A, %get3A_334] {strides = array<i32>} : memref<64x128xf32, #tpu.memory_space<vmem>>, vector<1x16xf32>,
      %get3A_336 = vector.shape_cast %get3A_335 : vector<1x16xf32> to vector<16xf32>
      %max3A = arith.constant 0.000000e+00 : f32
      %max3A_337 = vector.broadcast %max3A : f32 to vector<16xf32>
      %max3A_338 = arith.maximumf %get3A_336, %max3A_337 : vector<16xf32>
      %swap3A = arith.index_cast %scan3A_333 : i32 to index
      %swap3A_339 = arith.constant 0 : index
      %swap3A_340 = tpu.vector_load %arg9[%swap3A, %swap3A_339] {strides = array<i32>} : memref<64x128xf32, #tpu.memory_space<vmem>>, vector<1x16xf32>,
      %swap3A_341 = vector.shape_cast %swap3A_340 : vector<1x16xf32> to vector<16xf32>
      %swap3A_342 = vector.shape_cast %max3A_338 : vector<16xf32> to vector<1x16xf32>
      tpu.vector_store %arg9[%swap3A, %swap3A_339], %swap3A_342 {strides = array<i32>} : memref<64x128xf32, #tpu.memory_space<vmem>>, vector<1x16xf32>,
      %get3A_343 = arith.index_cast %scan3A_333 : i32 to index
      %get3A_344 = arith.constant 16 : index
      %get3A_345 = tpu.vector_load %arg9[%get3A_343, %get3A_344] {strides = array<i32>} : memref<64x128xf32, #tpu.memory_space<vmem>>, vector<1x16xf32>,
      %get3A_346 = vector.shape_cast %get3A_345 : vector<1x16xf32> to vector<16xf32>
      %max3A_347 = arith.constant 0.000000e+00 : f32
      %max3A_348 = vector.broadcast %max3A_347 : f32 to vector<16xf32>
      %max3A_349 = arith.maximumf %get3A_346, %max3A_348 : vector<16xf32>
      %swap3A_350 = arith.index_cast %scan3A_333 : i32 to index
      %swap3A_351 = arith.constant 16 : index
      %swap3A_352 = tpu.vector_load %arg9[%swap3A_350, %swap3A_351] {strides = array<i32>} : memref<64x128xf32, #tpu.memory_space<vmem>>, vector<1x16xf32>,
      %swap3A_353 = vector.shape_cast %swap3A_352 : vector<1x16xf32> to vector<16xf32>
      %swap3A_354 = vector.shape_cast %max3A_349 : vector<16xf32> to vector<1x16xf32>
      tpu.vector_store %arg9[%swap3A_350, %swap3A_351], %swap3A_354 {strides = array<i32>} : memref<64x128xf32, #tpu.memory_space<vmem>>, vector<1x16xf32>,
      %get3A_355 = arith.index_cast %scan3A_333 : i32 to index
      %get3A_356 = arith.constant 32 : index
      %get3A_357 = tpu.vector_load %arg9[%get3A_355, %get3A_356] {strides = array<i32>} : memref<64x128xf32, #tpu.memory_space<vmem>>, vector<1x16xf32>,
      %get3A_358 = vector.shape_cast %get3A_357 : vector<1x16xf32> to vector<16xf32>
      %max3A_359 = arith.constant 0.000000e+00 : f32
      %max3A_360 = vector.broadcast %max3A_359 : f32 to vector<16xf32>
      %max3A_361 = arith.maximumf %get3A_358, %max3A_360 : vector<16xf32>
      %swap3A_362 = arith.index_cast %scan3A_333 : i32 to index
      %swap3A_363 = arith.constant 32 : index
      %swap3A_364 = tpu.vector_load %arg9[%swap3A_362, %swap3A_363] {strides = array<i32>} : memref<64x128xf32, #tpu.memory_space<vmem>>, vector<1x16xf32>,
      %swap3A_365 = vector.shape_cast %swap3A_364 : vector<1x16xf32> to vector<16xf32>
      %swap3A_366 = vector.shape_cast %max3A_361 : vector<16xf32> to vector<1x16xf32>
      tpu.vector_store %arg9[%swap3A_362, %swap3A_363], %swap3A_366 {strides = array<i32>} : memref<64x128xf32, #tpu.memory_space<vmem>>, vector<1x16xf32>,
      %get3A_367 = arith.index_cast %scan3A_333 : i32 to index
      %get3A_368 = arith.constant 48 : index
      %get3A_369 = tpu.vector_load %arg9[%get3A_367, %get3A_368] {strides = array<i32>} : memref<64x128xf32, #tpu.memory_space<vmem>>, vector<1x16xf32>,
      %get3A_370 = vector.shape_cast %get3A_369 : vector<1x16xf32> to vector<16xf32>
      %max3A_371 = arith.constant 0.000000e+00 : f32
      %max3A_372 = vector.broadcast %max3A_371 : f32 to vector<16xf32>
      %max3A_373 = arith.maximumf %get3A_370, %max3A_372 : vector<16xf32>
      %swap3A_374 = arith.index_cast %scan3A_333 : i32 to index
      %swap3A_375 = arith.constant 48 : index
      %swap3A_376 = tpu.vector_load %arg9[%swap3A_374, %swap3A_375] {strides = array<i32>} : memref<64x128xf32, #tpu.memory_space<vmem>>, vector<1x16xf32>,
      %swap3A_377 = vector.shape_cast %swap3A_376 : vector<1x16xf32> to vector<16xf32>
      %swap3A_378 = vector.shape_cast %max3A_373 : vector<16xf32> to vector<1x16xf32>
      tpu.vector_store %arg9[%swap3A_374, %swap3A_375], %swap3A_378 {strides = array<i32>} : memref<64x128xf32, #tpu.memory_space<vmem>>, vector<1x16xf32>,
      %get3A_379 = arith.index_cast %scan3A_333 : i32 to index
      %get3A_380 = arith.constant 64 : index
      %get3A_381 = tpu.vector_load %arg9[%get3A_379, %get3A_380] {strides = array<i32>} : memref<64x128xf32, #tpu.memory_space<vmem>>, vector<1x16xf32>,
      %get3A_382 = vector.shape_cast %get3A_381 : vector<1x16xf32> to vector<16xf32>
      %max3A_383 = arith.constant 0.000000e+00 : f32
      %max3A_384 = vector.broadcast %max3A_383 : f32 to vector<16xf32>
      %max3A_385 = arith.maximumf %get3A_382, %max3A_384 : vector<16xf32>
      %swap3A_386 = arith.index_cast %scan3A_333 : i32 to index
      %swap3A_387 = arith.constant 64 : index
      %swap3A_388 = tpu.vector_load %arg9[%swap3A_386, %swap3A_387] {strides = array<i32>} : memref<64x128xf32, #tpu.memory_space<vmem>>, vector<1x16xf32>,
      %swap3A_389 = vector.shape_cast %swap3A_388 : vector<1x16xf32> to vector<16xf32>
      %swap3A_390 = vector.shape_cast %max3A_385 : vector<16xf32> to vector<1x16xf32>
      tpu.vector_store %arg9[%swap3A_386, %swap3A_387], %swap3A_390 {strides = array<i32>} : memref<64x128xf32, #tpu.memory_space<vmem>>, vector<1x16xf32>,
      %get3A_391 = arith.index_cast %scan3A_333 : i32 to index
      %get3A_392 = arith.constant 80 : index
      %get3A_393 = tpu.vector_load %arg9[%get3A_391, %get3A_392] {strides = array<i32>} : memref<64x128xf32, #tpu.memory_space<vmem>>, vector<1x16xf32>,
      %get3A_394 = vector.shape_cast %get3A_393 : vector<1x16xf32> to vector<16xf32>
      %max3A_395 = arith.constant 0.000000e+00 : f32
      %max3A_396 = vector.broadcast %max3A_395 : f32 to vector<16xf32>
      %max3A_397 = arith.maximumf %get3A_394, %max3A_396 : vector<16xf32>
      %swap3A_398 = arith.index_cast %scan3A_333 : i32 to index
      %swap3A_399 = arith.constant 80 : index
      %swap3A_400 = tpu.vector_load %arg9[%swap3A_398, %swap3A_399] {strides = array<i32>} : memref<64x128xf32, #tpu.memory_space<vmem>>, vector<1x16xf32>,
      %swap3A_401 = vector.shape_cast %swap3A_400 : vector<1x16xf32> to vector<16xf32>
      %swap3A_402 = vector.shape_cast %max3A_397 : vector<16xf32> to vector<1x16xf32>
      tpu.vector_store %arg9[%swap3A_398, %swap3A_399], %swap3A_402 {strides = array<i32>} : memref<64x128xf32, #tpu.memory_space<vmem>>, vector<1x16xf32>,
      %get3A_403 = arith.index_cast %scan3A_333 : i32 to index
      %get3A_404 = arith.constant 96 : index
      %get3A_405 = tpu.vector_load %arg9[%get3A_403, %get3A_404] {strides = array<i32>} : memref<64x128xf32, #tpu.memory_space<vmem>>, vector<1x16xf32>,
      %get3A_406 = vector.shape_cast %get3A_405 : vector<1x16xf32> to vector<16xf32>
      %max3A_407 = arith.constant 0.000000e+00 : f32
      %max3A_408 = vector.broadcast %max3A_407 : f32 to vector<16xf32>
      %max3A_409 = arith.maximumf %get3A_406, %max3A_408 : vector<16xf32>
      %swap3A_410 = arith.index_cast %scan3A_333 : i32 to index
      %swap3A_411 = arith.constant 96 : index
      %swap3A_412 = tpu.vector_load %arg9[%swap3A_410, %swap3A_411] {strides = array<i32>} : memref<64x128xf32, #tpu.memory_space<vmem>>, vector<1x16xf32>,
      %swap3A_413 = vector.shape_cast %swap3A_412 : vector<1x16xf32> to vector<16xf32>
      %swap3A_414 = vector.shape_cast %max3A_409 : vector<16xf32> to vector<1x16xf32>
      tpu.vector_store %arg9[%swap3A_410, %swap3A_411], %swap3A_414 {strides = array<i32>} : memref<64x128xf32, #tpu.memory_space<vmem>>, vector<1x16xf32>,
      %get3A_415 = arith.index_cast %scan3A_333 : i32 to index
      %get3A_416 = arith.constant 112 : index
      %get3A_417 = tpu.vector_load %arg9[%get3A_415, %get3A_416] {strides = array<i32>} : memref<64x128xf32, #tpu.memory_space<vmem>>, vector<1x16xf32>,
      %get3A_418 = vector.shape_cast %get3A_417 : vector<1x16xf32> to vector<16xf32>
      %max3A_419 = arith.constant 0.000000e+00 : f32
      %max3A_420 = vector.broadcast %max3A_419 : f32 to vector<16xf32>
      %max3A_421 = arith.maximumf %get3A_418, %max3A_420 : vector<16xf32>
      %swap3A_422 = arith.index_cast %scan3A_333 : i32 to index
      %swap3A_423 = arith.constant 112 : index
      %swap3A_424 = tpu.vector_load %arg9[%swap3A_422, %swap3A_423] {strides = array<i32>} : memref<64x128xf32, #tpu.memory_space<vmem>>, vector<1x16xf32>,
      %swap3A_425 = vector.shape_cast %swap3A_424 : vector<1x16xf32> to vector<16xf32>
      %swap3A_426 = vector.shape_cast %max3A_421 : vector<16xf32> to vector<1x16xf32>
      tpu.vector_store %arg9[%swap3A_422, %swap3A_423], %swap3A_426 {strides = array<i32>} : memref<64x128xf32, #tpu.memory_space<vmem>>, vector<1x16xf32>,
    }
    %scan3A_123 = arith.constant 64 : i32
    %add3A_124 = arith.constant 0 : i32
    %add3A_125 = arith.addi %add3A_124, %add3A_118 : i32
    %mul3A_126 = arith.constant 128 : i32
    %mul3A_127 = arith.muli %arg0, %mul3A_126 : i32
    "tpu.region"() ({
      %run_scoped3A = tpu.sem_alloc : memref<!tpu.dma_semaphore, #tpu.memory_space<semaphore_mem>>
      %dma_start3A_333 = tpu.memref_slice %arg5[%add3A_125, %mul3A_127] : memref<10240x256xf32, #tpu.memory_space<hbm>> -> memref<64x128xf32, #tpu.memory_space<hbm>>
      %dma_start3A_334 = tpu.memref_slice %arg5[%add3A_125, %mul3A_127] : memref<10240x256xf32, #tpu.memory_space<hbm>> -> memref<64x128xf32, #tpu.memory_space<hbm>>
      tpu.enqueue_dma source(%arg9 : memref<64x128xf32, #tpu.memory_space<vmem>>) target(%dma_start3A_334 : memref<64x128xf32, #tpu.memory_space<hbm>>) target_semaphore(%run_scoped3A : memref<!tpu.dma_semaphore, #tpu.memory_space<semaphore_mem>>)
      %dma_wait3A_335 = tpu.memref_slice %arg5[%add3A_125, %mul3A_127] : memref<10240x256xf32, #tpu.memory_space<hbm>> -> memref<64x128xf32, #tpu.memory_space<hbm>>
      %dma_wait3A_336 = tpu.memref_slice %arg5[%add3A_125, %mul3A_127] : memref<10240x256xf32, #tpu.memory_space<hbm>> -> memref<64x128xf32, #tpu.memory_space<hbm>>
      tpu.wait_dma2 semaphore(%run_scoped3A : memref<!tpu.dma_semaphore, #tpu.memory_space<semaphore_mem>>) src(%arg9 : memref<64x128xf32, #tpu.memory_space<vmem>>) dst(%dma_wait3A_336 : memref<64x128xf32, #tpu.memory_space<hbm>>)
      tpu.yield
    }) : () -> ()
    %mul3A_128 = arith.constant 320 : i32
    %mul3A_129 = arith.muli %arg1, %mul3A_128 : i32
    %add3A_130 = arith.constant 128 : i32
    %add3A_131 = arith.addi %mul3A_129, %add3A_130 : i32
    "tpu.region"() ({
      %run_scoped3A = tpu.sem_alloc : memref<!tpu.dma_semaphore, #tpu.memory_space<semaphore_mem>>
      %dma_start3A_333 = arith.constant 0 : i32
      %dma_start3A_334 = tpu.memref_slice %arg10[%add3A_131, %dma_start3A_333] : memref<5376x128xf32, #tpu.memory_space<vmem_shared>> -> memref<64x128xf32, #tpu.memory_space<vmem_shared>>
      %dma_start3A_335 = arith.constant 0 : i32
      %dma_start3A_336 = tpu.memref_slice %arg10[%add3A_131, %dma_start3A_335] : memref<5376x128xf32, #tpu.memory_space<vmem_shared>> -> memref<64x128xf32, #tpu.memory_space<vmem_shared>>
      tpu.enqueue_dma source(%dma_start3A_336 : memref<64x128xf32, #tpu.memory_space<vmem_shared>>) target(%arg9 : memref<64x128xf32, #tpu.memory_space<vmem>>) target_semaphore(%run_scoped3A : memref<!tpu.dma_semaphore, #tpu.memory_space<semaphore_mem>>)
      %dma_wait3A_337 = arith.constant 0 : i32
      %dma_wait3A_338 = tpu.memref_slice %arg10[%add3A_131, %dma_wait3A_337] : memref<5376x128xf32, #tpu.memory_space<vmem_shared>> -> memref<64x128xf32, #tpu.memory_space<vmem_shared>>
      %dma_wait3A_339 = arith.constant 0 : i32
      %dma_wait3A_340 = tpu.memref_slice %arg10[%add3A_131, %dma_wait3A_339] : memref<5376x128xf32, #tpu.memory_space<vmem_shared>> -> memref<64x128xf32, #tpu.memory_space<vmem_shared>>
      tpu.wait_dma2 semaphore(%run_scoped3A : memref<!tpu.dma_semaphore, #tpu.memory_space<semaphore_mem>>) src(%dma_wait3A_340 : memref<64x128xf32, #tpu.memory_space<vmem_shared>>) dst(%arg9 : memref<64x128xf32, #tpu.memory_space<vmem>>)
      tpu.yield
    }) : () -> ()
    %scan3A_132 = arith.constant 0 : i32
    %scan3A_133 = arith.constant 64 : i32
    %scan3A_134 = arith.addi %scan3A_132, %scan3A_133 : i32
    %scan3A_135 = arith.constant 1 : i32
    scf.for %scan3A_333 = %scan3A_132 to %scan3A_134 step %scan3A_135  : i32 {
      %get3A = arith.index_cast %scan3A_333 : i32 to index
      %get3A_334 = arith.constant 0 : index
      %get3A_335 = tpu.vector_load %arg9[%get3A, %get3A_334] {strides = array<i32>} : memref<64x128xf32, #tpu.memory_space<vmem>>, vector<1x16xf32>,
      %get3A_336 = vector.shape_cast %get3A_335 : vector<1x16xf32> to vector<16xf32>
      %max3A = arith.constant 0.000000e+00 : f32
      %max3A_337 = vector.broadcast %max3A : f32 to vector<16xf32>
      %max3A_338 = arith.maximumf %get3A_336, %max3A_337 : vector<16xf32>
      %swap3A = arith.index_cast %scan3A_333 : i32 to index
      %swap3A_339 = arith.constant 0 : index
      %swap3A_340 = tpu.vector_load %arg9[%swap3A, %swap3A_339] {strides = array<i32>} : memref<64x128xf32, #tpu.memory_space<vmem>>, vector<1x16xf32>,
      %swap3A_341 = vector.shape_cast %swap3A_340 : vector<1x16xf32> to vector<16xf32>
      %swap3A_342 = vector.shape_cast %max3A_338 : vector<16xf32> to vector<1x16xf32>
      tpu.vector_store %arg9[%swap3A, %swap3A_339], %swap3A_342 {strides = array<i32>} : memref<64x128xf32, #tpu.memory_space<vmem>>, vector<1x16xf32>,
      %get3A_343 = arith.index_cast %scan3A_333 : i32 to index
      %get3A_344 = arith.constant 16 : index
      %get3A_345 = tpu.vector_load %arg9[%get3A_343, %get3A_344] {strides = array<i32>} : memref<64x128xf32, #tpu.memory_space<vmem>>, vector<1x16xf32>,
      %get3A_346 = vector.shape_cast %get3A_345 : vector<1x16xf32> to vector<16xf32>
      %max3A_347 = arith.constant 0.000000e+00 : f32
      %max3A_348 = vector.broadcast %max3A_347 : f32 to vector<16xf32>
      %max3A_349 = arith.maximumf %get3A_346, %max3A_348 : vector<16xf32>
      %swap3A_350 = arith.index_cast %scan3A_333 : i32 to index
      %swap3A_351 = arith.constant 16 : index
      %swap3A_352 = tpu.vector_load %arg9[%swap3A_350, %swap3A_351] {strides = array<i32>} : memref<64x128xf32, #tpu.memory_space<vmem>>, vector<1x16xf32>,
      %swap3A_353 = vector.shape_cast %swap3A_352 : vector<1x16xf32> to vector<16xf32>
      %swap3A_354 = vector.shape_cast %max3A_349 : vector<16xf32> to vector<1x16xf32>
      tpu.vector_store %arg9[%swap3A_350, %swap3A_351], %swap3A_354 {strides = array<i32>} : memref<64x128xf32, #tpu.memory_space<vmem>>, vector<1x16xf32>,
      %get3A_355 = arith.index_cast %scan3A_333 : i32 to index
      %get3A_356 = arith.constant 32 : index
      %get3A_357 = tpu.vector_load %arg9[%get3A_355, %get3A_356] {strides = array<i32>} : memref<64x128xf32, #tpu.memory_space<vmem>>, vector<1x16xf32>,
      %get3A_358 = vector.shape_cast %get3A_357 : vector<1x16xf32> to vector<16xf32>
      %max3A_359 = arith.constant 0.000000e+00 : f32
      %max3A_360 = vector.broadcast %max3A_359 : f32 to vector<16xf32>
      %max3A_361 = arith.maximumf %get3A_358, %max3A_360 : vector<16xf32>
      %swap3A_362 = arith.index_cast %scan3A_333 : i32 to index
      %swap3A_363 = arith.constant 32 : index
      %swap3A_364 = tpu.vector_load %arg9[%swap3A_362, %swap3A_363] {strides = array<i32>} : memref<64x128xf32, #tpu.memory_space<vmem>>, vector<1x16xf32>,
      %swap3A_365 = vector.shape_cast %swap3A_364 : vector<1x16xf32> to vector<16xf32>
      %swap3A_366 = vector.shape_cast %max3A_361 : vector<16xf32> to vector<1x16xf32>
      tpu.vector_store %arg9[%swap3A_362, %swap3A_363], %swap3A_366 {strides = array<i32>} : memref<64x128xf32, #tpu.memory_space<vmem>>, vector<1x16xf32>,
      %get3A_367 = arith.index_cast %scan3A_333 : i32 to index
      %get3A_368 = arith.constant 48 : index
      %get3A_369 = tpu.vector_load %arg9[%get3A_367, %get3A_368] {strides = array<i32>} : memref<64x128xf32, #tpu.memory_space<vmem>>, vector<1x16xf32>,
      %get3A_370 = vector.shape_cast %get3A_369 : vector<1x16xf32> to vector<16xf32>
      %max3A_371 = arith.constant 0.000000e+00 : f32
      %max3A_372 = vector.broadcast %max3A_371 : f32 to vector<16xf32>
      %max3A_373 = arith.maximumf %get3A_370, %max3A_372 : vector<16xf32>
      %swap3A_374 = arith.index_cast %scan3A_333 : i32 to index
      %swap3A_375 = arith.constant 48 : index
      %swap3A_376 = tpu.vector_load %arg9[%swap3A_374, %swap3A_375] {strides = array<i32>} : memref<64x128xf32, #tpu.memory_space<vmem>>, vector<1x16xf32>,
      %swap3A_377 = vector.shape_cast %swap3A_376 : vector<1x16xf32> to vector<16xf32>
      %swap3A_378 = vector.shape_cast %max3A_373 : vector<16xf32> to vector<1x16xf32>
      tpu.vector_store %arg9[%swap3A_374, %swap3A_375], %swap3A_378 {strides = array<i32>} : memref<64x128xf32, #tpu.memory_space<vmem>>, vector<1x16xf32>,
      %get3A_379 = arith.index_cast %scan3A_333 : i32 to index
      %get3A_380 = arith.constant 64 : index
      %get3A_381 = tpu.vector_load %arg9[%get3A_379, %get3A_380] {strides = array<i32>} : memref<64x128xf32, #tpu.memory_space<vmem>>, vector<1x16xf32>,
      %get3A_382 = vector.shape_cast %get3A_381 : vector<1x16xf32> to vector<16xf32>
      %max3A_383 = arith.constant 0.000000e+00 : f32
      %max3A_384 = vector.broadcast %max3A_383 : f32 to vector<16xf32>
      %max3A_385 = arith.maximumf %get3A_382, %max3A_384 : vector<16xf32>
      %swap3A_386 = arith.index_cast %scan3A_333 : i32 to index
      %swap3A_387 = arith.constant 64 : index
      %swap3A_388 = tpu.vector_load %arg9[%swap3A_386, %swap3A_387] {strides = array<i32>} : memref<64x128xf32, #tpu.memory_space<vmem>>, vector<1x16xf32>,
      %swap3A_389 = vector.shape_cast %swap3A_388 : vector<1x16xf32> to vector<16xf32>
      %swap3A_390 = vector.shape_cast %max3A_385 : vector<16xf32> to vector<1x16xf32>
      tpu.vector_store %arg9[%swap3A_386, %swap3A_387], %swap3A_390 {strides = array<i32>} : memref<64x128xf32, #tpu.memory_space<vmem>>, vector<1x16xf32>,
      %get3A_391 = arith.index_cast %scan3A_333 : i32 to index
      %get3A_392 = arith.constant 80 : index
      %get3A_393 = tpu.vector_load %arg9[%get3A_391, %get3A_392] {strides = array<i32>} : memref<64x128xf32, #tpu.memory_space<vmem>>, vector<1x16xf32>,
      %get3A_394 = vector.shape_cast %get3A_393 : vector<1x16xf32> to vector<16xf32>
      %max3A_395 = arith.constant 0.000000e+00 : f32
      %max3A_396 = vector.broadcast %max3A_395 : f32 to vector<16xf32>
      %max3A_397 = arith.maximumf %get3A_394, %max3A_396 : vector<16xf32>
      %swap3A_398 = arith.index_cast %scan3A_333 : i32 to index
      %swap3A_399 = arith.constant 80 : index
      %swap3A_400 = tpu.vector_load %arg9[%swap3A_398, %swap3A_399] {strides = array<i32>} : memref<64x128xf32, #tpu.memory_space<vmem>>, vector<1x16xf32>,
      %swap3A_401 = vector.shape_cast %swap3A_400 : vector<1x16xf32> to vector<16xf32>
      %swap3A_402 = vector.shape_cast %max3A_397 : vector<16xf32> to vector<1x16xf32>
      tpu.vector_store %arg9[%swap3A_398, %swap3A_399], %swap3A_402 {strides = array<i32>} : memref<64x128xf32, #tpu.memory_space<vmem>>, vector<1x16xf32>,
      %get3A_403 = arith.index_cast %scan3A_333 : i32 to index
      %get3A_404 = arith.constant 96 : index
      %get3A_405 = tpu.vector_load %arg9[%get3A_403, %get3A_404] {strides = array<i32>} : memref<64x128xf32, #tpu.memory_space<vmem>>, vector<1x16xf32>,
      %get3A_406 = vector.shape_cast %get3A_405 : vector<1x16xf32> to vector<16xf32>
      %max3A_407 = arith.constant 0.000000e+00 : f32
      %max3A_408 = vector.broadcast %max3A_407 : f32 to vector<16xf32>
      %max3A_409 = arith.maximumf %get3A_406, %max3A_408 : vector<16xf32>
      %swap3A_410 = arith.index_cast %scan3A_333 : i32 to index
      %swap3A_411 = arith.constant 96 : index
      %swap3A_412 = tpu.vector_load %arg9[%swap3A_410, %swap3A_411] {strides = array<i32>} : memref<64x128xf32, #tpu.memory_space<vmem>>, vector<1x16xf32>,
      %swap3A_413 = vector.shape_cast %swap3A_412 : vector<1x16xf32> to vector<16xf32>
      %swap3A_414 = vector.shape_cast %max3A_409 : vector<16xf32> to vector<1x16xf32>
      tpu.vector_store %arg9[%swap3A_410, %swap3A_411], %swap3A_414 {strides = array<i32>} : memref<64x128xf32, #tpu.memory_space<vmem>>, vector<1x16xf32>,
      %get3A_415 = arith.index_cast %scan3A_333 : i32 to index
      %get3A_416 = arith.constant 112 : index
      %get3A_417 = tpu.vector_load %arg9[%get3A_415, %get3A_416] {strides = array<i32>} : memref<64x128xf32, #tpu.memory_space<vmem>>, vector<1x16xf32>,
      %get3A_418 = vector.shape_cast %get3A_417 : vector<1x16xf32> to vector<16xf32>
      %max3A_419 = arith.constant 0.000000e+00 : f32
      %max3A_420 = vector.broadcast %max3A_419 : f32 to vector<16xf32>
      %max3A_421 = arith.maximumf %get3A_418, %max3A_420 : vector<16xf32>
      %swap3A_422 = arith.index_cast %scan3A_333 : i32 to index
      %swap3A_423 = arith.constant 112 : index
      %swap3A_424 = tpu.vector_load %arg9[%swap3A_422, %swap3A_423] {strides = array<i32>} : memref<64x128xf32, #tpu.memory_space<vmem>>, vector<1x16xf32>,
      %swap3A_425 = vector.shape_cast %swap3A_424 : vector<1x16xf32> to vector<16xf32>
      %swap3A_426 = vector.shape_cast %max3A_421 : vector<16xf32> to vector<1x16xf32>
      tpu.vector_store %arg9[%swap3A_422, %swap3A_423], %swap3A_426 {strides = array<i32>} : memref<64x128xf32, #tpu.memory_space<vmem>>, vector<1x16xf32>,
    }
    %scan3A_136 = arith.constant 64 : i32
    %add3A_137 = arith.constant 0 : i32
    %add3A_138 = arith.addi %add3A_137, %add3A_131 : i32
    %mul3A_139 = arith.constant 128 : i32
    %mul3A_140 = arith.muli %arg0, %mul3A_139 : i32
    "tpu.region"() ({
      %run_scoped3A = tpu.sem_alloc : memref<!tpu.dma_semaphore, #tpu.memory_space<semaphore_mem>>
      %dma_start3A_333 = tpu.memref_slice %arg5[%add3A_138, %mul3A_140] : memref<10240x256xf32, #tpu.memory_space<hbm>> -> memref<64x128xf32, #tpu.memory_space<hbm>>
      %dma_start3A_334 = tpu.memref_slice %arg5[%add3A_138, %mul3A_140] : memref<10240x256xf32, #tpu.memory_space<hbm>> -> memref<64x128xf32, #tpu.memory_space<hbm>>
      tpu.enqueue_dma source(%arg9 : memref<64x128xf32, #tpu.memory_space<vmem>>) target(%dma_start3A_334 : memref<64x128xf32, #tpu.memory_space<hbm>>) target_semaphore(%run_scoped3A : memref<!tpu.dma_semaphore, #tpu.memory_space<semaphore_mem>>)
      %dma_wait3A_335 = tpu.memref_slice %arg5[%add3A_138, %mul3A_140] : memref<10240x256xf32, #tpu.memory_space<hbm>> -> memref<64x128xf32, #tpu.memory_space<hbm>>
      %dma_wait3A_336 = tpu.memref_slice %arg5[%add3A_138, %mul3A_140] : memref<10240x256xf32, #tpu.memory_space<hbm>> -> memref<64x128xf32, #tpu.memory_space<hbm>>
      tpu.wait_dma2 semaphore(%run_scoped3A : memref<!tpu.dma_semaphore, #tpu.memory_space<semaphore_mem>>) src(%arg9 : memref<64x128xf32, #tpu.memory_space<vmem>>) dst(%dma_wait3A_336 : memref<64x128xf32, #tpu.memory_space<hbm>>)
      tpu.yield
    }) : () -> ()
    %mul3A_141 = arith.constant 320 : i32
    %mul3A_142 = arith.muli %arg1, %mul3A_141 : i32
    %add3A_143 = arith.constant 192 : i32
    %add3A_144 = arith.addi %mul3A_142, %add3A_143 : i32
    "tpu.region"() ({
      %run_scoped3A = tpu.sem_alloc : memref<!tpu.dma_semaphore, #tpu.memory_space<semaphore_mem>>
      %dma_start3A_333 = arith.constant 0 : i32
      %dma_start3A_334 = tpu.memref_slice %arg10[%add3A_144, %dma_start3A_333] : memref<5376x128xf32, #tpu.memory_space<vmem_shared>> -> memref<64x128xf32, #tpu.memory_space<vmem_shared>>
      %dma_start3A_335 = arith.constant 0 : i32
      %dma_start3A_336 = tpu.memref_slice %arg10[%add3A_144, %dma_start3A_335] : memref<5376x128xf32, #tpu.memory_space<vmem_shared>> -> memref<64x128xf32, #tpu.memory_space<vmem_shared>>
      tpu.enqueue_dma source(%dma_start3A_336 : memref<64x128xf32, #tpu.memory_space<vmem_shared>>) target(%arg9 : memref<64x128xf32, #tpu.memory_space<vmem>>) target_semaphore(%run_scoped3A : memref<!tpu.dma_semaphore, #tpu.memory_space<semaphore_mem>>)
      %dma_wait3A_337 = arith.constant 0 : i32
      %dma_wait3A_338 = tpu.memref_slice %arg10[%add3A_144, %dma_wait3A_337] : memref<5376x128xf32, #tpu.memory_space<vmem_shared>> -> memref<64x128xf32, #tpu.memory_space<vmem_shared>>
      %dma_wait3A_339 = arith.constant 0 : i32
      %dma_wait3A_340 = tpu.memref_slice %arg10[%add3A_144, %dma_wait3A_339] : memref<5376x128xf32, #tpu.memory_space<vmem_shared>> -> memref<64x128xf32, #tpu.memory_space<vmem_shared>>
      tpu.wait_dma2 semaphore(%run_scoped3A : memref<!tpu.dma_semaphore, #tpu.memory_space<semaphore_mem>>) src(%dma_wait3A_340 : memref<64x128xf32, #tpu.memory_space<vmem_shared>>) dst(%arg9 : memref<64x128xf32, #tpu.memory_space<vmem>>)
      tpu.yield
    }) : () -> ()
    %scan3A_145 = arith.constant 0 : i32
    %scan3A_146 = arith.constant 64 : i32
    %scan3A_147 = arith.addi %scan3A_145, %scan3A_146 : i32
    %scan3A_148 = arith.constant 1 : i32
    scf.for %scan3A_333 = %scan3A_145 to %scan3A_147 step %scan3A_148  : i32 {
      %get3A = arith.index_cast %scan3A_333 : i32 to index
      %get3A_334 = arith.constant 0 : index
      %get3A_335 = tpu.vector_load %arg9[%get3A, %get3A_334] {strides = array<i32>} : memref<64x128xf32, #tpu.memory_space<vmem>>, vector<1x16xf32>,
      %get3A_336 = vector.shape_cast %get3A_335 : vector<1x16xf32> to vector<16xf32>
      %max3A = arith.constant 0.000000e+00 : f32
      %max3A_337 = vector.broadcast %max3A : f32 to vector<16xf32>
      %max3A_338 = arith.maximumf %get3A_336, %max3A_337 : vector<16xf32>
      %swap3A = arith.index_cast %scan3A_333 : i32 to index
      %swap3A_339 = arith.constant 0 : index
      %swap3A_340 = tpu.vector_load %arg9[%swap3A, %swap3A_339] {strides = array<i32>} : memref<64x128xf32, #tpu.memory_space<vmem>>, vector<1x16xf32>,
      %swap3A_341 = vector.shape_cast %swap3A_340 : vector<1x16xf32> to vector<16xf32>
      %swap3A_342 = vector.shape_cast %max3A_338 : vector<16xf32> to vector<1x16xf32>
      tpu.vector_store %arg9[%swap3A, %swap3A_339], %swap3A_342 {strides = array<i32>} : memref<64x128xf32, #tpu.memory_space<vmem>>, vector<1x16xf32>,
      %get3A_343 = arith.index_cast %scan3A_333 : i32 to index
      %get3A_344 = arith.constant 16 : index
      %get3A_345 = tpu.vector_load %arg9[%get3A_343, %get3A_344] {strides = array<i32>} : memref<64x128xf32, #tpu.memory_space<vmem>>, vector<1x16xf32>,
      %get3A_346 = vector.shape_cast %get3A_345 : vector<1x16xf32> to vector<16xf32>
      %max3A_347 = arith.constant 0.000000e+00 : f32
      %max3A_348 = vector.broadcast %max3A_347 : f32 to vector<16xf32>
      %max3A_349 = arith.maximumf %get3A_346, %max3A_348 : vector<16xf32>
      %swap3A_350 = arith.index_cast %scan3A_333 : i32 to index
      %swap3A_351 = arith.constant 16 : index
      %swap3A_352 = tpu.vector_load %arg9[%swap3A_350, %swap3A_351] {strides = array<i32>} : memref<64x128xf32, #tpu.memory_space<vmem>>, vector<1x16xf32>,
      %swap3A_353 = vector.shape_cast %swap3A_352 : vector<1x16xf32> to vector<16xf32>
      %swap3A_354 = vector.shape_cast %max3A_349 : vector<16xf32> to vector<1x16xf32>
      tpu.vector_store %arg9[%swap3A_350, %swap3A_351], %swap3A_354 {strides = array<i32>} : memref<64x128xf32, #tpu.memory_space<vmem>>, vector<1x16xf32>,
      %get3A_355 = arith.index_cast %scan3A_333 : i32 to index
      %get3A_356 = arith.constant 32 : index
      %get3A_357 = tpu.vector_load %arg9[%get3A_355, %get3A_356] {strides = array<i32>} : memref<64x128xf32, #tpu.memory_space<vmem>>, vector<1x16xf32>,
      %get3A_358 = vector.shape_cast %get3A_357 : vector<1x16xf32> to vector<16xf32>
      %max3A_359 = arith.constant 0.000000e+00 : f32
      %max3A_360 = vector.broadcast %max3A_359 : f32 to vector<16xf32>
      %max3A_361 = arith.maximumf %get3A_358, %max3A_360 : vector<16xf32>
      %swap3A_362 = arith.index_cast %scan3A_333 : i32 to index
      %swap3A_363 = arith.constant 32 : index
      %swap3A_364 = tpu.vector_load %arg9[%swap3A_362, %swap3A_363] {strides = array<i32>} : memref<64x128xf32, #tpu.memory_space<vmem>>, vector<1x16xf32>,
      %swap3A_365 = vector.shape_cast %swap3A_364 : vector<1x16xf32> to vector<16xf32>
      %swap3A_366 = vector.shape_cast %max3A_361 : vector<16xf32> to vector<1x16xf32>
      tpu.vector_store %arg9[%swap3A_362, %swap3A_363], %swap3A_366 {strides = array<i32>} : memref<64x128xf32, #tpu.memory_space<vmem>>, vector<1x16xf32>,
      %get3A_367 = arith.index_cast %scan3A_333 : i32 to index
      %get3A_368 = arith.constant 48 : index
      %get3A_369 = tpu.vector_load %arg9[%get3A_367, %get3A_368] {strides = array<i32>} : memref<64x128xf32, #tpu.memory_space<vmem>>, vector<1x16xf32>,
      %get3A_370 = vector.shape_cast %get3A_369 : vector<1x16xf32> to vector<16xf32>
      %max3A_371 = arith.constant 0.000000e+00 : f32
      %max3A_372 = vector.broadcast %max3A_371 : f32 to vector<16xf32>
      %max3A_373 = arith.maximumf %get3A_370, %max3A_372 : vector<16xf32>
      %swap3A_374 = arith.index_cast %scan3A_333 : i32 to index
      %swap3A_375 = arith.constant 48 : index
      %swap3A_376 = tpu.vector_load %arg9[%swap3A_374, %swap3A_375] {strides = array<i32>} : memref<64x128xf32, #tpu.memory_space<vmem>>, vector<1x16xf32>,
      %swap3A_377 = vector.shape_cast %swap3A_376 : vector<1x16xf32> to vector<16xf32>
      %swap3A_378 = vector.shape_cast %max3A_373 : vector<16xf32> to vector<1x16xf32>
      tpu.vector_store %arg9[%swap3A_374, %swap3A_375], %swap3A_378 {strides = array<i32>} : memref<64x128xf32, #tpu.memory_space<vmem>>, vector<1x16xf32>,
      %get3A_379 = arith.index_cast %scan3A_333 : i32 to index
      %get3A_380 = arith.constant 64 : index
      %get3A_381 = tpu.vector_load %arg9[%get3A_379, %get3A_380] {strides = array<i32>} : memref<64x128xf32, #tpu.memory_space<vmem>>, vector<1x16xf32>,
      %get3A_382 = vector.shape_cast %get3A_381 : vector<1x16xf32> to vector<16xf32>
      %max3A_383 = arith.constant 0.000000e+00 : f32
      %max3A_384 = vector.broadcast %max3A_383 : f32 to vector<16xf32>
      %max3A_385 = arith.maximumf %get3A_382, %max3A_384 : vector<16xf32>
      %swap3A_386 = arith.index_cast %scan3A_333 : i32 to index
      %swap3A_387 = arith.constant 64 : index
      %swap3A_388 = tpu.vector_load %arg9[%swap3A_386, %swap3A_387] {strides = array<i32>} : memref<64x128xf32, #tpu.memory_space<vmem>>, vector<1x16xf32>,
      %swap3A_389 = vector.shape_cast %swap3A_388 : vector<1x16xf32> to vector<16xf32>
      %swap3A_390 = vector.shape_cast %max3A_385 : vector<16xf32> to vector<1x16xf32>
      tpu.vector_store %arg9[%swap3A_386, %swap3A_387], %swap3A_390 {strides = array<i32>} : memref<64x128xf32, #tpu.memory_space<vmem>>, vector<1x16xf32>,
      %get3A_391 = arith.index_cast %scan3A_333 : i32 to index
      %get3A_392 = arith.constant 80 : index
      %get3A_393 = tpu.vector_load %arg9[%get3A_391, %get3A_392] {strides = array<i32>} : memref<64x128xf32, #tpu.memory_space<vmem>>, vector<1x16xf32>,
      %get3A_394 = vector.shape_cast %get3A_393 : vector<1x16xf32> to vector<16xf32>
      %max3A_395 = arith.constant 0.000000e+00 : f32
      %max3A_396 = vector.broadcast %max3A_395 : f32 to vector<16xf32>
      %max3A_397 = arith.maximumf %get3A_394, %max3A_396 : vector<16xf32>
      %swap3A_398 = arith.index_cast %scan3A_333 : i32 to index
      %swap3A_399 = arith.constant 80 : index
      %swap3A_400 = tpu.vector_load %arg9[%swap3A_398, %swap3A_399] {strides = array<i32>} : memref<64x128xf32, #tpu.memory_space<vmem>>, vector<1x16xf32>,
      %swap3A_401 = vector.shape_cast %swap3A_400 : vector<1x16xf32> to vector<16xf32>
      %swap3A_402 = vector.shape_cast %max3A_397 : vector<16xf32> to vector<1x16xf32>
      tpu.vector_store %arg9[%swap3A_398, %swap3A_399], %swap3A_402 {strides = array<i32>} : memref<64x128xf32, #tpu.memory_space<vmem>>, vector<1x16xf32>,
      %get3A_403 = arith.index_cast %scan3A_333 : i32 to index
      %get3A_404 = arith.constant 96 : index
      %get3A_405 = tpu.vector_load %arg9[%get3A_403, %get3A_404] {strides = array<i32>} : memref<64x128xf32, #tpu.memory_space<vmem>>, vector<1x16xf32>,
      %get3A_406 = vector.shape_cast %get3A_405 : vector<1x16xf32> to vector<16xf32>
      %max3A_407 = arith.constant 0.000000e+00 : f32
      %max3A_408 = vector.broadcast %max3A_407 : f32 to vector<16xf32>
      %max3A_409 = arith.maximumf %get3A_406, %max3A_408 : vector<16xf32>
      %swap3A_410 = arith.index_cast %scan3A_333 : i32 to index
      %swap3A_411 = arith.constant 96 : index
      %swap3A_412 = tpu.vector_load %arg9[%swap3A_410, %swap3A_411] {strides = array<i32>} : memref<64x128xf32, #tpu.memory_space<vmem>>, vector<1x16xf32>,
      %swap3A_413 = vector.shape_cast %swap3A_412 : vector<1x16xf32> to vector<16xf32>
      %swap3A_414 = vector.shape_cast %max3A_409 : vector<16xf32> to vector<1x16xf32>
      tpu.vector_store %arg9[%swap3A_410, %swap3A_411], %swap3A_414 {strides = array<i32>} : memref<64x128xf32, #tpu.memory_space<vmem>>, vector<1x16xf32>,
      %get3A_415 = arith.index_cast %scan3A_333 : i32 to index
      %get3A_416 = arith.constant 112 : index
      %get3A_417 = tpu.vector_load %arg9[%get3A_415, %get3A_416] {strides = array<i32>} : memref<64x128xf32, #tpu.memory_space<vmem>>, vector<1x16xf32>,
      %get3A_418 = vector.shape_cast %get3A_417 : vector<1x16xf32> to vector<16xf32>
      %max3A_419 = arith.constant 0.000000e+00 : f32
      %max3A_420 = vector.broadcast %max3A_419 : f32 to vector<16xf32>
      %max3A_421 = arith.maximumf %get3A_418, %max3A_420 : vector<16xf32>
      %swap3A_422 = arith.index_cast %scan3A_333 : i32 to index
      %swap3A_423 = arith.constant 112 : index
      %swap3A_424 = tpu.vector_load %arg9[%swap3A_422, %swap3A_423] {strides = array<i32>} : memref<64x128xf32, #tpu.memory_space<vmem>>, vector<1x16xf32>,
      %swap3A_425 = vector.shape_cast %swap3A_424 : vector<1x16xf32> to vector<16xf32>
      %swap3A_426 = vector.shape_cast %max3A_421 : vector<16xf32> to vector<1x16xf32>
      tpu.vector_store %arg9[%swap3A_422, %swap3A_423], %swap3A_426 {strides = array<i32>} : memref<64x128xf32, #tpu.memory_space<vmem>>, vector<1x16xf32>,
    }
    %scan3A_149 = arith.constant 64 : i32
    %add3A_150 = arith.constant 0 : i32
    %add3A_151 = arith.addi %add3A_150, %add3A_144 : i32
    %mul3A_152 = arith.constant 128 : i32
    %mul3A_153 = arith.muli %arg0, %mul3A_152 : i32
    "tpu.region"() ({
      %run_scoped3A = tpu.sem_alloc : memref<!tpu.dma_semaphore, #tpu.memory_space<semaphore_mem>>
      %dma_start3A_333 = tpu.memref_slice %arg5[%add3A_151, %mul3A_153] : memref<10240x256xf32, #tpu.memory_space<hbm>> -> memref<64x128xf32, #tpu.memory_space<hbm>>
      %dma_start3A_334 = tpu.memref_slice %arg5[%add3A_151, %mul3A_153] : memref<10240x256xf32, #tpu.memory_space<hbm>> -> memref<64x128xf32, #tpu.memory_space<hbm>>
      tpu.enqueue_dma source(%arg9 : memref<64x128xf32, #tpu.memory_space<vmem>>) target(%dma_start3A_334 : memref<64x128xf32, #tpu.memory_space<hbm>>) target_semaphore(%run_scoped3A : memref<!tpu.dma_semaphore, #tpu.memory_space<semaphore_mem>>)
      %dma_wait3A_335 = tpu.memref_slice %arg5[%add3A_151, %mul3A_153] : memref<10240x256xf32, #tpu.memory_space<hbm>> -> memref<64x128xf32, #tpu.memory_space<hbm>>
      %dma_wait3A_336 = tpu.memref_slice %arg5[%add3A_151, %mul3A_153] : memref<10240x256xf32, #tpu.memory_space<hbm>> -> memref<64x128xf32, #tpu.memory_space<hbm>>
      tpu.wait_dma2 semaphore(%run_scoped3A : memref<!tpu.dma_semaphore, #tpu.memory_space<semaphore_mem>>) src(%arg9 : memref<64x128xf32, #tpu.memory_space<vmem>>) dst(%dma_wait3A_336 : memref<64x128xf32, #tpu.memory_space<hbm>>)
      tpu.yield
    }) : () -> ()
    %mul3A_154 = arith.constant 320 : i32
    %mul3A_155 = arith.muli %arg1, %mul3A_154 : i32
    %add3A_156 = arith.constant 256 : i32
    %add3A_157 = arith.addi %mul3A_155, %add3A_156 : i32
    "tpu.region"() ({
      %run_scoped3A = tpu.sem_alloc : memref<!tpu.dma_semaphore, #tpu.memory_space<semaphore_mem>>
      %dma_start3A_333 = arith.constant 0 : i32
      %dma_start3A_334 = tpu.memref_slice %arg10[%add3A_157, %dma_start3A_333] : memref<5376x128xf32, #tpu.memory_space<vmem_shared>> -> memref<64x128xf32, #tpu.memory_space<vmem_shared>>
      %dma_start3A_335 = arith.constant 0 : i32
      %dma_start3A_336 = tpu.memref_slice %arg10[%add3A_157, %dma_start3A_335] : memref<5376x128xf32, #tpu.memory_space<vmem_shared>> -> memref<64x128xf32, #tpu.memory_space<vmem_shared>>
      tpu.enqueue_dma source(%dma_start3A_336 : memref<64x128xf32, #tpu.memory_space<vmem_shared>>) target(%arg9 : memref<64x128xf32, #tpu.memory_space<vmem>>) target_semaphore(%run_scoped3A : memref<!tpu.dma_semaphore, #tpu.memory_space<semaphore_mem>>)
      %dma_wait3A_337 = arith.constant 0 : i32
      %dma_wait3A_338 = tpu.memref_slice %arg10[%add3A_157, %dma_wait3A_337] : memref<5376x128xf32, #tpu.memory_space<vmem_shared>> -> memref<64x128xf32, #tpu.memory_space<vmem_shared>>
      %dma_wait3A_339 = arith.constant 0 : i32
      %dma_wait3A_340 = tpu.memref_slice %arg10[%add3A_157, %dma_wait3A_339] : memref<5376x128xf32, #tpu.memory_space<vmem_shared>> -> memref<64x128xf32, #tpu.memory_space<vmem_shared>>
      tpu.wait_dma2 semaphore(%run_scoped3A : memref<!tpu.dma_semaphore, #tpu.memory_space<semaphore_mem>>) src(%dma_wait3A_340 : memref<64x128xf32, #tpu.memory_space<vmem_shared>>) dst(%arg9 : memref<64x128xf32, #tpu.memory_space<vmem>>)
      tpu.yield
    }) : () -> ()
    %scan3A_158 = arith.constant 0 : i32
    %scan3A_159 = arith.constant 64 : i32
    %scan3A_160 = arith.addi %scan3A_158, %scan3A_159 : i32
    %scan3A_161 = arith.constant 1 : i32
    scf.for %scan3A_333 = %scan3A_158 to %scan3A_160 step %scan3A_161  : i32 {
      %get3A = arith.index_cast %scan3A_333 : i32 to index
      %get3A_334 = arith.constant 0 : index
      %get3A_335 = tpu.vector_load %arg9[%get3A, %get3A_334] {strides = array<i32>} : memref<64x128xf32, #tpu.memory_space<vmem>>, vector<1x16xf32>,
      %get3A_336 = vector.shape_cast %get3A_335 : vector<1x16xf32> to vector<16xf32>
      %max3A = arith.constant 0.000000e+00 : f32
      %max3A_337 = vector.broadcast %max3A : f32 to vector<16xf32>
      %max3A_338 = arith.maximumf %get3A_336, %max3A_337 : vector<16xf32>
      %swap3A = arith.index_cast %scan3A_333 : i32 to index
      %swap3A_339 = arith.constant 0 : index
      %swap3A_340 = tpu.vector_load %arg9[%swap3A, %swap3A_339] {strides = array<i32>} : memref<64x128xf32, #tpu.memory_space<vmem>>, vector<1x16xf32>,
      %swap3A_341 = vector.shape_cast %swap3A_340 : vector<1x16xf32> to vector<16xf32>
      %swap3A_342 = vector.shape_cast %max3A_338 : vector<16xf32> to vector<1x16xf32>
      tpu.vector_store %arg9[%swap3A, %swap3A_339], %swap3A_342 {strides = array<i32>} : memref<64x128xf32, #tpu.memory_space<vmem>>, vector<1x16xf32>,
      %get3A_343 = arith.index_cast %scan3A_333 : i32 to index
      %get3A_344 = arith.constant 16 : index
      %get3A_345 = tpu.vector_load %arg9[%get3A_343, %get3A_344] {strides = array<i32>} : memref<64x128xf32, #tpu.memory_space<vmem>>, vector<1x16xf32>,
      %get3A_346 = vector.shape_cast %get3A_345 : vector<1x16xf32> to vector<16xf32>
      %max3A_347 = arith.constant 0.000000e+00 : f32
      %max3A_348 = vector.broadcast %max3A_347 : f32 to vector<16xf32>
      %max3A_349 = arith.maximumf %get3A_346, %max3A_348 : vector<16xf32>
      %swap3A_350 = arith.index_cast %scan3A_333 : i32 to index
      %swap3A_351 = arith.constant 16 : index
      %swap3A_352 = tpu.vector_load %arg9[%swap3A_350, %swap3A_351] {strides = array<i32>} : memref<64x128xf32, #tpu.memory_space<vmem>>, vector<1x16xf32>,
      %swap3A_353 = vector.shape_cast %swap3A_352 : vector<1x16xf32> to vector<16xf32>
      %swap3A_354 = vector.shape_cast %max3A_349 : vector<16xf32> to vector<1x16xf32>
      tpu.vector_store %arg9[%swap3A_350, %swap3A_351], %swap3A_354 {strides = array<i32>} : memref<64x128xf32, #tpu.memory_space<vmem>>, vector<1x16xf32>,
      %get3A_355 = arith.index_cast %scan3A_333 : i32 to index
      %get3A_356 = arith.constant 32 : index
      %get3A_357 = tpu.vector_load %arg9[%get3A_355, %get3A_356] {strides = array<i32>} : memref<64x128xf32, #tpu.memory_space<vmem>>, vector<1x16xf32>,
      %get3A_358 = vector.shape_cast %get3A_357 : vector<1x16xf32> to vector<16xf32>
      %max3A_359 = arith.constant 0.000000e+00 : f32
      %max3A_360 = vector.broadcast %max3A_359 : f32 to vector<16xf32>
      %max3A_361 = arith.maximumf %get3A_358, %max3A_360 : vector<16xf32>
      %swap3A_362 = arith.index_cast %scan3A_333 : i32 to index
      %swap3A_363 = arith.constant 32 : index
      %swap3A_364 = tpu.vector_load %arg9[%swap3A_362, %swap3A_363] {strides = array<i32>} : memref<64x128xf32, #tpu.memory_space<vmem>>, vector<1x16xf32>,
      %swap3A_365 = vector.shape_cast %swap3A_364 : vector<1x16xf32> to vector<16xf32>
      %swap3A_366 = vector.shape_cast %max3A_361 : vector<16xf32> to vector<1x16xf32>
      tpu.vector_store %arg9[%swap3A_362, %swap3A_363], %swap3A_366 {strides = array<i32>} : memref<64x128xf32, #tpu.memory_space<vmem>>, vector<1x16xf32>,
      %get3A_367 = arith.index_cast %scan3A_333 : i32 to index
      %get3A_368 = arith.constant 48 : index
      %get3A_369 = tpu.vector_load %arg9[%get3A_367, %get3A_368] {strides = array<i32>} : memref<64x128xf32, #tpu.memory_space<vmem>>, vector<1x16xf32>,
      %get3A_370 = vector.shape_cast %get3A_369 : vector<1x16xf32> to vector<16xf32>
      %max3A_371 = arith.constant 0.000000e+00 : f32
      %max3A_372 = vector.broadcast %max3A_371 : f32 to vector<16xf32>
      %max3A_373 = arith.maximumf %get3A_370, %max3A_372 : vector<16xf32>
      %swap3A_374 = arith.index_cast %scan3A_333 : i32 to index
      %swap3A_375 = arith.constant 48 : index
      %swap3A_376 = tpu.vector_load %arg9[%swap3A_374, %swap3A_375] {strides = array<i32>} : memref<64x128xf32, #tpu.memory_space<vmem>>, vector<1x16xf32>,
      %swap3A_377 = vector.shape_cast %swap3A_376 : vector<1x16xf32> to vector<16xf32>
      %swap3A_378 = vector.shape_cast %max3A_373 : vector<16xf32> to vector<1x16xf32>
      tpu.vector_store %arg9[%swap3A_374, %swap3A_375], %swap3A_378 {strides = array<i32>} : memref<64x128xf32, #tpu.memory_space<vmem>>, vector<1x16xf32>,
      %get3A_379 = arith.index_cast %scan3A_333 : i32 to index
      %get3A_380 = arith.constant 64 : index
      %get3A_381 = tpu.vector_load %arg9[%get3A_379, %get3A_380] {strides = array<i32>} : memref<64x128xf32, #tpu.memory_space<vmem>>, vector<1x16xf32>,
      %get3A_382 = vector.shape_cast %get3A_381 : vector<1x16xf32> to vector<16xf32>
      %max3A_383 = arith.constant 0.000000e+00 : f32
      %max3A_384 = vector.broadcast %max3A_383 : f32 to vector<16xf32>
      %max3A_385 = arith.maximumf %get3A_382, %max3A_384 : vector<16xf32>
      %swap3A_386 = arith.index_cast %scan3A_333 : i32 to index
      %swap3A_387 = arith.constant 64 : index
      %swap3A_388 = tpu.vector_load %arg9[%swap3A_386, %swap3A_387] {strides = array<i32>} : memref<64x128xf32, #tpu.memory_space<vmem>>, vector<1x16xf32>,
      %swap3A_389 = vector.shape_cast %swap3A_388 : vector<1x16xf32> to vector<16xf32>
      %swap3A_390 = vector.shape_cast %max3A_385 : vector<16xf32> to vector<1x16xf32>
      tpu.vector_store %arg9[%swap3A_386, %swap3A_387], %swap3A_390 {strides = array<i32>} : memref<64x128xf32, #tpu.memory_space<vmem>>, vector<1x16xf32>,
      %get3A_391 = arith.index_cast %scan3A_333 : i32 to index
      %get3A_392 = arith.constant 80 : index
      %get3A_393 = tpu.vector_load %arg9[%get3A_391, %get3A_392] {strides = array<i32>} : memref<64x128xf32, #tpu.memory_space<vmem>>, vector<1x16xf32>,
      %get3A_394 = vector.shape_cast %get3A_393 : vector<1x16xf32> to vector<16xf32>
      %max3A_395 = arith.constant 0.000000e+00 : f32
      %max3A_396 = vector.broadcast %max3A_395 : f32 to vector<16xf32>
      %max3A_397 = arith.maximumf %get3A_394, %max3A_396 : vector<16xf32>
      %swap3A_398 = arith.index_cast %scan3A_333 : i32 to index
      %swap3A_399 = arith.constant 80 : index
      %swap3A_400 = tpu.vector_load %arg9[%swap3A_398, %swap3A_399] {strides = array<i32>} : memref<64x128xf32, #tpu.memory_space<vmem>>, vector<1x16xf32>,
      %swap3A_401 = vector.shape_cast %swap3A_400 : vector<1x16xf32> to vector<16xf32>
      %swap3A_402 = vector.shape_cast %max3A_397 : vector<16xf32> to vector<1x16xf32>
      tpu.vector_store %arg9[%swap3A_398, %swap3A_399], %swap3A_402 {strides = array<i32>} : memref<64x128xf32, #tpu.memory_space<vmem>>, vector<1x16xf32>,
      %get3A_403 = arith.index_cast %scan3A_333 : i32 to index
      %get3A_404 = arith.constant 96 : index
      %get3A_405 = tpu.vector_load %arg9[%get3A_403, %get3A_404] {strides = array<i32>} : memref<64x128xf32, #tpu.memory_space<vmem>>, vector<1x16xf32>,
      %get3A_406 = vector.shape_cast %get3A_405 : vector<1x16xf32> to vector<16xf32>
      %max3A_407 = arith.constant 0.000000e+00 : f32
      %max3A_408 = vector.broadcast %max3A_407 : f32 to vector<16xf32>
      %max3A_409 = arith.maximumf %get3A_406, %max3A_408 : vector<16xf32>
      %swap3A_410 = arith.index_cast %scan3A_333 : i32 to index
      %swap3A_411 = arith.constant 96 : index
      %swap3A_412 = tpu.vector_load %arg9[%swap3A_410, %swap3A_411] {strides = array<i32>} : memref<64x128xf32, #tpu.memory_space<vmem>>, vector<1x16xf32>,
      %swap3A_413 = vector.shape_cast %swap3A_412 : vector<1x16xf32> to vector<16xf32>
      %swap3A_414 = vector.shape_cast %max3A_409 : vector<16xf32> to vector<1x16xf32>
      tpu.vector_store %arg9[%swap3A_410, %swap3A_411], %swap3A_414 {strides = array<i32>} : memref<64x128xf32, #tpu.memory_space<vmem>>, vector<1x16xf32>,
      %get3A_415 = arith.index_cast %scan3A_333 : i32 to index
      %get3A_416 = arith.constant 112 : index
      %get3A_417 = tpu.vector_load %arg9[%get3A_415, %get3A_416] {strides = array<i32>} : memref<64x128xf32, #tpu.memory_space<vmem>>, vector<1x16xf32>,
      %get3A_418 = vector.shape_cast %get3A_417 : vector<1x16xf32> to vector<16xf32>
      %max3A_419 = arith.constant 0.000000e+00 : f32
      %max3A_420 = vector.broadcast %max3A_419 : f32 to vector<16xf32>
      %max3A_421 = arith.maximumf %get3A_418, %max3A_420 : vector<16xf32>
      %swap3A_422 = arith.index_cast %scan3A_333 : i32 to index
      %swap3A_423 = arith.constant 112 : index
      %swap3A_424 = tpu.vector_load %arg9[%swap3A_422, %swap3A_423] {strides = array<i32>} : memref<64x128xf32, #tpu.memory_space<vmem>>, vector<1x16xf32>,
      %swap3A_425 = vector.shape_cast %swap3A_424 : vector<1x16xf32> to vector<16xf32>
      %swap3A_426 = vector.shape_cast %max3A_421 : vector<16xf32> to vector<1x16xf32>
      tpu.vector_store %arg9[%swap3A_422, %swap3A_423], %swap3A_426 {strides = array<i32>} : memref<64x128xf32, #tpu.memory_space<vmem>>, vector<1x16xf32>,
    }
    %scan3A_162 = arith.constant 64 : i32
    %add3A_163 = arith.constant 0 : i32
    %add3A_164 = arith.addi %add3A_163, %add3A_157 : i32
    %mul3A_165 = arith.constant 128 : i32
    %mul3A_166 = arith.muli %arg0, %mul3A_165 : i32
    "tpu.region"() ({
      %run_scoped3A = tpu.sem_alloc : memref<!tpu.dma_semaphore, #tpu.memory_space<semaphore_mem>>
      %dma_start3A_333 = tpu.memref_slice %arg5[%add3A_164, %mul3A_166] : memref<10240x256xf32, #tpu.memory_space<hbm>> -> memref<64x128xf32, #tpu.memory_space<hbm>>
      %dma_start3A_334 = tpu.memref_slice %arg5[%add3A_164, %mul3A_166] : memref<10240x256xf32, #tpu.memory_space<hbm>> -> memref<64x128xf32, #tpu.memory_space<hbm>>
      tpu.enqueue_dma source(%arg9 : memref<64x128xf32, #tpu.memory_space<vmem>>) target(%dma_start3A_334 : memref<64x128xf32, #tpu.memory_space<hbm>>) target_semaphore(%run_scoped3A : memref<!tpu.dma_semaphore, #tpu.memory_space<semaphore_mem>>)
      %dma_wait3A_335 = tpu.memref_slice %arg5[%add3A_164, %mul3A_166] : memref<10240x256xf32, #tpu.memory_space<hbm>> -> memref<64x128xf32, #tpu.memory_space<hbm>>
      %dma_wait3A_336 = tpu.memref_slice %arg5[%add3A_164, %mul3A_166] : memref<10240x256xf32, #tpu.memory_space<hbm>> -> memref<64x128xf32, #tpu.memory_space<hbm>>
      tpu.wait_dma2 semaphore(%run_scoped3A : memref<!tpu.dma_semaphore, #tpu.memory_space<semaphore_mem>>) src(%arg9 : memref<64x128xf32, #tpu.memory_space<vmem>>) dst(%dma_wait3A_336 : memref<64x128xf32, #tpu.memory_space<hbm>>)
      tpu.yield
    }) : () -> ()
    %barrier3A_167 = arith.constant 0 : index
    tpu.barrier barrier_id(%barrier3A_167)
    "tpu.region"() ({
      %run_scoped3A = tpu.sem_alloc : memref<!tpu.dma_semaphore, #tpu.memory_space<semaphore_mem>>
      %dma_start3A_333 = arith.constant 0 : i32
      %dma_start3A_334 = arith.constant 0 : i32
      %dma_start3A_335 = tpu.memref_slice %arg4[%arg1, %dma_start3A_333, %dma_start3A_334] : memref<16x79x128xi32, #tpu.memory_space<hbm>> -> memref<1x79x128xi32, #tpu.memory_space<hbm>>
      %dma_start3A_336 = tpu.memref_squeeze %dma_start3A_335 : memref<1x79x128xi32, #tpu.memory_space<hbm>> -> memref<79x128xi32, #tpu.memory_space<hbm>>
      %dma_start3A_337 = arith.constant 0 : i32
      %dma_start3A_338 = arith.constant 0 : i32
      %dma_start3A_339 = tpu.memref_slice %arg4[%arg1, %dma_start3A_337, %dma_start3A_338] : memref<16x79x128xi32, #tpu.memory_space<hbm>> -> memref<1x79x128xi32, #tpu.memory_space<hbm>>
      %dma_start3A_340 = tpu.memref_squeeze %dma_start3A_339 : memref<1x79x128xi32, #tpu.memory_space<hbm>> -> memref<79x128xi32, #tpu.memory_space<hbm>>
      tpu.enqueue_dma source(%dma_start3A_340 : memref<79x128xi32, #tpu.memory_space<hbm>>) target(%arg7 : memref<79x128xi32, #tpu.memory_space<vmem>>) target_semaphore(%run_scoped3A : memref<!tpu.dma_semaphore, #tpu.memory_space<semaphore_mem>>)
      %dma_wait3A_341 = arith.constant 0 : i32
      %dma_wait3A_342 = arith.constant 0 : i32
      %dma_wait3A_343 = tpu.memref_slice %arg4[%arg1, %dma_wait3A_341, %dma_wait3A_342] : memref<16x79x128xi32, #tpu.memory_space<hbm>> -> memref<1x79x128xi32, #tpu.memory_space<hbm>>
      %dma_wait3A_344 = tpu.memref_squeeze %dma_wait3A_343 : memref<1x79x128xi32, #tpu.memory_space<hbm>> -> memref<79x128xi32, #tpu.memory_space<hbm>>
      %dma_wait3A_345 = arith.constant 0 : i32
      %dma_wait3A_346 = arith.constant 0 : i32
      %dma_wait3A_347 = tpu.memref_slice %arg4[%arg1, %dma_wait3A_345, %dma_wait3A_346] : memref<16x79x128xi32, #tpu.memory_space<hbm>> -> memref<1x79x128xi32, #tpu.memory_space<hbm>>
      %dma_wait3A_348 = tpu.memref_squeeze %dma_wait3A_347 : memref<1x79x128xi32, #tpu.memory_space<hbm>> -> memref<79x128xi32, #tpu.memory_space<hbm>>
      tpu.wait_dma2 semaphore(%run_scoped3A : memref<!tpu.dma_semaphore, #tpu.memory_space<semaphore_mem>>) src(%dma_wait3A_348 : memref<79x128xi32, #tpu.memory_space<hbm>>) dst(%arg7 : memref<79x128xi32, #tpu.memory_space<vmem>>)
      tpu.yield
    }) : () -> ()
    %scan3A_168 = arith.constant 5120 : i32
    %scan3A_169 = arith.constant 0 : i32
    %scan3A_170 = arith.constant 79 : i32
    %scan3A_171 = arith.addi %scan3A_169, %scan3A_170 : i32
    %scan3A_172 = arith.constant 1 : i32
    scf.for %scan3A_333 = %scan3A_169 to %scan3A_171 step %scan3A_172  : i32 {
      %get3A = arith.index_cast %scan3A_333 : i32 to index
      %get3A_334 = arith.constant 0 : index
      %get3A_335 = tpu.vector_load %arg7[%get3A, %get3A_334] {strides = array<i32>} : memref<79x128xi32, #tpu.memory_space<vmem>>, vector<1x16xi32>,
      %get3A_336 = vector.shape_cast %get3A_335 : vector<1x16xi32> to vector<16xi32>
      %sub3A = vector.broadcast %scan3A_168 : i32 to vector<16xi32>
      %sub3A_337 = arith.subi %get3A_336, %sub3A : vector<16xi32>
      %ge3A = arith.constant 0 : i32
      %ge3A_338 = vector.broadcast %ge3A : i32 to vector<16xi32>
      %ge3A_339 = arith.cmpi sge, %sub3A_337, %ge3A_338 : vector<16xi32>
      %lt3A = arith.constant 5120 : i32
      %lt3A_340 = vector.broadcast %lt3A : i32 to vector<16xi32>
      %lt3A_341 = arith.cmpi slt, %sub3A_337, %lt3A_340 : vector<16xi32>
      %and3A = arith.andi %ge3A_339, %lt3A_341 : vector<16xi1>
      %and3A_342 = arith.constant 255 : i32
      %and3A_343 = vector.broadcast %and3A_342 : i32 to vector<16xi32>
      %and3A_344 = arith.andi %sub3A_337, %and3A_343 : vector<16xi32>
      %add3A_345 = arith.constant 5120 : i32
      %add3A_346 = vector.broadcast %add3A_345 : i32 to vector<16xi32>
      %add3A_347 = arith.addi %add3A_346, %and3A_344 : vector<16xi32>
      %select_n3A = arith.select %and3A, %sub3A_337, %add3A_347 : vector<16xi1>, vector<16xi32>
      %swap3A = arith.index_cast %scan3A_333 : i32 to index
      %swap3A_348 = arith.constant 0 : index
      %swap3A_349 = tpu.vector_load %arg7[%swap3A, %swap3A_348] {strides = array<i32>} : memref<79x128xi32, #tpu.memory_space<vmem>>, vector<1x16xi32>,
      %swap3A_350 = vector.shape_cast %swap3A_349 : vector<1x16xi32> to vector<16xi32>
      %swap3A_351 = vector.shape_cast %select_n3A : vector<16xi32> to vector<1x16xi32>
      tpu.vector_store %arg7[%swap3A, %swap3A_348], %swap3A_351 {strides = array<i32>} : memref<79x128xi32, #tpu.memory_space<vmem>>, vector<1x16xi32>,
      %get3A_352 = arith.index_cast %scan3A_333 : i32 to index
      %get3A_353 = arith.constant 16 : index
      %get3A_354 = tpu.vector_load %arg7[%get3A_352, %get3A_353] {strides = array<i32>} : memref<79x128xi32, #tpu.memory_space<vmem>>, vector<1x16xi32>,
      %get3A_355 = vector.shape_cast %get3A_354 : vector<1x16xi32> to vector<16xi32>
      %sub3A_356 = vector.broadcast %scan3A_168 : i32 to vector<16xi32>
      %sub3A_357 = arith.subi %get3A_355, %sub3A_356 : vector<16xi32>
      %ge3A_358 = arith.constant 0 : i32
      %ge3A_359 = vector.broadcast %ge3A_358 : i32 to vector<16xi32>
      %ge3A_360 = arith.cmpi sge, %sub3A_357, %ge3A_359 : vector<16xi32>
      %lt3A_361 = arith.constant 5120 : i32
      %lt3A_362 = vector.broadcast %lt3A_361 : i32 to vector<16xi32>
      %lt3A_363 = arith.cmpi slt, %sub3A_357, %lt3A_362 : vector<16xi32>
      %and3A_364 = arith.andi %ge3A_360, %lt3A_363 : vector<16xi1>
      %and3A_365 = arith.constant 255 : i32
      %and3A_366 = vector.broadcast %and3A_365 : i32 to vector<16xi32>
      %and3A_367 = arith.andi %sub3A_357, %and3A_366 : vector<16xi32>
      %add3A_368 = arith.constant 5120 : i32
      %add3A_369 = vector.broadcast %add3A_368 : i32 to vector<16xi32>
      %add3A_370 = arith.addi %add3A_369, %and3A_367 : vector<16xi32>
      %select_n3A_371 = arith.select %and3A_364, %sub3A_357, %add3A_370 : vector<16xi1>, vector<16xi32>
      %swap3A_372 = arith.index_cast %scan3A_333 : i32 to index
      %swap3A_373 = arith.constant 16 : index
      %swap3A_374 = tpu.vector_load %arg7[%swap3A_372, %swap3A_373] {strides = array<i32>} : memref<79x128xi32, #tpu.memory_space<vmem>>, vector<1x16xi32>,
      %swap3A_375 = vector.shape_cast %swap3A_374 : vector<1x16xi32> to vector<16xi32>
      %swap3A_376 = vector.shape_cast %select_n3A_371 : vector<16xi32> to vector<1x16xi32>
      tpu.vector_store %arg7[%swap3A_372, %swap3A_373], %swap3A_376 {strides = array<i32>} : memref<79x128xi32, #tpu.memory_space<vmem>>, vector<1x16xi32>,
      %get3A_377 = arith.index_cast %scan3A_333 : i32 to index
      %get3A_378 = arith.constant 32 : index
      %get3A_379 = tpu.vector_load %arg7[%get3A_377, %get3A_378] {strides = array<i32>} : memref<79x128xi32, #tpu.memory_space<vmem>>, vector<1x16xi32>,
      %get3A_380 = vector.shape_cast %get3A_379 : vector<1x16xi32> to vector<16xi32>
      %sub3A_381 = vector.broadcast %scan3A_168 : i32 to vector<16xi32>
      %sub3A_382 = arith.subi %get3A_380, %sub3A_381 : vector<16xi32>
      %ge3A_383 = arith.constant 0 : i32
      %ge3A_384 = vector.broadcast %ge3A_383 : i32 to vector<16xi32>
      %ge3A_385 = arith.cmpi sge, %sub3A_382, %ge3A_384 : vector<16xi32>
      %lt3A_386 = arith.constant 5120 : i32
      %lt3A_387 = vector.broadcast %lt3A_386 : i32 to vector<16xi32>
      %lt3A_388 = arith.cmpi slt, %sub3A_382, %lt3A_387 : vector<16xi32>
      %and3A_389 = arith.andi %ge3A_385, %lt3A_388 : vector<16xi1>
      %and3A_390 = arith.constant 255 : i32
      %and3A_391 = vector.broadcast %and3A_390 : i32 to vector<16xi32>
      %and3A_392 = arith.andi %sub3A_382, %and3A_391 : vector<16xi32>
      %add3A_393 = arith.constant 5120 : i32
      %add3A_394 = vector.broadcast %add3A_393 : i32 to vector<16xi32>
      %add3A_395 = arith.addi %add3A_394, %and3A_392 : vector<16xi32>
      %select_n3A_396 = arith.select %and3A_389, %sub3A_382, %add3A_395 : vector<16xi1>, vector<16xi32>
      %swap3A_397 = arith.index_cast %scan3A_333 : i32 to index
      %swap3A_398 = arith.constant 32 : index
      %swap3A_399 = tpu.vector_load %arg7[%swap3A_397, %swap3A_398] {strides = array<i32>} : memref<79x128xi32, #tpu.memory_space<vmem>>, vector<1x16xi32>,
      %swap3A_400 = vector.shape_cast %swap3A_399 : vector<1x16xi32> to vector<16xi32>
      %swap3A_401 = vector.shape_cast %select_n3A_396 : vector<16xi32> to vector<1x16xi32>
      tpu.vector_store %arg7[%swap3A_397, %swap3A_398], %swap3A_401 {strides = array<i32>} : memref<79x128xi32, #tpu.memory_space<vmem>>, vector<1x16xi32>,
      %get3A_402 = arith.index_cast %scan3A_333 : i32 to index
      %get3A_403 = arith.constant 48 : index
      %get3A_404 = tpu.vector_load %arg7[%get3A_402, %get3A_403] {strides = array<i32>} : memref<79x128xi32, #tpu.memory_space<vmem>>, vector<1x16xi32>,
      %get3A_405 = vector.shape_cast %get3A_404 : vector<1x16xi32> to vector<16xi32>
      %sub3A_406 = vector.broadcast %scan3A_168 : i32 to vector<16xi32>
      %sub3A_407 = arith.subi %get3A_405, %sub3A_406 : vector<16xi32>
      %ge3A_408 = arith.constant 0 : i32
      %ge3A_409 = vector.broadcast %ge3A_408 : i32 to vector<16xi32>
      %ge3A_410 = arith.cmpi sge, %sub3A_407, %ge3A_409 : vector<16xi32>
      %lt3A_411 = arith.constant 5120 : i32
      %lt3A_412 = vector.broadcast %lt3A_411 : i32 to vector<16xi32>
      %lt3A_413 = arith.cmpi slt, %sub3A_407, %lt3A_412 : vector<16xi32>
      %and3A_414 = arith.andi %ge3A_410, %lt3A_413 : vector<16xi1>
      %and3A_415 = arith.constant 255 : i32
      %and3A_416 = vector.broadcast %and3A_415 : i32 to vector<16xi32>
      %and3A_417 = arith.andi %sub3A_407, %and3A_416 : vector<16xi32>
      %add3A_418 = arith.constant 5120 : i32
      %add3A_419 = vector.broadcast %add3A_418 : i32 to vector<16xi32>
      %add3A_420 = arith.addi %add3A_419, %and3A_417 : vector<16xi32>
      %select_n3A_421 = arith.select %and3A_414, %sub3A_407, %add3A_420 : vector<16xi1>, vector<16xi32>
      %swap3A_422 = arith.index_cast %scan3A_333 : i32 to index
      %swap3A_423 = arith.constant 48 : index
      %swap3A_424 = tpu.vector_load %arg7[%swap3A_422, %swap3A_423] {strides = array<i32>} : memref<79x128xi32, #tpu.memory_space<vmem>>, vector<1x16xi32>,
      %swap3A_425 = vector.shape_cast %swap3A_424 : vector<1x16xi32> to vector<16xi32>
      %swap3A_426 = vector.shape_cast %select_n3A_421 : vector<16xi32> to vector<1x16xi32>
      tpu.vector_store %arg7[%swap3A_422, %swap3A_423], %swap3A_426 {strides = array<i32>} : memref<79x128xi32, #tpu.memory_space<vmem>>, vector<1x16xi32>,
      %get3A_427 = arith.index_cast %scan3A_333 : i32 to index
      %get3A_428 = arith.constant 64 : index
      %get3A_429 = tpu.vector_load %arg7[%get3A_427, %get3A_428] {strides = array<i32>} : memref<79x128xi32, #tpu.memory_space<vmem>>, vector<1x16xi32>,
      %get3A_430 = vector.shape_cast %get3A_429 : vector<1x16xi32> to vector<16xi32>
      %sub3A_431 = vector.broadcast %scan3A_168 : i32 to vector<16xi32>
      %sub3A_432 = arith.subi %get3A_430, %sub3A_431 : vector<16xi32>
      %ge3A_433 = arith.constant 0 : i32
      %ge3A_434 = vector.broadcast %ge3A_433 : i32 to vector<16xi32>
      %ge3A_435 = arith.cmpi sge, %sub3A_432, %ge3A_434 : vector<16xi32>
      %lt3A_436 = arith.constant 5120 : i32
      %lt3A_437 = vector.broadcast %lt3A_436 : i32 to vector<16xi32>
      %lt3A_438 = arith.cmpi slt, %sub3A_432, %lt3A_437 : vector<16xi32>
      %and3A_439 = arith.andi %ge3A_435, %lt3A_438 : vector<16xi1>
      %and3A_440 = arith.constant 255 : i32
      %and3A_441 = vector.broadcast %and3A_440 : i32 to vector<16xi32>
      %and3A_442 = arith.andi %sub3A_432, %and3A_441 : vector<16xi32>
      %add3A_443 = arith.constant 5120 : i32
      %add3A_444 = vector.broadcast %add3A_443 : i32 to vector<16xi32>
      %add3A_445 = arith.addi %add3A_444, %and3A_442 : vector<16xi32>
      %select_n3A_446 = arith.select %and3A_439, %sub3A_432, %add3A_445 : vector<16xi1>, vector<16xi32>
      %swap3A_447 = arith.index_cast %scan3A_333 : i32 to index
      %swap3A_448 = arith.constant 64 : index
      %swap3A_449 = tpu.vector_load %arg7[%swap3A_447, %swap3A_448] {strides = array<i32>} : memref<79x128xi32, #tpu.memory_space<vmem>>, vector<1x16xi32>,
      %swap3A_450 = vector.shape_cast %swap3A_449 : vector<1x16xi32> to vector<16xi32>
      %swap3A_451 = vector.shape_cast %select_n3A_446 : vector<16xi32> to vector<1x16xi32>
      tpu.vector_store %arg7[%swap3A_447, %swap3A_448], %swap3A_451 {strides = array<i32>} : memref<79x128xi32, #tpu.memory_space<vmem>>, vector<1x16xi32>,
      %get3A_452 = arith.index_cast %scan3A_333 : i32 to index
      %get3A_453 = arith.constant 80 : index
      %get3A_454 = tpu.vector_load %arg7[%get3A_452, %get3A_453] {strides = array<i32>} : memref<79x128xi32, #tpu.memory_space<vmem>>, vector<1x16xi32>,
      %get3A_455 = vector.shape_cast %get3A_454 : vector<1x16xi32> to vector<16xi32>
      %sub3A_456 = vector.broadcast %scan3A_168 : i32 to vector<16xi32>
      %sub3A_457 = arith.subi %get3A_455, %sub3A_456 : vector<16xi32>
      %ge3A_458 = arith.constant 0 : i32
      %ge3A_459 = vector.broadcast %ge3A_458 : i32 to vector<16xi32>
      %ge3A_460 = arith.cmpi sge, %sub3A_457, %ge3A_459 : vector<16xi32>
      %lt3A_461 = arith.constant 5120 : i32
      %lt3A_462 = vector.broadcast %lt3A_461 : i32 to vector<16xi32>
      %lt3A_463 = arith.cmpi slt, %sub3A_457, %lt3A_462 : vector<16xi32>
      %and3A_464 = arith.andi %ge3A_460, %lt3A_463 : vector<16xi1>
      %and3A_465 = arith.constant 255 : i32
      %and3A_466 = vector.broadcast %and3A_465 : i32 to vector<16xi32>
      %and3A_467 = arith.andi %sub3A_457, %and3A_466 : vector<16xi32>
      %add3A_468 = arith.constant 5120 : i32
      %add3A_469 = vector.broadcast %add3A_468 : i32 to vector<16xi32>
      %add3A_470 = arith.addi %add3A_469, %and3A_467 : vector<16xi32>
      %select_n3A_471 = arith.select %and3A_464, %sub3A_457, %add3A_470 : vector<16xi1>, vector<16xi32>
      %swap3A_472 = arith.index_cast %scan3A_333 : i32 to index
      %swap3A_473 = arith.constant 80 : index
      %swap3A_474 = tpu.vector_load %arg7[%swap3A_472, %swap3A_473] {strides = array<i32>} : memref<79x128xi32, #tpu.memory_space<vmem>>, vector<1x16xi32>,
      %swap3A_475 = vector.shape_cast %swap3A_474 : vector<1x16xi32> to vector<16xi32>
      %swap3A_476 = vector.shape_cast %select_n3A_471 : vector<16xi32> to vector<1x16xi32>
      tpu.vector_store %arg7[%swap3A_472, %swap3A_473], %swap3A_476 {strides = array<i32>} : memref<79x128xi32, #tpu.memory_space<vmem>>, vector<1x16xi32>,
      %get3A_477 = arith.index_cast %scan3A_333 : i32 to index
      %get3A_478 = arith.constant 96 : index
      %get3A_479 = tpu.vector_load %arg7[%get3A_477, %get3A_478] {strides = array<i32>} : memref<79x128xi32, #tpu.memory_space<vmem>>, vector<1x16xi32>,
      %get3A_480 = vector.shape_cast %get3A_479 : vector<1x16xi32> to vector<16xi32>
      %sub3A_481 = vector.broadcast %scan3A_168 : i32 to vector<16xi32>
      %sub3A_482 = arith.subi %get3A_480, %sub3A_481 : vector<16xi32>
      %ge3A_483 = arith.constant 0 : i32
      %ge3A_484 = vector.broadcast %ge3A_483 : i32 to vector<16xi32>
      %ge3A_485 = arith.cmpi sge, %sub3A_482, %ge3A_484 : vector<16xi32>
      %lt3A_486 = arith.constant 5120 : i32
      %lt3A_487 = vector.broadcast %lt3A_486 : i32 to vector<16xi32>
      %lt3A_488 = arith.cmpi slt, %sub3A_482, %lt3A_487 : vector<16xi32>
      %and3A_489 = arith.andi %ge3A_485, %lt3A_488 : vector<16xi1>
      %and3A_490 = arith.constant 255 : i32
      %and3A_491 = vector.broadcast %and3A_490 : i32 to vector<16xi32>
      %and3A_492 = arith.andi %sub3A_482, %and3A_491 : vector<16xi32>
      %add3A_493 = arith.constant 5120 : i32
      %add3A_494 = vector.broadcast %add3A_493 : i32 to vector<16xi32>
      %add3A_495 = arith.addi %add3A_494, %and3A_492 : vector<16xi32>
      %select_n3A_496 = arith.select %and3A_489, %sub3A_482, %add3A_495 : vector<16xi1>, vector<16xi32>
      %swap3A_497 = arith.index_cast %scan3A_333 : i32 to index
      %swap3A_498 = arith.constant 96 : index
      %swap3A_499 = tpu.vector_load %arg7[%swap3A_497, %swap3A_498] {strides = array<i32>} : memref<79x128xi32, #tpu.memory_space<vmem>>, vector<1x16xi32>,
      %swap3A_500 = vector.shape_cast %swap3A_499 : vector<1x16xi32> to vector<16xi32>
      %swap3A_501 = vector.shape_cast %select_n3A_496 : vector<16xi32> to vector<1x16xi32>
      tpu.vector_store %arg7[%swap3A_497, %swap3A_498], %swap3A_501 {strides = array<i32>} : memref<79x128xi32, #tpu.memory_space<vmem>>, vector<1x16xi32>,
      %get3A_502 = arith.index_cast %scan3A_333 : i32 to index
      %get3A_503 = arith.constant 112 : index
      %get3A_504 = tpu.vector_load %arg7[%get3A_502, %get3A_503] {strides = array<i32>} : memref<79x128xi32, #tpu.memory_space<vmem>>, vector<1x16xi32>,
      %get3A_505 = vector.shape_cast %get3A_504 : vector<1x16xi32> to vector<16xi32>
      %sub3A_506 = vector.broadcast %scan3A_168 : i32 to vector<16xi32>
      %sub3A_507 = arith.subi %get3A_505, %sub3A_506 : vector<16xi32>
      %ge3A_508 = arith.constant 0 : i32
      %ge3A_509 = vector.broadcast %ge3A_508 : i32 to vector<16xi32>
      %ge3A_510 = arith.cmpi sge, %sub3A_507, %ge3A_509 : vector<16xi32>
      %lt3A_511 = arith.constant 5120 : i32
      %lt3A_512 = vector.broadcast %lt3A_511 : i32 to vector<16xi32>
      %lt3A_513 = arith.cmpi slt, %sub3A_507, %lt3A_512 : vector<16xi32>
      %and3A_514 = arith.andi %ge3A_510, %lt3A_513 : vector<16xi1>
      %and3A_515 = arith.constant 255 : i32
      %and3A_516 = vector.broadcast %and3A_515 : i32 to vector<16xi32>
      %and3A_517 = arith.andi %sub3A_507, %and3A_516 : vector<16xi32>
      %add3A_518 = arith.constant 5120 : i32
      %add3A_519 = vector.broadcast %add3A_518 : i32 to vector<16xi32>
      %add3A_520 = arith.addi %add3A_519, %and3A_517 : vector<16xi32>
      %select_n3A_521 = arith.select %and3A_514, %sub3A_507, %add3A_520 : vector<16xi1>, vector<16xi32>
      %swap3A_522 = arith.index_cast %scan3A_333 : i32 to index
      %swap3A_523 = arith.constant 112 : index
      %swap3A_524 = tpu.vector_load %arg7[%swap3A_522, %swap3A_523] {strides = array<i32>} : memref<79x128xi32, #tpu.memory_space<vmem>>, vector<1x16xi32>,
      %swap3A_525 = vector.shape_cast %swap3A_524 : vector<1x16xi32> to vector<16xi32>
      %swap3A_526 = vector.shape_cast %select_n3A_521 : vector<16xi32> to vector<1x16xi32>
      tpu.vector_store %arg7[%swap3A_522, %swap3A_523], %swap3A_526 {strides = array<i32>} : memref<79x128xi32, #tpu.memory_space<vmem>>, vector<1x16xi32>,
    }
    %scan3A_173 = arith.constant 79 : i32
    %scan3A_174 = arith.constant 0 : i32
    %scan3A_175 = arith.constant 64 : i32
    %scan3A_176 = arith.addi %scan3A_174, %scan3A_175 : i32
    %scan3A_177 = arith.constant 1 : i32
    scf.for %scan3A_333 = %scan3A_174 to %scan3A_176 step %scan3A_177  : i32 {
      %swap3A = arith.index_cast %scan3A_333 : i32 to index
      %swap3A_334 = arith.constant 0 : index
      %swap3A_335 = tpu.vector_load %arg9[%swap3A, %swap3A_334] {strides = array<i32>} : memref<64x128xf32, #tpu.memory_space<vmem>>, vector<1x16xf32>,
      %swap3A_336 = vector.shape_cast %swap3A_335 : vector<1x16xf32> to vector<16xf32>
      %swap3A_337 = vector.shape_cast %broadcast_in_dim3A_0 : vector<16xf32> to vector<1x16xf32>
      tpu.vector_store %arg9[%swap3A, %swap3A_334], %swap3A_337 {strides = array<i32>} : memref<64x128xf32, #tpu.memory_space<vmem>>, vector<1x16xf32>,
      %swap3A_338 = arith.index_cast %scan3A_333 : i32 to index
      %swap3A_339 = arith.constant 16 : index
      %swap3A_340 = tpu.vector_load %arg9[%swap3A_338, %swap3A_339] {strides = array<i32>} : memref<64x128xf32, #tpu.memory_space<vmem>>, vector<1x16xf32>,
      %swap3A_341 = vector.shape_cast %swap3A_340 : vector<1x16xf32> to vector<16xf32>
      %swap3A_342 = vector.shape_cast %broadcast_in_dim3A_0 : vector<16xf32> to vector<1x16xf32>
      tpu.vector_store %arg9[%swap3A_338, %swap3A_339], %swap3A_342 {strides = array<i32>} : memref<64x128xf32, #tpu.memory_space<vmem>>, vector<1x16xf32>,
      %swap3A_343 = arith.index_cast %scan3A_333 : i32 to index
      %swap3A_344 = arith.constant 32 : index
      %swap3A_345 = tpu.vector_load %arg9[%swap3A_343, %swap3A_344] {strides = array<i32>} : memref<64x128xf32, #tpu.memory_space<vmem>>, vector<1x16xf32>,
      %swap3A_346 = vector.shape_cast %swap3A_345 : vector<1x16xf32> to vector<16xf32>
      %swap3A_347 = vector.shape_cast %broadcast_in_dim3A_0 : vector<16xf32> to vector<1x16xf32>
      tpu.vector_store %arg9[%swap3A_343, %swap3A_344], %swap3A_347 {strides = array<i32>} : memref<64x128xf32, #tpu.memory_space<vmem>>, vector<1x16xf32>,
      %swap3A_348 = arith.index_cast %scan3A_333 : i32 to index
      %swap3A_349 = arith.constant 48 : index
      %swap3A_350 = tpu.vector_load %arg9[%swap3A_348, %swap3A_349] {strides = array<i32>} : memref<64x128xf32, #tpu.memory_space<vmem>>, vector<1x16xf32>,
      %swap3A_351 = vector.shape_cast %swap3A_350 : vector<1x16xf32> to vector<16xf32>
      %swap3A_352 = vector.shape_cast %broadcast_in_dim3A_0 : vector<16xf32> to vector<1x16xf32>
      tpu.vector_store %arg9[%swap3A_348, %swap3A_349], %swap3A_352 {strides = array<i32>} : memref<64x128xf32, #tpu.memory_space<vmem>>, vector<1x16xf32>,
      %swap3A_353 = arith.index_cast %scan3A_333 : i32 to index
      %swap3A_354 = arith.constant 64 : index
      %swap3A_355 = tpu.vector_load %arg9[%swap3A_353, %swap3A_354] {strides = array<i32>} : memref<64x128xf32, #tpu.memory_space<vmem>>, vector<1x16xf32>,
      %swap3A_356 = vector.shape_cast %swap3A_355 : vector<1x16xf32> to vector<16xf32>
      %swap3A_357 = vector.shape_cast %broadcast_in_dim3A_0 : vector<16xf32> to vector<1x16xf32>
      tpu.vector_store %arg9[%swap3A_353, %swap3A_354], %swap3A_357 {strides = array<i32>} : memref<64x128xf32, #tpu.memory_space<vmem>>, vector<1x16xf32>,
      %swap3A_358 = arith.index_cast %scan3A_333 : i32 to index
      %swap3A_359 = arith.constant 80 : index
      %swap3A_360 = tpu.vector_load %arg9[%swap3A_358, %swap3A_359] {strides = array<i32>} : memref<64x128xf32, #tpu.memory_space<vmem>>, vector<1x16xf32>,
      %swap3A_361 = vector.shape_cast %swap3A_360 : vector<1x16xf32> to vector<16xf32>
      %swap3A_362 = vector.shape_cast %broadcast_in_dim3A_0 : vector<16xf32> to vector<1x16xf32>
      tpu.vector_store %arg9[%swap3A_358, %swap3A_359], %swap3A_362 {strides = array<i32>} : memref<64x128xf32, #tpu.memory_space<vmem>>, vector<1x16xf32>,
      %swap3A_363 = arith.index_cast %scan3A_333 : i32 to index
      %swap3A_364 = arith.constant 96 : index
      %swap3A_365 = tpu.vector_load %arg9[%swap3A_363, %swap3A_364] {strides = array<i32>} : memref<64x128xf32, #tpu.memory_space<vmem>>, vector<1x16xf32>,
      %swap3A_366 = vector.shape_cast %swap3A_365 : vector<1x16xf32> to vector<16xf32>
      %swap3A_367 = vector.shape_cast %broadcast_in_dim3A_0 : vector<16xf32> to vector<1x16xf32>
      tpu.vector_store %arg9[%swap3A_363, %swap3A_364], %swap3A_367 {strides = array<i32>} : memref<64x128xf32, #tpu.memory_space<vmem>>, vector<1x16xf32>,
      %swap3A_368 = arith.index_cast %scan3A_333 : i32 to index
      %swap3A_369 = arith.constant 112 : index
      %swap3A_370 = tpu.vector_load %arg9[%swap3A_368, %swap3A_369] {strides = array<i32>} : memref<64x128xf32, #tpu.memory_space<vmem>>, vector<1x16xf32>,
      %swap3A_371 = vector.shape_cast %swap3A_370 : vector<1x16xf32> to vector<16xf32>
      %swap3A_372 = vector.shape_cast %broadcast_in_dim3A_0 : vector<16xf32> to vector<1x16xf32>
      tpu.vector_store %arg9[%swap3A_368, %swap3A_369], %swap3A_372 {strides = array<i32>} : memref<64x128xf32, #tpu.memory_space<vmem>>, vector<1x16xf32>,
    }
    %scan3A_178 = arith.constant 64 : i32
    %mul3A_179 = arith.constant 320 : i32
    %mul3A_180 = arith.muli %arg1, %mul3A_179 : i32
    %add3A_181 = arith.constant 0 : i32
    %add3A_182 = arith.addi %mul3A_180, %add3A_181 : i32
    "tpu.region"() ({
      %run_scoped3A = tpu.sem_alloc : memref<!tpu.dma_semaphore, #tpu.memory_space<semaphore_mem>>
      %dma_start3A_333 = arith.constant 0 : i32
      %dma_start3A_334 = tpu.memref_slice %arg10[%add3A_182, %dma_start3A_333] : memref<5376x128xf32, #tpu.memory_space<vmem_shared>> -> memref<64x128xf32, #tpu.memory_space<vmem_shared>>
      %dma_start3A_335 = arith.constant 0 : i32
      %dma_start3A_336 = tpu.memref_slice %arg10[%add3A_182, %dma_start3A_335] : memref<5376x128xf32, #tpu.memory_space<vmem_shared>> -> memref<64x128xf32, #tpu.memory_space<vmem_shared>>
      tpu.enqueue_dma source(%arg9 : memref<64x128xf32, #tpu.memory_space<vmem>>) target(%dma_start3A_336 : memref<64x128xf32, #tpu.memory_space<vmem_shared>>) target_semaphore(%run_scoped3A : memref<!tpu.dma_semaphore, #tpu.memory_space<semaphore_mem>>)
      %dma_wait3A_337 = arith.constant 0 : i32
      %dma_wait3A_338 = tpu.memref_slice %arg10[%add3A_182, %dma_wait3A_337] : memref<5376x128xf32, #tpu.memory_space<vmem_shared>> -> memref<64x128xf32, #tpu.memory_space<vmem_shared>>
      %dma_wait3A_339 = arith.constant 0 : i32
      %dma_wait3A_340 = tpu.memref_slice %arg10[%add3A_182, %dma_wait3A_339] : memref<5376x128xf32, #tpu.memory_space<vmem_shared>> -> memref<64x128xf32, #tpu.memory_space<vmem_shared>>
      tpu.wait_dma2 semaphore(%run_scoped3A : memref<!tpu.dma_semaphore, #tpu.memory_space<semaphore_mem>>) src(%arg9 : memref<64x128xf32, #tpu.memory_space<vmem>>) dst(%dma_wait3A_340 : memref<64x128xf32, #tpu.memory_space<vmem_shared>>)
      tpu.yield
    }) : () -> ()
    %mul3A_183 = arith.constant 320 : i32
    %mul3A_184 = arith.muli %arg1, %mul3A_183 : i32
    %add3A_185 = arith.constant 64 : i32
    %add3A_186 = arith.addi %mul3A_184, %add3A_185 : i32
    "tpu.region"() ({
      %run_scoped3A = tpu.sem_alloc : memref<!tpu.dma_semaphore, #tpu.memory_space<semaphore_mem>>
      %dma_start3A_333 = arith.constant 0 : i32
      %dma_start3A_334 = tpu.memref_slice %arg10[%add3A_186, %dma_start3A_333] : memref<5376x128xf32, #tpu.memory_space<vmem_shared>> -> memref<64x128xf32, #tpu.memory_space<vmem_shared>>
      %dma_start3A_335 = arith.constant 0 : i32
      %dma_start3A_336 = tpu.memref_slice %arg10[%add3A_186, %dma_start3A_335] : memref<5376x128xf32, #tpu.memory_space<vmem_shared>> -> memref<64x128xf32, #tpu.memory_space<vmem_shared>>
      tpu.enqueue_dma source(%arg9 : memref<64x128xf32, #tpu.memory_space<vmem>>) target(%dma_start3A_336 : memref<64x128xf32, #tpu.memory_space<vmem_shared>>) target_semaphore(%run_scoped3A : memref<!tpu.dma_semaphore, #tpu.memory_space<semaphore_mem>>)
      %dma_wait3A_337 = arith.constant 0 : i32
      %dma_wait3A_338 = tpu.memref_slice %arg10[%add3A_186, %dma_wait3A_337] : memref<5376x128xf32, #tpu.memory_space<vmem_shared>> -> memref<64x128xf32, #tpu.memory_space<vmem_shared>>
      %dma_wait3A_339 = arith.constant 0 : i32
      %dma_wait3A_340 = tpu.memref_slice %arg10[%add3A_186, %dma_wait3A_339] : memref<5376x128xf32, #tpu.memory_space<vmem_shared>> -> memref<64x128xf32, #tpu.memory_space<vmem_shared>>
      tpu.wait_dma2 semaphore(%run_scoped3A : memref<!tpu.dma_semaphore, #tpu.memory_space<semaphore_mem>>) src(%arg9 : memref<64x128xf32, #tpu.memory_space<vmem>>) dst(%dma_wait3A_340 : memref<64x128xf32, #tpu.memory_space<vmem_shared>>)
      tpu.yield
    }) : () -> ()
    %mul3A_187 = arith.constant 320 : i32
    %mul3A_188 = arith.muli %arg1, %mul3A_187 : i32
    %add3A_189 = arith.constant 128 : i32
    %add3A_190 = arith.addi %mul3A_188, %add3A_189 : i32
    "tpu.region"() ({
      %run_scoped3A = tpu.sem_alloc : memref<!tpu.dma_semaphore, #tpu.memory_space<semaphore_mem>>
      %dma_start3A_333 = arith.constant 0 : i32
      %dma_start3A_334 = tpu.memref_slice %arg10[%add3A_190, %dma_start3A_333] : memref<5376x128xf32, #tpu.memory_space<vmem_shared>> -> memref<64x128xf32, #tpu.memory_space<vmem_shared>>
      %dma_start3A_335 = arith.constant 0 : i32
      %dma_start3A_336 = tpu.memref_slice %arg10[%add3A_190, %dma_start3A_335] : memref<5376x128xf32, #tpu.memory_space<vmem_shared>> -> memref<64x128xf32, #tpu.memory_space<vmem_shared>>
      tpu.enqueue_dma source(%arg9 : memref<64x128xf32, #tpu.memory_space<vmem>>) target(%dma_start3A_336 : memref<64x128xf32, #tpu.memory_space<vmem_shared>>) target_semaphore(%run_scoped3A : memref<!tpu.dma_semaphore, #tpu.memory_space<semaphore_mem>>)
      %dma_wait3A_337 = arith.constant 0 : i32
      %dma_wait3A_338 = tpu.memref_slice %arg10[%add3A_190, %dma_wait3A_337] : memref<5376x128xf32, #tpu.memory_space<vmem_shared>> -> memref<64x128xf32, #tpu.memory_space<vmem_shared>>
      %dma_wait3A_339 = arith.constant 0 : i32
      %dma_wait3A_340 = tpu.memref_slice %arg10[%add3A_190, %dma_wait3A_339] : memref<5376x128xf32, #tpu.memory_space<vmem_shared>> -> memref<64x128xf32, #tpu.memory_space<vmem_shared>>
      tpu.wait_dma2 semaphore(%run_scoped3A : memref<!tpu.dma_semaphore, #tpu.memory_space<semaphore_mem>>) src(%arg9 : memref<64x128xf32, #tpu.memory_space<vmem>>) dst(%dma_wait3A_340 : memref<64x128xf32, #tpu.memory_space<vmem_shared>>)
      tpu.yield
    }) : () -> ()
    %mul3A_191 = arith.constant 320 : i32
    %mul3A_192 = arith.muli %arg1, %mul3A_191 : i32
    %add3A_193 = arith.constant 192 : i32
    %add3A_194 = arith.addi %mul3A_192, %add3A_193 : i32
    "tpu.region"() ({
      %run_scoped3A = tpu.sem_alloc : memref<!tpu.dma_semaphore, #tpu.memory_space<semaphore_mem>>
      %dma_start3A_333 = arith.constant 0 : i32
      %dma_start3A_334 = tpu.memref_slice %arg10[%add3A_194, %dma_start3A_333] : memref<5376x128xf32, #tpu.memory_space<vmem_shared>> -> memref<64x128xf32, #tpu.memory_space<vmem_shared>>
      %dma_start3A_335 = arith.constant 0 : i32
      %dma_start3A_336 = tpu.memref_slice %arg10[%add3A_194, %dma_start3A_335] : memref<5376x128xf32, #tpu.memory_space<vmem_shared>> -> memref<64x128xf32, #tpu.memory_space<vmem_shared>>
      tpu.enqueue_dma source(%arg9 : memref<64x128xf32, #tpu.memory_space<vmem>>) target(%dma_start3A_336 : memref<64x128xf32, #tpu.memory_space<vmem_shared>>) target_semaphore(%run_scoped3A : memref<!tpu.dma_semaphore, #tpu.memory_space<semaphore_mem>>)
      %dma_wait3A_337 = arith.constant 0 : i32
      %dma_wait3A_338 = tpu.memref_slice %arg10[%add3A_194, %dma_wait3A_337] : memref<5376x128xf32, #tpu.memory_space<vmem_shared>> -> memref<64x128xf32, #tpu.memory_space<vmem_shared>>
      %dma_wait3A_339 = arith.constant 0 : i32
      %dma_wait3A_340 = tpu.memref_slice %arg10[%add3A_194, %dma_wait3A_339] : memref<5376x128xf32, #tpu.memory_space<vmem_shared>> -> memref<64x128xf32, #tpu.memory_space<vmem_shared>>
      tpu.wait_dma2 semaphore(%run_scoped3A : memref<!tpu.dma_semaphore, #tpu.memory_space<semaphore_mem>>) src(%arg9 : memref<64x128xf32, #tpu.memory_space<vmem>>) dst(%dma_wait3A_340 : memref<64x128xf32, #tpu.memory_space<vmem_shared>>)
      tpu.yield
    }) : () -> ()
    %mul3A_195 = arith.constant 320 : i32
    %mul3A_196 = arith.muli %arg1, %mul3A_195 : i32
    %add3A_197 = arith.constant 256 : i32
    %add3A_198 = arith.addi %mul3A_196, %add3A_197 : i32
    "tpu.region"() ({
      %run_scoped3A = tpu.sem_alloc : memref<!tpu.dma_semaphore, #tpu.memory_space<semaphore_mem>>
      %dma_start3A_333 = arith.constant 0 : i32
      %dma_start3A_334 = tpu.memref_slice %arg10[%add3A_198, %dma_start3A_333] : memref<5376x128xf32, #tpu.memory_space<vmem_shared>> -> memref<64x128xf32, #tpu.memory_space<vmem_shared>>
      %dma_start3A_335 = arith.constant 0 : i32
      %dma_start3A_336 = tpu.memref_slice %arg10[%add3A_198, %dma_start3A_335] : memref<5376x128xf32, #tpu.memory_space<vmem_shared>> -> memref<64x128xf32, #tpu.memory_space<vmem_shared>>
      tpu.enqueue_dma source(%arg9 : memref<64x128xf32, #tpu.memory_space<vmem>>) target(%dma_start3A_336 : memref<64x128xf32, #tpu.memory_space<vmem_shared>>) target_semaphore(%run_scoped3A : memref<!tpu.dma_semaphore, #tpu.memory_space<semaphore_mem>>)
      %dma_wait3A_337 = arith.constant 0 : i32
      %dma_wait3A_338 = tpu.memref_slice %arg10[%add3A_198, %dma_wait3A_337] : memref<5376x128xf32, #tpu.memory_space<vmem_shared>> -> memref<64x128xf32, #tpu.memory_space<vmem_shared>>
      %dma_wait3A_339 = arith.constant 0 : i32
      %dma_wait3A_340 = tpu.memref_slice %arg10[%add3A_198, %dma_wait3A_339] : memref<5376x128xf32, #tpu.memory_space<vmem_shared>> -> memref<64x128xf32, #tpu.memory_space<vmem_shared>>
      tpu.wait_dma2 semaphore(%run_scoped3A : memref<!tpu.dma_semaphore, #tpu.memory_space<semaphore_mem>>) src(%arg9 : memref<64x128xf32, #tpu.memory_space<vmem>>) dst(%dma_wait3A_340 : memref<64x128xf32, #tpu.memory_space<vmem_shared>>)
      tpu.yield
    }) : () -> ()
    %barrier3A_199 = arith.constant 0 : index
    tpu.barrier barrier_id(%barrier3A_199)
    %scan3A_200 = arith.constant 0 : i32
    %scan3A_201 = arith.constant 26 : i32
    %scan3A_202 = arith.addi %scan3A_200, %scan3A_201 : i32
    %scan3A_203 = arith.constant 1 : i32
    scf.for %scan3A_333 = %scan3A_200 to %scan3A_202 step %scan3A_203  : i32 {
      %mul3A_334 = arith.constant 3 : i32
      %mul3A_335 = arith.muli %scan3A_333, %mul3A_334 : i32
      %add3A_336 = arith.constant 0 : i32
      %add3A_337 = arith.addi %mul3A_335, %add3A_336 : i32
      %dma_start3A_338 = arith.constant 0 : i32
      %dma_start3A_339 = arith.constant 0 : i32
      %dma_start3A_340 = arith.constant 0 : i32
      %dma_start3A_341 = arith.constant 0 : i32
      %dma_start3A_342 = tpu.memref_slice %arg8[%dma_start3A_338, %dma_start3A_340, %dma_start3A_341] : memref<3x128x128xf32, #tpu.memory_space<vmem>> -> memref<1x128x128xf32, #tpu.memory_space<vmem>>
      %dma_start3A_343 = tpu.memref_squeeze %dma_start3A_342 : memref<1x128x128xf32, #tpu.memory_space<vmem>> -> memref<128x128xf32, #tpu.memory_space<vmem>>
      %dma_start3A_344 = arith.constant 0 : i32
      %dma_start3A_345 = tpu.memref_slice %arg6[%add3A_337, %dma_start3A_344] : memref<80x128xi32, #tpu.memory_space<vmem>> -> memref<1x128xi32, #tpu.memory_space<vmem>>
      %dma_start3A_346 = tpu.memref_squeeze %dma_start3A_345 : memref<1x128xi32, #tpu.memory_space<vmem>> -> memref<128xi32, #tpu.memory_space<vmem>>
      %dma_start3A_347 = arith.constant 0 : i32
      %dma_start3A_348 = arith.constant 0 : i32
      %dma_start3A_349 = tpu.memref_slice %arg2[%dma_start3A_347, %dma_start3A_348] : memref<20000x128xf32, #tpu.memory_space<hbm>> -> memref<20000x128xf32, #tpu.memory_space<hbm>>
      %dma_start3A_350 = tpu.memref_slice %arg11[%dma_start3A_339] : memref<3x!tpu.dma_semaphore, #tpu.memory_space<semaphore_mem>> -> memref<1x!tpu.dma_semaphore, #tpu.memory_space<semaphore_mem>>
      %dma_start3A_351 = tpu.memref_squeeze %dma_start3A_350 : memref<1x!tpu.dma_semaphore, #tpu.memory_space<semaphore_mem>> -> memref<!tpu.dma_semaphore, #tpu.memory_space<semaphore_mem>>
      tpu.enqueue_indirect_dma source(%dma_start3A_349 : memref<20000x128xf32, #tpu.memory_space<hbm>>) target(%dma_start3A_343 : memref<128x128xf32, #tpu.memory_space<vmem>>) offsets(%dma_start3A_346 : memref<128xi32, #tpu.memory_space<vmem>>) semaphore(%dma_start3A_351 : memref<!tpu.dma_semaphore, #tpu.memory_space<semaphore_mem>>)
      %add3A_352 = arith.constant 1 : i32
      %add3A_353 = arith.addi %mul3A_335, %add3A_352 : i32
      %dma_start3A_354 = arith.constant 1 : i32
      %dma_start3A_355 = arith.constant 1 : i32
      %dma_start3A_356 = arith.constant 0 : i32
      %dma_start3A_357 = arith.constant 0 : i32
      %dma_start3A_358 = tpu.memref_slice %arg8[%dma_start3A_354, %dma_start3A_356, %dma_start3A_357] : memref<3x128x128xf32, #tpu.memory_space<vmem>> -> memref<1x128x128xf32, #tpu.memory_space<vmem>>
      %dma_start3A_359 = tpu.memref_squeeze %dma_start3A_358 : memref<1x128x128xf32, #tpu.memory_space<vmem>> -> memref<128x128xf32, #tpu.memory_space<vmem>>
      %dma_start3A_360 = arith.constant 0 : i32
      %dma_start3A_361 = tpu.memref_slice %arg6[%add3A_353, %dma_start3A_360] : memref<80x128xi32, #tpu.memory_space<vmem>> -> memref<1x128xi32, #tpu.memory_space<vmem>>
      %dma_start3A_362 = tpu.memref_squeeze %dma_start3A_361 : memref<1x128xi32, #tpu.memory_space<vmem>> -> memref<128xi32, #tpu.memory_space<vmem>>
      %dma_start3A_363 = arith.constant 0 : i32
      %dma_start3A_364 = arith.constant 0 : i32
      %dma_start3A_365 = tpu.memref_slice %arg2[%dma_start3A_363, %dma_start3A_364] : memref<20000x128xf32, #tpu.memory_space<hbm>> -> memref<20000x128xf32, #tpu.memory_space<hbm>>
      %dma_start3A_366 = tpu.memref_slice %arg11[%dma_start3A_355] : memref<3x!tpu.dma_semaphore, #tpu.memory_space<semaphore_mem>> -> memref<1x!tpu.dma_semaphore, #tpu.memory_space<semaphore_mem>>
      %dma_start3A_367 = tpu.memref_squeeze %dma_start3A_366 : memref<1x!tpu.dma_semaphore, #tpu.memory_space<semaphore_mem>> -> memref<!tpu.dma_semaphore, #tpu.memory_space<semaphore_mem>>
      tpu.enqueue_indirect_dma source(%dma_start3A_365 : memref<20000x128xf32, #tpu.memory_space<hbm>>) target(%dma_start3A_359 : memref<128x128xf32, #tpu.memory_space<vmem>>) offsets(%dma_start3A_362 : memref<128xi32, #tpu.memory_space<vmem>>) semaphore(%dma_start3A_367 : memref<!tpu.dma_semaphore, #tpu.memory_space<semaphore_mem>>)
      %add3A_368 = arith.constant 2 : i32
      %add3A_369 = arith.addi %mul3A_335, %add3A_368 : i32
      %dma_start3A_370 = arith.constant 2 : i32
      %dma_start3A_371 = arith.constant 2 : i32
      %dma_start3A_372 = arith.constant 0 : i32
      %dma_start3A_373 = arith.constant 0 : i32
      %dma_start3A_374 = tpu.memref_slice %arg8[%dma_start3A_370, %dma_start3A_372, %dma_start3A_373] : memref<3x128x128xf32, #tpu.memory_space<vmem>> -> memref<1x128x128xf32, #tpu.memory_space<vmem>>
      %dma_start3A_375 = tpu.memref_squeeze %dma_start3A_374 : memref<1x128x128xf32, #tpu.memory_space<vmem>> -> memref<128x128xf32, #tpu.memory_space<vmem>>
      %dma_start3A_376 = arith.constant 0 : i32
      %dma_start3A_377 = tpu.memref_slice %arg6[%add3A_369, %dma_start3A_376] : memref<80x128xi32, #tpu.memory_space<vmem>> -> memref<1x128xi32, #tpu.memory_space<vmem>>
      %dma_start3A_378 = tpu.memref_squeeze %dma_start3A_377 : memref<1x128xi32, #tpu.memory_space<vmem>> -> memref<128xi32, #tpu.memory_space<vmem>>
      %dma_start3A_379 = arith.constant 0 : i32
      %dma_start3A_380 = arith.constant 0 : i32
      %dma_start3A_381 = tpu.memref_slice %arg2[%dma_start3A_379, %dma_start3A_380] : memref<20000x128xf32, #tpu.memory_space<hbm>> -> memref<20000x128xf32, #tpu.memory_space<hbm>>
      %dma_start3A_382 = tpu.memref_slice %arg11[%dma_start3A_371] : memref<3x!tpu.dma_semaphore, #tpu.memory_space<semaphore_mem>> -> memref<1x!tpu.dma_semaphore, #tpu.memory_space<semaphore_mem>>
      %dma_start3A_383 = tpu.memref_squeeze %dma_start3A_382 : memref<1x!tpu.dma_semaphore, #tpu.memory_space<semaphore_mem>> -> memref<!tpu.dma_semaphore, #tpu.memory_space<semaphore_mem>>
      tpu.enqueue_indirect_dma source(%dma_start3A_381 : memref<20000x128xf32, #tpu.memory_space<hbm>>) target(%dma_start3A_375 : memref<128x128xf32, #tpu.memory_space<vmem>>) offsets(%dma_start3A_378 : memref<128xi32, #tpu.memory_space<vmem>>) semaphore(%dma_start3A_383 : memref<!tpu.dma_semaphore, #tpu.memory_space<semaphore_mem>>)
      %dma_wait3A_384 = arith.constant 0 : i32
      %dma_wait3A_385 = arith.constant 0 : i32
      %dma_wait3A_386 = arith.constant 0 : i32
      %dma_wait3A_387 = arith.constant 0 : i32
      %dma_wait3A_388 = tpu.memref_slice %arg8[%dma_wait3A_384, %dma_wait3A_386, %dma_wait3A_387] : memref<3x128x128xf32, #tpu.memory_space<vmem>> -> memref<1x128x128xf32, #tpu.memory_space<vmem>>
      %dma_wait3A_389 = tpu.memref_squeeze %dma_wait3A_388 : memref<1x128x128xf32, #tpu.memory_space<vmem>> -> memref<128x128xf32, #tpu.memory_space<vmem>>
      %dma_wait3A_390 = arith.constant 0 : i32
      %dma_wait3A_391 = tpu.memref_slice %arg6[%add3A_337, %dma_wait3A_390] : memref<80x128xi32, #tpu.memory_space<vmem>> -> memref<1x128xi32, #tpu.memory_space<vmem>>
      %dma_wait3A_392 = tpu.memref_squeeze %dma_wait3A_391 : memref<1x128xi32, #tpu.memory_space<vmem>> -> memref<128xi32, #tpu.memory_space<vmem>>
      %dma_wait3A_393 = arith.constant 0 : i32
      %dma_wait3A_394 = arith.constant 0 : i32
      %dma_wait3A_395 = tpu.memref_slice %arg2[%dma_wait3A_393, %dma_wait3A_394] : memref<20000x128xf32, #tpu.memory_space<hbm>> -> memref<20000x128xf32, #tpu.memory_space<hbm>>
      %dma_wait3A_396 = tpu.memref_slice %arg11[%dma_wait3A_385] : memref<3x!tpu.dma_semaphore, #tpu.memory_space<semaphore_mem>> -> memref<1x!tpu.dma_semaphore, #tpu.memory_space<semaphore_mem>>
      %dma_wait3A_397 = tpu.memref_squeeze %dma_wait3A_396 : memref<1x!tpu.dma_semaphore, #tpu.memory_space<semaphore_mem>> -> memref<!tpu.dma_semaphore, #tpu.memory_space<semaphore_mem>>
      tpu.wait_indirect_dma semaphore(%dma_wait3A_397 : memref<!tpu.dma_semaphore, #tpu.memory_space<semaphore_mem>>) src(%dma_wait3A_395 : memref<20000x128xf32, #tpu.memory_space<hbm>>) dst(%dma_wait3A_389 : memref<128x128xf32, #tpu.memory_space<vmem>>)
      %add3A_398 = arith.constant 0 : i32
      %add3A_399 = arith.addi %mul3A_335, %add3A_398 : i32
      %dma_start3A_400 = arith.constant 0 : i32
      %dma_start3A_401 = arith.constant 0 : i32
      %dma_start3A_402 = arith.constant 0 : i32
      %dma_start3A_403 = arith.constant 0 : i32
      %dma_start3A_404 = tpu.memref_slice %arg8[%dma_start3A_400, %dma_start3A_402, %dma_start3A_403] : memref<3x128x128xf32, #tpu.memory_space<vmem>> -> memref<1x128x128xf32, #tpu.memory_space<vmem>>
      %dma_start3A_405 = tpu.memref_squeeze %dma_start3A_404 : memref<1x128x128xf32, #tpu.memory_space<vmem>> -> memref<128x128xf32, #tpu.memory_space<vmem>>
      %dma_start3A_406 = arith.constant 0 : i32
      %dma_start3A_407 = tpu.memref_slice %arg7[%add3A_399, %dma_start3A_406] : memref<79x128xi32, #tpu.memory_space<vmem>> -> memref<1x128xi32, #tpu.memory_space<vmem>>
      %dma_start3A_408 = tpu.memref_squeeze %dma_start3A_407 : memref<1x128xi32, #tpu.memory_space<vmem>> -> memref<128xi32, #tpu.memory_space<vmem>>
      %dma_start3A_409 = arith.constant 0 : i32
      %dma_start3A_410 = arith.constant 0 : i32
      %dma_start3A_411 = tpu.memref_slice %arg10[%dma_start3A_409, %dma_start3A_410] : memref<5376x128xf32, #tpu.memory_space<vmem_shared>> -> memref<5376x128xf32, #tpu.memory_space<vmem_shared>>
      %dma_start3A_412 = tpu.memref_slice %arg12[%dma_start3A_401] : memref<3x!tpu.dma_semaphore, #tpu.memory_space<semaphore_mem>> -> memref<1x!tpu.dma_semaphore, #tpu.memory_space<semaphore_mem>>
      %dma_start3A_413 = tpu.memref_squeeze %dma_start3A_412 : memref<1x!tpu.dma_semaphore, #tpu.memory_space<semaphore_mem>> -> memref<!tpu.dma_semaphore, #tpu.memory_space<semaphore_mem>>
      tpu.enqueue_indirect_dma source(%dma_start3A_405 : memref<128x128xf32, #tpu.memory_space<vmem>>) target(%dma_start3A_411 : memref<5376x128xf32, #tpu.memory_space<vmem_shared>>) offsets(%dma_start3A_408 : memref<128xi32, #tpu.memory_space<vmem>>) semaphore(%dma_start3A_413 : memref<!tpu.dma_semaphore, #tpu.memory_space<semaphore_mem>>) {add = true}
      %dma_wait3A_414 = arith.constant 1 : i32
      %dma_wait3A_415 = arith.constant 1 : i32
      %dma_wait3A_416 = arith.constant 0 : i32
      %dma_wait3A_417 = arith.constant 0 : i32
      %dma_wait3A_418 = tpu.memref_slice %arg8[%dma_wait3A_414, %dma_wait3A_416, %dma_wait3A_417] : memref<3x128x128xf32, #tpu.memory_space<vmem>> -> memref<1x128x128xf32, #tpu.memory_space<vmem>>
      %dma_wait3A_419 = tpu.memref_squeeze %dma_wait3A_418 : memref<1x128x128xf32, #tpu.memory_space<vmem>> -> memref<128x128xf32, #tpu.memory_space<vmem>>
      %dma_wait3A_420 = arith.constant 0 : i32
      %dma_wait3A_421 = tpu.memref_slice %arg6[%add3A_353, %dma_wait3A_420] : memref<80x128xi32, #tpu.memory_space<vmem>> -> memref<1x128xi32, #tpu.memory_space<vmem>>
      %dma_wait3A_422 = tpu.memref_squeeze %dma_wait3A_421 : memref<1x128xi32, #tpu.memory_space<vmem>> -> memref<128xi32, #tpu.memory_space<vmem>>
      %dma_wait3A_423 = arith.constant 0 : i32
      %dma_wait3A_424 = arith.constant 0 : i32
      %dma_wait3A_425 = tpu.memref_slice %arg2[%dma_wait3A_423, %dma_wait3A_424] : memref<20000x128xf32, #tpu.memory_space<hbm>> -> memref<20000x128xf32, #tpu.memory_space<hbm>>
      %dma_wait3A_426 = tpu.memref_slice %arg11[%dma_wait3A_415] : memref<3x!tpu.dma_semaphore, #tpu.memory_space<semaphore_mem>> -> memref<1x!tpu.dma_semaphore, #tpu.memory_space<semaphore_mem>>
      %dma_wait3A_427 = tpu.memref_squeeze %dma_wait3A_426 : memref<1x!tpu.dma_semaphore, #tpu.memory_space<semaphore_mem>> -> memref<!tpu.dma_semaphore, #tpu.memory_space<semaphore_mem>>
      tpu.wait_indirect_dma semaphore(%dma_wait3A_427 : memref<!tpu.dma_semaphore, #tpu.memory_space<semaphore_mem>>) src(%dma_wait3A_425 : memref<20000x128xf32, #tpu.memory_space<hbm>>) dst(%dma_wait3A_419 : memref<128x128xf32, #tpu.memory_space<vmem>>)
      %add3A_428 = arith.constant 1 : i32
      %add3A_429 = arith.addi %mul3A_335, %add3A_428 : i32
      %dma_start3A_430 = arith.constant 1 : i32
      %dma_start3A_431 = arith.constant 1 : i32
      %dma_start3A_432 = arith.constant 0 : i32
      %dma_start3A_433 = arith.constant 0 : i32
      %dma_start3A_434 = tpu.memref_slice %arg8[%dma_start3A_430, %dma_start3A_432, %dma_start3A_433] : memref<3x128x128xf32, #tpu.memory_space<vmem>> -> memref<1x128x128xf32, #tpu.memory_space<vmem>>
      %dma_start3A_435 = tpu.memref_squeeze %dma_start3A_434 : memref<1x128x128xf32, #tpu.memory_space<vmem>> -> memref<128x128xf32, #tpu.memory_space<vmem>>
      %dma_start3A_436 = arith.constant 0 : i32
      %dma_start3A_437 = tpu.memref_slice %arg7[%add3A_429, %dma_start3A_436] : memref<79x128xi32, #tpu.memory_space<vmem>> -> memref<1x128xi32, #tpu.memory_space<vmem>>
      %dma_start3A_438 = tpu.memref_squeeze %dma_start3A_437 : memref<1x128xi32, #tpu.memory_space<vmem>> -> memref<128xi32, #tpu.memory_space<vmem>>
      %dma_start3A_439 = arith.constant 0 : i32
      %dma_start3A_440 = arith.constant 0 : i32
      %dma_start3A_441 = tpu.memref_slice %arg10[%dma_start3A_439, %dma_start3A_440] : memref<5376x128xf32, #tpu.memory_space<vmem_shared>> -> memref<5376x128xf32, #tpu.memory_space<vmem_shared>>
      %dma_start3A_442 = tpu.memref_slice %arg12[%dma_start3A_431] : memref<3x!tpu.dma_semaphore, #tpu.memory_space<semaphore_mem>> -> memref<1x!tpu.dma_semaphore, #tpu.memory_space<semaphore_mem>>
      %dma_start3A_443 = tpu.memref_squeeze %dma_start3A_442 : memref<1x!tpu.dma_semaphore, #tpu.memory_space<semaphore_mem>> -> memref<!tpu.dma_semaphore, #tpu.memory_space<semaphore_mem>>
      tpu.enqueue_indirect_dma source(%dma_start3A_435 : memref<128x128xf32, #tpu.memory_space<vmem>>) target(%dma_start3A_441 : memref<5376x128xf32, #tpu.memory_space<vmem_shared>>) offsets(%dma_start3A_438 : memref<128xi32, #tpu.memory_space<vmem>>) semaphore(%dma_start3A_443 : memref<!tpu.dma_semaphore, #tpu.memory_space<semaphore_mem>>) {add = true}
      %dma_wait3A_444 = arith.constant 2 : i32
      %dma_wait3A_445 = arith.constant 2 : i32
      %dma_wait3A_446 = arith.constant 0 : i32
      %dma_wait3A_447 = arith.constant 0 : i32
      %dma_wait3A_448 = tpu.memref_slice %arg8[%dma_wait3A_444, %dma_wait3A_446, %dma_wait3A_447] : memref<3x128x128xf32, #tpu.memory_space<vmem>> -> memref<1x128x128xf32, #tpu.memory_space<vmem>>
      %dma_wait3A_449 = tpu.memref_squeeze %dma_wait3A_448 : memref<1x128x128xf32, #tpu.memory_space<vmem>> -> memref<128x128xf32, #tpu.memory_space<vmem>>
      %dma_wait3A_450 = arith.constant 0 : i32
      %dma_wait3A_451 = tpu.memref_slice %arg6[%add3A_369, %dma_wait3A_450] : memref<80x128xi32, #tpu.memory_space<vmem>> -> memref<1x128xi32, #tpu.memory_space<vmem>>
      %dma_wait3A_452 = tpu.memref_squeeze %dma_wait3A_451 : memref<1x128xi32, #tpu.memory_space<vmem>> -> memref<128xi32, #tpu.memory_space<vmem>>
      %dma_wait3A_453 = arith.constant 0 : i32
      %dma_wait3A_454 = arith.constant 0 : i32
      %dma_wait3A_455 = tpu.memref_slice %arg2[%dma_wait3A_453, %dma_wait3A_454] : memref<20000x128xf32, #tpu.memory_space<hbm>> -> memref<20000x128xf32, #tpu.memory_space<hbm>>
      %dma_wait3A_456 = tpu.memref_slice %arg11[%dma_wait3A_445] : memref<3x!tpu.dma_semaphore, #tpu.memory_space<semaphore_mem>> -> memref<1x!tpu.dma_semaphore, #tpu.memory_space<semaphore_mem>>
      %dma_wait3A_457 = tpu.memref_squeeze %dma_wait3A_456 : memref<1x!tpu.dma_semaphore, #tpu.memory_space<semaphore_mem>> -> memref<!tpu.dma_semaphore, #tpu.memory_space<semaphore_mem>>
      tpu.wait_indirect_dma semaphore(%dma_wait3A_457 : memref<!tpu.dma_semaphore, #tpu.memory_space<semaphore_mem>>) src(%dma_wait3A_455 : memref<20000x128xf32, #tpu.memory_space<hbm>>) dst(%dma_wait3A_449 : memref<128x128xf32, #tpu.memory_space<vmem>>)
      %add3A_458 = arith.constant 2 : i32
      %add3A_459 = arith.addi %mul3A_335, %add3A_458 : i32
      %dma_start3A_460 = arith.constant 2 : i32
      %dma_start3A_461 = arith.constant 2 : i32
      %dma_start3A_462 = arith.constant 0 : i32
      %dma_start3A_463 = arith.constant 0 : i32
      %dma_start3A_464 = tpu.memref_slice %arg8[%dma_start3A_460, %dma_start3A_462, %dma_start3A_463] : memref<3x128x128xf32, #tpu.memory_space<vmem>> -> memref<1x128x128xf32, #tpu.memory_space<vmem>>
      %dma_start3A_465 = tpu.memref_squeeze %dma_start3A_464 : memref<1x128x128xf32, #tpu.memory_space<vmem>> -> memref<128x128xf32, #tpu.memory_space<vmem>>
      %dma_start3A_466 = arith.constant 0 : i32
      %dma_start3A_467 = tpu.memref_slice %arg7[%add3A_459, %dma_start3A_466] : memref<79x128xi32, #tpu.memory_space<vmem>> -> memref<1x128xi32, #tpu.memory_space<vmem>>
      %dma_start3A_468 = tpu.memref_squeeze %dma_start3A_467 : memref<1x128xi32, #tpu.memory_space<vmem>> -> memref<128xi32, #tpu.memory_space<vmem>>
      %dma_start3A_469 = arith.constant 0 : i32
      %dma_start3A_470 = arith.constant 0 : i32
      %dma_start3A_471 = tpu.memref_slice %arg10[%dma_start3A_469, %dma_start3A_470] : memref<5376x128xf32, #tpu.memory_space<vmem_shared>> -> memref<5376x128xf32, #tpu.memory_space<vmem_shared>>
      %dma_start3A_472 = tpu.memref_slice %arg12[%dma_start3A_461] : memref<3x!tpu.dma_semaphore, #tpu.memory_space<semaphore_mem>> -> memref<1x!tpu.dma_semaphore, #tpu.memory_space<semaphore_mem>>
      %dma_start3A_473 = tpu.memref_squeeze %dma_start3A_472 : memref<1x!tpu.dma_semaphore, #tpu.memory_space<semaphore_mem>> -> memref<!tpu.dma_semaphore, #tpu.memory_space<semaphore_mem>>
      tpu.enqueue_indirect_dma source(%dma_start3A_465 : memref<128x128xf32, #tpu.memory_space<vmem>>) target(%dma_start3A_471 : memref<5376x128xf32, #tpu.memory_space<vmem_shared>>) offsets(%dma_start3A_468 : memref<128xi32, #tpu.memory_space<vmem>>) semaphore(%dma_start3A_473 : memref<!tpu.dma_semaphore, #tpu.memory_space<semaphore_mem>>) {add = true}
      %dma_wait3A_474 = arith.constant 0 : i32
      %dma_wait3A_475 = arith.constant 0 : i32
      %dma_wait3A_476 = arith.constant 0 : i32
      %dma_wait3A_477 = arith.constant 0 : i32
      %dma_wait3A_478 = tpu.memref_slice %arg8[%dma_wait3A_474, %dma_wait3A_476, %dma_wait3A_477] : memref<3x128x128xf32, #tpu.memory_space<vmem>> -> memref<1x128x128xf32, #tpu.memory_space<vmem>>
      %dma_wait3A_479 = tpu.memref_squeeze %dma_wait3A_478 : memref<1x128x128xf32, #tpu.memory_space<vmem>> -> memref<128x128xf32, #tpu.memory_space<vmem>>
      %dma_wait3A_480 = arith.constant 0 : i32
      %dma_wait3A_481 = tpu.memref_slice %arg7[%add3A_399, %dma_wait3A_480] : memref<79x128xi32, #tpu.memory_space<vmem>> -> memref<1x128xi32, #tpu.memory_space<vmem>>
      %dma_wait3A_482 = tpu.memref_squeeze %dma_wait3A_481 : memref<1x128xi32, #tpu.memory_space<vmem>> -> memref<128xi32, #tpu.memory_space<vmem>>
      %dma_wait3A_483 = arith.constant 0 : i32
      %dma_wait3A_484 = arith.constant 0 : i32
      %dma_wait3A_485 = tpu.memref_slice %arg10[%dma_wait3A_483, %dma_wait3A_484] : memref<5376x128xf32, #tpu.memory_space<vmem_shared>> -> memref<5376x128xf32, #tpu.memory_space<vmem_shared>>
      %dma_wait3A_486 = tpu.memref_slice %arg12[%dma_wait3A_475] : memref<3x!tpu.dma_semaphore, #tpu.memory_space<semaphore_mem>> -> memref<1x!tpu.dma_semaphore, #tpu.memory_space<semaphore_mem>>
      %dma_wait3A_487 = tpu.memref_squeeze %dma_wait3A_486 : memref<1x!tpu.dma_semaphore, #tpu.memory_space<semaphore_mem>> -> memref<!tpu.dma_semaphore, #tpu.memory_space<semaphore_mem>>
      tpu.wait_indirect_dma semaphore(%dma_wait3A_487 : memref<!tpu.dma_semaphore, #tpu.memory_space<semaphore_mem>>) src(%dma_wait3A_479 : memref<128x128xf32, #tpu.memory_space<vmem>>) dst(%dma_wait3A_485 : memref<5376x128xf32, #tpu.memory_space<vmem_shared>>)
      %dma_wait3A_488 = arith.constant 1 : i32
      %dma_wait3A_489 = arith.constant 1 : i32
      %dma_wait3A_490 = arith.constant 0 : i32
      %dma_wait3A_491 = arith.constant 0 : i32
      %dma_wait3A_492 = tpu.memref_slice %arg8[%dma_wait3A_488, %dma_wait3A_490, %dma_wait3A_491] : memref<3x128x128xf32, #tpu.memory_space<vmem>> -> memref<1x128x128xf32, #tpu.memory_space<vmem>>
      %dma_wait3A_493 = tpu.memref_squeeze %dma_wait3A_492 : memref<1x128x128xf32, #tpu.memory_space<vmem>> -> memref<128x128xf32, #tpu.memory_space<vmem>>
      %dma_wait3A_494 = arith.constant 0 : i32
      %dma_wait3A_495 = tpu.memref_slice %arg7[%add3A_429, %dma_wait3A_494] : memref<79x128xi32, #tpu.memory_space<vmem>> -> memref<1x128xi32, #tpu.memory_space<vmem>>
      %dma_wait3A_496 = tpu.memref_squeeze %dma_wait3A_495 : memref<1x128xi32, #tpu.memory_space<vmem>> -> memref<128xi32, #tpu.memory_space<vmem>>
      %dma_wait3A_497 = arith.constant 0 : i32
      %dma_wait3A_498 = arith.constant 0 : i32
      %dma_wait3A_499 = tpu.memref_slice %arg10[%dma_wait3A_497, %dma_wait3A_498] : memref<5376x128xf32, #tpu.memory_space<vmem_shared>> -> memref<5376x128xf32, #tpu.memory_space<vmem_shared>>
      %dma_wait3A_500 = tpu.memref_slice %arg12[%dma_wait3A_489] : memref<3x!tpu.dma_semaphore, #tpu.memory_space<semaphore_mem>> -> memref<1x!tpu.dma_semaphore, #tpu.memory_space<semaphore_mem>>
      %dma_wait3A_501 = tpu.memref_squeeze %dma_wait3A_500 : memref<1x!tpu.dma_semaphore, #tpu.memory_space<semaphore_mem>> -> memref<!tpu.dma_semaphore, #tpu.memory_space<semaphore_mem>>
      tpu.wait_indirect_dma semaphore(%dma_wait3A_501 : memref<!tpu.dma_semaphore, #tpu.memory_space<semaphore_mem>>) src(%dma_wait3A_493 : memref<128x128xf32, #tpu.memory_space<vmem>>) dst(%dma_wait3A_499 : memref<5376x128xf32, #tpu.memory_space<vmem_shared>>)
      %dma_wait3A_502 = arith.constant 2 : i32
      %dma_wait3A_503 = arith.constant 2 : i32
      %dma_wait3A_504 = arith.constant 0 : i32
      %dma_wait3A_505 = arith.constant 0 : i32
      %dma_wait3A_506 = tpu.memref_slice %arg8[%dma_wait3A_502, %dma_wait3A_504, %dma_wait3A_505] : memref<3x128x128xf32, #tpu.memory_space<vmem>> -> memref<1x128x128xf32, #tpu.memory_space<vmem>>
      %dma_wait3A_507 = tpu.memref_squeeze %dma_wait3A_506 : memref<1x128x128xf32, #tpu.memory_space<vmem>> -> memref<128x128xf32, #tpu.memory_space<vmem>>
      %dma_wait3A_508 = arith.constant 0 : i32
      %dma_wait3A_509 = tpu.memref_slice %arg7[%add3A_459, %dma_wait3A_508] : memref<79x128xi32, #tpu.memory_space<vmem>> -> memref<1x128xi32, #tpu.memory_space<vmem>>
      %dma_wait3A_510 = tpu.memref_squeeze %dma_wait3A_509 : memref<1x128xi32, #tpu.memory_space<vmem>> -> memref<128xi32, #tpu.memory_space<vmem>>
      %dma_wait3A_511 = arith.constant 0 : i32
      %dma_wait3A_512 = arith.constant 0 : i32
      %dma_wait3A_513 = tpu.memref_slice %arg10[%dma_wait3A_511, %dma_wait3A_512] : memref<5376x128xf32, #tpu.memory_space<vmem_shared>> -> memref<5376x128xf32, #tpu.memory_space<vmem_shared>>
      %dma_wait3A_514 = tpu.memref_slice %arg12[%dma_wait3A_503] : memref<3x!tpu.dma_semaphore, #tpu.memory_space<semaphore_mem>> -> memref<1x!tpu.dma_semaphore, #tpu.memory_space<semaphore_mem>>
      %dma_wait3A_515 = tpu.memref_squeeze %dma_wait3A_514 : memref<1x!tpu.dma_semaphore, #tpu.memory_space<semaphore_mem>> -> memref<!tpu.dma_semaphore, #tpu.memory_space<semaphore_mem>>
      tpu.wait_indirect_dma semaphore(%dma_wait3A_515 : memref<!tpu.dma_semaphore, #tpu.memory_space<semaphore_mem>>) src(%dma_wait3A_507 : memref<128x128xf32, #tpu.memory_space<vmem>>) dst(%dma_wait3A_513 : memref<5376x128xf32, #tpu.memory_space<vmem_shared>>)
    }
    %scan3A_204 = arith.constant 26 : i32
    %add3A_205 = arith.constant 78 : i32
    %add3A_206 = arith.constant 0 : i32
    %add3A_207 = arith.addi %add3A_205, %add3A_206 : i32
    %dma_start3A_208 = arith.constant 0 : i32
    %dma_start3A_209 = arith.constant 0 : i32
    %dma_start3A_210 = arith.constant 0 : i32
    %dma_start3A_211 = arith.constant 0 : i32
    %dma_start3A_212 = tpu.memref_slice %arg8[%dma_start3A_208, %dma_start3A_210, %dma_start3A_211] : memref<3x128x128xf32, #tpu.memory_space<vmem>> -> memref<1x128x128xf32, #tpu.memory_space<vmem>>
    %dma_start3A_213 = tpu.memref_squeeze %dma_start3A_212 : memref<1x128x128xf32, #tpu.memory_space<vmem>> -> memref<128x128xf32, #tpu.memory_space<vmem>>
    %dma_start3A_214 = arith.constant 0 : i32
    %dma_start3A_215 = tpu.memref_slice %arg6[%add3A_207, %dma_start3A_214] : memref<80x128xi32, #tpu.memory_space<vmem>> -> memref<1x128xi32, #tpu.memory_space<vmem>>
    %dma_start3A_216 = tpu.memref_squeeze %dma_start3A_215 : memref<1x128xi32, #tpu.memory_space<vmem>> -> memref<128xi32, #tpu.memory_space<vmem>>
    %dma_start3A_217 = arith.constant 0 : i32
    %dma_start3A_218 = arith.constant 0 : i32
    %dma_start3A_219 = tpu.memref_slice %arg2[%dma_start3A_217, %dma_start3A_218] : memref<20000x128xf32, #tpu.memory_space<hbm>> -> memref<20000x128xf32, #tpu.memory_space<hbm>>
    %dma_start3A_220 = tpu.memref_slice %arg11[%dma_start3A_209] : memref<3x!tpu.dma_semaphore, #tpu.memory_space<semaphore_mem>> -> memref<1x!tpu.dma_semaphore, #tpu.memory_space<semaphore_mem>>
    %dma_start3A_221 = tpu.memref_squeeze %dma_start3A_220 : memref<1x!tpu.dma_semaphore, #tpu.memory_space<semaphore_mem>> -> memref<!tpu.dma_semaphore, #tpu.memory_space<semaphore_mem>>
    tpu.enqueue_indirect_dma source(%dma_start3A_219 : memref<20000x128xf32, #tpu.memory_space<hbm>>) target(%dma_start3A_213 : memref<128x128xf32, #tpu.memory_space<vmem>>) offsets(%dma_start3A_216 : memref<128xi32, #tpu.memory_space<vmem>>) semaphore(%dma_start3A_221 : memref<!tpu.dma_semaphore, #tpu.memory_space<semaphore_mem>>)
    %dma_wait3A_222 = arith.constant 0 : i32
    %dma_wait3A_223 = arith.constant 0 : i32
    %dma_wait3A_224 = arith.constant 0 : i32
    %dma_wait3A_225 = arith.constant 0 : i32
    %dma_wait3A_226 = tpu.memref_slice %arg8[%dma_wait3A_222, %dma_wait3A_224, %dma_wait3A_225] : memref<3x128x128xf32, #tpu.memory_space<vmem>> -> memref<1x128x128xf32, #tpu.memory_space<vmem>>
    %dma_wait3A_227 = tpu.memref_squeeze %dma_wait3A_226 : memref<1x128x128xf32, #tpu.memory_space<vmem>> -> memref<128x128xf32, #tpu.memory_space<vmem>>
    %dma_wait3A_228 = arith.constant 0 : i32
    %dma_wait3A_229 = tpu.memref_slice %arg6[%add3A_207, %dma_wait3A_228] : memref<80x128xi32, #tpu.memory_space<vmem>> -> memref<1x128xi32, #tpu.memory_space<vmem>>
    %dma_wait3A_230 = tpu.memref_squeeze %dma_wait3A_229 : memref<1x128xi32, #tpu.memory_space<vmem>> -> memref<128xi32, #tpu.memory_space<vmem>>
    %dma_wait3A_231 = arith.constant 0 : i32
    %dma_wait3A_232 = arith.constant 0 : i32
    %dma_wait3A_233 = tpu.memref_slice %arg2[%dma_wait3A_231, %dma_wait3A_232] : memref<20000x128xf32, #tpu.memory_space<hbm>> -> memref<20000x128xf32, #tpu.memory_space<hbm>>
    %dma_wait3A_234 = tpu.memref_slice %arg11[%dma_wait3A_223] : memref<3x!tpu.dma_semaphore, #tpu.memory_space<semaphore_mem>> -> memref<1x!tpu.dma_semaphore, #tpu.memory_space<semaphore_mem>>
    %dma_wait3A_235 = tpu.memref_squeeze %dma_wait3A_234 : memref<1x!tpu.dma_semaphore, #tpu.memory_space<semaphore_mem>> -> memref<!tpu.dma_semaphore, #tpu.memory_space<semaphore_mem>>
    tpu.wait_indirect_dma semaphore(%dma_wait3A_235 : memref<!tpu.dma_semaphore, #tpu.memory_space<semaphore_mem>>) src(%dma_wait3A_233 : memref<20000x128xf32, #tpu.memory_space<hbm>>) dst(%dma_wait3A_227 : memref<128x128xf32, #tpu.memory_space<vmem>>)
    %add3A_236 = arith.constant 78 : i32
    %add3A_237 = arith.constant 0 : i32
    %add3A_238 = arith.addi %add3A_236, %add3A_237 : i32
    %dma_start3A_239 = arith.constant 0 : i32
    %dma_start3A_240 = arith.constant 0 : i32
    %dma_start3A_241 = arith.constant 0 : i32
    %dma_start3A_242 = arith.constant 0 : i32
    %dma_start3A_243 = tpu.memref_slice %arg8[%dma_start3A_239, %dma_start3A_241, %dma_start3A_242] : memref<3x128x128xf32, #tpu.memory_space<vmem>> -> memref<1x128x128xf32, #tpu.memory_space<vmem>>
    %dma_start3A_244 = tpu.memref_squeeze %dma_start3A_243 : memref<1x128x128xf32, #tpu.memory_space<vmem>> -> memref<128x128xf32, #tpu.memory_space<vmem>>
    %dma_start3A_245 = arith.constant 0 : i32
    %dma_start3A_246 = tpu.memref_slice %arg7[%add3A_238, %dma_start3A_245] : memref<79x128xi32, #tpu.memory_space<vmem>> -> memref<1x128xi32, #tpu.memory_space<vmem>>
    %dma_start3A_247 = tpu.memref_squeeze %dma_start3A_246 : memref<1x128xi32, #tpu.memory_space<vmem>> -> memref<128xi32, #tpu.memory_space<vmem>>
    %dma_start3A_248 = arith.constant 0 : i32
    %dma_start3A_249 = arith.constant 0 : i32
    %dma_start3A_250 = tpu.memref_slice %arg10[%dma_start3A_248, %dma_start3A_249] : memref<5376x128xf32, #tpu.memory_space<vmem_shared>> -> memref<5376x128xf32, #tpu.memory_space<vmem_shared>>
    %dma_start3A_251 = tpu.memref_slice %arg12[%dma_start3A_240] : memref<3x!tpu.dma_semaphore, #tpu.memory_space<semaphore_mem>> -> memref<1x!tpu.dma_semaphore, #tpu.memory_space<semaphore_mem>>
    %dma_start3A_252 = tpu.memref_squeeze %dma_start3A_251 : memref<1x!tpu.dma_semaphore, #tpu.memory_space<semaphore_mem>> -> memref<!tpu.dma_semaphore, #tpu.memory_space<semaphore_mem>>
    tpu.enqueue_indirect_dma source(%dma_start3A_244 : memref<128x128xf32, #tpu.memory_space<vmem>>) target(%dma_start3A_250 : memref<5376x128xf32, #tpu.memory_space<vmem_shared>>) offsets(%dma_start3A_247 : memref<128xi32, #tpu.memory_space<vmem>>) semaphore(%dma_start3A_252 : memref<!tpu.dma_semaphore, #tpu.memory_space<semaphore_mem>>) {add = true}
    %dma_wait3A_253 = arith.constant 0 : i32
    %dma_wait3A_254 = arith.constant 0 : i32
    %dma_wait3A_255 = arith.constant 0 : i32
    %dma_wait3A_256 = arith.constant 0 : i32
    %dma_wait3A_257 = tpu.memref_slice %arg8[%dma_wait3A_253, %dma_wait3A_255, %dma_wait3A_256] : memref<3x128x128xf32, #tpu.memory_space<vmem>> -> memref<1x128x128xf32, #tpu.memory_space<vmem>>
    %dma_wait3A_258 = tpu.memref_squeeze %dma_wait3A_257 : memref<1x128x128xf32, #tpu.memory_space<vmem>> -> memref<128x128xf32, #tpu.memory_space<vmem>>
    %dma_wait3A_259 = arith.constant 0 : i32
    %dma_wait3A_260 = tpu.memref_slice %arg7[%add3A_238, %dma_wait3A_259] : memref<79x128xi32, #tpu.memory_space<vmem>> -> memref<1x128xi32, #tpu.memory_space<vmem>>
    %dma_wait3A_261 = tpu.memref_squeeze %dma_wait3A_260 : memref<1x128xi32, #tpu.memory_space<vmem>> -> memref<128xi32, #tpu.memory_space<vmem>>
    %dma_wait3A_262 = arith.constant 0 : i32
    %dma_wait3A_263 = arith.constant 0 : i32
    %dma_wait3A_264 = tpu.memref_slice %arg10[%dma_wait3A_262, %dma_wait3A_263] : memref<5376x128xf32, #tpu.memory_space<vmem_shared>> -> memref<5376x128xf32, #tpu.memory_space<vmem_shared>>
    %dma_wait3A_265 = tpu.memref_slice %arg12[%dma_wait3A_254] : memref<3x!tpu.dma_semaphore, #tpu.memory_space<semaphore_mem>> -> memref<1x!tpu.dma_semaphore, #tpu.memory_space<semaphore_mem>>
    %dma_wait3A_266 = tpu.memref_squeeze %dma_wait3A_265 : memref<1x!tpu.dma_semaphore, #tpu.memory_space<semaphore_mem>> -> memref<!tpu.dma_semaphore, #tpu.memory_space<semaphore_mem>>
    tpu.wait_indirect_dma semaphore(%dma_wait3A_266 : memref<!tpu.dma_semaphore, #tpu.memory_space<semaphore_mem>>) src(%dma_wait3A_258 : memref<128x128xf32, #tpu.memory_space<vmem>>) dst(%dma_wait3A_264 : memref<5376x128xf32, #tpu.memory_space<vmem_shared>>)
    %barrier3A_267 = arith.constant 0 : index
    tpu.barrier barrier_id(%barrier3A_267)
    %mul3A_268 = arith.constant 320 : i32
    %mul3A_269 = arith.muli %arg1, %mul3A_268 : i32
    %add3A_270 = arith.constant 0 : i32
    %add3A_271 = arith.addi %mul3A_269, %add3A_270 : i32
    "tpu.region"() ({
      %run_scoped3A = tpu.sem_alloc : memref<!tpu.dma_semaphore, #tpu.memory_space<semaphore_mem>>
      %dma_start3A_333 = arith.constant 0 : i32
      %dma_start3A_334 = tpu.memref_slice %arg10[%add3A_271, %dma_start3A_333] : memref<5376x128xf32, #tpu.memory_space<vmem_shared>> -> memref<64x128xf32, #tpu.memory_space<vmem_shared>>
      %dma_start3A_335 = arith.constant 0 : i32
      %dma_start3A_336 = tpu.memref_slice %arg10[%add3A_271, %dma_start3A_335] : memref<5376x128xf32, #tpu.memory_space<vmem_shared>> -> memref<64x128xf32, #tpu.memory_space<vmem_shared>>
      tpu.enqueue_dma source(%dma_start3A_336 : memref<64x128xf32, #tpu.memory_space<vmem_shared>>) target(%arg9 : memref<64x128xf32, #tpu.memory_space<vmem>>) target_semaphore(%run_scoped3A : memref<!tpu.dma_semaphore, #tpu.memory_space<semaphore_mem>>)
      %dma_wait3A_337 = arith.constant 0 : i32
      %dma_wait3A_338 = tpu.memref_slice %arg10[%add3A_271, %dma_wait3A_337] : memref<5376x128xf32, #tpu.memory_space<vmem_shared>> -> memref<64x128xf32, #tpu.memory_space<vmem_shared>>
      %dma_wait3A_339 = arith.constant 0 : i32
      %dma_wait3A_340 = tpu.memref_slice %arg10[%add3A_271, %dma_wait3A_339] : memref<5376x128xf32, #tpu.memory_space<vmem_shared>> -> memref<64x128xf32, #tpu.memory_space<vmem_shared>>
      tpu.wait_dma2 semaphore(%run_scoped3A : memref<!tpu.dma_semaphore, #tpu.memory_space<semaphore_mem>>) src(%dma_wait3A_340 : memref<64x128xf32, #tpu.memory_space<vmem_shared>>) dst(%arg9 : memref<64x128xf32, #tpu.memory_space<vmem>>)
      tpu.yield
    }) : () -> ()
    %scan3A_272 = arith.constant 0 : i32
    %scan3A_273 = arith.constant 64 : i32
    %scan3A_274 = arith.addi %scan3A_272, %scan3A_273 : i32
    %scan3A_275 = arith.constant 1 : i32
    scf.for %scan3A_333 = %scan3A_272 to %scan3A_274 step %scan3A_275  : i32 {
      %get3A = arith.index_cast %scan3A_333 : i32 to index
      %get3A_334 = arith.constant 0 : index
      %get3A_335 = tpu.vector_load %arg9[%get3A, %get3A_334] {strides = array<i32>} : memref<64x128xf32, #tpu.memory_space<vmem>>, vector<1x16xf32>,
      %get3A_336 = vector.shape_cast %get3A_335 : vector<1x16xf32> to vector<16xf32>
      %max3A = arith.constant 0.000000e+00 : f32
      %max3A_337 = vector.broadcast %max3A : f32 to vector<16xf32>
      %max3A_338 = arith.maximumf %get3A_336, %max3A_337 : vector<16xf32>
      %swap3A = arith.index_cast %scan3A_333 : i32 to index
      %swap3A_339 = arith.constant 0 : index
      %swap3A_340 = tpu.vector_load %arg9[%swap3A, %swap3A_339] {strides = array<i32>} : memref<64x128xf32, #tpu.memory_space<vmem>>, vector<1x16xf32>,
      %swap3A_341 = vector.shape_cast %swap3A_340 : vector<1x16xf32> to vector<16xf32>
      %swap3A_342 = vector.shape_cast %max3A_338 : vector<16xf32> to vector<1x16xf32>
      tpu.vector_store %arg9[%swap3A, %swap3A_339], %swap3A_342 {strides = array<i32>} : memref<64x128xf32, #tpu.memory_space<vmem>>, vector<1x16xf32>,
      %get3A_343 = arith.index_cast %scan3A_333 : i32 to index
      %get3A_344 = arith.constant 16 : index
      %get3A_345 = tpu.vector_load %arg9[%get3A_343, %get3A_344] {strides = array<i32>} : memref<64x128xf32, #tpu.memory_space<vmem>>, vector<1x16xf32>,
      %get3A_346 = vector.shape_cast %get3A_345 : vector<1x16xf32> to vector<16xf32>
      %max3A_347 = arith.constant 0.000000e+00 : f32
      %max3A_348 = vector.broadcast %max3A_347 : f32 to vector<16xf32>
      %max3A_349 = arith.maximumf %get3A_346, %max3A_348 : vector<16xf32>
      %swap3A_350 = arith.index_cast %scan3A_333 : i32 to index
      %swap3A_351 = arith.constant 16 : index
      %swap3A_352 = tpu.vector_load %arg9[%swap3A_350, %swap3A_351] {strides = array<i32>} : memref<64x128xf32, #tpu.memory_space<vmem>>, vector<1x16xf32>,
      %swap3A_353 = vector.shape_cast %swap3A_352 : vector<1x16xf32> to vector<16xf32>
      %swap3A_354 = vector.shape_cast %max3A_349 : vector<16xf32> to vector<1x16xf32>
      tpu.vector_store %arg9[%swap3A_350, %swap3A_351], %swap3A_354 {strides = array<i32>} : memref<64x128xf32, #tpu.memory_space<vmem>>, vector<1x16xf32>,
      %get3A_355 = arith.index_cast %scan3A_333 : i32 to index
      %get3A_356 = arith.constant 32 : index
      %get3A_357 = tpu.vector_load %arg9[%get3A_355, %get3A_356] {strides = array<i32>} : memref<64x128xf32, #tpu.memory_space<vmem>>, vector<1x16xf32>,
      %get3A_358 = vector.shape_cast %get3A_357 : vector<1x16xf32> to vector<16xf32>
      %max3A_359 = arith.constant 0.000000e+00 : f32
      %max3A_360 = vector.broadcast %max3A_359 : f32 to vector<16xf32>
      %max3A_361 = arith.maximumf %get3A_358, %max3A_360 : vector<16xf32>
      %swap3A_362 = arith.index_cast %scan3A_333 : i32 to index
      %swap3A_363 = arith.constant 32 : index
      %swap3A_364 = tpu.vector_load %arg9[%swap3A_362, %swap3A_363] {strides = array<i32>} : memref<64x128xf32, #tpu.memory_space<vmem>>, vector<1x16xf32>,
      %swap3A_365 = vector.shape_cast %swap3A_364 : vector<1x16xf32> to vector<16xf32>
      %swap3A_366 = vector.shape_cast %max3A_361 : vector<16xf32> to vector<1x16xf32>
      tpu.vector_store %arg9[%swap3A_362, %swap3A_363], %swap3A_366 {strides = array<i32>} : memref<64x128xf32, #tpu.memory_space<vmem>>, vector<1x16xf32>,
      %get3A_367 = arith.index_cast %scan3A_333 : i32 to index
      %get3A_368 = arith.constant 48 : index
      %get3A_369 = tpu.vector_load %arg9[%get3A_367, %get3A_368] {strides = array<i32>} : memref<64x128xf32, #tpu.memory_space<vmem>>, vector<1x16xf32>,
      %get3A_370 = vector.shape_cast %get3A_369 : vector<1x16xf32> to vector<16xf32>
      %max3A_371 = arith.constant 0.000000e+00 : f32
      %max3A_372 = vector.broadcast %max3A_371 : f32 to vector<16xf32>
      %max3A_373 = arith.maximumf %get3A_370, %max3A_372 : vector<16xf32>
      %swap3A_374 = arith.index_cast %scan3A_333 : i32 to index
      %swap3A_375 = arith.constant 48 : index
      %swap3A_376 = tpu.vector_load %arg9[%swap3A_374, %swap3A_375] {strides = array<i32>} : memref<64x128xf32, #tpu.memory_space<vmem>>, vector<1x16xf32>,
      %swap3A_377 = vector.shape_cast %swap3A_376 : vector<1x16xf32> to vector<16xf32>
      %swap3A_378 = vector.shape_cast %max3A_373 : vector<16xf32> to vector<1x16xf32>
      tpu.vector_store %arg9[%swap3A_374, %swap3A_375], %swap3A_378 {strides = array<i32>} : memref<64x128xf32, #tpu.memory_space<vmem>>, vector<1x16xf32>,
      %get3A_379 = arith.index_cast %scan3A_333 : i32 to index
      %get3A_380 = arith.constant 64 : index
      %get3A_381 = tpu.vector_load %arg9[%get3A_379, %get3A_380] {strides = array<i32>} : memref<64x128xf32, #tpu.memory_space<vmem>>, vector<1x16xf32>,
      %get3A_382 = vector.shape_cast %get3A_381 : vector<1x16xf32> to vector<16xf32>
      %max3A_383 = arith.constant 0.000000e+00 : f32
      %max3A_384 = vector.broadcast %max3A_383 : f32 to vector<16xf32>
      %max3A_385 = arith.maximumf %get3A_382, %max3A_384 : vector<16xf32>
      %swap3A_386 = arith.index_cast %scan3A_333 : i32 to index
      %swap3A_387 = arith.constant 64 : index
      %swap3A_388 = tpu.vector_load %arg9[%swap3A_386, %swap3A_387] {strides = array<i32>} : memref<64x128xf32, #tpu.memory_space<vmem>>, vector<1x16xf32>,
      %swap3A_389 = vector.shape_cast %swap3A_388 : vector<1x16xf32> to vector<16xf32>
      %swap3A_390 = vector.shape_cast %max3A_385 : vector<16xf32> to vector<1x16xf32>
      tpu.vector_store %arg9[%swap3A_386, %swap3A_387], %swap3A_390 {strides = array<i32>} : memref<64x128xf32, #tpu.memory_space<vmem>>, vector<1x16xf32>,
      %get3A_391 = arith.index_cast %scan3A_333 : i32 to index
      %get3A_392 = arith.constant 80 : index
      %get3A_393 = tpu.vector_load %arg9[%get3A_391, %get3A_392] {strides = array<i32>} : memref<64x128xf32, #tpu.memory_space<vmem>>, vector<1x16xf32>,
      %get3A_394 = vector.shape_cast %get3A_393 : vector<1x16xf32> to vector<16xf32>
      %max3A_395 = arith.constant 0.000000e+00 : f32
      %max3A_396 = vector.broadcast %max3A_395 : f32 to vector<16xf32>
      %max3A_397 = arith.maximumf %get3A_394, %max3A_396 : vector<16xf32>
      %swap3A_398 = arith.index_cast %scan3A_333 : i32 to index
      %swap3A_399 = arith.constant 80 : index
      %swap3A_400 = tpu.vector_load %arg9[%swap3A_398, %swap3A_399] {strides = array<i32>} : memref<64x128xf32, #tpu.memory_space<vmem>>, vector<1x16xf32>,
      %swap3A_401 = vector.shape_cast %swap3A_400 : vector<1x16xf32> to vector<16xf32>
      %swap3A_402 = vector.shape_cast %max3A_397 : vector<16xf32> to vector<1x16xf32>
      tpu.vector_store %arg9[%swap3A_398, %swap3A_399], %swap3A_402 {strides = array<i32>} : memref<64x128xf32, #tpu.memory_space<vmem>>, vector<1x16xf32>,
      %get3A_403 = arith.index_cast %scan3A_333 : i32 to index
      %get3A_404 = arith.constant 96 : index
      %get3A_405 = tpu.vector_load %arg9[%get3A_403, %get3A_404] {strides = array<i32>} : memref<64x128xf32, #tpu.memory_space<vmem>>, vector<1x16xf32>,
      %get3A_406 = vector.shape_cast %get3A_405 : vector<1x16xf32> to vector<16xf32>
      %max3A_407 = arith.constant 0.000000e+00 : f32
      %max3A_408 = vector.broadcast %max3A_407 : f32 to vector<16xf32>
      %max3A_409 = arith.maximumf %get3A_406, %max3A_408 : vector<16xf32>
      %swap3A_410 = arith.index_cast %scan3A_333 : i32 to index
      %swap3A_411 = arith.constant 96 : index
      %swap3A_412 = tpu.vector_load %arg9[%swap3A_410, %swap3A_411] {strides = array<i32>} : memref<64x128xf32, #tpu.memory_space<vmem>>, vector<1x16xf32>,
      %swap3A_413 = vector.shape_cast %swap3A_412 : vector<1x16xf32> to vector<16xf32>
      %swap3A_414 = vector.shape_cast %max3A_409 : vector<16xf32> to vector<1x16xf32>
      tpu.vector_store %arg9[%swap3A_410, %swap3A_411], %swap3A_414 {strides = array<i32>} : memref<64x128xf32, #tpu.memory_space<vmem>>, vector<1x16xf32>,
      %get3A_415 = arith.index_cast %scan3A_333 : i32 to index
      %get3A_416 = arith.constant 112 : index
      %get3A_417 = tpu.vector_load %arg9[%get3A_415, %get3A_416] {strides = array<i32>} : memref<64x128xf32, #tpu.memory_space<vmem>>, vector<1x16xf32>,
      %get3A_418 = vector.shape_cast %get3A_417 : vector<1x16xf32> to vector<16xf32>
      %max3A_419 = arith.constant 0.000000e+00 : f32
      %max3A_420 = vector.broadcast %max3A_419 : f32 to vector<16xf32>
      %max3A_421 = arith.maximumf %get3A_418, %max3A_420 : vector<16xf32>
      %swap3A_422 = arith.index_cast %scan3A_333 : i32 to index
      %swap3A_423 = arith.constant 112 : index
      %swap3A_424 = tpu.vector_load %arg9[%swap3A_422, %swap3A_423] {strides = array<i32>} : memref<64x128xf32, #tpu.memory_space<vmem>>, vector<1x16xf32>,
      %swap3A_425 = vector.shape_cast %swap3A_424 : vector<1x16xf32> to vector<16xf32>
      %swap3A_426 = vector.shape_cast %max3A_421 : vector<16xf32> to vector<1x16xf32>
      tpu.vector_store %arg9[%swap3A_422, %swap3A_423], %swap3A_426 {strides = array<i32>} : memref<64x128xf32, #tpu.memory_space<vmem>>, vector<1x16xf32>,
    }
    %scan3A_276 = arith.constant 64 : i32
    %add3A_277 = arith.constant 5120 : i32
    %add3A_278 = arith.addi %add3A_277, %add3A_271 : i32
    %mul3A_279 = arith.constant 128 : i32
    %mul3A_280 = arith.muli %arg0, %mul3A_279 : i32
    "tpu.region"() ({
      %run_scoped3A = tpu.sem_alloc : memref<!tpu.dma_semaphore, #tpu.memory_space<semaphore_mem>>
      %dma_start3A_333 = tpu.memref_slice %arg5[%add3A_278, %mul3A_280] : memref<10240x256xf32, #tpu.memory_space<hbm>> -> memref<64x128xf32, #tpu.memory_space<hbm>>
      %dma_start3A_334 = tpu.memref_slice %arg5[%add3A_278, %mul3A_280] : memref<10240x256xf32, #tpu.memory_space<hbm>> -> memref<64x128xf32, #tpu.memory_space<hbm>>
      tpu.enqueue_dma source(%arg9 : memref<64x128xf32, #tpu.memory_space<vmem>>) target(%dma_start3A_334 : memref<64x128xf32, #tpu.memory_space<hbm>>) target_semaphore(%run_scoped3A : memref<!tpu.dma_semaphore, #tpu.memory_space<semaphore_mem>>)
      %dma_wait3A_335 = tpu.memref_slice %arg5[%add3A_278, %mul3A_280] : memref<10240x256xf32, #tpu.memory_space<hbm>> -> memref<64x128xf32, #tpu.memory_space<hbm>>
      %dma_wait3A_336 = tpu.memref_slice %arg5[%add3A_278, %mul3A_280] : memref<10240x256xf32, #tpu.memory_space<hbm>> -> memref<64x128xf32, #tpu.memory_space<hbm>>
      tpu.wait_dma2 semaphore(%run_scoped3A : memref<!tpu.dma_semaphore, #tpu.memory_space<semaphore_mem>>) src(%arg9 : memref<64x128xf32, #tpu.memory_space<vmem>>) dst(%dma_wait3A_336 : memref<64x128xf32, #tpu.memory_space<hbm>>)
      tpu.yield
    }) : () -> ()
    %mul3A_281 = arith.constant 320 : i32
    %mul3A_282 = arith.muli %arg1, %mul3A_281 : i32
    %add3A_283 = arith.constant 64 : i32
    %add3A_284 = arith.addi %mul3A_282, %add3A_283 : i32
    "tpu.region"() ({
      %run_scoped3A = tpu.sem_alloc : memref<!tpu.dma_semaphore, #tpu.memory_space<semaphore_mem>>
      %dma_start3A_333 = arith.constant 0 : i32
      %dma_start3A_334 = tpu.memref_slice %arg10[%add3A_284, %dma_start3A_333] : memref<5376x128xf32, #tpu.memory_space<vmem_shared>> -> memref<64x128xf32, #tpu.memory_space<vmem_shared>>
      %dma_start3A_335 = arith.constant 0 : i32
      %dma_start3A_336 = tpu.memref_slice %arg10[%add3A_284, %dma_start3A_335] : memref<5376x128xf32, #tpu.memory_space<vmem_shared>> -> memref<64x128xf32, #tpu.memory_space<vmem_shared>>
      tpu.enqueue_dma source(%dma_start3A_336 : memref<64x128xf32, #tpu.memory_space<vmem_shared>>) target(%arg9 : memref<64x128xf32, #tpu.memory_space<vmem>>) target_semaphore(%run_scoped3A : memref<!tpu.dma_semaphore, #tpu.memory_space<semaphore_mem>>)
      %dma_wait3A_337 = arith.constant 0 : i32
      %dma_wait3A_338 = tpu.memref_slice %arg10[%add3A_284, %dma_wait3A_337] : memref<5376x128xf32, #tpu.memory_space<vmem_shared>> -> memref<64x128xf32, #tpu.memory_space<vmem_shared>>
      %dma_wait3A_339 = arith.constant 0 : i32
      %dma_wait3A_340 = tpu.memref_slice %arg10[%add3A_284, %dma_wait3A_339] : memref<5376x128xf32, #tpu.memory_space<vmem_shared>> -> memref<64x128xf32, #tpu.memory_space<vmem_shared>>
      tpu.wait_dma2 semaphore(%run_scoped3A : memref<!tpu.dma_semaphore, #tpu.memory_space<semaphore_mem>>) src(%dma_wait3A_340 : memref<64x128xf32, #tpu.memory_space<vmem_shared>>) dst(%arg9 : memref<64x128xf32, #tpu.memory_space<vmem>>)
      tpu.yield
    }) : () -> ()
    %scan3A_285 = arith.constant 0 : i32
    %scan3A_286 = arith.constant 64 : i32
    %scan3A_287 = arith.addi %scan3A_285, %scan3A_286 : i32
    %scan3A_288 = arith.constant 1 : i32
    scf.for %scan3A_333 = %scan3A_285 to %scan3A_287 step %scan3A_288  : i32 {
      %get3A = arith.index_cast %scan3A_333 : i32 to index
      %get3A_334 = arith.constant 0 : index
      %get3A_335 = tpu.vector_load %arg9[%get3A, %get3A_334] {strides = array<i32>} : memref<64x128xf32, #tpu.memory_space<vmem>>, vector<1x16xf32>,
      %get3A_336 = vector.shape_cast %get3A_335 : vector<1x16xf32> to vector<16xf32>
      %max3A = arith.constant 0.000000e+00 : f32
      %max3A_337 = vector.broadcast %max3A : f32 to vector<16xf32>
      %max3A_338 = arith.maximumf %get3A_336, %max3A_337 : vector<16xf32>
      %swap3A = arith.index_cast %scan3A_333 : i32 to index
      %swap3A_339 = arith.constant 0 : index
      %swap3A_340 = tpu.vector_load %arg9[%swap3A, %swap3A_339] {strides = array<i32>} : memref<64x128xf32, #tpu.memory_space<vmem>>, vector<1x16xf32>,
      %swap3A_341 = vector.shape_cast %swap3A_340 : vector<1x16xf32> to vector<16xf32>
      %swap3A_342 = vector.shape_cast %max3A_338 : vector<16xf32> to vector<1x16xf32>
      tpu.vector_store %arg9[%swap3A, %swap3A_339], %swap3A_342 {strides = array<i32>} : memref<64x128xf32, #tpu.memory_space<vmem>>, vector<1x16xf32>,
      %get3A_343 = arith.index_cast %scan3A_333 : i32 to index
      %get3A_344 = arith.constant 16 : index
      %get3A_345 = tpu.vector_load %arg9[%get3A_343, %get3A_344] {strides = array<i32>} : memref<64x128xf32, #tpu.memory_space<vmem>>, vector<1x16xf32>,
      %get3A_346 = vector.shape_cast %get3A_345 : vector<1x16xf32> to vector<16xf32>
      %max3A_347 = arith.constant 0.000000e+00 : f32
      %max3A_348 = vector.broadcast %max3A_347 : f32 to vector<16xf32>
      %max3A_349 = arith.maximumf %get3A_346, %max3A_348 : vector<16xf32>
      %swap3A_350 = arith.index_cast %scan3A_333 : i32 to index
      %swap3A_351 = arith.constant 16 : index
      %swap3A_352 = tpu.vector_load %arg9[%swap3A_350, %swap3A_351] {strides = array<i32>} : memref<64x128xf32, #tpu.memory_space<vmem>>, vector<1x16xf32>,
      %swap3A_353 = vector.shape_cast %swap3A_352 : vector<1x16xf32> to vector<16xf32>
      %swap3A_354 = vector.shape_cast %max3A_349 : vector<16xf32> to vector<1x16xf32>
      tpu.vector_store %arg9[%swap3A_350, %swap3A_351], %swap3A_354 {strides = array<i32>} : memref<64x128xf32, #tpu.memory_space<vmem>>, vector<1x16xf32>,
      %get3A_355 = arith.index_cast %scan3A_333 : i32 to index
      %get3A_356 = arith.constant 32 : index
      %get3A_357 = tpu.vector_load %arg9[%get3A_355, %get3A_356] {strides = array<i32>} : memref<64x128xf32, #tpu.memory_space<vmem>>, vector<1x16xf32>,
      %get3A_358 = vector.shape_cast %get3A_357 : vector<1x16xf32> to vector<16xf32>
      %max3A_359 = arith.constant 0.000000e+00 : f32
      %max3A_360 = vector.broadcast %max3A_359 : f32 to vector<16xf32>
      %max3A_361 = arith.maximumf %get3A_358, %max3A_360 : vector<16xf32>
      %swap3A_362 = arith.index_cast %scan3A_333 : i32 to index
      %swap3A_363 = arith.constant 32 : index
      %swap3A_364 = tpu.vector_load %arg9[%swap3A_362, %swap3A_363] {strides = array<i32>} : memref<64x128xf32, #tpu.memory_space<vmem>>, vector<1x16xf32>,
      %swap3A_365 = vector.shape_cast %swap3A_364 : vector<1x16xf32> to vector<16xf32>
      %swap3A_366 = vector.shape_cast %max3A_361 : vector<16xf32> to vector<1x16xf32>
      tpu.vector_store %arg9[%swap3A_362, %swap3A_363], %swap3A_366 {strides = array<i32>} : memref<64x128xf32, #tpu.memory_space<vmem>>, vector<1x16xf32>,
      %get3A_367 = arith.index_cast %scan3A_333 : i32 to index
      %get3A_368 = arith.constant 48 : index
      %get3A_369 = tpu.vector_load %arg9[%get3A_367, %get3A_368] {strides = array<i32>} : memref<64x128xf32, #tpu.memory_space<vmem>>, vector<1x16xf32>,
      %get3A_370 = vector.shape_cast %get3A_369 : vector<1x16xf32> to vector<16xf32>
      %max3A_371 = arith.constant 0.000000e+00 : f32
      %max3A_372 = vector.broadcast %max3A_371 : f32 to vector<16xf32>
      %max3A_373 = arith.maximumf %get3A_370, %max3A_372 : vector<16xf32>
      %swap3A_374 = arith.index_cast %scan3A_333 : i32 to index
      %swap3A_375 = arith.constant 48 : index
      %swap3A_376 = tpu.vector_load %arg9[%swap3A_374, %swap3A_375] {strides = array<i32>} : memref<64x128xf32, #tpu.memory_space<vmem>>, vector<1x16xf32>,
      %swap3A_377 = vector.shape_cast %swap3A_376 : vector<1x16xf32> to vector<16xf32>
      %swap3A_378 = vector.shape_cast %max3A_373 : vector<16xf32> to vector<1x16xf32>
      tpu.vector_store %arg9[%swap3A_374, %swap3A_375], %swap3A_378 {strides = array<i32>} : memref<64x128xf32, #tpu.memory_space<vmem>>, vector<1x16xf32>,
      %get3A_379 = arith.index_cast %scan3A_333 : i32 to index
      %get3A_380 = arith.constant 64 : index
      %get3A_381 = tpu.vector_load %arg9[%get3A_379, %get3A_380] {strides = array<i32>} : memref<64x128xf32, #tpu.memory_space<vmem>>, vector<1x16xf32>,
      %get3A_382 = vector.shape_cast %get3A_381 : vector<1x16xf32> to vector<16xf32>
      %max3A_383 = arith.constant 0.000000e+00 : f32
      %max3A_384 = vector.broadcast %max3A_383 : f32 to vector<16xf32>
      %max3A_385 = arith.maximumf %get3A_382, %max3A_384 : vector<16xf32>
      %swap3A_386 = arith.index_cast %scan3A_333 : i32 to index
      %swap3A_387 = arith.constant 64 : index
      %swap3A_388 = tpu.vector_load %arg9[%swap3A_386, %swap3A_387] {strides = array<i32>} : memref<64x128xf32, #tpu.memory_space<vmem>>, vector<1x16xf32>,
      %swap3A_389 = vector.shape_cast %swap3A_388 : vector<1x16xf32> to vector<16xf32>
      %swap3A_390 = vector.shape_cast %max3A_385 : vector<16xf32> to vector<1x16xf32>
      tpu.vector_store %arg9[%swap3A_386, %swap3A_387], %swap3A_390 {strides = array<i32>} : memref<64x128xf32, #tpu.memory_space<vmem>>, vector<1x16xf32>,
      %get3A_391 = arith.index_cast %scan3A_333 : i32 to index
      %get3A_392 = arith.constant 80 : index
      %get3A_393 = tpu.vector_load %arg9[%get3A_391, %get3A_392] {strides = array<i32>} : memref<64x128xf32, #tpu.memory_space<vmem>>, vector<1x16xf32>,
      %get3A_394 = vector.shape_cast %get3A_393 : vector<1x16xf32> to vector<16xf32>
      %max3A_395 = arith.constant 0.000000e+00 : f32
      %max3A_396 = vector.broadcast %max3A_395 : f32 to vector<16xf32>
      %max3A_397 = arith.maximumf %get3A_394, %max3A_396 : vector<16xf32>
      %swap3A_398 = arith.index_cast %scan3A_333 : i32 to index
      %swap3A_399 = arith.constant 80 : index
      %swap3A_400 = tpu.vector_load %arg9[%swap3A_398, %swap3A_399] {strides = array<i32>} : memref<64x128xf32, #tpu.memory_space<vmem>>, vector<1x16xf32>,
      %swap3A_401 = vector.shape_cast %swap3A_400 : vector<1x16xf32> to vector<16xf32>
      %swap3A_402 = vector.shape_cast %max3A_397 : vector<16xf32> to vector<1x16xf32>
      tpu.vector_store %arg9[%swap3A_398, %swap3A_399], %swap3A_402 {strides = array<i32>} : memref<64x128xf32, #tpu.memory_space<vmem>>, vector<1x16xf32>,
      %get3A_403 = arith.index_cast %scan3A_333 : i32 to index
      %get3A_404 = arith.constant 96 : index
      %get3A_405 = tpu.vector_load %arg9[%get3A_403, %get3A_404] {strides = array<i32>} : memref<64x128xf32, #tpu.memory_space<vmem>>, vector<1x16xf32>,
      %get3A_406 = vector.shape_cast %get3A_405 : vector<1x16xf32> to vector<16xf32>
      %max3A_407 = arith.constant 0.000000e+00 : f32
      %max3A_408 = vector.broadcast %max3A_407 : f32 to vector<16xf32>
      %max3A_409 = arith.maximumf %get3A_406, %max3A_408 : vector<16xf32>
      %swap3A_410 = arith.index_cast %scan3A_333 : i32 to index
      %swap3A_411 = arith.constant 96 : index
      %swap3A_412 = tpu.vector_load %arg9[%swap3A_410, %swap3A_411] {strides = array<i32>} : memref<64x128xf32, #tpu.memory_space<vmem>>, vector<1x16xf32>,
      %swap3A_413 = vector.shape_cast %swap3A_412 : vector<1x16xf32> to vector<16xf32>
      %swap3A_414 = vector.shape_cast %max3A_409 : vector<16xf32> to vector<1x16xf32>
      tpu.vector_store %arg9[%swap3A_410, %swap3A_411], %swap3A_414 {strides = array<i32>} : memref<64x128xf32, #tpu.memory_space<vmem>>, vector<1x16xf32>,
      %get3A_415 = arith.index_cast %scan3A_333 : i32 to index
      %get3A_416 = arith.constant 112 : index
      %get3A_417 = tpu.vector_load %arg9[%get3A_415, %get3A_416] {strides = array<i32>} : memref<64x128xf32, #tpu.memory_space<vmem>>, vector<1x16xf32>,
      %get3A_418 = vector.shape_cast %get3A_417 : vector<1x16xf32> to vector<16xf32>
      %max3A_419 = arith.constant 0.000000e+00 : f32
      %max3A_420 = vector.broadcast %max3A_419 : f32 to vector<16xf32>
      %max3A_421 = arith.maximumf %get3A_418, %max3A_420 : vector<16xf32>
      %swap3A_422 = arith.index_cast %scan3A_333 : i32 to index
      %swap3A_423 = arith.constant 112 : index
      %swap3A_424 = tpu.vector_load %arg9[%swap3A_422, %swap3A_423] {strides = array<i32>} : memref<64x128xf32, #tpu.memory_space<vmem>>, vector<1x16xf32>,
      %swap3A_425 = vector.shape_cast %swap3A_424 : vector<1x16xf32> to vector<16xf32>
      %swap3A_426 = vector.shape_cast %max3A_421 : vector<16xf32> to vector<1x16xf32>
      tpu.vector_store %arg9[%swap3A_422, %swap3A_423], %swap3A_426 {strides = array<i32>} : memref<64x128xf32, #tpu.memory_space<vmem>>, vector<1x16xf32>,
    }
    %scan3A_289 = arith.constant 64 : i32
    %add3A_290 = arith.constant 5120 : i32
    %add3A_291 = arith.addi %add3A_290, %add3A_284 : i32
    %mul3A_292 = arith.constant 128 : i32
    %mul3A_293 = arith.muli %arg0, %mul3A_292 : i32
    "tpu.region"() ({
      %run_scoped3A = tpu.sem_alloc : memref<!tpu.dma_semaphore, #tpu.memory_space<semaphore_mem>>
      %dma_start3A_333 = tpu.memref_slice %arg5[%add3A_291, %mul3A_293] : memref<10240x256xf32, #tpu.memory_space<hbm>> -> memref<64x128xf32, #tpu.memory_space<hbm>>
      %dma_start3A_334 = tpu.memref_slice %arg5[%add3A_291, %mul3A_293] : memref<10240x256xf32, #tpu.memory_space<hbm>> -> memref<64x128xf32, #tpu.memory_space<hbm>>
      tpu.enqueue_dma source(%arg9 : memref<64x128xf32, #tpu.memory_space<vmem>>) target(%dma_start3A_334 : memref<64x128xf32, #tpu.memory_space<hbm>>) target_semaphore(%run_scoped3A : memref<!tpu.dma_semaphore, #tpu.memory_space<semaphore_mem>>)
      %dma_wait3A_335 = tpu.memref_slice %arg5[%add3A_291, %mul3A_293] : memref<10240x256xf32, #tpu.memory_space<hbm>> -> memref<64x128xf32, #tpu.memory_space<hbm>>
      %dma_wait3A_336 = tpu.memref_slice %arg5[%add3A_291, %mul3A_293] : memref<10240x256xf32, #tpu.memory_space<hbm>> -> memref<64x128xf32, #tpu.memory_space<hbm>>
      tpu.wait_dma2 semaphore(%run_scoped3A : memref<!tpu.dma_semaphore, #tpu.memory_space<semaphore_mem>>) src(%arg9 : memref<64x128xf32, #tpu.memory_space<vmem>>) dst(%dma_wait3A_336 : memref<64x128xf32, #tpu.memory_space<hbm>>)
      tpu.yield
    }) : () -> ()
    %mul3A_294 = arith.constant 320 : i32
    %mul3A_295 = arith.muli %arg1, %mul3A_294 : i32
    %add3A_296 = arith.constant 128 : i32
    %add3A_297 = arith.addi %mul3A_295, %add3A_296 : i32
    "tpu.region"() ({
      %run_scoped3A = tpu.sem_alloc : memref<!tpu.dma_semaphore, #tpu.memory_space<semaphore_mem>>
      %dma_start3A_333 = arith.constant 0 : i32
      %dma_start3A_334 = tpu.memref_slice %arg10[%add3A_297, %dma_start3A_333] : memref<5376x128xf32, #tpu.memory_space<vmem_shared>> -> memref<64x128xf32, #tpu.memory_space<vmem_shared>>
      %dma_start3A_335 = arith.constant 0 : i32
      %dma_start3A_336 = tpu.memref_slice %arg10[%add3A_297, %dma_start3A_335] : memref<5376x128xf32, #tpu.memory_space<vmem_shared>> -> memref<64x128xf32, #tpu.memory_space<vmem_shared>>
      tpu.enqueue_dma source(%dma_start3A_336 : memref<64x128xf32, #tpu.memory_space<vmem_shared>>) target(%arg9 : memref<64x128xf32, #tpu.memory_space<vmem>>) target_semaphore(%run_scoped3A : memref<!tpu.dma_semaphore, #tpu.memory_space<semaphore_mem>>)
      %dma_wait3A_337 = arith.constant 0 : i32
      %dma_wait3A_338 = tpu.memref_slice %arg10[%add3A_297, %dma_wait3A_337] : memref<5376x128xf32, #tpu.memory_space<vmem_shared>> -> memref<64x128xf32, #tpu.memory_space<vmem_shared>>
      %dma_wait3A_339 = arith.constant 0 : i32
      %dma_wait3A_340 = tpu.memref_slice %arg10[%add3A_297, %dma_wait3A_339] : memref<5376x128xf32, #tpu.memory_space<vmem_shared>> -> memref<64x128xf32, #tpu.memory_space<vmem_shared>>
      tpu.wait_dma2 semaphore(%run_scoped3A : memref<!tpu.dma_semaphore, #tpu.memory_space<semaphore_mem>>) src(%dma_wait3A_340 : memref<64x128xf32, #tpu.memory_space<vmem_shared>>) dst(%arg9 : memref<64x128xf32, #tpu.memory_space<vmem>>)
      tpu.yield
    }) : () -> ()
    %scan3A_298 = arith.constant 0 : i32
    %scan3A_299 = arith.constant 64 : i32
    %scan3A_300 = arith.addi %scan3A_298, %scan3A_299 : i32
    %scan3A_301 = arith.constant 1 : i32
    scf.for %scan3A_333 = %scan3A_298 to %scan3A_300 step %scan3A_301  : i32 {
      %get3A = arith.index_cast %scan3A_333 : i32 to index
      %get3A_334 = arith.constant 0 : index
      %get3A_335 = tpu.vector_load %arg9[%get3A, %get3A_334] {strides = array<i32>} : memref<64x128xf32, #tpu.memory_space<vmem>>, vector<1x16xf32>,
      %get3A_336 = vector.shape_cast %get3A_335 : vector<1x16xf32> to vector<16xf32>
      %max3A = arith.constant 0.000000e+00 : f32
      %max3A_337 = vector.broadcast %max3A : f32 to vector<16xf32>
      %max3A_338 = arith.maximumf %get3A_336, %max3A_337 : vector<16xf32>
      %swap3A = arith.index_cast %scan3A_333 : i32 to index
      %swap3A_339 = arith.constant 0 : index
      %swap3A_340 = tpu.vector_load %arg9[%swap3A, %swap3A_339] {strides = array<i32>} : memref<64x128xf32, #tpu.memory_space<vmem>>, vector<1x16xf32>,
      %swap3A_341 = vector.shape_cast %swap3A_340 : vector<1x16xf32> to vector<16xf32>
      %swap3A_342 = vector.shape_cast %max3A_338 : vector<16xf32> to vector<1x16xf32>
      tpu.vector_store %arg9[%swap3A, %swap3A_339], %swap3A_342 {strides = array<i32>} : memref<64x128xf32, #tpu.memory_space<vmem>>, vector<1x16xf32>,
      %get3A_343 = arith.index_cast %scan3A_333 : i32 to index
      %get3A_344 = arith.constant 16 : index
      %get3A_345 = tpu.vector_load %arg9[%get3A_343, %get3A_344] {strides = array<i32>} : memref<64x128xf32, #tpu.memory_space<vmem>>, vector<1x16xf32>,
      %get3A_346 = vector.shape_cast %get3A_345 : vector<1x16xf32> to vector<16xf32>
      %max3A_347 = arith.constant 0.000000e+00 : f32
      %max3A_348 = vector.broadcast %max3A_347 : f32 to vector<16xf32>
      %max3A_349 = arith.maximumf %get3A_346, %max3A_348 : vector<16xf32>
      %swap3A_350 = arith.index_cast %scan3A_333 : i32 to index
      %swap3A_351 = arith.constant 16 : index
      %swap3A_352 = tpu.vector_load %arg9[%swap3A_350, %swap3A_351] {strides = array<i32>} : memref<64x128xf32, #tpu.memory_space<vmem>>, vector<1x16xf32>,
      %swap3A_353 = vector.shape_cast %swap3A_352 : vector<1x16xf32> to vector<16xf32>
      %swap3A_354 = vector.shape_cast %max3A_349 : vector<16xf32> to vector<1x16xf32>
      tpu.vector_store %arg9[%swap3A_350, %swap3A_351], %swap3A_354 {strides = array<i32>} : memref<64x128xf32, #tpu.memory_space<vmem>>, vector<1x16xf32>,
      %get3A_355 = arith.index_cast %scan3A_333 : i32 to index
      %get3A_356 = arith.constant 32 : index
      %get3A_357 = tpu.vector_load %arg9[%get3A_355, %get3A_356] {strides = array<i32>} : memref<64x128xf32, #tpu.memory_space<vmem>>, vector<1x16xf32>,
      %get3A_358 = vector.shape_cast %get3A_357 : vector<1x16xf32> to vector<16xf32>
      %max3A_359 = arith.constant 0.000000e+00 : f32
      %max3A_360 = vector.broadcast %max3A_359 : f32 to vector<16xf32>
      %max3A_361 = arith.maximumf %get3A_358, %max3A_360 : vector<16xf32>
      %swap3A_362 = arith.index_cast %scan3A_333 : i32 to index
      %swap3A_363 = arith.constant 32 : index
      %swap3A_364 = tpu.vector_load %arg9[%swap3A_362, %swap3A_363] {strides = array<i32>} : memref<64x128xf32, #tpu.memory_space<vmem>>, vector<1x16xf32>,
      %swap3A_365 = vector.shape_cast %swap3A_364 : vector<1x16xf32> to vector<16xf32>
      %swap3A_366 = vector.shape_cast %max3A_361 : vector<16xf32> to vector<1x16xf32>
      tpu.vector_store %arg9[%swap3A_362, %swap3A_363], %swap3A_366 {strides = array<i32>} : memref<64x128xf32, #tpu.memory_space<vmem>>, vector<1x16xf32>,
      %get3A_367 = arith.index_cast %scan3A_333 : i32 to index
      %get3A_368 = arith.constant 48 : index
      %get3A_369 = tpu.vector_load %arg9[%get3A_367, %get3A_368] {strides = array<i32>} : memref<64x128xf32, #tpu.memory_space<vmem>>, vector<1x16xf32>,
      %get3A_370 = vector.shape_cast %get3A_369 : vector<1x16xf32> to vector<16xf32>
      %max3A_371 = arith.constant 0.000000e+00 : f32
      %max3A_372 = vector.broadcast %max3A_371 : f32 to vector<16xf32>
      %max3A_373 = arith.maximumf %get3A_370, %max3A_372 : vector<16xf32>
      %swap3A_374 = arith.index_cast %scan3A_333 : i32 to index
      %swap3A_375 = arith.constant 48 : index
      %swap3A_376 = tpu.vector_load %arg9[%swap3A_374, %swap3A_375] {strides = array<i32>} : memref<64x128xf32, #tpu.memory_space<vmem>>, vector<1x16xf32>,
      %swap3A_377 = vector.shape_cast %swap3A_376 : vector<1x16xf32> to vector<16xf32>
      %swap3A_378 = vector.shape_cast %max3A_373 : vector<16xf32> to vector<1x16xf32>
      tpu.vector_store %arg9[%swap3A_374, %swap3A_375], %swap3A_378 {strides = array<i32>} : memref<64x128xf32, #tpu.memory_space<vmem>>, vector<1x16xf32>,
      %get3A_379 = arith.index_cast %scan3A_333 : i32 to index
      %get3A_380 = arith.constant 64 : index
      %get3A_381 = tpu.vector_load %arg9[%get3A_379, %get3A_380] {strides = array<i32>} : memref<64x128xf32, #tpu.memory_space<vmem>>, vector<1x16xf32>,
      %get3A_382 = vector.shape_cast %get3A_381 : vector<1x16xf32> to vector<16xf32>
      %max3A_383 = arith.constant 0.000000e+00 : f32
      %max3A_384 = vector.broadcast %max3A_383 : f32 to vector<16xf32>
      %max3A_385 = arith.maximumf %get3A_382, %max3A_384 : vector<16xf32>
      %swap3A_386 = arith.index_cast %scan3A_333 : i32 to index
      %swap3A_387 = arith.constant 64 : index
      %swap3A_388 = tpu.vector_load %arg9[%swap3A_386, %swap3A_387] {strides = array<i32>} : memref<64x128xf32, #tpu.memory_space<vmem>>, vector<1x16xf32>,
      %swap3A_389 = vector.shape_cast %swap3A_388 : vector<1x16xf32> to vector<16xf32>
      %swap3A_390 = vector.shape_cast %max3A_385 : vector<16xf32> to vector<1x16xf32>
      tpu.vector_store %arg9[%swap3A_386, %swap3A_387], %swap3A_390 {strides = array<i32>} : memref<64x128xf32, #tpu.memory_space<vmem>>, vector<1x16xf32>,
      %get3A_391 = arith.index_cast %scan3A_333 : i32 to index
      %get3A_392 = arith.constant 80 : index
      %get3A_393 = tpu.vector_load %arg9[%get3A_391, %get3A_392] {strides = array<i32>} : memref<64x128xf32, #tpu.memory_space<vmem>>, vector<1x16xf32>,
      %get3A_394 = vector.shape_cast %get3A_393 : vector<1x16xf32> to vector<16xf32>
      %max3A_395 = arith.constant 0.000000e+00 : f32
      %max3A_396 = vector.broadcast %max3A_395 : f32 to vector<16xf32>
      %max3A_397 = arith.maximumf %get3A_394, %max3A_396 : vector<16xf32>
      %swap3A_398 = arith.index_cast %scan3A_333 : i32 to index
      %swap3A_399 = arith.constant 80 : index
      %swap3A_400 = tpu.vector_load %arg9[%swap3A_398, %swap3A_399] {strides = array<i32>} : memref<64x128xf32, #tpu.memory_space<vmem>>, vector<1x16xf32>,
      %swap3A_401 = vector.shape_cast %swap3A_400 : vector<1x16xf32> to vector<16xf32>
      %swap3A_402 = vector.shape_cast %max3A_397 : vector<16xf32> to vector<1x16xf32>
      tpu.vector_store %arg9[%swap3A_398, %swap3A_399], %swap3A_402 {strides = array<i32>} : memref<64x128xf32, #tpu.memory_space<vmem>>, vector<1x16xf32>,
      %get3A_403 = arith.index_cast %scan3A_333 : i32 to index
      %get3A_404 = arith.constant 96 : index
      %get3A_405 = tpu.vector_load %arg9[%get3A_403, %get3A_404] {strides = array<i32>} : memref<64x128xf32, #tpu.memory_space<vmem>>, vector<1x16xf32>,
      %get3A_406 = vector.shape_cast %get3A_405 : vector<1x16xf32> to vector<16xf32>
      %max3A_407 = arith.constant 0.000000e+00 : f32
      %max3A_408 = vector.broadcast %max3A_407 : f32 to vector<16xf32>
      %max3A_409 = arith.maximumf %get3A_406, %max3A_408 : vector<16xf32>
      %swap3A_410 = arith.index_cast %scan3A_333 : i32 to index
      %swap3A_411 = arith.constant 96 : index
      %swap3A_412 = tpu.vector_load %arg9[%swap3A_410, %swap3A_411] {strides = array<i32>} : memref<64x128xf32, #tpu.memory_space<vmem>>, vector<1x16xf32>,
      %swap3A_413 = vector.shape_cast %swap3A_412 : vector<1x16xf32> to vector<16xf32>
      %swap3A_414 = vector.shape_cast %max3A_409 : vector<16xf32> to vector<1x16xf32>
      tpu.vector_store %arg9[%swap3A_410, %swap3A_411], %swap3A_414 {strides = array<i32>} : memref<64x128xf32, #tpu.memory_space<vmem>>, vector<1x16xf32>,
      %get3A_415 = arith.index_cast %scan3A_333 : i32 to index
      %get3A_416 = arith.constant 112 : index
      %get3A_417 = tpu.vector_load %arg9[%get3A_415, %get3A_416] {strides = array<i32>} : memref<64x128xf32, #tpu.memory_space<vmem>>, vector<1x16xf32>,
      %get3A_418 = vector.shape_cast %get3A_417 : vector<1x16xf32> to vector<16xf32>
      %max3A_419 = arith.constant 0.000000e+00 : f32
      %max3A_420 = vector.broadcast %max3A_419 : f32 to vector<16xf32>
      %max3A_421 = arith.maximumf %get3A_418, %max3A_420 : vector<16xf32>
      %swap3A_422 = arith.index_cast %scan3A_333 : i32 to index
      %swap3A_423 = arith.constant 112 : index
      %swap3A_424 = tpu.vector_load %arg9[%swap3A_422, %swap3A_423] {strides = array<i32>} : memref<64x128xf32, #tpu.memory_space<vmem>>, vector<1x16xf32>,
      %swap3A_425 = vector.shape_cast %swap3A_424 : vector<1x16xf32> to vector<16xf32>
      %swap3A_426 = vector.shape_cast %max3A_421 : vector<16xf32> to vector<1x16xf32>
      tpu.vector_store %arg9[%swap3A_422, %swap3A_423], %swap3A_426 {strides = array<i32>} : memref<64x128xf32, #tpu.memory_space<vmem>>, vector<1x16xf32>,
    }
    %scan3A_302 = arith.constant 64 : i32
    %add3A_303 = arith.constant 5120 : i32
    %add3A_304 = arith.addi %add3A_303, %add3A_297 : i32
    %mul3A_305 = arith.constant 128 : i32
    %mul3A_306 = arith.muli %arg0, %mul3A_305 : i32
    "tpu.region"() ({
      %run_scoped3A = tpu.sem_alloc : memref<!tpu.dma_semaphore, #tpu.memory_space<semaphore_mem>>
      %dma_start3A_333 = tpu.memref_slice %arg5[%add3A_304, %mul3A_306] : memref<10240x256xf32, #tpu.memory_space<hbm>> -> memref<64x128xf32, #tpu.memory_space<hbm>>
      %dma_start3A_334 = tpu.memref_slice %arg5[%add3A_304, %mul3A_306] : memref<10240x256xf32, #tpu.memory_space<hbm>> -> memref<64x128xf32, #tpu.memory_space<hbm>>
      tpu.enqueue_dma source(%arg9 : memref<64x128xf32, #tpu.memory_space<vmem>>) target(%dma_start3A_334 : memref<64x128xf32, #tpu.memory_space<hbm>>) target_semaphore(%run_scoped3A : memref<!tpu.dma_semaphore, #tpu.memory_space<semaphore_mem>>)
      %dma_wait3A_335 = tpu.memref_slice %arg5[%add3A_304, %mul3A_306] : memref<10240x256xf32, #tpu.memory_space<hbm>> -> memref<64x128xf32, #tpu.memory_space<hbm>>
      %dma_wait3A_336 = tpu.memref_slice %arg5[%add3A_304, %mul3A_306] : memref<10240x256xf32, #tpu.memory_space<hbm>> -> memref<64x128xf32, #tpu.memory_space<hbm>>
      tpu.wait_dma2 semaphore(%run_scoped3A : memref<!tpu.dma_semaphore, #tpu.memory_space<semaphore_mem>>) src(%arg9 : memref<64x128xf32, #tpu.memory_space<vmem>>) dst(%dma_wait3A_336 : memref<64x128xf32, #tpu.memory_space<hbm>>)
      tpu.yield
    }) : () -> ()
    %mul3A_307 = arith.constant 320 : i32
    %mul3A_308 = arith.muli %arg1, %mul3A_307 : i32
    %add3A_309 = arith.constant 192 : i32
    %add3A_310 = arith.addi %mul3A_308, %add3A_309 : i32
    "tpu.region"() ({
      %run_scoped3A = tpu.sem_alloc : memref<!tpu.dma_semaphore, #tpu.memory_space<semaphore_mem>>
      %dma_start3A_333 = arith.constant 0 : i32
      %dma_start3A_334 = tpu.memref_slice %arg10[%add3A_310, %dma_start3A_333] : memref<5376x128xf32, #tpu.memory_space<vmem_shared>> -> memref<64x128xf32, #tpu.memory_space<vmem_shared>>
      %dma_start3A_335 = arith.constant 0 : i32
      %dma_start3A_336 = tpu.memref_slice %arg10[%add3A_310, %dma_start3A_335] : memref<5376x128xf32, #tpu.memory_space<vmem_shared>> -> memref<64x128xf32, #tpu.memory_space<vmem_shared>>
      tpu.enqueue_dma source(%dma_start3A_336 : memref<64x128xf32, #tpu.memory_space<vmem_shared>>) target(%arg9 : memref<64x128xf32, #tpu.memory_space<vmem>>) target_semaphore(%run_scoped3A : memref<!tpu.dma_semaphore, #tpu.memory_space<semaphore_mem>>)
      %dma_wait3A_337 = arith.constant 0 : i32
      %dma_wait3A_338 = tpu.memref_slice %arg10[%add3A_310, %dma_wait3A_337] : memref<5376x128xf32, #tpu.memory_space<vmem_shared>> -> memref<64x128xf32, #tpu.memory_space<vmem_shared>>
      %dma_wait3A_339 = arith.constant 0 : i32
      %dma_wait3A_340 = tpu.memref_slice %arg10[%add3A_310, %dma_wait3A_339] : memref<5376x128xf32, #tpu.memory_space<vmem_shared>> -> memref<64x128xf32, #tpu.memory_space<vmem_shared>>
      tpu.wait_dma2 semaphore(%run_scoped3A : memref<!tpu.dma_semaphore, #tpu.memory_space<semaphore_mem>>) src(%dma_wait3A_340 : memref<64x128xf32, #tpu.memory_space<vmem_shared>>) dst(%arg9 : memref<64x128xf32, #tpu.memory_space<vmem>>)
      tpu.yield
    }) : () -> ()
    %scan3A_311 = arith.constant 0 : i32
    %scan3A_312 = arith.constant 64 : i32
    %scan3A_313 = arith.addi %scan3A_311, %scan3A_312 : i32
    %scan3A_314 = arith.constant 1 : i32
    scf.for %scan3A_333 = %scan3A_311 to %scan3A_313 step %scan3A_314  : i32 {
      %get3A = arith.index_cast %scan3A_333 : i32 to index
      %get3A_334 = arith.constant 0 : index
      %get3A_335 = tpu.vector_load %arg9[%get3A, %get3A_334] {strides = array<i32>} : memref<64x128xf32, #tpu.memory_space<vmem>>, vector<1x16xf32>,
      %get3A_336 = vector.shape_cast %get3A_335 : vector<1x16xf32> to vector<16xf32>
      %max3A = arith.constant 0.000000e+00 : f32
      %max3A_337 = vector.broadcast %max3A : f32 to vector<16xf32>
      %max3A_338 = arith.maximumf %get3A_336, %max3A_337 : vector<16xf32>
      %swap3A = arith.index_cast %scan3A_333 : i32 to index
      %swap3A_339 = arith.constant 0 : index
      %swap3A_340 = tpu.vector_load %arg9[%swap3A, %swap3A_339] {strides = array<i32>} : memref<64x128xf32, #tpu.memory_space<vmem>>, vector<1x16xf32>,
      %swap3A_341 = vector.shape_cast %swap3A_340 : vector<1x16xf32> to vector<16xf32>
      %swap3A_342 = vector.shape_cast %max3A_338 : vector<16xf32> to vector<1x16xf32>
      tpu.vector_store %arg9[%swap3A, %swap3A_339], %swap3A_342 {strides = array<i32>} : memref<64x128xf32, #tpu.memory_space<vmem>>, vector<1x16xf32>,
      %get3A_343 = arith.index_cast %scan3A_333 : i32 to index
      %get3A_344 = arith.constant 16 : index
      %get3A_345 = tpu.vector_load %arg9[%get3A_343, %get3A_344] {strides = array<i32>} : memref<64x128xf32, #tpu.memory_space<vmem>>, vector<1x16xf32>,
      %get3A_346 = vector.shape_cast %get3A_345 : vector<1x16xf32> to vector<16xf32>
      %max3A_347 = arith.constant 0.000000e+00 : f32
      %max3A_348 = vector.broadcast %max3A_347 : f32 to vector<16xf32>
      %max3A_349 = arith.maximumf %get3A_346, %max3A_348 : vector<16xf32>
      %swap3A_350 = arith.index_cast %scan3A_333 : i32 to index
      %swap3A_351 = arith.constant 16 : index
      %swap3A_352 = tpu.vector_load %arg9[%swap3A_350, %swap3A_351] {strides = array<i32>} : memref<64x128xf32, #tpu.memory_space<vmem>>, vector<1x16xf32>,
      %swap3A_353 = vector.shape_cast %swap3A_352 : vector<1x16xf32> to vector<16xf32>
      %swap3A_354 = vector.shape_cast %max3A_349 : vector<16xf32> to vector<1x16xf32>
      tpu.vector_store %arg9[%swap3A_350, %swap3A_351], %swap3A_354 {strides = array<i32>} : memref<64x128xf32, #tpu.memory_space<vmem>>, vector<1x16xf32>,
      %get3A_355 = arith.index_cast %scan3A_333 : i32 to index
      %get3A_356 = arith.constant 32 : index
      %get3A_357 = tpu.vector_load %arg9[%get3A_355, %get3A_356] {strides = array<i32>} : memref<64x128xf32, #tpu.memory_space<vmem>>, vector<1x16xf32>,
      %get3A_358 = vector.shape_cast %get3A_357 : vector<1x16xf32> to vector<16xf32>
      %max3A_359 = arith.constant 0.000000e+00 : f32
      %max3A_360 = vector.broadcast %max3A_359 : f32 to vector<16xf32>
      %max3A_361 = arith.maximumf %get3A_358, %max3A_360 : vector<16xf32>
      %swap3A_362 = arith.index_cast %scan3A_333 : i32 to index
      %swap3A_363 = arith.constant 32 : index
      %swap3A_364 = tpu.vector_load %arg9[%swap3A_362, %swap3A_363] {strides = array<i32>} : memref<64x128xf32, #tpu.memory_space<vmem>>, vector<1x16xf32>,
      %swap3A_365 = vector.shape_cast %swap3A_364 : vector<1x16xf32> to vector<16xf32>
      %swap3A_366 = vector.shape_cast %max3A_361 : vector<16xf32> to vector<1x16xf32>
      tpu.vector_store %arg9[%swap3A_362, %swap3A_363], %swap3A_366 {strides = array<i32>} : memref<64x128xf32, #tpu.memory_space<vmem>>, vector<1x16xf32>,
      %get3A_367 = arith.index_cast %scan3A_333 : i32 to index
      %get3A_368 = arith.constant 48 : index
      %get3A_369 = tpu.vector_load %arg9[%get3A_367, %get3A_368] {strides = array<i32>} : memref<64x128xf32, #tpu.memory_space<vmem>>, vector<1x16xf32>,
      %get3A_370 = vector.shape_cast %get3A_369 : vector<1x16xf32> to vector<16xf32>
      %max3A_371 = arith.constant 0.000000e+00 : f32
      %max3A_372 = vector.broadcast %max3A_371 : f32 to vector<16xf32>
      %max3A_373 = arith.maximumf %get3A_370, %max3A_372 : vector<16xf32>
      %swap3A_374 = arith.index_cast %scan3A_333 : i32 to index
      %swap3A_375 = arith.constant 48 : index
      %swap3A_376 = tpu.vector_load %arg9[%swap3A_374, %swap3A_375] {strides = array<i32>} : memref<64x128xf32, #tpu.memory_space<vmem>>, vector<1x16xf32>,
      %swap3A_377 = vector.shape_cast %swap3A_376 : vector<1x16xf32> to vector<16xf32>
      %swap3A_378 = vector.shape_cast %max3A_373 : vector<16xf32> to vector<1x16xf32>
      tpu.vector_store %arg9[%swap3A_374, %swap3A_375], %swap3A_378 {strides = array<i32>} : memref<64x128xf32, #tpu.memory_space<vmem>>, vector<1x16xf32>,
      %get3A_379 = arith.index_cast %scan3A_333 : i32 to index
      %get3A_380 = arith.constant 64 : index
      %get3A_381 = tpu.vector_load %arg9[%get3A_379, %get3A_380] {strides = array<i32>} : memref<64x128xf32, #tpu.memory_space<vmem>>, vector<1x16xf32>,
      %get3A_382 = vector.shape_cast %get3A_381 : vector<1x16xf32> to vector<16xf32>
      %max3A_383 = arith.constant 0.000000e+00 : f32
      %max3A_384 = vector.broadcast %max3A_383 : f32 to vector<16xf32>
      %max3A_385 = arith.maximumf %get3A_382, %max3A_384 : vector<16xf32>
      %swap3A_386 = arith.index_cast %scan3A_333 : i32 to index
      %swap3A_387 = arith.constant 64 : index
      %swap3A_388 = tpu.vector_load %arg9[%swap3A_386, %swap3A_387] {strides = array<i32>} : memref<64x128xf32, #tpu.memory_space<vmem>>, vector<1x16xf32>,
      %swap3A_389 = vector.shape_cast %swap3A_388 : vector<1x16xf32> to vector<16xf32>
      %swap3A_390 = vector.shape_cast %max3A_385 : vector<16xf32> to vector<1x16xf32>
      tpu.vector_store %arg9[%swap3A_386, %swap3A_387], %swap3A_390 {strides = array<i32>} : memref<64x128xf32, #tpu.memory_space<vmem>>, vector<1x16xf32>,
      %get3A_391 = arith.index_cast %scan3A_333 : i32 to index
      %get3A_392 = arith.constant 80 : index
      %get3A_393 = tpu.vector_load %arg9[%get3A_391, %get3A_392] {strides = array<i32>} : memref<64x128xf32, #tpu.memory_space<vmem>>, vector<1x16xf32>,
      %get3A_394 = vector.shape_cast %get3A_393 : vector<1x16xf32> to vector<16xf32>
      %max3A_395 = arith.constant 0.000000e+00 : f32
      %max3A_396 = vector.broadcast %max3A_395 : f32 to vector<16xf32>
      %max3A_397 = arith.maximumf %get3A_394, %max3A_396 : vector<16xf32>
      %swap3A_398 = arith.index_cast %scan3A_333 : i32 to index
      %swap3A_399 = arith.constant 80 : index
      %swap3A_400 = tpu.vector_load %arg9[%swap3A_398, %swap3A_399] {strides = array<i32>} : memref<64x128xf32, #tpu.memory_space<vmem>>, vector<1x16xf32>,
      %swap3A_401 = vector.shape_cast %swap3A_400 : vector<1x16xf32> to vector<16xf32>
      %swap3A_402 = vector.shape_cast %max3A_397 : vector<16xf32> to vector<1x16xf32>
      tpu.vector_store %arg9[%swap3A_398, %swap3A_399], %swap3A_402 {strides = array<i32>} : memref<64x128xf32, #tpu.memory_space<vmem>>, vector<1x16xf32>,
      %get3A_403 = arith.index_cast %scan3A_333 : i32 to index
      %get3A_404 = arith.constant 96 : index
      %get3A_405 = tpu.vector_load %arg9[%get3A_403, %get3A_404] {strides = array<i32>} : memref<64x128xf32, #tpu.memory_space<vmem>>, vector<1x16xf32>,
      %get3A_406 = vector.shape_cast %get3A_405 : vector<1x16xf32> to vector<16xf32>
      %max3A_407 = arith.constant 0.000000e+00 : f32
      %max3A_408 = vector.broadcast %max3A_407 : f32 to vector<16xf32>
      %max3A_409 = arith.maximumf %get3A_406, %max3A_408 : vector<16xf32>
      %swap3A_410 = arith.index_cast %scan3A_333 : i32 to index
      %swap3A_411 = arith.constant 96 : index
      %swap3A_412 = tpu.vector_load %arg9[%swap3A_410, %swap3A_411] {strides = array<i32>} : memref<64x128xf32, #tpu.memory_space<vmem>>, vector<1x16xf32>,
      %swap3A_413 = vector.shape_cast %swap3A_412 : vector<1x16xf32> to vector<16xf32>
      %swap3A_414 = vector.shape_cast %max3A_409 : vector<16xf32> to vector<1x16xf32>
      tpu.vector_store %arg9[%swap3A_410, %swap3A_411], %swap3A_414 {strides = array<i32>} : memref<64x128xf32, #tpu.memory_space<vmem>>, vector<1x16xf32>,
      %get3A_415 = arith.index_cast %scan3A_333 : i32 to index
      %get3A_416 = arith.constant 112 : index
      %get3A_417 = tpu.vector_load %arg9[%get3A_415, %get3A_416] {strides = array<i32>} : memref<64x128xf32, #tpu.memory_space<vmem>>, vector<1x16xf32>,
      %get3A_418 = vector.shape_cast %get3A_417 : vector<1x16xf32> to vector<16xf32>
      %max3A_419 = arith.constant 0.000000e+00 : f32
      %max3A_420 = vector.broadcast %max3A_419 : f32 to vector<16xf32>
      %max3A_421 = arith.maximumf %get3A_418, %max3A_420 : vector<16xf32>
      %swap3A_422 = arith.index_cast %scan3A_333 : i32 to index
      %swap3A_423 = arith.constant 112 : index
      %swap3A_424 = tpu.vector_load %arg9[%swap3A_422, %swap3A_423] {strides = array<i32>} : memref<64x128xf32, #tpu.memory_space<vmem>>, vector<1x16xf32>,
      %swap3A_425 = vector.shape_cast %swap3A_424 : vector<1x16xf32> to vector<16xf32>
      %swap3A_426 = vector.shape_cast %max3A_421 : vector<16xf32> to vector<1x16xf32>
      tpu.vector_store %arg9[%swap3A_422, %swap3A_423], %swap3A_426 {strides = array<i32>} : memref<64x128xf32, #tpu.memory_space<vmem>>, vector<1x16xf32>,
    }
    %scan3A_315 = arith.constant 64 : i32
    %add3A_316 = arith.constant 5120 : i32
    %add3A_317 = arith.addi %add3A_316, %add3A_310 : i32
    %mul3A_318 = arith.constant 128 : i32
    %mul3A_319 = arith.muli %arg0, %mul3A_318 : i32
    "tpu.region"() ({
      %run_scoped3A = tpu.sem_alloc : memref<!tpu.dma_semaphore, #tpu.memory_space<semaphore_mem>>
      %dma_start3A_333 = tpu.memref_slice %arg5[%add3A_317, %mul3A_319] : memref<10240x256xf32, #tpu.memory_space<hbm>> -> memref<64x128xf32, #tpu.memory_space<hbm>>
      %dma_start3A_334 = tpu.memref_slice %arg5[%add3A_317, %mul3A_319] : memref<10240x256xf32, #tpu.memory_space<hbm>> -> memref<64x128xf32, #tpu.memory_space<hbm>>
      tpu.enqueue_dma source(%arg9 : memref<64x128xf32, #tpu.memory_space<vmem>>) target(%dma_start3A_334 : memref<64x128xf32, #tpu.memory_space<hbm>>) target_semaphore(%run_scoped3A : memref<!tpu.dma_semaphore, #tpu.memory_space<semaphore_mem>>)
      %dma_wait3A_335 = tpu.memref_slice %arg5[%add3A_317, %mul3A_319] : memref<10240x256xf32, #tpu.memory_space<hbm>> -> memref<64x128xf32, #tpu.memory_space<hbm>>
      %dma_wait3A_336 = tpu.memref_slice %arg5[%add3A_317, %mul3A_319] : memref<10240x256xf32, #tpu.memory_space<hbm>> -> memref<64x128xf32, #tpu.memory_space<hbm>>
      tpu.wait_dma2 semaphore(%run_scoped3A : memref<!tpu.dma_semaphore, #tpu.memory_space<semaphore_mem>>) src(%arg9 : memref<64x128xf32, #tpu.memory_space<vmem>>) dst(%dma_wait3A_336 : memref<64x128xf32, #tpu.memory_space<hbm>>)
      tpu.yield
    }) : () -> ()
    %mul3A_320 = arith.constant 320 : i32
    %mul3A_321 = arith.muli %arg1, %mul3A_320 : i32
    %add3A_322 = arith.constant 256 : i32
    %add3A_323 = arith.addi %mul3A_321, %add3A_322 : i32
    "tpu.region"() ({
      %run_scoped3A = tpu.sem_alloc : memref<!tpu.dma_semaphore, #tpu.memory_space<semaphore_mem>>
      %dma_start3A_333 = arith.constant 0 : i32
      %dma_start3A_334 = tpu.memref_slice %arg10[%add3A_323, %dma_start3A_333] : memref<5376x128xf32, #tpu.memory_space<vmem_shared>> -> memref<64x128xf32, #tpu.memory_space<vmem_shared>>
      %dma_start3A_335 = arith.constant 0 : i32
      %dma_start3A_336 = tpu.memref_slice %arg10[%add3A_323, %dma_start3A_335] : memref<5376x128xf32, #tpu.memory_space<vmem_shared>> -> memref<64x128xf32, #tpu.memory_space<vmem_shared>>
      tpu.enqueue_dma source(%dma_start3A_336 : memref<64x128xf32, #tpu.memory_space<vmem_shared>>) target(%arg9 : memref<64x128xf32, #tpu.memory_space<vmem>>) target_semaphore(%run_scoped3A : memref<!tpu.dma_semaphore, #tpu.memory_space<semaphore_mem>>)
      %dma_wait3A_337 = arith.constant 0 : i32
      %dma_wait3A_338 = tpu.memref_slice %arg10[%add3A_323, %dma_wait3A_337] : memref<5376x128xf32, #tpu.memory_space<vmem_shared>> -> memref<64x128xf32, #tpu.memory_space<vmem_shared>>
      %dma_wait3A_339 = arith.constant 0 : i32
      %dma_wait3A_340 = tpu.memref_slice %arg10[%add3A_323, %dma_wait3A_339] : memref<5376x128xf32, #tpu.memory_space<vmem_shared>> -> memref<64x128xf32, #tpu.memory_space<vmem_shared>>
      tpu.wait_dma2 semaphore(%run_scoped3A : memref<!tpu.dma_semaphore, #tpu.memory_space<semaphore_mem>>) src(%dma_wait3A_340 : memref<64x128xf32, #tpu.memory_space<vmem_shared>>) dst(%arg9 : memref<64x128xf32, #tpu.memory_space<vmem>>)
      tpu.yield
    }) : () -> ()
    %scan3A_324 = arith.constant 0 : i32
    %scan3A_325 = arith.constant 64 : i32
    %scan3A_326 = arith.addi %scan3A_324, %scan3A_325 : i32
    %scan3A_327 = arith.constant 1 : i32
    scf.for %scan3A_333 = %scan3A_324 to %scan3A_326 step %scan3A_327  : i32 {
      %get3A = arith.index_cast %scan3A_333 : i32 to index
      %get3A_334 = arith.constant 0 : index
      %get3A_335 = tpu.vector_load %arg9[%get3A, %get3A_334] {strides = array<i32>} : memref<64x128xf32, #tpu.memory_space<vmem>>, vector<1x16xf32>,
      %get3A_336 = vector.shape_cast %get3A_335 : vector<1x16xf32> to vector<16xf32>
      %max3A = arith.constant 0.000000e+00 : f32
      %max3A_337 = vector.broadcast %max3A : f32 to vector<16xf32>
      %max3A_338 = arith.maximumf %get3A_336, %max3A_337 : vector<16xf32>
      %swap3A = arith.index_cast %scan3A_333 : i32 to index
      %swap3A_339 = arith.constant 0 : index
      %swap3A_340 = tpu.vector_load %arg9[%swap3A, %swap3A_339] {strides = array<i32>} : memref<64x128xf32, #tpu.memory_space<vmem>>, vector<1x16xf32>,
      %swap3A_341 = vector.shape_cast %swap3A_340 : vector<1x16xf32> to vector<16xf32>
      %swap3A_342 = vector.shape_cast %max3A_338 : vector<16xf32> to vector<1x16xf32>
      tpu.vector_store %arg9[%swap3A, %swap3A_339], %swap3A_342 {strides = array<i32>} : memref<64x128xf32, #tpu.memory_space<vmem>>, vector<1x16xf32>,
      %get3A_343 = arith.index_cast %scan3A_333 : i32 to index
      %get3A_344 = arith.constant 16 : index
      %get3A_345 = tpu.vector_load %arg9[%get3A_343, %get3A_344] {strides = array<i32>} : memref<64x128xf32, #tpu.memory_space<vmem>>, vector<1x16xf32>,
      %get3A_346 = vector.shape_cast %get3A_345 : vector<1x16xf32> to vector<16xf32>
      %max3A_347 = arith.constant 0.000000e+00 : f32
      %max3A_348 = vector.broadcast %max3A_347 : f32 to vector<16xf32>
      %max3A_349 = arith.maximumf %get3A_346, %max3A_348 : vector<16xf32>
      %swap3A_350 = arith.index_cast %scan3A_333 : i32 to index
      %swap3A_351 = arith.constant 16 : index
      %swap3A_352 = tpu.vector_load %arg9[%swap3A_350, %swap3A_351] {strides = array<i32>} : memref<64x128xf32, #tpu.memory_space<vmem>>, vector<1x16xf32>,
      %swap3A_353 = vector.shape_cast %swap3A_352 : vector<1x16xf32> to vector<16xf32>
      %swap3A_354 = vector.shape_cast %max3A_349 : vector<16xf32> to vector<1x16xf32>
      tpu.vector_store %arg9[%swap3A_350, %swap3A_351], %swap3A_354 {strides = array<i32>} : memref<64x128xf32, #tpu.memory_space<vmem>>, vector<1x16xf32>,
      %get3A_355 = arith.index_cast %scan3A_333 : i32 to index
      %get3A_356 = arith.constant 32 : index
      %get3A_357 = tpu.vector_load %arg9[%get3A_355, %get3A_356] {strides = array<i32>} : memref<64x128xf32, #tpu.memory_space<vmem>>, vector<1x16xf32>,
      %get3A_358 = vector.shape_cast %get3A_357 : vector<1x16xf32> to vector<16xf32>
      %max3A_359 = arith.constant 0.000000e+00 : f32
      %max3A_360 = vector.broadcast %max3A_359 : f32 to vector<16xf32>
      %max3A_361 = arith.maximumf %get3A_358, %max3A_360 : vector<16xf32>
      %swap3A_362 = arith.index_cast %scan3A_333 : i32 to index
      %swap3A_363 = arith.constant 32 : index
      %swap3A_364 = tpu.vector_load %arg9[%swap3A_362, %swap3A_363] {strides = array<i32>} : memref<64x128xf32, #tpu.memory_space<vmem>>, vector<1x16xf32>,
      %swap3A_365 = vector.shape_cast %swap3A_364 : vector<1x16xf32> to vector<16xf32>
      %swap3A_366 = vector.shape_cast %max3A_361 : vector<16xf32> to vector<1x16xf32>
      tpu.vector_store %arg9[%swap3A_362, %swap3A_363], %swap3A_366 {strides = array<i32>} : memref<64x128xf32, #tpu.memory_space<vmem>>, vector<1x16xf32>,
      %get3A_367 = arith.index_cast %scan3A_333 : i32 to index
      %get3A_368 = arith.constant 48 : index
      %get3A_369 = tpu.vector_load %arg9[%get3A_367, %get3A_368] {strides = array<i32>} : memref<64x128xf32, #tpu.memory_space<vmem>>, vector<1x16xf32>,
      %get3A_370 = vector.shape_cast %get3A_369 : vector<1x16xf32> to vector<16xf32>
      %max3A_371 = arith.constant 0.000000e+00 : f32
      %max3A_372 = vector.broadcast %max3A_371 : f32 to vector<16xf32>
      %max3A_373 = arith.maximumf %get3A_370, %max3A_372 : vector<16xf32>
      %swap3A_374 = arith.index_cast %scan3A_333 : i32 to index
      %swap3A_375 = arith.constant 48 : index
      %swap3A_376 = tpu.vector_load %arg9[%swap3A_374, %swap3A_375] {strides = array<i32>} : memref<64x128xf32, #tpu.memory_space<vmem>>, vector<1x16xf32>,
      %swap3A_377 = vector.shape_cast %swap3A_376 : vector<1x16xf32> to vector<16xf32>
      %swap3A_378 = vector.shape_cast %max3A_373 : vector<16xf32> to vector<1x16xf32>
      tpu.vector_store %arg9[%swap3A_374, %swap3A_375], %swap3A_378 {strides = array<i32>} : memref<64x128xf32, #tpu.memory_space<vmem>>, vector<1x16xf32>,
      %get3A_379 = arith.index_cast %scan3A_333 : i32 to index
      %get3A_380 = arith.constant 64 : index
      %get3A_381 = tpu.vector_load %arg9[%get3A_379, %get3A_380] {strides = array<i32>} : memref<64x128xf32, #tpu.memory_space<vmem>>, vector<1x16xf32>,
      %get3A_382 = vector.shape_cast %get3A_381 : vector<1x16xf32> to vector<16xf32>
      %max3A_383 = arith.constant 0.000000e+00 : f32
      %max3A_384 = vector.broadcast %max3A_383 : f32 to vector<16xf32>
      %max3A_385 = arith.maximumf %get3A_382, %max3A_384 : vector<16xf32>
      %swap3A_386 = arith.index_cast %scan3A_333 : i32 to index
      %swap3A_387 = arith.constant 64 : index
      %swap3A_388 = tpu.vector_load %arg9[%swap3A_386, %swap3A_387] {strides = array<i32>} : memref<64x128xf32, #tpu.memory_space<vmem>>, vector<1x16xf32>,
      %swap3A_389 = vector.shape_cast %swap3A_388 : vector<1x16xf32> to vector<16xf32>
      %swap3A_390 = vector.shape_cast %max3A_385 : vector<16xf32> to vector<1x16xf32>
      tpu.vector_store %arg9[%swap3A_386, %swap3A_387], %swap3A_390 {strides = array<i32>} : memref<64x128xf32, #tpu.memory_space<vmem>>, vector<1x16xf32>,
      %get3A_391 = arith.index_cast %scan3A_333 : i32 to index
      %get3A_392 = arith.constant 80 : index
      %get3A_393 = tpu.vector_load %arg9[%get3A_391, %get3A_392] {strides = array<i32>} : memref<64x128xf32, #tpu.memory_space<vmem>>, vector<1x16xf32>,
      %get3A_394 = vector.shape_cast %get3A_393 : vector<1x16xf32> to vector<16xf32>
      %max3A_395 = arith.constant 0.000000e+00 : f32
      %max3A_396 = vector.broadcast %max3A_395 : f32 to vector<16xf32>
      %max3A_397 = arith.maximumf %get3A_394, %max3A_396 : vector<16xf32>
      %swap3A_398 = arith.index_cast %scan3A_333 : i32 to index
      %swap3A_399 = arith.constant 80 : index
      %swap3A_400 = tpu.vector_load %arg9[%swap3A_398, %swap3A_399] {strides = array<i32>} : memref<64x128xf32, #tpu.memory_space<vmem>>, vector<1x16xf32>,
      %swap3A_401 = vector.shape_cast %swap3A_400 : vector<1x16xf32> to vector<16xf32>
      %swap3A_402 = vector.shape_cast %max3A_397 : vector<16xf32> to vector<1x16xf32>
      tpu.vector_store %arg9[%swap3A_398, %swap3A_399], %swap3A_402 {strides = array<i32>} : memref<64x128xf32, #tpu.memory_space<vmem>>, vector<1x16xf32>,
      %get3A_403 = arith.index_cast %scan3A_333 : i32 to index
      %get3A_404 = arith.constant 96 : index
      %get3A_405 = tpu.vector_load %arg9[%get3A_403, %get3A_404] {strides = array<i32>} : memref<64x128xf32, #tpu.memory_space<vmem>>, vector<1x16xf32>,
      %get3A_406 = vector.shape_cast %get3A_405 : vector<1x16xf32> to vector<16xf32>
      %max3A_407 = arith.constant 0.000000e+00 : f32
      %max3A_408 = vector.broadcast %max3A_407 : f32 to vector<16xf32>
      %max3A_409 = arith.maximumf %get3A_406, %max3A_408 : vector<16xf32>
      %swap3A_410 = arith.index_cast %scan3A_333 : i32 to index
      %swap3A_411 = arith.constant 96 : index
      %swap3A_412 = tpu.vector_load %arg9[%swap3A_410, %swap3A_411] {strides = array<i32>} : memref<64x128xf32, #tpu.memory_space<vmem>>, vector<1x16xf32>,
      %swap3A_413 = vector.shape_cast %swap3A_412 : vector<1x16xf32> to vector<16xf32>
      %swap3A_414 = vector.shape_cast %max3A_409 : vector<16xf32> to vector<1x16xf32>
      tpu.vector_store %arg9[%swap3A_410, %swap3A_411], %swap3A_414 {strides = array<i32>} : memref<64x128xf32, #tpu.memory_space<vmem>>, vector<1x16xf32>,
      %get3A_415 = arith.index_cast %scan3A_333 : i32 to index
      %get3A_416 = arith.constant 112 : index
      %get3A_417 = tpu.vector_load %arg9[%get3A_415, %get3A_416] {strides = array<i32>} : memref<64x128xf32, #tpu.memory_space<vmem>>, vector<1x16xf32>,
      %get3A_418 = vector.shape_cast %get3A_417 : vector<1x16xf32> to vector<16xf32>
      %max3A_419 = arith.constant 0.000000e+00 : f32
      %max3A_420 = vector.broadcast %max3A_419 : f32 to vector<16xf32>
      %max3A_421 = arith.maximumf %get3A_418, %max3A_420 : vector<16xf32>
      %swap3A_422 = arith.index_cast %scan3A_333 : i32 to index
      %swap3A_423 = arith.constant 112 : index
      %swap3A_424 = tpu.vector_load %arg9[%swap3A_422, %swap3A_423] {strides = array<i32>} : memref<64x128xf32, #tpu.memory_space<vmem>>, vector<1x16xf32>,
      %swap3A_425 = vector.shape_cast %swap3A_424 : vector<1x16xf32> to vector<16xf32>
      %swap3A_426 = vector.shape_cast %max3A_421 : vector<16xf32> to vector<1x16xf32>
      tpu.vector_store %arg9[%swap3A_422, %swap3A_423], %swap3A_426 {strides = array<i32>} : memref<64x128xf32, #tpu.memory_space<vmem>>, vector<1x16xf32>,
    }
    %scan3A_328 = arith.constant 64 : i32
    %add3A_329 = arith.constant 5120 : i32
    %add3A_330 = arith.addi %add3A_329, %add3A_323 : i32
    %mul3A_331 = arith.constant 128 : i32
    %mul3A_332 = arith.muli %arg0, %mul3A_331 : i32
    "tpu.region"() ({
      %run_scoped3A = tpu.sem_alloc : memref<!tpu.dma_semaphore, #tpu.memory_space<semaphore_mem>>
      %dma_start3A_333 = tpu.memref_slice %arg5[%add3A_330, %mul3A_332] : memref<10240x256xf32, #tpu.memory_space<hbm>> -> memref<64x128xf32, #tpu.memory_space<hbm>>
      %dma_start3A_334 = tpu.memref_slice %arg5[%add3A_330, %mul3A_332] : memref<10240x256xf32, #tpu.memory_space<hbm>> -> memref<64x128xf32, #tpu.memory_space<hbm>>
      tpu.enqueue_dma source(%arg9 : memref<64x128xf32, #tpu.memory_space<vmem>>) target(%dma_start3A_334 : memref<64x128xf32, #tpu.memory_space<hbm>>) target_semaphore(%run_scoped3A : memref<!tpu.dma_semaphore, #tpu.memory_space<semaphore_mem>>)
      %dma_wait3A_335 = tpu.memref_slice %arg5[%add3A_330, %mul3A_332] : memref<10240x256xf32, #tpu.memory_space<hbm>> -> memref<64x128xf32, #tpu.memory_space<hbm>>
      %dma_wait3A_336 = tpu.memref_slice %arg5[%add3A_330, %mul3A_332] : memref<10240x256xf32, #tpu.memory_space<hbm>> -> memref<64x128xf32, #tpu.memory_space<hbm>>
      tpu.wait_dma2 semaphore(%run_scoped3A : memref<!tpu.dma_semaphore, #tpu.memory_space<semaphore_mem>>) src(%arg9 : memref<64x128xf32, #tpu.memory_space<vmem>>) dst(%dma_wait3A_336 : memref<64x128xf32, #tpu.memory_space<hbm>>)
      tpu.yield
    }) : () -> ()
    return
  }
}

module attributes {stable_mosaic.version = 14 : i64} {
  func.func @_tc_body(%arg0: i32, %arg1: memref<1x1xf32, #tpu.memory_space<smem>>, %arg2: memref<1000x256xf32, #tpu.memory_space<vmem>>, %arg3: memref<257x256xf32, #tpu.memory_space<vmem>>, %arg4: memref<1x256xf32, #tpu.memory_space<vmem>>, %arg5: memref<1x256xf32, #tpu.memory_space<vmem>>, %arg6: memref<1x256xf32, #tpu.memory_space<vmem>>, %arg7: memref<2x1000x128xf32, #tpu.memory_space<vmem>>) attributes {dimension_semantics = [#tpu.dimension_semantics<arbitrary>], iteration_bounds = array<i64: 10>, scalar_prefetch = 0 : i64, scratch_operands = 0 : i64, tpu.core_type = #tpu.core_type<tc>, window_params = [{transform_indices = @transform_0, window_bounds = array<i64: 1, 1>}, {transform_indices = @transform_1, window_bounds = array<i64: 1000, 256>}, {pipeline_mode = #tpu.pipeline_mode<synchronous>, transform_indices = @transform_2, window_bounds = array<i64: 257, 256>}, {pipeline_mode = #tpu.pipeline_mode<synchronous>, transform_indices = @transform_3, window_bounds = array<i64: 1, 256>}, {pipeline_mode = #tpu.pipeline_mode<synchronous>, transform_indices = @transform_4, window_bounds = array<i64: 1, 256>}, {pipeline_mode = #tpu.pipeline_mode<synchronous>, transform_indices = @transform_5, window_bounds = array<i64: 1, 256>}, {transform_indices = @transform_6, window_bounds = array<i64: 2, 1000, 128>}]} {
    %get3A = arith.constant 0 : index
    %get3A_0 = arith.constant 0 : index
    %get3A_1 = vector.load %arg2[%get3A, %get3A_0] : memref<1000x256xf32, #tpu.memory_space<vmem>>, vector<1000x256xf32>
    %iota3A = tpu.iota {dimensions = array<i32: 0>} : vector<256x256xi32>
    %jit3A = arith.constant 8 : i32
    %div3A = vector.broadcast %jit3A : i32 to vector<256x256xi32>
    %div3A_2 = arith.divsi %iota3A, %div3A : vector<256x256xi32>
    %sign3A = arith.constant 0 : i32
    %sign3A_3 = vector.broadcast %sign3A : i32 to vector<256x256xi32>
    %sign3A_4 = arith.cmpi sgt, %iota3A, %sign3A_3 : vector<256x256xi32>
    %sign3A_5 = arith.extui %sign3A_4 : vector<256x256xi1> to vector<256x256xi32>
    %sign3A_6 = arith.constant 0 : i32
    %sign3A_7 = vector.broadcast %sign3A_6 : i32 to vector<256x256xi32>
    %sign3A_8 = arith.cmpi slt, %iota3A, %sign3A_7 : vector<256x256xi32>
    %sign3A_9 = arith.extui %sign3A_8 : vector<256x256xi1> to vector<256x256xi32>
    %sign3A_10 = arith.subi %sign3A_5, %sign3A_9 : vector<256x256xi32>
    %sign3A_11 = arith.constant 0 : i32
    %sign3A_12 = arith.cmpi sgt, %jit3A, %sign3A_11 : i32
    %sign3A_13 = arith.extui %sign3A_12 : i1 to i32
    %sign3A_14 = arith.constant 0 : i32
    %sign3A_15 = arith.cmpi slt, %jit3A, %sign3A_14 : i32
    %sign3A_16 = arith.extui %sign3A_15 : i1 to i32
    %sign3A_17 = arith.subi %sign3A_13, %sign3A_16 : i32
    %ne3A = vector.broadcast %sign3A_17 : i32 to vector<256x256xi32>
    %ne3A_18 = arith.cmpi ne, %sign3A_10, %ne3A : vector<256x256xi32>
    %rem3A = vector.broadcast %jit3A : i32 to vector<256x256xi32>
    %rem3A_19 = arith.remsi %iota3A, %rem3A : vector<256x256xi32>
    %ne3A_20 = arith.constant 0 : i32
    %ne3A_21 = vector.broadcast %ne3A_20 : i32 to vector<256x256xi32>
    %ne3A_22 = arith.cmpi ne, %rem3A_19, %ne3A_21 : vector<256x256xi32>
    %and3A = arith.andi %ne3A_18, %ne3A_22 : vector<256x256xi1>
    %sub3A = arith.constant 1 : i32
    %sub3A_23 = vector.broadcast %sub3A : i32 to vector<256x256xi32>
    %sub3A_24 = arith.subi %div3A_2, %sub3A_23 : vector<256x256xi32>
    %select_n3A = arith.select %and3A, %sub3A_24, %div3A_2 : vector<256x256xi1>, vector<256x256xi32>
    %iota3A_25 = tpu.iota {dimensions = array<i32: 1>} : vector<256x256xi32>
    %jit3A_26 = arith.constant 8 : i32
    %div3A_27 = vector.broadcast %jit3A_26 : i32 to vector<256x256xi32>
    %div3A_28 = arith.divsi %iota3A_25, %div3A_27 : vector<256x256xi32>
    %sign3A_29 = arith.constant 0 : i32
    %sign3A_30 = vector.broadcast %sign3A_29 : i32 to vector<256x256xi32>
    %sign3A_31 = arith.cmpi sgt, %iota3A_25, %sign3A_30 : vector<256x256xi32>
    %sign3A_32 = arith.extui %sign3A_31 : vector<256x256xi1> to vector<256x256xi32>
    %sign3A_33 = arith.constant 0 : i32
    %sign3A_34 = vector.broadcast %sign3A_33 : i32 to vector<256x256xi32>
    %sign3A_35 = arith.cmpi slt, %iota3A_25, %sign3A_34 : vector<256x256xi32>
    %sign3A_36 = arith.extui %sign3A_35 : vector<256x256xi1> to vector<256x256xi32>
    %sign3A_37 = arith.subi %sign3A_32, %sign3A_36 : vector<256x256xi32>
    %sign3A_38 = arith.constant 0 : i32
    %sign3A_39 = arith.cmpi sgt, %jit3A_26, %sign3A_38 : i32
    %sign3A_40 = arith.extui %sign3A_39 : i1 to i32
    %sign3A_41 = arith.constant 0 : i32
    %sign3A_42 = arith.cmpi slt, %jit3A_26, %sign3A_41 : i32
    %sign3A_43 = arith.extui %sign3A_42 : i1 to i32
    %sign3A_44 = arith.subi %sign3A_40, %sign3A_43 : i32
    %ne3A_45 = vector.broadcast %sign3A_44 : i32 to vector<256x256xi32>
    %ne3A_46 = arith.cmpi ne, %sign3A_37, %ne3A_45 : vector<256x256xi32>
    %rem3A_47 = vector.broadcast %jit3A_26 : i32 to vector<256x256xi32>
    %rem3A_48 = arith.remsi %iota3A_25, %rem3A_47 : vector<256x256xi32>
    %ne3A_49 = arith.constant 0 : i32
    %ne3A_50 = vector.broadcast %ne3A_49 : i32 to vector<256x256xi32>
    %ne3A_51 = arith.cmpi ne, %rem3A_48, %ne3A_50 : vector<256x256xi32>
    %and3A_52 = arith.andi %ne3A_46, %ne3A_51 : vector<256x256xi1>
    %sub3A_53 = arith.constant 1 : i32
    %sub3A_54 = vector.broadcast %sub3A_53 : i32 to vector<256x256xi32>
    %sub3A_55 = arith.subi %div3A_28, %sub3A_54 : vector<256x256xi32>
    %select_n3A_56 = arith.select %and3A_52, %sub3A_55, %div3A_28 : vector<256x256xi1>, vector<256x256xi32>
    %eq3A = arith.cmpi eq, %select_n3A, %select_n3A_56 : vector<256x256xi32>
    %jit3A_57 = arith.constant 1.250000e-01 : f32
    %jit3A_58 = arith.constant 0.000000e+00 : f32
    %broadcast_in_dim3A = vector.broadcast %jit3A_57 : f32 to vector<256x256xf32>
    %broadcast_in_dim3A_59 = vector.broadcast %jit3A_58 : f32 to vector<256x256xf32>
    %select_n3A_60 = arith.select %eq3A, %broadcast_in_dim3A, %broadcast_in_dim3A_59 : vector<256x256xi1>, vector<256x256xf32>
    %dot_general3A = arith.constant dense<0.000000e+00> : vector<1000x256xf32>
    %dot_general3A_61 = tpu.matmul %get3A_1, %select_n3A_60, %dot_general3A {dimension_numbers = #tpu.dot_dimension_numbers<[1], [0], [0], [1], [0, 0, 1, 1], [], []>, transpose_lhs_hint = false} : vector<1000x256xf32>, vector<256x256xf32>, vector<1000x256xf32> -> vector<1000x256xf32>
    %mul3A = arith.mulf %get3A_1, %get3A_1 : vector<1000x256xf32>
    %dot_general3A_62 = arith.constant dense<0.000000e+00> : vector<1000x256xf32>
    %dot_general3A_63 = tpu.matmul %mul3A, %select_n3A_60, %dot_general3A_62 {dimension_numbers = #tpu.dot_dimension_numbers<[1], [0], [0], [1], [0, 0, 1, 1], [], []>, transpose_lhs_hint = false} : vector<1000x256xf32>, vector<256x256xf32>, vector<1000x256xf32> -> vector<1000x256xf32>
    %mul3A_64 = arith.mulf %dot_general3A_61, %dot_general3A_61 : vector<1000x256xf32>
    %sub3A_65 = arith.subf %dot_general3A_63, %mul3A_64 : vector<1000x256xf32>
    %sub3A_66 = arith.subf %get3A_1, %dot_general3A_61 : vector<1000x256xf32>
    %add3A = arith.constant 9.99999974E-6 : f32
    %add3A_67 = vector.broadcast %add3A : f32 to vector<1000x256xf32>
    %add3A_68 = arith.addf %sub3A_65, %add3A_67 : vector<1000x256xf32>
    %rsqrt3A = math.rsqrt %add3A_68 : vector<1000x256xf32>
    %mul3A_69 = arith.mulf %sub3A_66, %rsqrt3A : vector<1000x256xf32>
    %get3A_70 = arith.constant 0 : index
    %get3A_71 = arith.constant 0 : index
    %get3A_72 = vector.load %arg5[%get3A_70, %get3A_71] : memref<1x256xf32, #tpu.memory_space<vmem>>, vector<1x256xf32>
    %mul3A_73 = vector.broadcast %get3A_72 : vector<1x256xf32> to vector<1000x256xf32>
    %mul3A_74 = arith.mulf %mul3A_69, %mul3A_73 : vector<1000x256xf32>
    %get3A_75 = arith.constant 0 : index
    %get3A_76 = arith.constant 0 : index
    %get3A_77 = vector.load %arg6[%get3A_75, %get3A_76] : memref<1x256xf32, #tpu.memory_space<vmem>>, vector<1x256xf32>
    %add3A_78 = vector.broadcast %get3A_77 : vector<1x256xf32> to vector<1000x256xf32>
    %add3A_79 = arith.addf %mul3A_74, %add3A_78 : vector<1000x256xf32>
    %get3A_80 = arith.constant 0 : index
    %get3A_81 = arith.constant 0 : index
    %get3A_82 = memref.load %arg1[%get3A_80, %get3A_81] : memref<1x1xf32, #tpu.memory_space<smem>>
    %broadcast_in_dim3A_83 = vector.broadcast %get3A_82 : f32 to vector<1000x1xf32>
    %concatenate3A = tpu.concatenate %broadcast_in_dim3A_83, %add3A_79 in 1 : vector<1000x1xf32>, vector<1000x256xf32> -> vector<1000x257xf32>
    %get3A_84 = arith.constant 0 : index
    %get3A_85 = arith.constant 0 : index
    %get3A_86 = vector.load %arg3[%get3A_84, %get3A_85] : memref<257x256xf32, #tpu.memory_space<vmem>>, vector<257x256xf32>
    %dot_general3A_87 = arith.constant dense<0.000000e+00> : vector<1000x256xf32>
    %dot_general3A_88 = tpu.matmul %concatenate3A, %get3A_86, %dot_general3A_87 {dimension_numbers = #tpu.dot_dimension_numbers<[1], [0], [0], [1], [0, 0, 1, 1], [], []>, transpose_lhs_hint = false} : vector<1000x257xf32>, vector<257x256xf32>, vector<1000x256xf32> -> vector<1000x256xf32>
    %get3A_89 = arith.constant 0 : index
    %get3A_90 = arith.constant 0 : index
    %get3A_91 = vector.load %arg4[%get3A_89, %get3A_90] : memref<1x256xf32, #tpu.memory_space<vmem>>, vector<1x256xf32>
    %add3A_92 = vector.broadcast %get3A_91 : vector<1x256xf32> to vector<1000x256xf32>
    %add3A_93 = arith.addf %dot_general3A_88, %add3A_92 : vector<1000x256xf32>
    %slice3A = vector.extract_strided_slice %add3A_93 {offsets = [0, 0], sizes = [1000, 128], strides = [1, 1]} : vector<1000x256xf32> to vector<1000x128xf32>
    %swap3A = arith.constant 0 : index
    %swap3A_94 = arith.constant 0 : index
    %swap3A_95 = arith.constant 0 : index
    %swap3A_96 = vector.load %arg7[%swap3A, %swap3A_94, %swap3A_95] : memref<2x1000x128xf32, #tpu.memory_space<vmem>>, vector<1x1000x128xf32>
    %swap3A_97 = vector.shape_cast %swap3A_96 : vector<1x1000x128xf32> to vector<1000x128xf32>
    %swap3A_98 = vector.shape_cast %slice3A : vector<1000x128xf32> to vector<1x1000x128xf32>
    tpu.vector_store %arg7[%swap3A, %swap3A_94, %swap3A_95], %swap3A_98 {strides = array<i32>} : memref<2x1000x128xf32, #tpu.memory_space<vmem>>, vector<1x1000x128xf32>,
    %slice3A_99 = vector.extract_strided_slice %add3A_93 {offsets = [0, 128], sizes = [1000, 128], strides = [1, 1]} : vector<1000x256xf32> to vector<1000x128xf32>
    %swap3A_100 = arith.constant 1 : index
    %swap3A_101 = arith.constant 0 : index
    %swap3A_102 = arith.constant 0 : index
    %swap3A_103 = vector.load %arg7[%swap3A_100, %swap3A_101, %swap3A_102] : memref<2x1000x128xf32, #tpu.memory_space<vmem>>, vector<1x1000x128xf32>
    %swap3A_104 = vector.shape_cast %swap3A_103 : vector<1x1000x128xf32> to vector<1000x128xf32>
    %swap3A_105 = vector.shape_cast %slice3A_99 : vector<1000x128xf32> to vector<1x1000x128xf32>
    tpu.vector_store %arg7[%swap3A_100, %swap3A_101, %swap3A_102], %swap3A_105 {strides = array<i32>} : memref<2x1000x128xf32, #tpu.memory_space<vmem>>, vector<1x1000x128xf32>,
    return
  }
  func.func @transform_0(%arg0: i32) -> (i32, i32) {
    %c0_i32 = arith.constant 0 : i32
    %c0_i32_0 = arith.constant 0 : i32
    %c0_i32_1 = arith.constant 0 : i32
    return %c0_i32, %c0_i32_0 : i32, i32
  }
  func.func @transform_1(%arg0: i32) -> (i32, i32) {
    %c0_i32 = arith.constant 0 : i32
    %c0_i32_0 = arith.constant 0 : i32
    return %arg0, %c0_i32 : i32, i32
  }
  func.func @transform_2(%arg0: i32) -> (i32, i32) {
    %c0_i32 = arith.constant 0 : i32
    %c0_i32_0 = arith.constant 0 : i32
    %c0_i32_1 = arith.constant 0 : i32
    return %c0_i32, %c0_i32_0 : i32, i32
  }
  func.func @transform_3(%arg0: i32) -> (i32, i32) {
    %c0_i32 = arith.constant 0 : i32
    %c0_i32_0 = arith.constant 0 : i32
    %c0_i32_1 = arith.constant 0 : i32
    return %c0_i32, %c0_i32_0 : i32, i32
  }
  func.func @transform_4(%arg0: i32) -> (i32, i32) {
    %c0_i32 = arith.constant 0 : i32
    %c0_i32_0 = arith.constant 0 : i32
    %c0_i32_1 = arith.constant 0 : i32
    return %c0_i32, %c0_i32_0 : i32, i32
  }
  func.func @transform_5(%arg0: i32) -> (i32, i32) {
    %c0_i32 = arith.constant 0 : i32
    %c0_i32_0 = arith.constant 0 : i32
    %c0_i32_1 = arith.constant 0 : i32
    return %c0_i32, %c0_i32_0 : i32, i32
  }
  func.func @transform_6(%arg0: i32) -> (i32, i32, i32) {
    %c0_i32 = arith.constant 0 : i32
    %c0_i32_0 = arith.constant 0 : i32
    %c0_i32_1 = arith.constant 0 : i32
    return %c0_i32, %arg0, %c0_i32_0 : i32, i32, i32
  }
}

</mosaic_0001>

<sc_bundles>
// kernel: kernel.4.cloned.1.call-start
scs
__scs_entry_jumppad:
0x0: {  	(pc) =	sbr.rel $0x88, $3  }
0x1: {  	(tag) =	ssettag $0x0;
	lr =	simm.s32 $0x1  }
0x2: {  	[smem:$0x3F99] =	sst lr;
	_ =	strace $0xD0000000  }
0x3: {  	_ = 	snop  }
0x4: {  	_ = 	snop  }
0x5: {  	_ = 	snop  }
0x6: {  	_ = 	snop  }
0x7: {  	_ = 	snop  }
__scs_overlays_trampoline_lowered:
0x8: {  	[smem:$0x3FA8] =	sst s0  }
0x9: {  	[smem:$0x3FA9] =	sst s1  }
0xa: {  	[smem:$0x3FAA] =	sst s2  }
0xb: {  	[smem:$0x3FAB] =	sst s3  }
0xc: {  	[smem:$0x3FAC] =	sst s4  }
0xd: {  	[smem:$0x3FAD] =	sst s5  }
0xe: {  	[smem:$0x3FAE] =	sst s6  }
0xf: {  	[smem:$0x3FAF] =	sst s7  }
0x10: {  	[smem:$0x3FB0] =	sst s8  }
0x11: {  	[smem:$0x3FB1] =	sst s9;
	s0 =	simm.s32 @!p0 $0x0  }
0x12: {  	s1 =	sld [smem:$0x3F97];
	s0 =	simm.s32 @p0 $0x1  }
0x13: {  	[smem:$0x3FB2] =	sst s0;
	s0 =	simm.s32 @!p1 $0x0  }
0x14: {  	s2 =	sld [smem:$0x3F96];
	s0 =	simm.s32 @p1 $0x1  }
0x15: {  	[smem:$0x3FB3] =	sst s0;
	s0 =	simm.s32 @!p2 $0x0  }
0x16: {  	s3 =	sld [smem:$0x3FDB];
	s0 =	simm.s32 @p2 $0x1  }
0x17: {  	s4 =	simm.s32 $0x1BF5;
	[smem:$0x3FB5] =	sst s0  }
0x18: {  	s0 =	sld [smem:$0x3F98];
	_ =	swait.ge [sflag:s4], $0x0  }
0x19: {  	s7 =	sld [smem:$0x3F99]  }
0x1a: {  	s8 =	sadd.s32 $0xFFFFE003, lr  }
0x1b: {  	s9 =	sadd.s32 $0xFFFFFEF7, lr;
	s5 =	simm.s32 $0xFFFFFFFF;
	p2 =	slt.u32 s8, $0xFFFFF086  }
0x1c: {  	p1 =	slt.u32 s9, $0xF7A;
	s5 =	simm.s32 @!p2 $0x0  }
0x1d: {  	s5 =	simm.s32 @p1 $0x1;
	p0 =	seq.s32 s7, s2  }
0x1e: {  	s7 =	smul.u32 @!p0 $0xF7A, s2;
	p2 =	seq.s32 @!p0 s5, $0x0  }
0x1f: {  	s9 =	smul.u32 $0xF7A, s1;
	s8 =	simm.s32 @!p0 $0x1BF5;
	p2 =	por !p2, p0  }
0x20: {  	[sflag:s8] =	ssyncset.s32 @!p0 $0xFFFFF086;
	s6 =	sadd.s32 @!p0 s3, s7;
	s7 =	simm.s32 @!p0 $0x108  }
0x21: {  	s3 =	sadd.s32 s3, s9;
	s6 =	sadd.s32 @!p0 $0x88, s6;
	s7 =	simm.s32 @p2 $0x1082  }
0x22: {  	[simem:s7], [sflag:s8] =	dma.local @!p0 [hbm:s6], $0xF7A  }
0x23: {  	s9 =	sor.u32 $0xD0000000, s2;
	s6 =	simm.s32 $0x108;
	_ =	swait.ge @!p0 [sflag:s8], $0x0  }
0x24: {  	s3 =	sadd.s32 $0x88, s3;
	s6 =	simm.s32 @!p1 $0x1082;
	[sflag:s4] =	ssyncset.s32 $0xFFFFF086  }
0x25: {  	[simem:s6], [sflag:s4] =	dma.local [hbm:s3], $0xF7A  }
0x26: {  	[smem:$0x3F99] =	sst s1;
	(tag) =	ssettag s2;
	_ =	strace s9  }
0x27: {  	s1 =	sld [smem:$0x3FA9]  }
0x28: {  	s2 =	sld [smem:$0x3FAA]  }
0x29: {  	s4 =	sld [smem:$0x3FAC]  }
0x2a: {  	p0 =	seq.s32 s5, $0x0;
	s5 =	sld [smem:$0x3FAD]  }
0x2b: {  	s6 =	sld [smem:$0x3FAE]  }
0x2c: {  	s7 =	sld [smem:$0x3FAF]  }
0x2d: {  	s3 =	simm.s32 $0x108;
	s8 =	sld [smem:$0x3FB0]  }
0x2e: {  	s3 =	simm.s32 @!p0 $0x1082;
	s9 =	sld [smem:$0x3FB1]  }
0x2f: {  	lr =	sadd.s32 s0, s3;
	s0 =	sld [smem:$0x3FA8]  }
0x30: {  	s3 =	sld [smem:$0x3FAB]  }
0x31: {  	[smem:$0x3FB4] =	sst s10  }
0x32: {  	s10 =	sld [smem:$0x3FB2];
	_ =	sdelay $0x3  }
0x33: {  	p0 =	seq.s32 s10, $0x1;
	s10 =	sld [smem:$0x3FB4];
	_ =	sdelay $0x3  }
0x34: {  	[smem:$0x3FB4] =	sst s10  }
0x35: {  	s10 =	sld [smem:$0x3FB3];
	_ =	sdelay $0x3  }
0x36: {  	p1 =	seq.s32 s10, $0x1;
	s10 =	sld [smem:$0x3FB4];
	_ =	sdelay $0x3  }
0x37: {  	[smem:$0x3FB4] =	sst s10  }
0x38: {  	s10 =	sld [smem:$0x3FB5]  }
0x39: {  	_ = 	snop;
	(pc) =	sbr.ind lr, $3  }
0x3a: {  	_ = 	snop  }
0x3b: {  	_ = 	snop  }
0x3c: {  	p2 =	seq.s32 s10, $0x1;
	s10 =	sld [smem:$0x3FB4]  }
0x3d: {  	_ =	shalt  }
0x3e: {  	_ =	shalt  }
0x3f: {  	_ =	shalt  }
0x40: {  	_ =	shalt  }
0x41: {  	_ =	shalt  }
0x42: {  	_ =	shalt  }
0x43: {  	_ =	shalt  }
0x44: {  	_ =	shalt  }
0x45: {  	_ =	shalt  }
0x46: {  	_ =	shalt  }
0x47: {  	_ =	shalt  }
0x48: {  	_ =	shalt  }
0x49: {  	_ =	shalt  }
0x4a: {  	_ =	shalt  }
0x4b: {  	_ =	shalt  }
0x4c: {  	_ =	shalt  }
0x4d: {  	_ =	shalt  }
0x4e: {  	_ =	shalt  }
0x4f: {  	_ =	shalt  }
0x50: {  	_ =	shalt  }
0x51: {  	_ =	shalt  }
0x52: {  	_ =	shalt  }
0x53: {  	_ =	shalt  }
0x54: {  	_ =	shalt  }
0x55: {  	_ =	shalt  }
0x56: {  	_ =	shalt  }
0x57: {  	_ =	shalt  }
0x58: {  	_ =	shalt  }
0x59: {  	_ =	shalt  }
0x5a: {  	_ =	shalt  }
0x5b: {  	_ =	shalt  }
0x5c: {  	_ =	shalt  }
0x5d: {  	_ =	shalt  }
0x5e: {  	_ =	shalt  }
0x5f: {  	_ =	shalt  }
0x60: {  	_ =	shalt  }
0x61: {  	_ =	shalt  }
0x62: {  	_ =	shalt  }
0x63: {  	_ =	shalt  }
0x64: {  	_ =	shalt  }
0x65: {  	_ =	shalt  }
0x66: {  	_ =	shalt  }
0x67: {  	_ =	shalt  }
0x68: {  	_ =	shalt  }
0x69: {  	_ =	shalt  }
0x6a: {  	_ =	shalt  }
0x6b: {  	_ =	shalt  }
0x6c: {  	_ =	shalt  }
0x6d: {  	_ =	shalt  }
0x6e: {  	_ =	shalt  }
0x6f: {  	_ =	shalt  }
0x70: {  	_ =	shalt  }
0x71: {  	_ =	shalt  }
0x72: {  	_ =	shalt  }
0x73: {  	_ =	shalt  }
0x74: {  	_ =	shalt  }
0x75: {  	_ =	shalt  }
0x76: {  	_ =	shalt  }
0x77: {  	_ =	shalt  }
0x78: {  	_ =	shalt  }
0x79: {  	_ =	shalt  }
0x7a: {  	_ =	shalt  }
0x7b: {  	_ =	shalt  }
0x7c: {  	_ =	shalt  }
0x7d: {  	_ =	shalt  }
0x7e: {  	_ =	shalt  }
0x7f: {  	_ =	shalt  }
0x80: {  	_ =	shalt  }
0x81: {  	_ =	shalt  }
0x82: {  	_ =	shalt  }
0x83: {  	_ =	shalt  }
0x84: {  	_ =	shalt  }
0x85: {  	_ =	shalt  }
0x86: {  	_ =	shalt  }
0x87: {  	_ =	shalt  }
.Lfunc_end0:
.L_simem_size_0:
called_computation_lowered:
.L_overlay_start_0:
0x88: {  	s2 =	sld [smem:$0x3FD9]  }
0x89: {  	s3 =	sld [smem:$0x3FFE];
	_ =	sdelay $0x1  }
0x8a: {  	s1 =	srdreg.scid  }
0x8b: {  	s0 =	sand.u32 $0x1, s1  }
0x8c: {  	s17 =	sshll.u32 s0, $0xA;
	s2 =	sadd.s32 s3, s2  }
0x8d: {  	s2 =	sadd.s32 s2, s17  }
0x8e: {  	[smem:$0x3FC0] =	sst s2  }
0x8f: {  	_ = 	snop  }
0x90: {  	s2 =	sld [smem:$0x3FD0];
	(tm) =	ssettm $0x1  }
0x91: {  	s18 =	sld [smem:$0x3FFB];
	_ =	sdelay $0x3  }
0x92: {  	_ =	strace s18  }
0x93: {  	s3 =	sld [smem:$0x3FFC];
	_ =	sdelay $0x3  }
0x94: {  	_ =	strace s3  }
0x95: {  	s3 =	sld [smem:$0x3FFD];
	_ =	sdelay $0x3  }
0x96: {  	_ =	strace s3  }
0x97: {  	_ =	strace $0x8FFFFFFF  }
0x98: {  	s19 =	sld [smem:$0x3FDB];
	_ =	sdelay $0x1  }
0x99: {  	s4 =	simm.s32 $_scs_section_size  }
0x9a: {  	s5 =	simm.s32 $_size__tile_overlayer_lowered;
	s6 =	simm.s32 $_tile_overlayer_lowered  }
0x9b: {  	s22 =	simm.s32 $0x1BFF;
	s21 =	sshll.u32 s6, $0x1;
	s3 =	sadd.s32 s4, s19  }
0x9c: {  	s7 =	simm.s32 $0x0;
	s20 =	sshll.u32 s5, $0x1;
	s5 =	sadd.s32 s21, s3  }
0x9d: {  	[timem:s7], [sflag:s22] =	dma.local [hbm:s5], s20  }
0x9e: {  	_ =	swait.ge [sflag:s22], s20  }
0x9f: {  	s4 =	ssub.s32 $0x0, s20;
	[sflag:s22] =	ssyncset.done $0x0  }
0xa0: {  	[sflag:s22] =	ssyncadd.s32 s4;
	_ =	sdelay $0x1  }
0xa1: {  	s23 =	simm.s32 $0x1B8B  }
0xa2: {  	_ =	swait.ge [sflag:s23], $0x1  }
0xa3: {  	[sflag:s23] =	ssyncset.done $0x0  }
0xa4: {  	s25 =	simm.s32 $0x1B8E;
	s24 =	sld [smem:$0x3FFE];
	[sflag:s23] =	ssyncadd.s32 $0xFFFFFFFF  }
0xa5: {  	s26 =	simm.s32 $execute0_lowered;
	[smem:$0x3FD2] =	sst s25  }
0xa6: {  	s5 =	sshll.u32 s26, $0x1;
	_ =	strace $0x80000046;
	[dreg:$0x1] =	wrdreg $0xFFFFFFFF  }
0xa7: {  	s28 =	simm.s32 $_size_execute0_lowered;
	s3 =	sadd.s32 s3, s5;
	[dreg:$0x0] =	wrdreg $0x0  }
0xa8: {  	s5 =	sshll.u32 s28, $0x1;
	[dreg:$0x2] =	wrdreg s3  }
0xa9: {  	[dreg:$0x3] =	wrdreg s5  }
0xaa: {  	[dreg:$0x4] =	wrdreg $0xC0  }
0xab: {  	_ =	task [dreg:s7], $0x5FFFF  }
0xac: {  	[dreg:$0x1] =	wrdreg $0xFFFFFFFF  }
0xad: {  	[dreg:$0x0] =	wrdreg $0x60  }
0xae: {  	[dreg:$0x2] =	wrdreg s2  }
0xaf: {  	[dreg:$0x3] =	wrdreg s24  }
0xb0: {  	[dreg:$0x4] =	wrdreg $0x130000  }
0xb1: {  	[dreg:$0x5] =	wrdreg $0x9  }
0xb2: {  	_ =	task.clear_ibuf [dreg:s7], $0x6FFFF;
	_ =	strace $0x90000046  }
0xb3: {  	s29 =	simm.s32 $0x9;
	_ =	strace $0x80000048  }
0xb4: {  	_ =	swait.ge [sflag:s29], $0x1  }
0xb5: {  	[sflag:s29] =	ssyncadd.s32 $0xFFFFFFFF  }
0xb6: {  	_ =	strace $0x90000048  }
0xb7: {  	_ =	sfence  }
0xb8: {  	s30 =	sld [smem:$0x0];
	_ =	sdelay $0x2  }
0xb9: {  	s31 =	sshll.u32 s1, $0xD;
	s1 =	sshrl.u32 s1, $0x2  }
0xba: {  	s3 =	sand.u32 $0x4000, s31;
	s1 =	sadd.s32 s1, s30  }
0xbb: {  	s0 =	sor.u32 s3, s0;
	s1 =	sshll.u32 s1, $0x11  }
0xbc: {  	s0 =	sor.u32 s1, s0  }
0xbd: {  	s0 =	sadd.s32 $0x8F2B, s0  }
0xbe: {  	[sflag:s0] =	ssyncadd.remote.s32 $0x1  }
0xbf: {  	_ =	sfence.sel $0xFFFF  }
0xc0: {  	[dreg:$0x0] =	wrdreg $0xFFFFFFFF;
	(pc) =	sbr.abs _section_cstart, $3  }
0xc1: {  	[dreg:$0x1] =	wrdreg $0xFFFFFFFF  }
0xc2: {  	_ =	task.clear_ibuf [dreg:s7], $0x2FFFF;
	_ =	strace $0x9FFFFFFF  }
0xc3: {  	(tm) =	ssettm $0x7FFFFFFF  }
tec
execute0_lowered:
.L_overlay_start_1:
0x0: {  	(tag) =	ssettag $0x1  }
0x1: {  	s1 =	rddreg [dreg:$0x0]  }
0x2: {  	s0 =	rddreg [dreg:$0x1]  }
0x3: {  	s3 =	rddreg [dreg:$0x2];
	s10 =	stileid.u32  }
0x4: {  	s4 =	simm.s32 $0x0;
	s2 =	srdreg.scid;
	s20 =	smul.u32 $0x500, s10  }
0x5: {  	s28 =	simm.s32 $0x5000;
	s29 =	simm.s32 $0x9000;
	s11 =	smul.u32 $0x140, s10  }
0x6: {  	s30 =	simm.s32 $0xD000;
	s31 =	simm.s32 $0x1;
	s7 =	smul.u32 $0x28000, s10  }
0x7: {  	[smem:$0x7FF] =	sst s4;
	s2 =	sand.u32 $0x1, s2;
	s15 =	smul.u32 $0x14000, s10  }
0x8: {  	_ =	strace $0x80000047;
	s5 =	ssub.s32 $0x2, s2;
	s13 =	smul.u32 $0x2710, s2  }
0x9: {  	s2 =	sshll.u32 s2, $0xA;
	s4 =	sadd.s32 s20, s0;
	s6 =	sshrl.u32 s5, $0x1  }
0xa: {  	s0 =	sadd.s32 $0xB000, s0;
	s22 =	sadd.s32 $0x40, s11;
	s7 =	sshrl.u32 s7, $0x2  }
0xb: {  	s12 =	sadd.s32 $0x80, s11;
	s14 =	sadd.s32 $0xC0, s11;
	s16 =	sadd.s32 $0x100, s11  }
0xc: {  	s15 =	sor.u32 s2, s15;
	s5 =	ssub.s32 s5, s6;
	s21 =	sadd.s32 $0x1000, s4  }
0xd: {  	s6 =	sadd.s32 $0x6000, s4;
	s8 =	sshll.u32 s22, $0x7;
	s7 =	sadd.s32 s7, s3  }
0xe: {  	s9 =	sshll.u32 s12, $0x7;
	s23 =	sshll.u32 s14, $0x7;
	s11 =	sshll.u32 s16, $0x7  }
0xf: {  	s17 =	sshrl.u32 s15, $0x3;
	s4 =	sshll.u32 s22, $0x8;
	s12 =	sshll.u32 s12, $0x8  }
0x10: {  	s14 =	sshll.u32 s14, $0x8;
	s26 =	sshll.u32 s16, $0x8;
	s18 =	sadd.s32 $0x144000, s15  }
0x11: {  	s22 =	sadd.s32 $0x148000, s15;
	[dreg:$0x4] =	wrdreg s21;
	s8 =	sadd.s32 s8, s3  }
0x12: {  	s9 =	sadd.s32 s9, s3;
	s10 =	sadd.s32 s23, s3;
	s11 =	sadd.s32 s11, s3  }
0x13: {  	s17 =	sadd.s32 s0, s17;
	s4 =	sor.u32 s2, s4;
	s24 =	sor.u32 s2, s12  }
0x14: {  	s25 =	sor.u32 s2, s14;
	s2 =	sor.u32 s2, s26;
	s20 =	sshrl.u32 s18, $0x3  }
0x15: {  	s23 =	sadd.s32 $0x14C000, s15;
	s14 =	simm.s32 $0x400;
	[dreg:$0x5] =	wrdreg s17  }
0x16: {  	s4 =	sshrl.u32 s4, $0x3;
	s12 =	sshrl.u32 s25, $0x3;
	s2 =	sshrl.u32 s2, $0x3  }
0x17: {  	s17 =	sadd.s32 $0x140000, s15;
	s21 =	sadd.s32 s0, s20;
	s25 =	sshrl.u32 s23, $0x3  }
0x18: {  	s23 =	simm.s32 $0x7;
	s4 =	sadd.s32 s0, s4;
	s16 =	sadd.s32 s0, s12  }
0x19: {  	s2 =	sadd.s32 s0, s2;
	s19 =	sshrl.u32 s17, $0x3;
	[dreg:$0xb] =	wrdreg s21  }
0x1a: {  	s20 =	sadd.s32 s0, s25;
	s25 =	simm.s32 $0x11000;
	[dreg:$0x6] =	wrdreg s4  }
0x1b: {  	s12 =	simm.s32 $0x6;
	s4 =	sshrl.u32 s24, $0x3;
	[dreg:$0x8] =	wrdreg s16  }
0x1c: {  	[dreg:$0x9] =	wrdreg s2;
	s2 =	sadd.s32 s0, s19;
	s24 =	sadd.s32 $0x150000, s15  }
0x1d: {  	s15 =	simm.s32 $0x800;
	s16 =	simm.s32 $0x0;
	s4 =	sadd.s32 s0, s4  }
0x1e: {  	[dreg:$0xa] =	wrdreg s2;
	s2 =	sshrl.u32 s22, $0x3;
	s26 =	sshrl.u32 s24, $0x3  }
0x1f: {  	s22 =	smax.u32 s5, $0x1;
	s5 =	simm.s32 $0x5;
	[dreg:$0x7] =	wrdreg s4  }
0x20: {  	s19 =	sadd.s32 s0, s2;
	s21 =	sadd.s32 s0, s26;
	s26 =	simm.s32 $0x80  }
0x21: {  	v1 =	vimm.f32 $0.0e+00;
	v0 =	vmov s13;
	s0 =	simm.s32 $0x2;
	s2 =	simm.s32 $0x3;
	s4 =	simm.s32 $0x4  }
.LBB2_1:
0x22: {  	s13 =	simm.s32 $0x0;
	s17 =	rddreg [dreg:$0x4]  }
0x23: {  	[tilespmem:s13], [sflag:$0x7] =	stream.linear.gather [hbm4b:s17+s13], $0x2800, $0x38;
	[tilespmem:$0x1D800] =	vst v63  }
0x24: {  	_ =	swait.ge [sflag:s23], $0x2800  }
0x25: {  	[sflag:s23] =	ssyncset.done $0x0  }
0x26: {  	s24 =	simm.s32 $0x2800;
	[sflag:s23] =	ssyncadd.s32 $0xFFFFD800  }
0x27: {  	[tilespmem:s24], [sflag:$0x7] =	stream.linear.gather [hbm4b:s6+s13], $0x2780, $0x38;
	[tilespmem:$0x1D800] =	vst v63  }
0x28: {  	_ =	swait.ge [sflag:s23], $0x2780  }
0x29: {  	[sflag:s23] =	ssyncset.done $0x0  }
0x2a: {  	s13 =	simm.s32 $0x0;
	[sflag:s23] =	ssyncadd.s32 $0xFFFFD880  }
0x2b: {  	v4 =	vld [tilespmem:s13+$0x0]  }
0x2c: {  	v6 =	vld [tilespmem:s13+$0x10]  }
0x2d: {  	v5 =	vld [tilespmem:s13+$0x20]  }
0x2e: {  	v3 =	vld [tilespmem:s13+$0x30]  }
0x2f: {  	v2 =	vld [tilespmem:s13+$0x40]  }
0x30: {  	v7 =	vadd.s32 v0, v4;
	v4 =	vld [tilespmem:s13+$0x50]  }
0x31: {  	s17 =	simm.s32 $0x200;
	[tilespmem:s13+$0x0] =	vst v7;
	v7 =	vadd.s32 v0, v6;
	v6 =	vld [tilespmem:s13+$0x60]  }
.LBB2_2:
0x32: {  	s18 =	sshra.s32 s17, $0x2;
	p0 =	sne.s32 s17, $0x9E00;
	[tilespmem:s13+$0x10] =	vst v7;
	v5 =	vadd.s32 v0, v5;
	v7 =	vld [tilespmem:s13+$0x70]  }
0x33: {  	v8 =	vld [tilespmem:s18+$0x0];
	[tilespmem:s13+$0x20] =	vst v5;
	v3 =	vadd.s32 v0, v3  }
0x34: {  	v9 =	vld [tilespmem:s18+$0x10];
	[tilespmem:s13+$0x30] =	vst v3;
	v2 =	vadd.s32 v0, v2  }
.Ltmp0:
0x35: {  	v5 =	vld [tilespmem:s18+$0x20];
	[tilespmem:s13+$0x40] =	vst v2;
	v2 =	vadd.s32 v0, v4;
	(pc) =	sbr.rel @p0 .LBB2_2-.Ltmp0, $4  }
0x36: {  	v3 =	vld [tilespmem:s18+$0x30];
	[tilespmem:s13+$0x50] =	vst v2;
	v4 =	vadd.s32 v0, v6  }
0x37: {  	v2 =	vld [tilespmem:s18+$0x40];
	[tilespmem:s13+$0x60] =	vst v4;
	v6 =	vadd.s32 v0, v7  }
0x38: {  	v7 =	vadd.s32 v0, v8;
	v4 =	vld [tilespmem:s18+$0x50];
	[tilespmem:s13+$0x70] =	vst v6;
	s13 =	smov.u32 s18  }
0x39: {  	s17 =	sadd.s32 $0x200, s17;
	[tilespmem:s13+$0x0] =	vst v7;
	v7 =	vadd.s32 v0, v9;
	v6 =	vld [tilespmem:s13+$0x60]  }
0x3a: {  	[tilespmem:s13+$0x10] =	vst v7;
	v5 =	vadd.s32 v0, v5;
	v7 =	vld [tilespmem:s13+$0x70]  }
0x3b: {  	[tilespmem:s13+$0x20] =	vst v5;
	v3 =	vadd.s32 v0, v3  }
0x3c: {  	[tilespmem:s13+$0x30] =	vst v3;
	v2 =	vadd.s32 v0, v2  }
0x3d: {  	[tilespmem:s13+$0x40] =	vst v2;
	v2 =	vadd.s32 v0, v4  }
0x3e: {  	[tilespmem:s13+$0x50] =	vst v2;
	v2 =	vadd.s32 v0, v6  }
0x3f: {  	[tilespmem:s13+$0x60] =	vst v2;
	v2 =	vadd.s32 v0, v7  }
0x40: {  	s17 =	simm.s32 $0x0;
	[tilespmem:s13+$0x70] =	vst v2  }
0x41: {  	v6 =	vld [tilespmem:s17+$0x2800]  }
0x42: {  	v3 =	vld [tilespmem:s17+$0x2810]  }
0x43: {  	v4 =	vld [tilespmem:s17+$0x2820]  }
0x44: {  	v7 =	vld [tilespmem:s17+$0x2830];
	_ =	sdelay $0x2  }
0x45: {  	v2 =	vld [tilespmem:s17+$0x2840];
	v5 =	vand.u32 $0xFF, v6  }
0x46: {  	vm0 =	vlt.u32 v6, $0x1400;
	v9 =	vand.u32 $0xFF, v3;
	v8 =	vor.u32 $0x1400, v5;
	v5 =	vld [tilespmem:s17+$0x2850]  }
0x47: {  	vm1 =	vlt.u32 v4, $0x1400;
	v11 =	vand.u32 $0xFF, v4;
	v10 =	vand.u32 $0xFF, v7  }
0x48: {  	s18 =	simm.s32 $0x0;
	s13 =	simm.s32 $0x200;
	v9 =	vor.u32 $0x1400, v9;
	v8 =	vsel vm0, v6, v8;
	vm0 =	vlt.u32 v3, $0x1400;
	v6 =	vld [tilespmem:s17+$0x2860]  }
.LBB2_4:
0x49: {  	p0 =	sne.s32 s13, $0x9C00;
	v11 =	vor.u32 $0x1400, v11;
	vm2 =	vlt.u32 v7, $0x1400;
	v10 =	vor.u32 $0x1400, v10;
	v12 =	vld [tilespmem:s18+$0x2870]  }
0x4a: {  	s24 =	sshra.s32 s13, $0x2;
	v3 =	vsel vm0, v3, v9;
	[tilespmem:s18+$0x2800] =	vst v8;
	v4 =	vsel vm1, v4, v11;
	v7 =	vsel vm2, v7, v10  }
0x4b: {  	vm0 =	vlt.u32 v2, $0x1400;
	v9 =	vand.u32 $0xFF, v2;
	v8 =	vld [tilespmem:s24+$0x2800];
	[tilespmem:s18+$0x2810] =	vst v3;
	v10 =	vand.u32 $0xFF, v5  }
0x4c: {  	v9 =	vor.u32 $0x1400, v9;
	vm1 =	vlt.u32 v5, $0x1400;
	v3 =	vld [tilespmem:s24+$0x2810];
	[tilespmem:s18+$0x2820] =	vst v4;
	v10 =	vor.u32 $0x1400, v10  }
0x4d: {  	v2 =	vsel vm0, v2, v9;
	v4 =	vld [tilespmem:s24+$0x2820];
	[tilespmem:s18+$0x2830] =	vst v7;
	v5 =	vsel vm1, v5, v10;
	v9 =	vand.u32 $0xFF, v6  }
0x4e: {  	vm0 =	vlt.u32 v6, $0x1400;
	v7 =	vld [tilespmem:s24+$0x2830];
	[tilespmem:s18+$0x2840] =	vst v2;
	v2 =	vor.u32 $0x1400, v9;
	v9 =	vand.u32 $0xFF, v12  }
.Ltmp1:
0x4f: {  	[tilespmem:s18+$0x2850] =	vst v5;
	v5 =	vsel vm0, v6, v2;
	vm0 =	vlt.u32 v12, $0x1400;
	v6 =	vor.u32 $0x1400, v9;
	(pc) =	sbr.rel @p0 .LBB2_4-.Ltmp1, $4  }
0x50: {  	v9 =	vand.u32 $0xFF, v8;
	v2 =	vld [tilespmem:s24+$0x2840];
	[tilespmem:s18+$0x2860] =	vst v5;
	v6 =	vsel vm0, v12, v6  }
0x51: {  	vm0 =	vlt.u32 v8, $0x1400;
	v9 =	vor.u32 $0x1400, v9;
	v10 =	vand.u32 $0xFF, v3;
	v5 =	vld [tilespmem:s24+$0x2850];
	[tilespmem:s18+$0x2870] =	vst v6;
	s18 =	smov.u32 s24  }
0x52: {  	v8 =	vsel vm0, v8, v9;
	vm0 =	vlt.u32 v3, $0x1400;
	v9 =	vor.u32 $0x1400, v10  }
0x53: {  	s13 =	sadd.s32 $0x200, s13;
	vm1 =	vlt.u32 v4, $0x1400;
	v11 =	vand.u32 $0xFF, v4;
	v10 =	vand.u32 $0xFF, v7;
	v6 =	vld [tilespmem:s18+$0x2860]  }
0x54: {  	v11 =	vor.u32 $0x1400, v11;
	vm2 =	vlt.u32 v7, $0x1400;
	v10 =	vor.u32 $0x1400, v10;
	v12 =	vld [tilespmem:s18+$0x2870]  }
0x55: {  	[tilespmem:s18+$0x2800] =	vst v8;
	v3 =	vsel vm0, v3, v9;
	v4 =	vsel vm1, v4, v11;
	v7 =	vsel vm2, v7, v10  }
0x56: {  	[tilespmem:s18+$0x2810] =	vst v3;
	vm12 =	vlt.u32 v2, $0x1400;
	v3 =	vand.u32 $0xFF, v2;
	v60 =	vand.u32 $0xFF, v5  }
0x57: {  	[tilespmem:s18+$0x2820] =	vst v4;
	v3 =	vor.u32 $0x1400, v3;
	vm13 =	vlt.u32 v5, $0x1400;
	v61 =	vor.u32 $0x1400, v60  }
0x58: {  	[tilespmem:s18+$0x2830] =	vst v7;
	v2 =	vsel vm12, v2, v3;
	v3 =	vsel vm13, v5, v61;
	v62 =	vand.u32 $0xFF, v6  }
0x59: {  	[tilespmem:s18+$0x2840] =	vst v2;
	vm14 =	vlt.u32 v6, $0x1400;
	v2 =	vor.u32 $0x1400, v62;
	v63 =	vand.u32 $0xFF, v12  }
0x5a: {  	[tilespmem:s18+$0x2850] =	vst v3;
	vm15 =	vlt.u32 v12, $0x1400;
	v2 =	vsel vm14, v6, v2;
	v3 =	vor.u32 $0x1400, v63  }
0x5b: {  	[tilespmem:s18+$0x2860] =	vst v2;
	v2 =	vsel vm15, v12, v3  }
0x5c: {  	s13 =	simm.s32 $0x200;
	[tilespmem:s18+$0x2870] =	vst v2  }
.LBB2_6:
0x5d: {  	p0 =	sne.s32 s13, $0x7E00;
	[tilespmem:s17+$0x11070] =	vst v1  }
0x5e: {  	[tilespmem:s17+$0x11000] =	vst v1  }
0x5f: {  	[tilespmem:s17+$0x11010] =	vst v1  }
.Ltmp2:
0x60: {  	[tilespmem:s17+$0x11020] =	vst v1;
	(pc) =	sbr.rel @p0 .LBB2_6-.Ltmp2, $4  }
0x61: {  	[tilespmem:s17+$0x11030] =	vst v1  }
0x62: {  	[tilespmem:s17+$0x11040] =	vst v1  }
0x63: {  	[tilespmem:s17+$0x11050] =	vst v1  }
0x64: {  	[tilespmem:s17+$0x11060] =	vst v1;
	s17 =	sshra.s32 s13, $0x2;
	s13 =	sadd.s32 $0x200, s13  }
0x65: {  	[tilespmem:s17+$0x11070] =	vst v1  }
0x66: {  	[tilespmem:s17+$0x11000] =	vst v1  }
0x67: {  	[tilespmem:s17+$0x11010] =	vst v1  }
0x68: {  	[tilespmem:s17+$0x11020] =	vst v1  }
0x69: {  	[tilespmem:s17+$0x11030] =	vst v1  }
0x6a: {  	[tilespmem:s17+$0x11040] =	vst v1  }
0x6b: {  	[tilespmem:s17+$0x11050] =	vst v1  }
0x6c: {  	[tilespmem:s17+$0x11060] =	vst v1  }
0x6d: {  	[spmem:s7] =	stream.linear.scatter [tilespmem:s25], [sflag:$0x7], $0x2000, $0x38;
	[tilespmem:$0x1D800] =	vst v63  }
0x6e: {  	_ =	swait.ge [sflag:s23], $0x2000  }
0x6f: {  	[sflag:s23] =	ssyncset.done $0x0  }
0x70: {  	[sflag:s23] =	ssyncadd.s32 $0xFFFFE000  }
0x71: {  	[spmem:s8] =	stream.linear.scatter [tilespmem:s25], [sflag:$0x7], $0x2000, $0x38;
	[tilespmem:$0x1D800] =	vst v63  }
0x72: {  	_ =	swait.ge [sflag:s23], $0x2000  }
0x73: {  	[sflag:s23] =	ssyncset.done $0x0  }
0x74: {  	[sflag:s23] =	ssyncadd.s32 $0xFFFFE000  }
0x75: {  	[spmem:s9] =	stream.linear.scatter [tilespmem:s25], [sflag:$0x7], $0x2000, $0x38;
	[tilespmem:$0x1D800] =	vst v63  }
0x76: {  	_ =	swait.ge [sflag:s23], $0x2000  }
0x77: {  	[sflag:s23] =	ssyncset.done $0x0  }
0x78: {  	[sflag:s23] =	ssyncadd.s32 $0xFFFFE000  }
0x79: {  	[spmem:s10] =	stream.linear.scatter [tilespmem:s25], [sflag:$0x7], $0x2000, $0x38;
	[tilespmem:$0x1D800] =	vst v63  }
0x7a: {  	_ =	swait.ge [sflag:s23], $0x2000  }
0x7b: {  	[sflag:s23] =	ssyncset.done $0x0  }
0x7c: {  	[sflag:s23] =	ssyncadd.s32 $0xFFFFE000  }
0x7d: {  	[spmem:s11] =	stream.linear.scatter [tilespmem:s25], [sflag:$0x7], $0x2000, $0x38;
	[tilespmem:$0x1D800] =	vst v63  }
0x7e: {  	_ =	swait.ge [sflag:s23], $0x2000  }
0x7f: {  	[sflag:s23] =	ssyncset.done $0x0  }
0x80: {  	[sflag:s23] =	ssyncadd.s32 $0xFFFFE000  }
0x81: {  	s13 =	simm.s32 $0x0;
	[bflag:$0x0] =	sbarrier.arrive $0xFFFF  }
0x82: {  	[tilespmem:s28], [sflag:$0x1] =	stream.indirect.gather [hbm4b:s1+s26], $0x80, s13, s26, $0xb8;
	[tilespmem:$0x1D800] =	vst v63  }
0x83: {  	s18 =	simm.s32 $0x80  }
0x84: {  	[tilespmem:s29], [sflag:$0x2] =	stream.indirect.gather [hbm4b:s1+s26], $0x80, s18, s26, $0xb8;
	[tilespmem:$0x1D800] =	vst v63  }
0x85: {  	s24 =	simm.s32 $0x100  }
0x86: {  	[tilespmem:s30], [sflag:$0x3] =	stream.indirect.gather [hbm4b:s1+s26], $0x80, s24, s26, $0xb8;
	[tilespmem:$0x1D800] =	vst v63  }
0x87: {  	_ =	swait.ge [sflag:s31], $0x4000  }
0x88: {  	[sflag:s31] =	ssyncset.done $0x0  }
0x89: {  	s17 =	simm.s32 $0x2800;
	[sflag:s31] =	ssyncadd.s32 $0xFFFFC000  }
0x8a: {  	[spmem:s3] =	stream.indirect.scatter.add.f32 [tilespmem:s28], [sflag:$0x4], $0x80, s17, s26, $0xb8;
	[tilespmem:$0x1D800] =	vst v63  }
0x8b: {  	_ =	swait.ge [sflag:s0], $0x4000  }
0x8c: {  	[sflag:s0] =	ssyncset.done $0x0  }
0x8d: {  	s18 =	simm.s32 $0x2880;
	[sflag:s0] =	ssyncadd.s32 $0xFFFFC000  }
0x8e: {  	[spmem:s3] =	stream.indirect.scatter.add.f32 [tilespmem:s29], [sflag:$0x5], $0x80, s18, s26, $0xb8;
	[tilespmem:$0x1D800] =	vst v63  }
0x8f: {  	_ =	swait.ge [sflag:s2], $0x4000  }
0x90: {  	[sflag:s2] =	ssyncset.done $0x0  }
0x91: {  	s24 =	simm.s32 $0x2900;
	[sflag:s2] =	ssyncadd.s32 $0xFFFFC000  }
0x92: {  	[spmem:s3] =	stream.indirect.scatter.add.f32 [tilespmem:s30], [sflag:$0x6], $0x80, s24, s26, $0xb8;
	[tilespmem:$0x1D800] =	vst v63  }
0x93: {  	_ =	swait.ge [sflag:s4], $0x4000  }
0x94: {  	[sflag:s4] =	ssyncset.done $0x0  }
0x95: {  	[sflag:s4] =	ssyncadd.s32 $0xFFFFC000  }
0x96: {  	_ =	swait.ge [sflag:s5], $0x4000  }
0x97: {  	[sflag:s5] =	ssyncset.done $0x0  }
0x98: {  	[sflag:s5] =	ssyncadd.s32 $0xFFFFC000  }
0x99: {  	_ =	swait.ge [sflag:s12], $0x4000  }
0x9a: {  	s13 =	simm.s32 $0x600;
	s17 =	simm.s32 $0xC00;
	[sflag:s12] =	ssyncset.done $0x0  }
.LBB2_8:
0x9b: {  	s18 =	sshra.s32 s13, $0x2  }
0x9c: {  	[sflag:s12] =	ssyncadd.s32 $0xFFFFC000;
	s13 =	smov.u32 s17;
	s24 =	sadd.s32 $0x600, s17  }
0x9d: {  	[tilespmem:s28], [sflag:$0x1] =	stream.indirect.gather [hbm4b:s1+s26], $0x80, s18, s26, $0xb8;
	[tilespmem:$0x1D800] =	vst v63  }
0x9e: {  	p0 =	sne.s32 s17, $0x9600;
	s17 =	sadd.s32 $0x80, s18  }
0x9f: {  	[tilespmem:s29], [sflag:$0x2] =	stream.indirect.gather [hbm4b:s1+s26], $0x80, s17, s26, $0xb8;
	[tilespmem:$0x1D800] =	vst v63  }
0xa0: {  	s17 =	sadd.s32 $0x100, s18  }
0xa1: {  	[tilespmem:s30], [sflag:$0x3] =	stream.indirect.gather [hbm4b:s1+s26], $0x80, s17, s26, $0xb8;
	[tilespmem:$0x1D800] =	vst v63  }
0xa2: {  	_ =	swait.ge [sflag:s31], $0x4000  }
0xa3: {  	[sflag:s31] =	ssyncset.done $0x0  }
0xa4: {  	s17 =	sadd.s32 $0x2800, s18;
	[sflag:s31] =	ssyncadd.s32 $0xFFFFC000  }
0xa5: {  	[spmem:s3] =	stream.indirect.scatter.add.f32 [tilespmem:s28], [sflag:$0x4], $0x80, s17, s26, $0xb8;
	[tilespmem:$0x1D800] =	vst v63  }
0xa6: {  	_ =	swait.ge [sflag:s0], $0x4000  }
0xa7: {  	[sflag:s0] =	ssyncset.done $0x0  }
0xa8: {  	s17 =	sadd.s32 $0x2880, s18;
	[sflag:s0] =	ssyncadd.s32 $0xFFFFC000  }
0xa9: {  	[spmem:s3] =	stream.indirect.scatter.add.f32 [tilespmem:s29], [sflag:$0x5], $0x80, s17, s26, $0xb8;
	[tilespmem:$0x1D800] =	vst v63  }
0xaa: {  	_ =	swait.ge [sflag:s2], $0x4000  }
0xab: {  	[sflag:s2] =	ssyncset.done $0x0  }
0xac: {  	s17 =	sadd.s32 $0x2900, s18;
	[sflag:s2] =	ssyncadd.s32 $0xFFFFC000  }
0xad: {  	[spmem:s3] =	stream.indirect.scatter.add.f32 [tilespmem:s30], [sflag:$0x6], $0x80, s17, s26, $0xb8;
	[tilespmem:$0x1D800] =	vst v63  }
0xae: {  	_ =	swait.ge [sflag:s4], $0x4000  }
0xaf: {  	[sflag:s4] =	ssyncset.done $0x0  }
0xb0: {  	[sflag:s4] =	ssyncadd.s32 $0xFFFFC000  }
.Ltmp3:
0xb1: {  	_ =	swait.ge [sflag:s5], $0x4000;
	(pc) =	sbr.rel @p0 .LBB2_8-.Ltmp3, $4  }
0xb2: {  	[sflag:s5] =	ssyncset.done $0x0  }
0xb3: {  	[sflag:s5] =	ssyncadd.s32 $0xFFFFC000  }
0xb4: {  	_ =	swait.ge [sflag:s12], $0x4000  }
0xb5: {  	s17 =	smov.u32 s24;
	[sflag:s12] =	ssyncset.done $0x0  }
0xb6: {  	s13 =	sshra.s32 s13, $0x2;
	[sflag:s12] =	ssyncadd.s32 $0xFFFFC000  }
0xb7: {  	[tilespmem:s28], [sflag:$0x1] =	stream.indirect.gather [hbm4b:s1+s26], $0x80, s13, s26, $0xb8;
	[tilespmem:$0x1D800] =	vst v63  }
0xb8: {  	s17 =	sadd.s32 $0x80, s13  }
0xb9: {  	[tilespmem:s29], [sflag:$0x2] =	stream.indirect.gather [hbm4b:s1+s26], $0x80, s17, s26, $0xb8;
	[tilespmem:$0x1D800] =	vst v63  }
0xba: {  	s24 =	sadd.s32 $0x100, s13  }
0xbb: {  	[tilespmem:s30], [sflag:$0x3] =	stream.indirect.gather [hbm4b:s1+s26], $0x80, s24, s26, $0xb8;
	[tilespmem:$0x1D800] =	vst v63  }
0xbc: {  	_ =	swait.ge [sflag:s31], $0x4000  }
0xbd: {  	[sflag:s31] =	ssyncset.done $0x0  }
0xbe: {  	s18 =	sadd.s32 $0x2800, s13;
	[sflag:s31] =	ssyncadd.s32 $0xFFFFC000  }
0xbf: {  	[spmem:s3] =	stream.indirect.scatter.add.f32 [tilespmem:s28], [sflag:$0x4], $0x80, s18, s26, $0xb8;
	[tilespmem:$0x1D800] =	vst v63  }
0xc0: {  	_ =	swait.ge [sflag:s0], $0x4000  }
0xc1: {  	[sflag:s0] =	ssyncset.done $0x0  }
0xc2: {  	s24 =	sadd.s32 $0x2880, s13;
	[sflag:s0] =	ssyncadd.s32 $0xFFFFC000  }
0xc3: {  	[spmem:s3] =	stream.indirect.scatter.add.f32 [tilespmem:s29], [sflag:$0x5], $0x80, s24, s26, $0xb8;
	[tilespmem:$0x1D800] =	vst v63  }
0xc4: {  	_ =	swait.ge [sflag:s2], $0x4000  }
0xc5: {  	[sflag:s2] =	ssyncset.done $0x0  }
0xc6: {  	s13 =	sadd.s32 $0x2900, s13;
	[sflag:s2] =	ssyncadd.s32 $0xFFFFC000  }
0xc7: {  	[spmem:s3] =	stream.indirect.scatter.add.f32 [tilespmem:s30], [sflag:$0x6], $0x80, s13, s26, $0xb8;
	[tilespmem:$0x1D800] =	vst v63  }
0xc8: {  	_ =	swait.ge [sflag:s4], $0x4000  }
0xc9: {  	[sflag:s4] =	ssyncset.done $0x0  }
0xca: {  	[sflag:s4] =	ssyncadd.s32 $0xFFFFC000  }
0xcb: {  	_ =	swait.ge [sflag:s5], $0x4000  }
0xcc: {  	[sflag:s5] =	ssyncset.done $0x0  }
0xcd: {  	[sflag:s5] =	ssyncadd.s32 $0xFFFFC000  }
0xce: {  	_ =	swait.ge [sflag:s12], $0x4000  }
0xcf: {  	[sflag:s12] =	ssyncset.done $0x0  }
0xd0: {  	s18 =	simm.s32 $0x2700;
	[sflag:s12] =	ssyncadd.s32 $0xFFFFC000  }
0xd1: {  	[tilespmem:s28], [sflag:$0x1] =	stream.indirect.gather [hbm4b:s1+s26], $0x80, s18, s26, $0xb8;
	[tilespmem:$0x1D800] =	vst v63  }
0xd2: {  	_ =	swait.ge [sflag:s31], $0x4000  }
0xd3: {  	[sflag:s31] =	ssyncset.done $0x0  }
0xd4: {  	s24 =	simm.s32 $0x4F00;
	[sflag:s31] =	ssyncadd.s32 $0xFFFFC000  }
0xd5: {  	[spmem:s3] =	stream.indirect.scatter.add.f32 [tilespmem:s28], [sflag:$0x4], $0x80, s24, s26, $0xb8;
	[tilespmem:$0x1D800] =	vst v63  }
0xd6: {  	_ =	swait.ge [sflag:s4], $0x4000  }
0xd7: {  	[sflag:s4] =	ssyncset.done $0x0  }
0xd8: {  	[sflag:s4] =	ssyncadd.s32 $0xFFFFC000  }
0xd9: {  	[bflag:$0x0] =	sbarrier.arrive $0xFFFF  }
0xda: {  	[tilespmem:s25], [sflag:$0x7] =	stream.linear.gather [spmem:s7], $0x2000, $0x38;
	[tilespmem:$0x1D800] =	vst v63  }
0xdb: {  	_ =	swait.ge [sflag:s23], $0x2000  }
0xdc: {  	[sflag:s23] =	ssyncset.done $0x0  }
0xdd: {  	s13 =	simm.s32 $0x0;
	[sflag:s23] =	ssyncadd.s32 $0xFFFFE000  }
0xde: {  	v4 =	vld [tilespmem:s13+$0x11000]  }
0xdf: {  	v6 =	vld [tilespmem:s13+$0x11010]  }
0xe0: {  	v5 =	vld [tilespmem:s13+$0x11020]  }
0xe1: {  	v3 =	vld [tilespmem:s13+$0x11030]  }
0xe2: {  	v2 =	vld [tilespmem:s13+$0x11040]  }
0xe3: {  	v7 =	vmax.f32 v4, $0.0e+00;
	v4 =	vld [tilespmem:s13+$0x11050]  }
0xe4: {  	s17 =	simm.s32 $0x200;
	[tilespmem:s13+$0x11000] =	vst v7;
	v7 =	vmax.f32 v6, $0.0e+00;
	v6 =	vld [tilespmem:s13+$0x11060]  }
.LBB2_10:
0xe5: {  	s18 =	sshra.s32 s17, $0x2;
	p0 =	sne.s32 s17, $0x7E00;
	[tilespmem:s13+$0x11010] =	vst v7;
	v5 =	vmax.f32 v5, $0.0e+00;
	v7 =	vld [tilespmem:s13+$0x11070]  }
0xe6: {  	v8 =	vld [tilespmem:s18+$0x11000];
	[tilespmem:s13+$0x11020] =	vst v5;
	v3 =	vmax.f32 v3, $0.0e+00  }
0xe7: {  	v9 =	vld [tilespmem:s18+$0x11010];
	[tilespmem:s13+$0x11030] =	vst v3;
	v2 =	vmax.f32 v2, $0.0e+00  }
.Ltmp4:
0xe8: {  	v5 =	vld [tilespmem:s18+$0x11020];
	[tilespmem:s13+$0x11040] =	vst v2;
	v2 =	vmax.f32 v4, $0.0e+00;
	(pc) =	sbr.rel @p0 .LBB2_10-.Ltmp4, $4  }
0xe9: {  	v3 =	vld [tilespmem:s18+$0x11030];
	[tilespmem:s13+$0x11050] =	vst v2;
	v4 =	vmax.f32 v6, $0.0e+00  }
0xea: {  	v2 =	vld [tilespmem:s18+$0x11040];
	[tilespmem:s13+$0x11060] =	vst v4;
	v6 =	vmax.f32 v7, $0.0e+00  }
0xeb: {  	v7 =	vmax.f32 v8, $0.0e+00;
	v4 =	vld [tilespmem:s18+$0x11050];
	[tilespmem:s13+$0x11070] =	vst v6;
	s13 =	smov.u32 s18  }
0xec: {  	s17 =	sadd.s32 $0x200, s17;
	[tilespmem:s13+$0x11000] =	vst v7;
	v7 =	vmax.f32 v9, $0.0e+00;
	v6 =	vld [tilespmem:s13+$0x11060]  }
0xed: {  	[tilespmem:s13+$0x11010] =	vst v7;
	v5 =	vmax.f32 v5, $0.0e+00;
	v7 =	vld [tilespmem:s13+$0x11070]  }
0xee: {  	[tilespmem:s13+$0x11020] =	vst v5;
	v3 =	vmax.f32 v3, $0.0e+00  }
0xef: {  	[tilespmem:s13+$0x11030] =	vst v3;
	v2 =	vmax.f32 v2, $0.0e+00  }
0xf0: {  	[tilespmem:s13+$0x11040] =	vst v2;
	v2 =	vmax.f32 v4, $0.0e+00  }
0xf1: {  	[tilespmem:s13+$0x11050] =	vst v2;
	v2 =	vmax.f32 v6, $0.0e+00  }
0xf2: {  	[tilespmem:s13+$0x11060] =	vst v2;
	v2 =	vmax.f32 v7, $0.0e+00  }
0xf3: {  	s24 =	rddreg [dreg:$0x5];
	[tilespmem:s13+$0x11070] =	vst v2  }
0xf4: {  	[hbm4b:s24+s14] =	stream.strided.scatter [tilespmem:s25], [sflag:$0x7], $0x2000, s15, s14, $0x38;
	[tilespmem:$0x1D800] =	vst v63  }
0xf5: {  	_ =	swait.ge [sflag:s23], $0x2000  }
0xf6: {  	[sflag:s23] =	ssyncset.done $0x0  }
0xf7: {  	[sflag:s23] =	ssyncadd.s32 $0xFFFFE000  }
0xf8: {  	[tilespmem:s25], [sflag:$0x7] =	stream.linear.gather [spmem:s8], $0x2000, $0x38;
	[tilespmem:$0x1D800] =	vst v63  }
0xf9: {  	_ =	swait.ge [sflag:s23], $0x2000  }
0xfa: {  	[sflag:s23] =	ssyncset.done $0x0  }
0xfb: {  	s13 =	simm.s32 $0x0;
	[sflag:s23] =	ssyncadd.s32 $0xFFFFE000  }
0xfc: {  	v4 =	vld [tilespmem:s13+$0x11000]  }
0xfd: {  	v6 =	vld [tilespmem:s13+$0x11010]  }
0xfe: {  	v5 =	vld [tilespmem:s13+$0x11020]  }
0xff: {  	v3 =	vld [tilespmem:s13+$0x11030]  }
0x100: {  	v2 =	vld [tilespmem:s13+$0x11040]  }
0x101: {  	v7 =	vmax.f32 v4, $0.0e+00;
	v4 =	vld [tilespmem:s13+$0x11050]  }
0x102: {  	s17 =	simm.s32 $0x200;
	[tilespmem:s13+$0x11000] =	vst v7;
	v7 =	vmax.f32 v6, $0.0e+00;
	v6 =	vld [tilespmem:s13+$0x11060]  }
.LBB2_12:
0x103: {  	s18 =	sshra.s32 s17, $0x2;
	p0 =	sne.s32 s17, $0x7E00;
	[tilespmem:s13+$0x11010] =	vst v7;
	v5 =	vmax.f32 v5, $0.0e+00;
	v7 =	vld [tilespmem:s13+$0x11070]  }
0x104: {  	v8 =	vld [tilespmem:s18+$0x11000];
	[tilespmem:s13+$0x11020] =	vst v5;
	v3 =	vmax.f32 v3, $0.0e+00  }
0x105: {  	v9 =	vld [tilespmem:s18+$0x11010];
	[tilespmem:s13+$0x11030] =	vst v3;
	v2 =	vmax.f32 v2, $0.0e+00  }
.Ltmp5:
0x106: {  	v5 =	vld [tilespmem:s18+$0x11020];
	[tilespmem:s13+$0x11040] =	vst v2;
	v2 =	vmax.f32 v4, $0.0e+00;
	(pc) =	sbr.rel @p0 .LBB2_12-.Ltmp5, $4  }
0x107: {  	v3 =	vld [tilespmem:s18+$0x11030];
	[tilespmem:s13+$0x11050] =	vst v2;
	v4 =	vmax.f32 v6, $0.0e+00  }
0x108: {  	v2 =	vld [tilespmem:s18+$0x11040];
	[tilespmem:s13+$0x11060] =	vst v4;
	v6 =	vmax.f32 v7, $0.0e+00  }
0x109: {  	v7 =	vmax.f32 v8, $0.0e+00;
	v4 =	vld [tilespmem:s18+$0x11050];
	[tilespmem:s13+$0x11070] =	vst v6;
	s13 =	smov.u32 s18  }
0x10a: {  	s17 =	sadd.s32 $0x200, s17;
	[tilespmem:s13+$0x11000] =	vst v7;
	v7 =	vmax.f32 v9, $0.0e+00;
	v6 =	vld [tilespmem:s13+$0x11060]  }
0x10b: {  	[tilespmem:s13+$0x11010] =	vst v7;
	v5 =	vmax.f32 v5, $0.0e+00;
	v7 =	vld [tilespmem:s13+$0x11070]  }
0x10c: {  	[tilespmem:s13+$0x11020] =	vst v5;
	v3 =	vmax.f32 v3, $0.0e+00  }
0x10d: {  	[tilespmem:s13+$0x11030] =	vst v3;
	v2 =	vmax.f32 v2, $0.0e+00  }
0x10e: {  	[tilespmem:s13+$0x11040] =	vst v2;
	v2 =	vmax.f32 v4, $0.0e+00  }
0x10f: {  	[tilespmem:s13+$0x11050] =	vst v2;
	v2 =	vmax.f32 v6, $0.0e+00  }
0x110: {  	[tilespmem:s13+$0x11060] =	vst v2;
	v2 =	vmax.f32 v7, $0.0e+00  }
0x111: {  	s24 =	rddreg [dreg:$0x6];
	[tilespmem:s13+$0x11070] =	vst v2  }
0x112: {  	[hbm4b:s24+s14] =	stream.strided.scatter [tilespmem:s25], [sflag:$0x7], $0x2000, s15, s14, $0x38;
	[tilespmem:$0x1D800] =	vst v63  }
0x113: {  	_ =	swait.ge [sflag:s23], $0x2000  }
0x114: {  	[sflag:s23] =	ssyncset.done $0x0  }
0x115: {  	[sflag:s23] =	ssyncadd.s32 $0xFFFFE000  }
0x116: {  	[tilespmem:s25], [sflag:$0x7] =	stream.linear.gather [spmem:s9], $0x2000, $0x38;
	[tilespmem:$0x1D800] =	vst v63  }
0x117: {  	_ =	swait.ge [sflag:s23], $0x2000  }
0x118: {  	[sflag:s23] =	ssyncset.done $0x0  }
0x119: {  	s13 =	simm.s32 $0x0;
	[sflag:s23] =	ssyncadd.s32 $0xFFFFE000  }
0x11a: {  	v4 =	vld [tilespmem:s13+$0x11000]  }
0x11b: {  	v6 =	vld [tilespmem:s13+$0x11010]  }
0x11c: {  	v5 =	vld [tilespmem:s13+$0x11020]  }
0x11d: {  	v3 =	vld [tilespmem:s13+$0x11030]  }
0x11e: {  	v2 =	vld [tilespmem:s13+$0x11040]  }
0x11f: {  	v7 =	vmax.f32 v4, $0.0e+00;
	v4 =	vld [tilespmem:s13+$0x11050]  }
0x120: {  	s17 =	simm.s32 $0x200;
	[tilespmem:s13+$0x11000] =	vst v7;
	v7 =	vmax.f32 v6, $0.0e+00;
	v6 =	vld [tilespmem:s13+$0x11060]  }
.LBB2_14:
0x121: {  	s18 =	sshra.s32 s17, $0x2;
	p0 =	sne.s32 s17, $0x7E00;
	[tilespmem:s13+$0x11010] =	vst v7;
	v5 =	vmax.f32 v5, $0.0e+00;
	v7 =	vld [tilespmem:s13+$0x11070]  }
0x122: {  	v8 =	vld [tilespmem:s18+$0x11000];
	[tilespmem:s13+$0x11020] =	vst v5;
	v3 =	vmax.f32 v3, $0.0e+00  }
0x123: {  	v9 =	vld [tilespmem:s18+$0x11010];
	[tilespmem:s13+$0x11030] =	vst v3;
	v2 =	vmax.f32 v2, $0.0e+00  }
.Ltmp6:
0x124: {  	v5 =	vld [tilespmem:s18+$0x11020];
	[tilespmem:s13+$0x11040] =	vst v2;
	v2 =	vmax.f32 v4, $0.0e+00;
	(pc) =	sbr.rel @p0 .LBB2_14-.Ltmp6, $4  }
0x125: {  	v3 =	vld [tilespmem:s18+$0x11030];
	[tilespmem:s13+$0x11050] =	vst v2;
	v4 =	vmax.f32 v6, $0.0e+00  }
0x126: {  	v2 =	vld [tilespmem:s18+$0x11040];
	[tilespmem:s13+$0x11060] =	vst v4;
	v6 =	vmax.f32 v7, $0.0e+00  }
0x127: {  	v7 =	vmax.f32 v8, $0.0e+00;
	v4 =	vld [tilespmem:s18+$0x11050];
	[tilespmem:s13+$0x11070] =	vst v6;
	s13 =	smov.u32 s18  }
0x128: {  	s17 =	sadd.s32 $0x200, s17;
	[tilespmem:s13+$0x11000] =	vst v7;
	v7 =	vmax.f32 v9, $0.0e+00;
	v6 =	vld [tilespmem:s13+$0x11060]  }
0x129: {  	[tilespmem:s13+$0x11010] =	vst v7;
	v5 =	vmax.f32 v5, $0.0e+00;
	v7 =	vld [tilespmem:s13+$0x11070]  }
0x12a: {  	[tilespmem:s13+$0x11020] =	vst v5;
	v3 =	vmax.f32 v3, $0.0e+00  }
0x12b: {  	[tilespmem:s13+$0x11030] =	vst v3;
	v2 =	vmax.f32 v2, $0.0e+00  }
0x12c: {  	[tilespmem:s13+$0x11040] =	vst v2;
	v2 =	vmax.f32 v4, $0.0e+00  }
0x12d: {  	[tilespmem:s13+$0x11050] =	vst v2;
	v2 =	vmax.f32 v6, $0.0e+00  }
0x12e: {  	[tilespmem:s13+$0x11060] =	vst v2;
	v2 =	vmax.f32 v7, $0.0e+00  }
0x12f: {  	s24 =	rddreg [dreg:$0x7];
	[tilespmem:s13+$0x11070] =	vst v2  }
0x130: {  	[hbm4b:s24+s14] =	stream.strided.scatter [tilespmem:s25], [sflag:$0x7], $0x2000, s15, s14, $0x38;
	[tilespmem:$0x1D800] =	vst v63  }
0x131: {  	_ =	swait.ge [sflag:s23], $0x2000  }
0x132: {  	[sflag:s23] =	ssyncset.done $0x0  }
0x133: {  	[sflag:s23] =	ssyncadd.s32 $0xFFFFE000  }
0x134: {  	[tilespmem:s25], [sflag:$0x7] =	stream.linear.gather [spmem:s10], $0x2000, $0x38;
	[tilespmem:$0x1D800] =	vst v63  }
0x135: {  	_ =	swait.ge [sflag:s23], $0x2000  }
0x136: {  	[sflag:s23] =	ssyncset.done $0x0  }
0x137: {  	s13 =	simm.s32 $0x0;
	[sflag:s23] =	ssyncadd.s32 $0xFFFFE000  }
0x138: {  	v4 =	vld [tilespmem:s13+$0x11000]  }
0x139: {  	v6 =	vld [tilespmem:s13+$0x11010]  }
0x13a: {  	v5 =	vld [tilespmem:s13+$0x11020]  }
0x13b: {  	v3 =	vld [tilespmem:s13+$0x11030]  }
0x13c: {  	v2 =	vld [tilespmem:s13+$0x11040]  }
0x13d: {  	v7 =	vmax.f32 v4, $0.0e+00;
	v4 =	vld [tilespmem:s13+$0x11050]  }
0x13e: {  	s17 =	simm.s32 $0x200;
	[tilespmem:s13+$0x11000] =	vst v7;
	v7 =	vmax.f32 v6, $0.0e+00;
	v6 =	vld [tilespmem:s13+$0x11060]  }
.LBB2_16:
0x13f: {  	s18 =	sshra.s32 s17, $0x2;
	p0 =	sne.s32 s17, $0x7E00;
	[tilespmem:s13+$0x11010] =	vst v7;
	v5 =	vmax.f32 v5, $0.0e+00;
	v7 =	vld [tilespmem:s13+$0x11070]  }
0x140: {  	v8 =	vld [tilespmem:s18+$0x11000];
	[tilespmem:s13+$0x11020] =	vst v5;
	v3 =	vmax.f32 v3, $0.0e+00  }
0x141: {  	v9 =	vld [tilespmem:s18+$0x11010];
	[tilespmem:s13+$0x11030] =	vst v3;
	v2 =	vmax.f32 v2, $0.0e+00  }
.Ltmp7:
0x142: {  	v5 =	vld [tilespmem:s18+$0x11020];
	[tilespmem:s13+$0x11040] =	vst v2;
	v2 =	vmax.f32 v4, $0.0e+00;
	(pc) =	sbr.rel @p0 .LBB2_16-.Ltmp7, $4  }
0x143: {  	v3 =	vld [tilespmem:s18+$0x11030];
	[tilespmem:s13+$0x11050] =	vst v2;
	v4 =	vmax.f32 v6, $0.0e+00  }
0x144: {  	v2 =	vld [tilespmem:s18+$0x11040];
	[tilespmem:s13+$0x11060] =	vst v4;
	v6 =	vmax.f32 v7, $0.0e+00  }
0x145: {  	v7 =	vmax.f32 v8, $0.0e+00;
	v4 =	vld [tilespmem:s18+$0x11050];
	[tilespmem:s13+$0x11070] =	vst v6;
	s13 =	smov.u32 s18  }
0x146: {  	s17 =	sadd.s32 $0x200, s17;
	[tilespmem:s13+$0x11000] =	vst v7;
	v7 =	vmax.f32 v9, $0.0e+00;
	v6 =	vld [tilespmem:s13+$0x11060]  }
0x147: {  	[tilespmem:s13+$0x11010] =	vst v7;
	v5 =	vmax.f32 v5, $0.0e+00;
	v7 =	vld [tilespmem:s13+$0x11070]  }
0x148: {  	[tilespmem:s13+$0x11020] =	vst v5;
	v3 =	vmax.f32 v3, $0.0e+00  }
0x149: {  	[tilespmem:s13+$0x11030] =	vst v3;
	v2 =	vmax.f32 v2, $0.0e+00  }
0x14a: {  	[tilespmem:s13+$0x11040] =	vst v2;
	v2 =	vmax.f32 v4, $0.0e+00  }
0x14b: {  	[tilespmem:s13+$0x11050] =	vst v2;
	v2 =	vmax.f32 v6, $0.0e+00  }
0x14c: {  	[tilespmem:s13+$0x11060] =	vst v2;
	v2 =	vmax.f32 v7, $0.0e+00  }
0x14d: {  	s24 =	rddreg [dreg:$0x8];
	[tilespmem:s13+$0x11070] =	vst v2  }
0x14e: {  	[hbm4b:s24+s14] =	stream.strided.scatter [tilespmem:s25], [sflag:$0x7], $0x2000, s15, s14, $0x38;
	[tilespmem:$0x1D800] =	vst v63  }
0x14f: {  	_ =	swait.ge [sflag:s23], $0x2000  }
0x150: {  	[sflag:s23] =	ssyncset.done $0x0  }
0x151: {  	[sflag:s23] =	ssyncadd.s32 $0xFFFFE000  }
0x152: {  	[tilespmem:s25], [sflag:$0x7] =	stream.linear.gather [spmem:s11], $0x2000, $0x38;
	[tilespmem:$0x1D800] =	vst v63  }
0x153: {  	_ =	swait.ge [sflag:s23], $0x2000  }
0x154: {  	[sflag:s23] =	ssyncset.done $0x0  }
0x155: {  	s13 =	simm.s32 $0x0;
	[sflag:s23] =	ssyncadd.s32 $0xFFFFE000  }
0x156: {  	v4 =	vld [tilespmem:s13+$0x11000]  }
0x157: {  	v6 =	vld [tilespmem:s13+$0x11010]  }
0x158: {  	v5 =	vld [tilespmem:s13+$0x11020]  }
0x159: {  	v3 =	vld [tilespmem:s13+$0x11030]  }
0x15a: {  	v2 =	vld [tilespmem:s13+$0x11040]  }
0x15b: {  	v7 =	vmax.f32 v4, $0.0e+00;
	v4 =	vld [tilespmem:s13+$0x11050]  }
0x15c: {  	s17 =	simm.s32 $0x200;
	[tilespmem:s13+$0x11000] =	vst v7;
	v7 =	vmax.f32 v6, $0.0e+00;
	v6 =	vld [tilespmem:s13+$0x11060]  }
.LBB2_18:
0x15d: {  	s18 =	sshra.s32 s17, $0x2;
	p0 =	sne.s32 s17, $0x7E00;
	[tilespmem:s13+$0x11010] =	vst v7;
	v5 =	vmax.f32 v5, $0.0e+00;
	v7 =	vld [tilespmem:s13+$0x11070]  }
0x15e: {  	v8 =	vld [tilespmem:s18+$0x11000];
	[tilespmem:s13+$0x11020] =	vst v5;
	v3 =	vmax.f32 v3, $0.0e+00  }
0x15f: {  	v9 =	vld [tilespmem:s18+$0x11010];
	[tilespmem:s13+$0x11030] =	vst v3;
	v2 =	vmax.f32 v2, $0.0e+00  }
.Ltmp8:
0x160: {  	v5 =	vld [tilespmem:s18+$0x11020];
	[tilespmem:s13+$0x11040] =	vst v2;
	v2 =	vmax.f32 v4, $0.0e+00;
	(pc) =	sbr.rel @p0 .LBB2_18-.Ltmp8, $4  }
0x161: {  	v3 =	vld [tilespmem:s18+$0x11030];
	[tilespmem:s13+$0x11050] =	vst v2;
	v4 =	vmax.f32 v6, $0.0e+00  }
0x162: {  	v2 =	vld [tilespmem:s18+$0x11040];
	[tilespmem:s13+$0x11060] =	vst v4;
	v6 =	vmax.f32 v7, $0.0e+00  }
0x163: {  	v7 =	vmax.f32 v8, $0.0e+00;
	v4 =	vld [tilespmem:s18+$0x11050];
	[tilespmem:s13+$0x11070] =	vst v6;
	s13 =	smov.u32 s18  }
0x164: {  	s17 =	sadd.s32 $0x200, s17;
	[tilespmem:s13+$0x11000] =	vst v7;
	v7 =	vmax.f32 v9, $0.0e+00;
	v6 =	vld [tilespmem:s13+$0x11060]  }
0x165: {  	[tilespmem:s13+$0x11010] =	vst v7;
	v5 =	vmax.f32 v5, $0.0e+00;
	v7 =	vld [tilespmem:s13+$0x11070]  }
0x166: {  	[tilespmem:s13+$0x11020] =	vst v5;
	v3 =	vmax.f32 v3, $0.0e+00  }
0x167: {  	[tilespmem:s13+$0x11030] =	vst v3;
	v2 =	vmax.f32 v2, $0.0e+00  }
0x168: {  	[tilespmem:s13+$0x11040] =	vst v2;
	v2 =	vmax.f32 v4, $0.0e+00  }
0x169: {  	[tilespmem:s13+$0x11050] =	vst v2;
	v2 =	vmax.f32 v6, $0.0e+00  }
0x16a: {  	[tilespmem:s13+$0x11060] =	vst v2;
	v2 =	vmax.f32 v7, $0.0e+00  }
0x16b: {  	s18 =	rddreg [dreg:$0x9];
	[tilespmem:s13+$0x11070] =	vst v2  }
0x16c: {  	[hbm4b:s18+s14] =	stream.strided.scatter [tilespmem:s25], [sflag:$0x7], $0x2000, s15, s14, $0x38;
	[tilespmem:$0x1D800] =	vst v63  }
0x16d: {  	_ =	swait.ge [sflag:s23], $0x2000  }
0x16e: {  	[sflag:s23] =	ssyncset.done $0x0  }
0x16f: {  	[sflag:s23] =	ssyncadd.s32 $0xFFFFE000  }
0x170: {  	s24 =	simm.s32 $0x0;
	s17 =	simm.s32 $0x2800;
	[bflag:$0x0] =	sbarrier.arrive $0xFFFF  }
0x171: {  	[tilespmem:s17], [sflag:$0x7] =	stream.linear.gather [hbm4b:s6+s24], $0x2780, $0x38;
	[tilespmem:$0x1D800] =	vst v63  }
0x172: {  	_ =	swait.ge [sflag:s23], $0x2780  }
0x173: {  	[sflag:s23] =	ssyncset.done $0x0  }
0x174: {  	s17 =	simm.s32 $0x0;
	[sflag:s23] =	ssyncadd.s32 $0xFFFFD880  }
0x175: {  	v2 =	vld [tilespmem:s17+$0x2800]  }
0x176: {  	v3 =	vld [tilespmem:s17+$0x2810];
	_ =	sdelay $0x2  }
0x177: {  	v4 =	vld [tilespmem:s17+$0x2820]  }
0x178: {  	v9 =	vld [tilespmem:s17+$0x2830]  }
0x179: {  	v5 =	vadd.s32 $0xFFFFEC00, v2;
	v2 =	vand.u32 $0xFF, v2;
	v7 =	vadd.s32 $0xFFFFEC00, v3  }
0x17a: {  	v6 =	vld [tilespmem:s17+$0x2840];
	v3 =	vand.u32 $0xFF, v3;
	vm0 =	vlt.u32 v5, $0x1400;
	v2 =	vor.u32 $0x1400, v2  }
0x17b: {  	v5 =	vsel vm0, v5, v2;
	vm0 =	vlt.u32 v7, $0x1400;
	v2 =	vor.u32 $0x1400, v3  }
0x17c: {  	v3 =	vsel vm0, v7, v2;
	v7 =	vadd.s32 $0xFFFFEC00, v4;
	v2 =	vand.u32 $0xFF, v4;
	v4 =	vld [tilespmem:s17+$0x2850]  }
0x17d: {  	v8 =	vadd.s32 $0xFFFFEC00, v9;
	vm0 =	vlt.u32 v7, $0x1400;
	v10 =	vor.u32 $0x1400, v2;
	v2 =	vld [tilespmem:s17+$0x2860]  }
0x17e: {  	s13 =	simm.s32 $0x200;
	s18 =	simm.s32 $0x0;
	v9 =	vand.u32 $0xFF, v9;
	v7 =	vsel vm0, v7, v10;
	vm0 =	vlt.u32 v8, $0x1400  }
.LBB2_20:
0x17f: {  	p0 =	sne.s32 s13, $0x9C00;
	v9 =	vor.u32 $0x1400, v9;
	v10 =	vadd.s32 $0xFFFFEC00, v6;
	v6 =	vand.u32 $0xFF, v6;
	v11 =	vld [tilespmem:s18+$0x2870]  }
0x180: {  	s24 =	sshra.s32 s13, $0x2;
	[tilespmem:s18+$0x2800] =	vst v5;
	v5 =	vsel vm0, v8, v9;
	vm0 =	vlt.u32 v10, $0x1400;
	v6 =	vor.u32 $0x1400, v6  }
0x181: {  	v8 =	vld [tilespmem:s24+$0x2800];
	[tilespmem:s18+$0x2810] =	vst v3;
	v3 =	vsel vm0, v10, v6;
	v6 =	vadd.s32 $0xFFFFEC00, v4;
	v4 =	vand.u32 $0xFF, v4  }
0x182: {  	[tilespmem:s18+$0x2820] =	vst v7;
	vm0 =	vlt.u32 v6, $0x1400;
	v4 =	vor.u32 $0x1400, v4;
	v7 =	vadd.s32 $0xFFFFEC00, v2  }
0x183: {  	v2 =	vand.u32 $0xFF, v2;
	v9 =	vld [tilespmem:s24+$0x2810];
	[tilespmem:s18+$0x2830] =	vst v5;
	v4 =	vsel vm0, v6, v4;
	vm0 =	vlt.u32 v7, $0x1400  }
0x184: {  	v2 =	vor.u32 $0x1400, v2;
	[tilespmem:s18+$0x2840] =	vst v3;
	v3 =	vadd.s32 $0xFFFFEC00, v11;
	v5 =	vand.u32 $0xFF, v11  }
0x185: {  	v2 =	vsel vm0, v7, v2;
	v10 =	vld [tilespmem:s24+$0x2820];
	[tilespmem:s18+$0x2850] =	vst v4;
	vm0 =	vlt.u32 v3, $0x1400;
	v4 =	vor.u32 $0x1400, v5  }
0x186: {  	v5 =	vadd.s32 $0xFFFFEC00, v8;
	v11 =	vld [tilespmem:s24+$0x2830];
	[tilespmem:s18+$0x2860] =	vst v2;
	v2 =	vsel vm0, v3, v4  }
0x187: {  	v3 =	vand.u32 $0xFF, v8;
	vm0 =	vlt.u32 v5, $0x1400;
	[tilespmem:s18+$0x2870] =	vst v2;
	s18 =	smov.u32 s24  }
.Ltmp9:
0x188: {  	v2 =	vor.u32 $0x1400, v3;
	v3 =	vadd.s32 $0xFFFFEC00, v9;
	v4 =	vand.u32 $0xFF, v9;
	v6 =	vld [tilespmem:s18+$0x2840];
	(pc) =	sbr.rel @p0 .LBB2_20-.Ltmp9, $4  }
0x189: {  	v5 =	vsel vm0, v5, v2;
	vm0 =	vlt.u32 v3, $0x1400;
	v2 =	vor.u32 $0x1400, v4  }
0x18a: {  	v3 =	vsel vm0, v3, v2;
	v7 =	vadd.s32 $0xFFFFEC00, v10;
	v2 =	vand.u32 $0xFF, v10;
	v4 =	vld [tilespmem:s18+$0x2850]  }
0x18b: {  	vm0 =	vlt.u32 v7, $0x1400;
	v9 =	vor.u32 $0x1400, v2;
	v8 =	vadd.s32 $0xFFFFEC00, v11;
	v2 =	vld [tilespmem:s18+$0x2860]  }
0x18c: {  	s13 =	sadd.s32 $0x200, s13;
	v7 =	vsel vm0, v7, v9;
	vm0 =	vlt.u32 v8, $0x1400;
	v9 =	vand.u32 $0xFF, v11  }
0x18d: {  	v9 =	vor.u32 $0x1400, v9;
	v10 =	vadd.s32 $0xFFFFEC00, v6;
	v57 =	vand.u32 $0xFF, v6;
	v11 =	vld [tilespmem:s18+$0x2870]  }
0x18e: {  	[tilespmem:s18+$0x2800] =	vst v5;
	v58 =	vsel vm0, v8, v9;
	vm12 =	vlt.u32 v10, $0x1400;
	v6 =	vor.u32 $0x1400, v57  }
0x18f: {  	[tilespmem:s18+$0x2810] =	vst v3;
	v3 =	vsel vm12, v10, v6;
	v59 =	vadd.s32 $0xFFFFEC00, v4;
	v60 =	vand.u32 $0xFF, v4  }
0x190: {  	[tilespmem:s18+$0x2820] =	vst v7;
	vm13 =	vlt.u32 v59, $0x1400;
	v4 =	vor.u32 $0x1400, v60;
	v61 =	vadd.s32 $0xFFFFEC00, v2  }
0x191: {  	[tilespmem:s18+$0x2830] =	vst v58;
	v2 =	vand.u32 $0xFF, v2;
	v4 =	vsel vm13, v59, v4;
	vm14 =	vlt.u32 v61, $0x1400  }
0x192: {  	[tilespmem:s18+$0x2840] =	vst v3;
	v2 =	vor.u32 $0x1400, v2;
	v3 =	vadd.s32 $0xFFFFEC00, v11;
	v62 =	vand.u32 $0xFF, v11  }
0x193: {  	[tilespmem:s18+$0x2850] =	vst v4;
	v2 =	vsel vm14, v61, v2;
	vm15 =	vlt.u32 v3, $0x1400;
	v63 =	vor.u32 $0x1400, v62  }
0x194: {  	[tilespmem:s18+$0x2860] =	vst v2;
	v2 =	vsel vm15, v3, v63  }
0x195: {  	s13 =	simm.s32 $0x200;
	[tilespmem:s18+$0x2870] =	vst v2  }
.LBB2_22:
0x196: {  	p0 =	sne.s32 s13, $0x7E00;
	[tilespmem:s17+$0x11070] =	vst v1  }
0x197: {  	[tilespmem:s17+$0x11000] =	vst v1  }
0x198: {  	[tilespmem:s17+$0x11010] =	vst v1  }
.Ltmp10:
0x199: {  	[tilespmem:s17+$0x11020] =	vst v1;
	(pc) =	sbr.rel @p0 .LBB2_22-.Ltmp10, $4  }
0x19a: {  	[tilespmem:s17+$0x11030] =	vst v1  }
0x19b: {  	[tilespmem:s17+$0x11040] =	vst v1  }
0x19c: {  	[tilespmem:s17+$0x11050] =	vst v1  }
0x19d: {  	[tilespmem:s17+$0x11060] =	vst v1;
	s17 =	sshra.s32 s13, $0x2;
	s13 =	sadd.s32 $0x200, s13  }
0x19e: {  	[tilespmem:s17+$0x11070] =	vst v1  }
0x19f: {  	[tilespmem:s17+$0x11000] =	vst v1  }
0x1a0: {  	[tilespmem:s17+$0x11010] =	vst v1  }
0x1a1: {  	[tilespmem:s17+$0x11020] =	vst v1  }
0x1a2: {  	[tilespmem:s17+$0x11030] =	vst v1  }
0x1a3: {  	[tilespmem:s17+$0x11040] =	vst v1  }
0x1a4: {  	[tilespmem:s17+$0x11050] =	vst v1  }
0x1a5: {  	[tilespmem:s17+$0x11060] =	vst v1  }
0x1a6: {  	[spmem:s7] =	stream.linear.scatter [tilespmem:s25], [sflag:$0x7], $0x2000, $0x38;
	[tilespmem:$0x1D800] =	vst v63  }
0x1a7: {  	_ =	swait.ge [sflag:s23], $0x2000  }
0x1a8: {  	[sflag:s23] =	ssyncset.done $0x0  }
0x1a9: {  	[sflag:s23] =	ssyncadd.s32 $0xFFFFE000  }
0x1aa: {  	[spmem:s8] =	stream.linear.scatter [tilespmem:s25], [sflag:$0x7], $0x2000, $0x38;
	[tilespmem:$0x1D800] =	vst v63  }
0x1ab: {  	_ =	swait.ge [sflag:s23], $0x2000  }
0x1ac: {  	[sflag:s23] =	ssyncset.done $0x0  }
0x1ad: {  	[sflag:s23] =	ssyncadd.s32 $0xFFFFE000  }
0x1ae: {  	[spmem:s9] =	stream.linear.scatter [tilespmem:s25], [sflag:$0x7], $0x2000, $0x38;
	[tilespmem:$0x1D800] =	vst v63  }
0x1af: {  	_ =	swait.ge [sflag:s23], $0x2000  }
0x1b0: {  	[sflag:s23] =	ssyncset.done $0x0  }
0x1b1: {  	[sflag:s23] =	ssyncadd.s32 $0xFFFFE000  }
0x1b2: {  	[spmem:s10] =	stream.linear.scatter [tilespmem:s25], [sflag:$0x7], $0x2000, $0x38;
	[tilespmem:$0x1D800] =	vst v63  }
0x1b3: {  	_ =	swait.ge [sflag:s23], $0x2000  }
0x1b4: {  	[sflag:s23] =	ssyncset.done $0x0  }
0x1b5: {  	[sflag:s23] =	ssyncadd.s32 $0xFFFFE000  }
0x1b6: {  	[spmem:s11] =	stream.linear.scatter [tilespmem:s25], [sflag:$0x7], $0x2000, $0x38;
	[tilespmem:$0x1D800] =	vst v63  }
0x1b7: {  	_ =	swait.ge [sflag:s23], $0x2000  }
0x1b8: {  	[sflag:s23] =	ssyncset.done $0x0  }
0x1b9: {  	[sflag:s23] =	ssyncadd.s32 $0xFFFFE000  }
0x1ba: {  	s13 =	simm.s32 $0x0;
	[bflag:$0x0] =	sbarrier.arrive $0xFFFF  }
0x1bb: {  	[tilespmem:s28], [sflag:$0x1] =	stream.indirect.gather [hbm4b:s1+s26], $0x80, s13, s26, $0xb8;
	[tilespmem:$0x1D800] =	vst v63  }
0x1bc: {  	s18 =	simm.s32 $0x80  }
0x1bd: {  	[tilespmem:s29], [sflag:$0x2] =	stream.indirect.gather [hbm4b:s1+s26], $0x80, s18, s26, $0xb8;
	[tilespmem:$0x1D800] =	vst v63  }
0x1be: {  	s24 =	simm.s32 $0x100  }
0x1bf: {  	[tilespmem:s30], [sflag:$0x3] =	stream.indirect.gather [hbm4b:s1+s26], $0x80, s24, s26, $0xb8;
	[tilespmem:$0x1D800] =	vst v63  }
0x1c0: {  	_ =	swait.ge [sflag:s31], $0x4000  }
0x1c1: {  	[sflag:s31] =	ssyncset.done $0x0  }
0x1c2: {  	s17 =	simm.s32 $0x2800;
	[sflag:s31] =	ssyncadd.s32 $0xFFFFC000  }
0x1c3: {  	[spmem:s3] =	stream.indirect.scatter.add.f32 [tilespmem:s28], [sflag:$0x4], $0x80, s17, s26, $0xb8;
	[tilespmem:$0x1D800] =	vst v63  }
0x1c4: {  	_ =	swait.ge [sflag:s0], $0x4000  }
0x1c5: {  	[sflag:s0] =	ssyncset.done $0x0  }
0x1c6: {  	s18 =	simm.s32 $0x2880;
	[sflag:s0] =	ssyncadd.s32 $0xFFFFC000  }
0x1c7: {  	[spmem:s3] =	stream.indirect.scatter.add.f32 [tilespmem:s29], [sflag:$0x5], $0x80, s18, s26, $0xb8;
	[tilespmem:$0x1D800] =	vst v63  }
0x1c8: {  	_ =	swait.ge [sflag:s2], $0x4000  }
0x1c9: {  	[sflag:s2] =	ssyncset.done $0x0  }
0x1ca: {  	s24 =	simm.s32 $0x2900;
	[sflag:s2] =	ssyncadd.s32 $0xFFFFC000  }
0x1cb: {  	[spmem:s3] =	stream.indirect.scatter.add.f32 [tilespmem:s30], [sflag:$0x6], $0x80, s24, s26, $0xb8;
	[tilespmem:$0x1D800] =	vst v63  }
0x1cc: {  	_ =	swait.ge [sflag:s4], $0x4000  }
0x1cd: {  	[sflag:s4] =	ssyncset.done $0x0  }
0x1ce: {  	[sflag:s4] =	ssyncadd.s32 $0xFFFFC000  }
0x1cf: {  	_ =	swait.ge [sflag:s5], $0x4000  }
0x1d0: {  	[sflag:s5] =	ssyncset.done $0x0  }
0x1d1: {  	[sflag:s5] =	ssyncadd.s32 $0xFFFFC000  }
0x1d2: {  	_ =	swait.ge [sflag:s12], $0x4000  }
0x1d3: {  	s13 =	simm.s32 $0x600;
	s17 =	simm.s32 $0xC00;
	[sflag:s12] =	ssyncset.done $0x0  }
.LBB2_24:
0x1d4: {  	s18 =	sshra.s32 s13, $0x2  }
0x1d5: {  	[sflag:s12] =	ssyncadd.s32 $0xFFFFC000;
	s13 =	smov.u32 s17;
	s24 =	sadd.s32 $0x600, s17  }
0x1d6: {  	[tilespmem:s28], [sflag:$0x1] =	stream.indirect.gather [hbm4b:s1+s26], $0x80, s18, s26, $0xb8;
	[tilespmem:$0x1D800] =	vst v63  }
0x1d7: {  	p0 =	sne.s32 s17, $0x9600;
	s17 =	sadd.s32 $0x80, s18  }
0x1d8: {  	[tilespmem:s29], [sflag:$0x2] =	stream.indirect.gather [hbm4b:s1+s26], $0x80, s17, s26, $0xb8;
	[tilespmem:$0x1D800] =	vst v63  }
0x1d9: {  	s17 =	sadd.s32 $0x100, s18  }
0x1da: {  	[tilespmem:s30], [sflag:$0x3] =	stream.indirect.gather [hbm4b:s1+s26], $0x80, s17, s26, $0xb8;
	[tilespmem:$0x1D800] =	vst v63  }
0x1db: {  	_ =	swait.ge [sflag:s31], $0x4000  }
0x1dc: {  	[sflag:s31] =	ssyncset.done $0x0  }
0x1dd: {  	s17 =	sadd.s32 $0x2800, s18;
	[sflag:s31] =	ssyncadd.s32 $0xFFFFC000  }
0x1de: {  	[spmem:s3] =	stream.indirect.scatter.add.f32 [tilespmem:s28], [sflag:$0x4], $0x80, s17, s26, $0xb8;
	[tilespmem:$0x1D800] =	vst v63  }
0x1df: {  	_ =	swait.ge [sflag:s0], $0x4000  }
0x1e0: {  	[sflag:s0] =	ssyncset.done $0x0  }
0x1e1: {  	s17 =	sadd.s32 $0x2880, s18;
	[sflag:s0] =	ssyncadd.s32 $0xFFFFC000  }
0x1e2: {  	[spmem:s3] =	stream.indirect.scatter.add.f32 [tilespmem:s29], [sflag:$0x5], $0x80, s17, s26, $0xb8;
	[tilespmem:$0x1D800] =	vst v63  }
0x1e3: {  	_ =	swait.ge [sflag:s2], $0x4000  }
0x1e4: {  	[sflag:s2] =	ssyncset.done $0x0  }
0x1e5: {  	s17 =	sadd.s32 $0x2900, s18;
	[sflag:s2] =	ssyncadd.s32 $0xFFFFC000  }
0x1e6: {  	[spmem:s3] =	stream.indirect.scatter.add.f32 [tilespmem:s30], [sflag:$0x6], $0x80, s17, s26, $0xb8;
	[tilespmem:$0x1D800] =	vst v63  }
0x1e7: {  	_ =	swait.ge [sflag:s4], $0x4000  }
0x1e8: {  	[sflag:s4] =	ssyncset.done $0x0  }
0x1e9: {  	[sflag:s4] =	ssyncadd.s32 $0xFFFFC000  }
.Ltmp11:
0x1ea: {  	_ =	swait.ge [sflag:s5], $0x4000;
	(pc) =	sbr.rel @p0 .LBB2_24-.Ltmp11, $4  }
0x1eb: {  	[sflag:s5] =	ssyncset.done $0x0  }
0x1ec: {  	[sflag:s5] =	ssyncadd.s32 $0xFFFFC000  }
0x1ed: {  	_ =	swait.ge [sflag:s12], $0x4000  }
0x1ee: {  	s17 =	smov.u32 s24;
	[sflag:s12] =	ssyncset.done $0x0  }
0x1ef: {  	s13 =	sshra.s32 s13, $0x2;
	[sflag:s12] =	ssyncadd.s32 $0xFFFFC000  }
0x1f0: {  	[tilespmem:s28], [sflag:$0x1] =	stream.indirect.gather [hbm4b:s1+s26], $0x80, s13, s26, $0xb8;
	[tilespmem:$0x1D800] =	vst v63  }
0x1f1: {  	s17 =	sadd.s32 $0x80, s13  }
0x1f2: {  	[tilespmem:s29], [sflag:$0x2] =	stream.indirect.gather [hbm4b:s1+s26], $0x80, s17, s26, $0xb8;
	[tilespmem:$0x1D800] =	vst v63  }
0x1f3: {  	s24 =	sadd.s32 $0x100, s13  }
0x1f4: {  	[tilespmem:s30], [sflag:$0x3] =	stream.indirect.gather [hbm4b:s1+s26], $0x80, s24, s26, $0xb8;
	[tilespmem:$0x1D800] =	vst v63  }
0x1f5: {  	_ =	swait.ge [sflag:s31], $0x4000  }
0x1f6: {  	[sflag:s31] =	ssyncset.done $0x0  }
0x1f7: {  	s18 =	sadd.s32 $0x2800, s13;
	[sflag:s31] =	ssyncadd.s32 $0xFFFFC000  }
0x1f8: {  	[spmem:s3] =	stream.indirect.scatter.add.f32 [tilespmem:s28], [sflag:$0x4], $0x80, s18, s26, $0xb8;
	[tilespmem:$0x1D800] =	vst v63  }
0x1f9: {  	_ =	swait.ge [sflag:s0], $0x4000  }
0x1fa: {  	[sflag:s0] =	ssyncset.done $0x0  }
0x1fb: {  	s24 =	sadd.s32 $0x2880, s13;
	[sflag:s0] =	ssyncadd.s32 $0xFFFFC000  }
0x1fc: {  	[spmem:s3] =	stream.indirect.scatter.add.f32 [tilespmem:s29], [sflag:$0x5], $0x80, s24, s26, $0xb8;
	[tilespmem:$0x1D800] =	vst v63  }
0x1fd: {  	_ =	swait.ge [sflag:s2], $0x4000  }
0x1fe: {  	[sflag:s2] =	ssyncset.done $0x0  }
0x1ff: {  	s13 =	sadd.s32 $0x2900, s13;
	[sflag:s2] =	ssyncadd.s32 $0xFFFFC000  }
0x200: {  	[spmem:s3] =	stream.indirect.scatter.add.f32 [tilespmem:s30], [sflag:$0x6], $0x80, s13, s26, $0xb8;
	[tilespmem:$0x1D800] =	vst v63  }
0x201: {  	_ =	swait.ge [sflag:s4], $0x4000  }
0x202: {  	[sflag:s4] =	ssyncset.done $0x0  }
0x203: {  	[sflag:s4] =	ssyncadd.s32 $0xFFFFC000  }
0x204: {  	_ =	swait.ge [sflag:s5], $0x4000  }
0x205: {  	[sflag:s5] =	ssyncset.done $0x0  }
0x206: {  	[sflag:s5] =	ssyncadd.s32 $0xFFFFC000  }
0x207: {  	_ =	swait.ge [sflag:s12], $0x4000  }
0x208: {  	[sflag:s12] =	ssyncset.done $0x0  }
0x209: {  	s18 =	simm.s32 $0x2700;
	[sflag:s12] =	ssyncadd.s32 $0xFFFFC000  }
0x20a: {  	[tilespmem:s28], [sflag:$0x1] =	stream.indirect.gather [hbm4b:s1+s26], $0x80, s18, s26, $0xb8;
	[tilespmem:$0x1D800] =	vst v63  }
0x20b: {  	_ =	swait.ge [sflag:s31], $0x4000  }
0x20c: {  	[sflag:s31] =	ssyncset.done $0x0  }
0x20d: {  	s24 =	simm.s32 $0x4F00;
	[sflag:s31] =	ssyncadd.s32 $0xFFFFC000  }
0x20e: {  	[spmem:s3] =	stream.indirect.scatter.add.f32 [tilespmem:s28], [sflag:$0x4], $0x80, s24, s26, $0xb8;
	[tilespmem:$0x1D800] =	vst v63  }
0x20f: {  	_ =	swait.ge [sflag:s4], $0x4000  }
0x210: {  	[sflag:s4] =	ssyncset.done $0x0  }
0x211: {  	[sflag:s4] =	ssyncadd.s32 $0xFFFFC000  }
0x212: {  	[bflag:$0x0] =	sbarrier.arrive $0xFFFF  }
0x213: {  	[tilespmem:s25], [sflag:$0x7] =	stream.linear.gather [spmem:s7], $0x2000, $0x38;
	[tilespmem:$0x1D800] =	vst v63  }
0x214: {  	_ =	swait.ge [sflag:s23], $0x2000  }
0x215: {  	[sflag:s23] =	ssyncset.done $0x0  }
0x216: {  	s13 =	simm.s32 $0x0;
	[sflag:s23] =	ssyncadd.s32 $0xFFFFE000  }
0x217: {  	v4 =	vld [tilespmem:s13+$0x11000]  }
0x218: {  	v6 =	vld [tilespmem:s13+$0x11010]  }
0x219: {  	v5 =	vld [tilespmem:s13+$0x11020]  }
0x21a: {  	v3 =	vld [tilespmem:s13+$0x11030]  }
0x21b: {  	v2 =	vld [tilespmem:s13+$0x11040]  }
0x21c: {  	v7 =	vmax.f32 v4, $0.0e+00;
	v4 =	vld [tilespmem:s13+$0x11050]  }
0x21d: {  	s17 =	simm.s32 $0x200;
	[tilespmem:s13+$0x11000] =	vst v7;
	v7 =	vmax.f32 v6, $0.0e+00;
	v6 =	vld [tilespmem:s13+$0x11060]  }
.LBB2_26:
0x21e: {  	s18 =	sshra.s32 s17, $0x2;
	p0 =	sne.s32 s17, $0x7E00;
	[tilespmem:s13+$0x11010] =	vst v7;
	v5 =	vmax.f32 v5, $0.0e+00;
	v7 =	vld [tilespmem:s13+$0x11070]  }
0x21f: {  	v8 =	vld [tilespmem:s18+$0x11000];
	[tilespmem:s13+$0x11020] =	vst v5;
	v3 =	vmax.f32 v3, $0.0e+00  }
0x220: {  	v9 =	vld [tilespmem:s18+$0x11010];
	[tilespmem:s13+$0x11030] =	vst v3;
	v2 =	vmax.f32 v2, $0.0e+00  }
.Ltmp12:
0x221: {  	v5 =	vld [tilespmem:s18+$0x11020];
	[tilespmem:s13+$0x11040] =	vst v2;
	v2 =	vmax.f32 v4, $0.0e+00;
	(pc) =	sbr.rel @p0 .LBB2_26-.Ltmp12, $4  }
0x222: {  	v3 =	vld [tilespmem:s18+$0x11030];
	[tilespmem:s13+$0x11050] =	vst v2;
	v4 =	vmax.f32 v6, $0.0e+00  }
0x223: {  	v2 =	vld [tilespmem:s18+$0x11040];
	[tilespmem:s13+$0x11060] =	vst v4;
	v6 =	vmax.f32 v7, $0.0e+00  }
0x224: {  	v7 =	vmax.f32 v8, $0.0e+00;
	v4 =	vld [tilespmem:s18+$0x11050];
	[tilespmem:s13+$0x11070] =	vst v6;
	s13 =	smov.u32 s18  }
0x225: {  	s17 =	sadd.s32 $0x200, s17;
	[tilespmem:s13+$0x11000] =	vst v7;
	v7 =	vmax.f32 v9, $0.0e+00;
	v6 =	vld [tilespmem:s13+$0x11060]  }
0x226: {  	[tilespmem:s13+$0x11010] =	vst v7;
	v5 =	vmax.f32 v5, $0.0e+00;
	v7 =	vld [tilespmem:s13+$0x11070]  }
0x227: {  	[tilespmem:s13+$0x11020] =	vst v5;
	v3 =	vmax.f32 v3, $0.0e+00  }
0x228: {  	[tilespmem:s13+$0x11030] =	vst v3;
	v2 =	vmax.f32 v2, $0.0e+00  }
0x229: {  	[tilespmem:s13+$0x11040] =	vst v2;
	v2 =	vmax.f32 v4, $0.0e+00  }
0x22a: {  	[tilespmem:s13+$0x11050] =	vst v2;
	v2 =	vmax.f32 v6, $0.0e+00  }
0x22b: {  	[tilespmem:s13+$0x11060] =	vst v2;
	v2 =	vmax.f32 v7, $0.0e+00  }
0x22c: {  	s24 =	rddreg [dreg:$0xa];
	[tilespmem:s13+$0x11070] =	vst v2  }
0x22d: {  	[hbm4b:s24+s14] =	stream.strided.scatter [tilespmem:s25], [sflag:$0x7], $0x2000, s15, s14, $0x38;
	[tilespmem:$0x1D800] =	vst v63  }
0x22e: {  	_ =	swait.ge [sflag:s23], $0x2000  }
0x22f: {  	[sflag:s23] =	ssyncset.done $0x0  }
0x230: {  	[sflag:s23] =	ssyncadd.s32 $0xFFFFE000  }
0x231: {  	[tilespmem:s25], [sflag:$0x7] =	stream.linear.gather [spmem:s8], $0x2000, $0x38;
	[tilespmem:$0x1D800] =	vst v63  }
0x232: {  	_ =	swait.ge [sflag:s23], $0x2000  }
0x233: {  	[sflag:s23] =	ssyncset.done $0x0  }
0x234: {  	s13 =	simm.s32 $0x0;
	[sflag:s23] =	ssyncadd.s32 $0xFFFFE000  }
0x235: {  	v4 =	vld [tilespmem:s13+$0x11000]  }
0x236: {  	v6 =	vld [tilespmem:s13+$0x11010]  }
0x237: {  	v5 =	vld [tilespmem:s13+$0x11020]  }
0x238: {  	v3 =	vld [tilespmem:s13+$0x11030]  }
0x239: {  	v2 =	vld [tilespmem:s13+$0x11040]  }
0x23a: {  	v7 =	vmax.f32 v4, $0.0e+00;
	v4 =	vld [tilespmem:s13+$0x11050]  }
0x23b: {  	s17 =	simm.s32 $0x200;
	[tilespmem:s13+$0x11000] =	vst v7;
	v7 =	vmax.f32 v6, $0.0e+00;
	v6 =	vld [tilespmem:s13+$0x11060]  }
.LBB2_28:
0x23c: {  	s18 =	sshra.s32 s17, $0x2;
	p0 =	sne.s32 s17, $0x7E00;
	[tilespmem:s13+$0x11010] =	vst v7;
	v5 =	vmax.f32 v5, $0.0e+00;
	v7 =	vld [tilespmem:s13+$0x11070]  }
0x23d: {  	v8 =	vld [tilespmem:s18+$0x11000];
	[tilespmem:s13+$0x11020] =	vst v5;
	v3 =	vmax.f32 v3, $0.0e+00  }
0x23e: {  	v9 =	vld [tilespmem:s18+$0x11010];
	[tilespmem:s13+$0x11030] =	vst v3;
	v2 =	vmax.f32 v2, $0.0e+00  }
.Ltmp13:
0x23f: {  	v5 =	vld [tilespmem:s18+$0x11020];
	[tilespmem:s13+$0x11040] =	vst v2;
	v2 =	vmax.f32 v4, $0.0e+00;
	(pc) =	sbr.rel @p0 .LBB2_28-.Ltmp13, $4  }
0x240: {  	v3 =	vld [tilespmem:s18+$0x11030];
	[tilespmem:s13+$0x11050] =	vst v2;
	v4 =	vmax.f32 v6, $0.0e+00  }
0x241: {  	v2 =	vld [tilespmem:s18+$0x11040];
	[tilespmem:s13+$0x11060] =	vst v4;
	v6 =	vmax.f32 v7, $0.0e+00  }
0x242: {  	v7 =	vmax.f32 v8, $0.0e+00;
	v4 =	vld [tilespmem:s18+$0x11050];
	[tilespmem:s13+$0x11070] =	vst v6;
	s13 =	smov.u32 s18  }
0x243: {  	s17 =	sadd.s32 $0x200, s17;
	[tilespmem:s13+$0x11000] =	vst v7;
	v7 =	vmax.f32 v9, $0.0e+00;
	v6 =	vld [tilespmem:s13+$0x11060]  }
0x244: {  	[tilespmem:s13+$0x11010] =	vst v7;
	v5 =	vmax.f32 v5, $0.0e+00;
	v7 =	vld [tilespmem:s13+$0x11070]  }
0x245: {  	[tilespmem:s13+$0x11020] =	vst v5;
	v3 =	vmax.f32 v3, $0.0e+00  }
0x246: {  	[tilespmem:s13+$0x11030] =	vst v3;
	v2 =	vmax.f32 v2, $0.0e+00  }
0x247: {  	[tilespmem:s13+$0x11040] =	vst v2;
	v2 =	vmax.f32 v4, $0.0e+00  }
0x248: {  	[tilespmem:s13+$0x11050] =	vst v2;
	v2 =	vmax.f32 v6, $0.0e+00  }
0x249: {  	[tilespmem:s13+$0x11060] =	vst v2;
	v2 =	vmax.f32 v7, $0.0e+00  }
0x24a: {  	s24 =	rddreg [dreg:$0xb];
	[tilespmem:s13+$0x11070] =	vst v2  }
0x24b: {  	[hbm4b:s24+s14] =	stream.strided.scatter [tilespmem:s25], [sflag:$0x7], $0x2000, s15, s14, $0x38;
	[tilespmem:$0x1D800] =	vst v63  }
0x24c: {  	_ =	swait.ge [sflag:s23], $0x2000  }
0x24d: {  	[sflag:s23] =	ssyncset.done $0x0  }
0x24e: {  	[sflag:s23] =	ssyncadd.s32 $0xFFFFE000  }
0x24f: {  	[tilespmem:s25], [sflag:$0x7] =	stream.linear.gather [spmem:s9], $0x2000, $0x38;
	[tilespmem:$0x1D800] =	vst v63  }
0x250: {  	_ =	swait.ge [sflag:s23], $0x2000  }
0x251: {  	[sflag:s23] =	ssyncset.done $0x0  }
0x252: {  	s13 =	simm.s32 $0x0;
	[sflag:s23] =	ssyncadd.s32 $0xFFFFE000  }
0x253: {  	v4 =	vld [tilespmem:s13+$0x11000]  }
0x254: {  	v6 =	vld [tilespmem:s13+$0x11010]  }
0x255: {  	v5 =	vld [tilespmem:s13+$0x11020]  }
0x256: {  	v3 =	vld [tilespmem:s13+$0x11030]  }
0x257: {  	v2 =	vld [tilespmem:s13+$0x11040]  }
0x258: {  	v7 =	vmax.f32 v4, $0.0e+00;
	v4 =	vld [tilespmem:s13+$0x11050]  }
0x259: {  	s17 =	simm.s32 $0x200;
	[tilespmem:s13+$0x11000] =	vst v7;
	v7 =	vmax.f32 v6, $0.0e+00;
	v6 =	vld [tilespmem:s13+$0x11060]  }
.LBB2_30:
0x25a: {  	s18 =	sshra.s32 s17, $0x2;
	p0 =	sne.s32 s17, $0x7E00;
	[tilespmem:s13+$0x11010] =	vst v7;
	v5 =	vmax.f32 v5, $0.0e+00;
	v7 =	vld [tilespmem:s13+$0x11070]  }
0x25b: {  	v8 =	vld [tilespmem:s18+$0x11000];
	[tilespmem:s13+$0x11020] =	vst v5;
	v3 =	vmax.f32 v3, $0.0e+00  }
0x25c: {  	v9 =	vld [tilespmem:s18+$0x11010];
	[tilespmem:s13+$0x11030] =	vst v3;
	v2 =	vmax.f32 v2, $0.0e+00  }
.Ltmp14:
0x25d: {  	v5 =	vld [tilespmem:s18+$0x11020];
	[tilespmem:s13+$0x11040] =	vst v2;
	v2 =	vmax.f32 v4, $0.0e+00;
	(pc) =	sbr.rel @p0 .LBB2_30-.Ltmp14, $4  }
0x25e: {  	v3 =	vld [tilespmem:s18+$0x11030];
	[tilespmem:s13+$0x11050] =	vst v2;
	v4 =	vmax.f32 v6, $0.0e+00  }
0x25f: {  	v2 =	vld [tilespmem:s18+$0x11040];
	[tilespmem:s13+$0x11060] =	vst v4;
	v6 =	vmax.f32 v7, $0.0e+00  }
0x260: {  	v7 =	vmax.f32 v8, $0.0e+00;
	v4 =	vld [tilespmem:s18+$0x11050];
	[tilespmem:s13+$0x11070] =	vst v6;
	s13 =	smov.u32 s18  }
0x261: {  	s17 =	sadd.s32 $0x200, s17;
	[tilespmem:s13+$0x11000] =	vst v7;
	v7 =	vmax.f32 v9, $0.0e+00;
	v6 =	vld [tilespmem:s13+$0x11060]  }
0x262: {  	[tilespmem:s13+$0x11010] =	vst v7;
	v5 =	vmax.f32 v5, $0.0e+00;
	v7 =	vld [tilespmem:s13+$0x11070]  }
0x263: {  	[tilespmem:s13+$0x11020] =	vst v5;
	v3 =	vmax.f32 v3, $0.0e+00  }
0x264: {  	[tilespmem:s13+$0x11030] =	vst v3;
	v2 =	vmax.f32 v2, $0.0e+00  }
0x265: {  	[tilespmem:s13+$0x11040] =	vst v2;
	v2 =	vmax.f32 v4, $0.0e+00  }
0x266: {  	[tilespmem:s13+$0x11050] =	vst v2;
	v2 =	vmax.f32 v6, $0.0e+00  }
0x267: {  	[tilespmem:s13+$0x11060] =	vst v2;
	v2 =	vmax.f32 v7, $0.0e+00  }
0x268: {  	[tilespmem:s13+$0x11070] =	vst v2  }
0x269: {  	[hbm4b:s19+s14] =	stream.strided.scatter [tilespmem:s25], [sflag:$0x7], $0x2000, s15, s14, $0x38;
	[tilespmem:$0x1D800] =	vst v63  }
0x26a: {  	_ =	swait.ge [sflag:s23], $0x2000  }
0x26b: {  	[sflag:s23] =	ssyncset.done $0x0  }
0x26c: {  	[sflag:s23] =	ssyncadd.s32 $0xFFFFE000  }
0x26d: {  	[tilespmem:s25], [sflag:$0x7] =	stream.linear.gather [spmem:s10], $0x2000, $0x38;
	[tilespmem:$0x1D800] =	vst v63  }
0x26e: {  	_ =	swait.ge [sflag:s23], $0x2000  }
0x26f: {  	[sflag:s23] =	ssyncset.done $0x0  }
0x270: {  	s13 =	simm.s32 $0x0;
	[sflag:s23] =	ssyncadd.s32 $0xFFFFE000  }
0x271: {  	v4 =	vld [tilespmem:s13+$0x11000]  }
0x272: {  	v6 =	vld [tilespmem:s13+$0x11010]  }
0x273: {  	v5 =	vld [tilespmem:s13+$0x11020]  }
0x274: {  	v3 =	vld [tilespmem:s13+$0x11030]  }
0x275: {  	v2 =	vld [tilespmem:s13+$0x11040]  }
0x276: {  	v7 =	vmax.f32 v4, $0.0e+00;
	v4 =	vld [tilespmem:s13+$0x11050]  }
0x277: {  	s17 =	simm.s32 $0x200;
	[tilespmem:s13+$0x11000] =	vst v7;
	v7 =	vmax.f32 v6, $0.0e+00;
	v6 =	vld [tilespmem:s13+$0x11060]  }
.LBB2_32:
0x278: {  	s18 =	sshra.s32 s17, $0x2;
	p0 =	sne.s32 s17, $0x7E00;
	[tilespmem:s13+$0x11010] =	vst v7;
	v5 =	vmax.f32 v5, $0.0e+00;
	v7 =	vld [tilespmem:s13+$0x11070]  }
0x279: {  	v8 =	vld [tilespmem:s18+$0x11000];
	[tilespmem:s13+$0x11020] =	vst v5;
	v3 =	vmax.f32 v3, $0.0e+00  }
0x27a: {  	v9 =	vld [tilespmem:s18+$0x11010];
	[tilespmem:s13+$0x11030] =	vst v3;
	v2 =	vmax.f32 v2, $0.0e+00  }
.Ltmp15:
0x27b: {  	v5 =	vld [tilespmem:s18+$0x11020];
	[tilespmem:s13+$0x11040] =	vst v2;
	v2 =	vmax.f32 v4, $0.0e+00;
	(pc) =	sbr.rel @p0 .LBB2_32-.Ltmp15, $4  }
0x27c: {  	v3 =	vld [tilespmem:s18+$0x11030];
	[tilespmem:s13+$0x11050] =	vst v2;
	v4 =	vmax.f32 v6, $0.0e+00  }
0x27d: {  	v2 =	vld [tilespmem:s18+$0x11040];
	[tilespmem:s13+$0x11060] =	vst v4;
	v6 =	vmax.f32 v7, $0.0e+00  }
0x27e: {  	v7 =	vmax.f32 v8, $0.0e+00;
	v4 =	vld [tilespmem:s18+$0x11050];
	[tilespmem:s13+$0x11070] =	vst v6;
	s13 =	smov.u32 s18  }
0x27f: {  	s17 =	sadd.s32 $0x200, s17;
	[tilespmem:s13+$0x11000] =	vst v7;
	v7 =	vmax.f32 v9, $0.0e+00;
	v6 =	vld [tilespmem:s13+$0x11060]  }
0x280: {  	[tilespmem:s13+$0x11010] =	vst v7;
	v5 =	vmax.f32 v5, $0.0e+00;
	v7 =	vld [tilespmem:s13+$0x11070]  }
0x281: {  	[tilespmem:s13+$0x11020] =	vst v5;
	v3 =	vmax.f32 v3, $0.0e+00  }
0x282: {  	[tilespmem:s13+$0x11030] =	vst v3;
	v2 =	vmax.f32 v2, $0.0e+00  }
0x283: {  	[tilespmem:s13+$0x11040] =	vst v2;
	v2 =	vmax.f32 v4, $0.0e+00  }
0x284: {  	[tilespmem:s13+$0x11050] =	vst v2;
	v2 =	vmax.f32 v6, $0.0e+00  }
0x285: {  	[tilespmem:s13+$0x11060] =	vst v2;
	v2 =	vmax.f32 v7, $0.0e+00  }
0x286: {  	[tilespmem:s13+$0x11070] =	vst v2  }
0x287: {  	[hbm4b:s20+s14] =	stream.strided.scatter [tilespmem:s25], [sflag:$0x7], $0x2000, s15, s14, $0x38;
	[tilespmem:$0x1D800] =	vst v63  }
0x288: {  	_ =	swait.ge [sflag:s23], $0x2000  }
0x289: {  	[sflag:s23] =	ssyncset.done $0x0  }
0x28a: {  	[sflag:s23] =	ssyncadd.s32 $0xFFFFE000  }
0x28b: {  	[tilespmem:s25], [sflag:$0x7] =	stream.linear.gather [spmem:s11], $0x2000, $0x38;
	[tilespmem:$0x1D800] =	vst v63  }
0x28c: {  	_ =	swait.ge [sflag:s23], $0x2000  }
0x28d: {  	[sflag:s23] =	ssyncset.done $0x0  }
0x28e: {  	s13 =	simm.s32 $0x0;
	[sflag:s23] =	ssyncadd.s32 $0xFFFFE000  }
0x28f: {  	v4 =	vld [tilespmem:s13+$0x11000]  }
0x290: {  	v6 =	vld [tilespmem:s13+$0x11010]  }
0x291: {  	v5 =	vld [tilespmem:s13+$0x11020]  }
0x292: {  	v3 =	vld [tilespmem:s13+$0x11030]  }
0x293: {  	v2 =	vld [tilespmem:s13+$0x11040]  }
0x294: {  	v7 =	vmax.f32 v4, $0.0e+00;
	v4 =	vld [tilespmem:s13+$0x11050]  }
0x295: {  	s17 =	simm.s32 $0x200;
	[tilespmem:s13+$0x11000] =	vst v7;
	v7 =	vmax.f32 v6, $0.0e+00;
	v6 =	vld [tilespmem:s13+$0x11060]  }
.LBB2_34:
0x296: {  	s18 =	sshra.s32 s17, $0x2;
	p0 =	sne.s32 s17, $0x7E00;
	[tilespmem:s13+$0x11010] =	vst v7;
	v5 =	vmax.f32 v5, $0.0e+00;
	v7 =	vld [tilespmem:s13+$0x11070]  }
0x297: {  	v8 =	vld [tilespmem:s18+$0x11000];
	[tilespmem:s13+$0x11020] =	vst v5;
	v3 =	vmax.f32 v3, $0.0e+00  }
0x298: {  	v9 =	vld [tilespmem:s18+$0x11010];
	[tilespmem:s13+$0x11030] =	vst v3;
	v2 =	vmax.f32 v2, $0.0e+00  }
.Ltmp16:
0x299: {  	v5 =	vld [tilespmem:s18+$0x11020];
	[tilespmem:s13+$0x11040] =	vst v2;
	v2 =	vmax.f32 v4, $0.0e+00;
	(pc) =	sbr.rel @p0 .LBB2_34-.Ltmp16, $4  }
0x29a: {  	v3 =	vld [tilespmem:s18+$0x11030];
	[tilespmem:s13+$0x11050] =	vst v2;
	v4 =	vmax.f32 v6, $0.0e+00  }
0x29b: {  	v2 =	vld [tilespmem:s18+$0x11040];
	[tilespmem:s13+$0x11060] =	vst v4;
	v6 =	vmax.f32 v7, $0.0e+00  }
0x29c: {  	v7 =	vmax.f32 v8, $0.0e+00;
	v4 =	vld [tilespmem:s18+$0x11050];
	[tilespmem:s13+$0x11070] =	vst v6;
	s13 =	smov.u32 s18  }
0x29d: {  	s17 =	sadd.s32 $0x200, s17;
	[tilespmem:s13+$0x11000] =	vst v7;
	v7 =	vmax.f32 v9, $0.0e+00;
	v6 =	vld [tilespmem:s13+$0x11060]  }
0x29e: {  	[tilespmem:s13+$0x11010] =	vst v7;
	v5 =	vmax.f32 v5, $0.0e+00;
	v63 =	vld [tilespmem:s13+$0x11070]  }
0x29f: {  	[tilespmem:s13+$0x11020] =	vst v5;
	v3 =	vmax.f32 v3, $0.0e+00  }
0x2a0: {  	[tilespmem:s13+$0x11030] =	vst v3;
	v2 =	vmax.f32 v2, $0.0e+00  }
0x2a1: {  	[tilespmem:s13+$0x11040] =	vst v2;
	v2 =	vmax.f32 v4, $0.0e+00  }
0x2a2: {  	s16 =	sadd.s32 $0x1, s16;
	[tilespmem:s13+$0x11050] =	vst v2;
	v2 =	vmax.f32 v6, $0.0e+00  }
0x2a3: {  	p0 =	sne.s32 s16, s22;
	[tilespmem:s13+$0x11060] =	vst v2;
	v2 =	vmax.f32 v63, $0.0e+00  }
.Ltmp17:
0x2a4: {  	[tilespmem:s13+$0x11070] =	vst v2;
	(pc) =	sbr.rel @p0 .LBB2_1-.Ltmp17, $4  }
0x2a5: {  	[hbm4b:s21+s14] =	stream.strided.scatter [tilespmem:s25], [sflag:$0x7], $0x2000, s15, s14, $0x38;
	[tilespmem:$0x1D800] =	vst v63  }
0x2a6: {  	_ =	swait.ge [sflag:s23], $0x2000  }
0x2a7: {  	[sflag:s23] =	ssyncset.done $0x0  }
0x2a8: {  	[sflag:s23] =	ssyncadd.s32 $0xFFFFE000  }
0x2a9: {  	_ =	sfence.sel $0x180000  }
0x2aa: {  	[bflag:$0x0] =	sbarrier.arrive $0xFFFF  }
0x2ab: {  	_ =	strace $0x90000047  }
0x2ac: {  	s0 =	stileid.u32;
	[bflag:$0x2] =	sbarrier.arrive $0xFFFF  }
0x2ad: {  	p0 =	sne.s32 s0, $0x0;
	s0 =	rddreg [dreg:$0x3]  }
0x2ae: {  	s0 =	sadd.s32 @!p0 $0x100000, s0  }
0x2af: {  	[sflag:s0] =	ssyncadd.tile.s32 @!p0 $0x1;
	_ =	shalt  }
.Lfunc_end2:
_tile_overlayer_lowered:
.L_overlay_start_2:
0x2b0: {  	(tag) =	ssettag $0x2  }
0x2b1: {  	s0 =	rddreg [dreg:$0x0];
	s2 =	stileid.u32  }
0x2b2: {  	s1 =	rddreg [dreg:$0x1];
	p0 =	sne.s32 s2, $0x0  }
0x2b3: {  	s3 =	rddreg [dreg:$0x2];
	[bflag:$0x3] =	sbarrier.arrive $0xFFFF;
	s2 =	simm.s32 @!p0 $0x1C07  }
0x2b4: {  	[timem:s3], [sflag:s2] =	dma.local @!p0 [hbm:s0], s1  }
0x2b5: {  	s0 =	simm.s32 @!p0 $0x7  }
0x2b6: {  	_ =	swait.ge @!p0 [sflag:s0], s1  }
0x2b7: {  	s1 =	ssub.s32 @!p0 $0x0, s1;
	[sflag:s0] =	ssyncset.done @!p0 $0x0  }
0x2b8: {  	[sflag:s0] =	ssyncadd.s32 @!p0 s1  }
0x2b9: {  	[bflag:$0x3] =	sbarrier.arrive $0xFFFF  }
0x2ba: {  	_ =	shalt  }

</sc_bundles>
